<compile_context>
chip_gen: v7x
topology: tpu7x:2x2x1
jax: 0.10.2.dev20260603
libtpu: 0.0.44.dev20260713+nightly
codegen_flags: <defaults>
</compile_context>

<pallas_src>
import functools

import jax
import jax.numpy as jnp
from jax import lax
from jax.experimental import pallas as pl
from jax.experimental.pallas import tpu as pltpu
from jax.experimental.pallas import tpu_sc as plsc

B = 16384
F = 32
L = 16
NC = 2
NS = 16
NW = NC * NS

SC_ROWS = 6144
TC_ROWS = B - SC_ROWS
ROWS_PER_W = SC_ROWS // NW
GROUP = 8
NGROUPS = ROWS_PER_W // GROUP
TC_BLOCK = 2048

_SPLAT_DNUMS = lax.GatherDimensionNumbers(
    offset_dims=(), collapsed_slice_dims=(0,), start_index_map=(0,))


def _splat(vec, lane):
    idx = jnp.full((L, 1), lane, dtype=jnp.int32)
    return lax.gather(vec, idx, _SPLAT_DNUMS, (1,),
                      mode=lax.GatherScatterMode.PROMISE_IN_BOUNDS)


@functools.partial(
    pl.kernel,
    out_type=jax.ShapeDtypeStruct((SC_ROWS, F), jnp.float32),
    mesh=plsc.VectorSubcoreMesh(core_axis_name="c", subcore_axis_name="s"),
    compiler_params=pltpu.CompilerParams(use_tc_tiling_on_sc=True),
    scratch_types=[
        pltpu.VMEM((ROWS_PER_W, F), jnp.float32),
        pltpu.VMEM((F, F), jnp.float32),
        pltpu.VMEM((F,), jnp.float32),
        pltpu.SemaphoreType.DMA,
        pltpu.SemaphoreType.DMA,
        pltpu.SemaphoreType.DMA,
    ],
)
def _sc_linear(din_hbm, w_hbm, b_hbm, out_hbm, x_v, w_v, b_v, s0, s1, s2):
    wid = lax.axis_index("s") * NC + lax.axis_index("c")
    base = wid * ROWS_PER_W

    cx = pltpu.async_copy(din_hbm.at[pl.ds(base, ROWS_PER_W), :], x_v, s0)
    cw = pltpu.async_copy(w_hbm, w_v, s1)
    cb = pltpu.async_copy(b_hbm, b_v, s2)
    cw.wait()
    cb.wait()

    b_lo = b_v[pl.ds(0, L)]
    b_hi = b_v[pl.ds(L, L)]
    bv0 = jnp.zeros((L,), jnp.float32)
    bv1 = jnp.zeros((L,), jnp.float32)
    for j in range(F):
        s = _splat(b_lo if j < L else b_hi, j % L)
        bv0 = bv0 + s * w_v[j, pl.ds(0, L)]
        bv1 = bv1 + s * w_v[j, pl.ds(L, L)]
    cx.wait()

    def group_body(g, carry):
        bv0, bv1 = carry
        r0 = g * GROUP
        xs = []
        for r in range(GROUP):
            xs.append((x_v[r0 + r, pl.ds(0, L)], x_v[r0 + r, pl.ds(L, L)]))
        acc = [(bv0, bv1)] * GROUP
        for j in range(F):
            w0 = w_v[j, pl.ds(0, L)]
            w1 = w_v[j, pl.ds(L, L)]
            half, lane = divmod(j, L)
            for r in range(GROUP):
                s = _splat(xs[r][half], lane)
                a0, a1 = acc[r]
                acc[r] = (a0 + s * w0, a1 + s * w1)
        zero = jnp.zeros((L,), jnp.float32)
        for r in range(GROUP):
            a0, a1 = acc[r]
            x_v[r0 + r, pl.ds(0, L)] = jnp.maximum(a0, zero)
            x_v[r0 + r, pl.ds(L, L)] = jnp.maximum(a1, zero)
        return bv0, bv1

    lax.fori_loop(0, NGROUPS, group_body, (bv0, bv1))

    pltpu.sync_copy(x_v, out_hbm.at[pl.ds(base, ROWS_PER_W), :])


def _tc_body(x_ref, w_ref, b_ref, o_ref):
    y = jnp.dot(x_ref[...] + b_ref[...], w_ref[...],
                preferred_element_type=jnp.float32,
                precision=lax.Precision.HIGHEST)
    o_ref[...] = jnp.maximum(y, 0.0)


def _tc_linear(din, weight, bias):
    return pl.pallas_call(
        _tc_body,
        grid=(TC_ROWS // TC_BLOCK,),
        in_specs=[
            pl.BlockSpec((TC_BLOCK, F), lambda i: (i + SC_ROWS // TC_BLOCK, 0)),
            pl.BlockSpec((F, F), lambda i: (0, 0)),
            pl.BlockSpec((1, F), lambda i: (0, 0)),
        ],
        out_specs=pl.BlockSpec((TC_BLOCK, F), lambda i: (i, 0)),
        out_shape=jax.ShapeDtypeStruct((TC_ROWS, F), jnp.float32),
    )(din, weight, bias.reshape(1, F))


def kernel(din, weight, bias):
    out_sc = _sc_linear(din, weight, bias)
    out_tc = _tc_linear(din, weight, bias)
    return jnp.concatenate([out_sc, out_tc], axis=0)

# --- scband reference (transcript-rebuilt; emitter-appended) ---
"""Pipeline reference for scband-sparse-linear-31825707663797 (READ-ONLY COPY).

The authoritative reference and input builder live on the scoring server;
editing this copy changes nothing except your own understanding.
"""

import jax, jax.numpy as jnp
import numpy as np

B = 16384
IN_FEATURES = 32
OUT_FEATURES = 32

def setup_inputs(seed: int = 0) -> dict:
    key = jax.random.key(seed)
    k1, k2, k3 = jax.random.split(key, 3)
    din = jax.random.normal(k1, (B, IN_FEATURES), dtype=jnp.float32)
    weight = jax.random.uniform(k2, (OUT_FEATURES, IN_FEATURES), dtype=jnp.float32)
    bias = jax.random.uniform(k3, (OUT_FEATURES,), dtype=jnp.float32)
    return {"din": din, "weight": weight, "bias": bias}

def reference(din, weight, bias):
    # torch to_sparse() on a dense randn tensor keeps every element, enumerated
    # in row-major order: indices[0]=row, indices[1]=col, values=din.flatten().
    b, in_features = din.shape
    out_features = weight.shape[0]
    i0 = jnp.repeat(jnp.arange(b), in_features)          # indices[0], shape [nnz]
    i1 = jnp.tile(jnp.arange(in_features), b)            # indices[1], shape [nnz]
    values = din.reshape(-1)                             # x.values()
    # weight.unsqueeze(0).expand(B, out, in)[i0, i1] -> weight[i1, :]
    used_weights = jnp.take(weight, i1, axis=0)          # [nnz, in_features]
    # bias.unsqueeze(0).expand(B, out)[i0, i1] -> bias[i1]
    used_bias = jnp.take(bias, i1, axis=0)               # [nnz]
    biased_values = values + used_bias
    r_values = biased_values[:, None] * used_weights     # [nnz, in_features]
    # index_add along dim 0 (requires in_features == out_features)
    batch_sum_r = jnp.zeros((b, out_features), dtype=din.dtype).at[i0].add(r_values)
    return jax.nn.relu(batch_sum_r)

if __name__ == "__main__":
    import jax
    _d = setup_inputs()
    print(jax.jit(kernel)(*tuple(_d.values())))

</pallas_src>

<mosaic_0001>
#map = affine_map<(d0, d1) -> (0, 0)>
#map1 = affine_map<(d0, d1) -> (0)>
module attributes {stable_mosaic.version = 14 : i64} {
  func.func @_sc_linear(%arg0: i32, %arg1: i32, %arg2: memref<16384x32xf32, #tpu.memory_space<hbm>>, %arg3: memref<32x32xf32, #tpu.memory_space<hbm>>, %arg4: memref<32xf32, #tpu.memory_space<hbm>>, %arg5: memref<6144x32xf32, #tpu.memory_space<hbm>>, %arg6: memref<192x32xf32, #tpu.memory_space<vmem>>, %arg7: memref<32x32xf32, #tpu.memory_space<vmem>>, %arg8: memref<32xf32, #tpu.memory_space<vmem>>, %arg9: memref<!tpu.dma_semaphore, #tpu.memory_space<semaphore_mem>>, %arg10: memref<!tpu.dma_semaphore, #tpu.memory_space<semaphore_mem>>, %arg11: memref<!tpu.dma_semaphore, #tpu.memory_space<semaphore_mem>>) attributes {dimension_semantics = [#tpu.dimension_semantics<core_parallel>, #tpu.dimension_semantics<subcore_parallel>], iteration_bounds = array<i64: 2, 16>, scalar_prefetch = 0 : i64, scratch_operands = 6 : i64, tpu.core_type = #tpu.core_type<sc_vector_subcore>, window_params = [{transform_indices = #map}, {transform_indices = #map}, {transform_indices = #map1}, {transform_indices = #map}]} {
    %mul3A = arith.constant 2 : i32
    %mul3A_0 = arith.muli %arg1, %mul3A : i32
    %add3A = arith.addi %mul3A_0, %arg0 : i32
    %mul3A_1 = arith.constant 192 : i32
    %mul3A_2 = arith.muli %add3A, %mul3A_1 : i32
    %dma_start3A = arith.constant 0 : i32
    %dma_start3A_3 = tpu.memref_slice %arg2[%mul3A_2, %dma_start3A] : memref<16384x32xf32, #tpu.memory_space<hbm>> -> memref<192x32xf32, #tpu.memory_space<hbm>>
    %dma_start3A_4 = arith.constant 0 : i32
    %dma_start3A_5 = tpu.memref_slice %arg2[%mul3A_2, %dma_start3A_4] : memref<16384x32xf32, #tpu.memory_space<hbm>> -> memref<192x32xf32, #tpu.memory_space<hbm>>
    tpu.enqueue_dma source(%dma_start3A_5 : memref<192x32xf32, #tpu.memory_space<hbm>>) target(%arg6 : memref<192x32xf32, #tpu.memory_space<vmem>>) target_semaphore(%arg9 : memref<!tpu.dma_semaphore, #tpu.memory_space<semaphore_mem>>)
    tpu.enqueue_dma source(%arg3 : memref<32x32xf32, #tpu.memory_space<hbm>>) target(%arg7 : memref<32x32xf32, #tpu.memory_space<vmem>>) target_semaphore(%arg10 : memref<!tpu.dma_semaphore, #tpu.memory_space<semaphore_mem>>)
    tpu.enqueue_dma source(%arg4 : memref<32xf32, #tpu.memory_space<hbm>>) target(%arg8 : memref<32xf32, #tpu.memory_space<vmem>>) target_semaphore(%arg11 : memref<!tpu.dma_semaphore, #tpu.memory_space<semaphore_mem>>)
    tpu.wait_dma2 semaphore(%arg10 : memref<!tpu.dma_semaphore, #tpu.memory_space<semaphore_mem>>) src(%arg3 : memref<32x32xf32, #tpu.memory_space<hbm>>) dst(%arg7 : memref<32x32xf32, #tpu.memory_space<vmem>>)
    tpu.wait_dma2 semaphore(%arg11 : memref<!tpu.dma_semaphore, #tpu.memory_space<semaphore_mem>>) src(%arg4 : memref<32xf32, #tpu.memory_space<hbm>>) dst(%arg8 : memref<32xf32, #tpu.memory_space<vmem>>)
    %get3A = arith.constant 0 : index
    %get3A_6 = tpu.vector_load %arg8[%get3A] {strides = array<i32>} : memref<32xf32, #tpu.memory_space<vmem>>, vector<16xf32>,
    %get3A_7 = vector.shape_cast %get3A_6 : vector<16xf32> to vector<16xf32>
    %get3A_8 = arith.constant 16 : index
    %get3A_9 = tpu.vector_load %arg8[%get3A_8] {strides = array<i32>} : memref<32xf32, #tpu.memory_space<vmem>>, vector<16xf32>,
    %get3A_10 = vector.shape_cast %get3A_9 : vector<16xf32> to vector<16xf32>
    %broadcast_in_dim3A = arith.constant 0.000000e+00 : f32
    %broadcast_in_dim3A_11 = vector.broadcast %broadcast_in_dim3A : f32 to vector<16xf32>
    %broadcast_in_dim3A_12 = arith.constant 0.000000e+00 : f32
    %broadcast_in_dim3A_13 = vector.broadcast %broadcast_in_dim3A_12 : f32 to vector<16xf32>
    %broadcast_in_dim3A_14 = arith.constant 0 : i32
    %broadcast_in_dim3A_15 = vector.broadcast %broadcast_in_dim3A_14 : i32 to vector<16x1xi32>
    %gather3A = vector.shape_cast %broadcast_in_dim3A_15 : vector<16x1xi32> to vector<16xi32>
    %gather3A_16 = tpu.dynamic_gather %get3A_7[%gather3A] in [0] : vector<16xf32>, vector<16xi32> -> vector<16xf32>
    %get3A_17 = arith.constant 0 : i32
    %get3A_18 = arith.index_cast %get3A_17 : i32 to index
    %get3A_19 = arith.constant 0 : index
    %get3A_20 = tpu.vector_load %arg7[%get3A_18, %get3A_19] {strides = array<i32>} : memref<32x32xf32, #tpu.memory_space<vmem>>, vector<1x16xf32>,
    %get3A_21 = vector.shape_cast %get3A_20 : vector<1x16xf32> to vector<16xf32>
    %mul3A_22 = arith.mulf %gather3A_16, %get3A_21 : vector<16xf32>
    %add3A_23 = arith.addf %broadcast_in_dim3A_11, %mul3A_22 : vector<16xf32>
    %get3A_24 = arith.constant 0 : i32
    %get3A_25 = arith.index_cast %get3A_24 : i32 to index
    %get3A_26 = arith.constant 16 : index
    %get3A_27 = tpu.vector_load %arg7[%get3A_25, %get3A_26] {strides = array<i32>} : memref<32x32xf32, #tpu.memory_space<vmem>>, vector<1x16xf32>,
    %get3A_28 = vector.shape_cast %get3A_27 : vector<1x16xf32> to vector<16xf32>
    %mul3A_29 = arith.mulf %gather3A_16, %get3A_28 : vector<16xf32>
    %add3A_30 = arith.addf %broadcast_in_dim3A_13, %mul3A_29 : vector<16xf32>
    %broadcast_in_dim3A_31 = arith.constant 1 : i32
    %broadcast_in_dim3A_32 = vector.broadcast %broadcast_in_dim3A_31 : i32 to vector<16x1xi32>
    %gather3A_33 = vector.shape_cast %broadcast_in_dim3A_32 : vector<16x1xi32> to vector<16xi32>
    %gather3A_34 = tpu.dynamic_gather %get3A_7[%gather3A_33] in [0] : vector<16xf32>, vector<16xi32> -> vector<16xf32>
    %get3A_35 = arith.constant 1 : i32
    %get3A_36 = arith.index_cast %get3A_35 : i32 to index
    %get3A_37 = arith.constant 0 : index
    %get3A_38 = tpu.vector_load %arg7[%get3A_36, %get3A_37] {strides = array<i32>} : memref<32x32xf32, #tpu.memory_space<vmem>>, vector<1x16xf32>,
    %get3A_39 = vector.shape_cast %get3A_38 : vector<1x16xf32> to vector<16xf32>
    %mul3A_40 = arith.mulf %gather3A_34, %get3A_39 : vector<16xf32>
    %add3A_41 = arith.addf %add3A_23, %mul3A_40 : vector<16xf32>
    %get3A_42 = arith.constant 1 : i32
    %get3A_43 = arith.index_cast %get3A_42 : i32 to index
    %get3A_44 = arith.constant 16 : index
    %get3A_45 = tpu.vector_load %arg7[%get3A_43, %get3A_44] {strides = array<i32>} : memref<32x32xf32, #tpu.memory_space<vmem>>, vector<1x16xf32>,
    %get3A_46 = vector.shape_cast %get3A_45 : vector<1x16xf32> to vector<16xf32>
    %mul3A_47 = arith.mulf %gather3A_34, %get3A_46 : vector<16xf32>
    %add3A_48 = arith.addf %add3A_30, %mul3A_47 : vector<16xf32>
    %broadcast_in_dim3A_49 = arith.constant 2 : i32
    %broadcast_in_dim3A_50 = vector.broadcast %broadcast_in_dim3A_49 : i32 to vector<16x1xi32>
    %gather3A_51 = vector.shape_cast %broadcast_in_dim3A_50 : vector<16x1xi32> to vector<16xi32>
    %gather3A_52 = tpu.dynamic_gather %get3A_7[%gather3A_51] in [0] : vector<16xf32>, vector<16xi32> -> vector<16xf32>
    %get3A_53 = arith.constant 2 : i32
    %get3A_54 = arith.index_cast %get3A_53 : i32 to index
    %get3A_55 = arith.constant 0 : index
    %get3A_56 = tpu.vector_load %arg7[%get3A_54, %get3A_55] {strides = array<i32>} : memref<32x32xf32, #tpu.memory_space<vmem>>, vector<1x16xf32>,
    %get3A_57 = vector.shape_cast %get3A_56 : vector<1x16xf32> to vector<16xf32>
    %mul3A_58 = arith.mulf %gather3A_52, %get3A_57 : vector<16xf32>
    %add3A_59 = arith.addf %add3A_41, %mul3A_58 : vector<16xf32>
    %get3A_60 = arith.constant 2 : i32
    %get3A_61 = arith.index_cast %get3A_60 : i32 to index
    %get3A_62 = arith.constant 16 : index
    %get3A_63 = tpu.vector_load %arg7[%get3A_61, %get3A_62] {strides = array<i32>} : memref<32x32xf32, #tpu.memory_space<vmem>>, vector<1x16xf32>,
    %get3A_64 = vector.shape_cast %get3A_63 : vector<1x16xf32> to vector<16xf32>
    %mul3A_65 = arith.mulf %gather3A_52, %get3A_64 : vector<16xf32>
    %add3A_66 = arith.addf %add3A_48, %mul3A_65 : vector<16xf32>
    %broadcast_in_dim3A_67 = arith.constant 3 : i32
    %broadcast_in_dim3A_68 = vector.broadcast %broadcast_in_dim3A_67 : i32 to vector<16x1xi32>
    %gather3A_69 = vector.shape_cast %broadcast_in_dim3A_68 : vector<16x1xi32> to vector<16xi32>
    %gather3A_70 = tpu.dynamic_gather %get3A_7[%gather3A_69] in [0] : vector<16xf32>, vector<16xi32> -> vector<16xf32>
    %get3A_71 = arith.constant 3 : i32
    %get3A_72 = arith.index_cast %get3A_71 : i32 to index
    %get3A_73 = arith.constant 0 : index
    %get3A_74 = tpu.vector_load %arg7[%get3A_72, %get3A_73] {strides = array<i32>} : memref<32x32xf32, #tpu.memory_space<vmem>>, vector<1x16xf32>,
    %get3A_75 = vector.shape_cast %get3A_74 : vector<1x16xf32> to vector<16xf32>
    %mul3A_76 = arith.mulf %gather3A_70, %get3A_75 : vector<16xf32>
    %add3A_77 = arith.addf %add3A_59, %mul3A_76 : vector<16xf32>
    %get3A_78 = arith.constant 3 : i32
    %get3A_79 = arith.index_cast %get3A_78 : i32 to index
    %get3A_80 = arith.constant 16 : index
    %get3A_81 = tpu.vector_load %arg7[%get3A_79, %get3A_80] {strides = array<i32>} : memref<32x32xf32, #tpu.memory_space<vmem>>, vector<1x16xf32>,
    %get3A_82 = vector.shape_cast %get3A_81 : vector<1x16xf32> to vector<16xf32>
    %mul3A_83 = arith.mulf %gather3A_70, %get3A_82 : vector<16xf32>
    %add3A_84 = arith.addf %add3A_66, %mul3A_83 : vector<16xf32>
    %broadcast_in_dim3A_85 = arith.constant 4 : i32
    %broadcast_in_dim3A_86 = vector.broadcast %broadcast_in_dim3A_85 : i32 to vector<16x1xi32>
    %gather3A_87 = vector.shape_cast %broadcast_in_dim3A_86 : vector<16x1xi32> to vector<16xi32>
    %gather3A_88 = tpu.dynamic_gather %get3A_7[%gather3A_87] in [0] : vector<16xf32>, vector<16xi32> -> vector<16xf32>
    %get3A_89 = arith.constant 4 : i32
    %get3A_90 = arith.index_cast %get3A_89 : i32 to index
    %get3A_91 = arith.constant 0 : index
    %get3A_92 = tpu.vector_load %arg7[%get3A_90, %get3A_91] {strides = array<i32>} : memref<32x32xf32, #tpu.memory_space<vmem>>, vector<1x16xf32>,
    %get3A_93 = vector.shape_cast %get3A_92 : vector<1x16xf32> to vector<16xf32>
    %mul3A_94 = arith.mulf %gather3A_88, %get3A_93 : vector<16xf32>
    %add3A_95 = arith.addf %add3A_77, %mul3A_94 : vector<16xf32>
    %get3A_96 = arith.constant 4 : i32
    %get3A_97 = arith.index_cast %get3A_96 : i32 to index
    %get3A_98 = arith.constant 16 : index
    %get3A_99 = tpu.vector_load %arg7[%get3A_97, %get3A_98] {strides = array<i32>} : memref<32x32xf32, #tpu.memory_space<vmem>>, vector<1x16xf32>,
    %get3A_100 = vector.shape_cast %get3A_99 : vector<1x16xf32> to vector<16xf32>
    %mul3A_101 = arith.mulf %gather3A_88, %get3A_100 : vector<16xf32>
    %add3A_102 = arith.addf %add3A_84, %mul3A_101 : vector<16xf32>
    %broadcast_in_dim3A_103 = arith.constant 5 : i32
    %broadcast_in_dim3A_104 = vector.broadcast %broadcast_in_dim3A_103 : i32 to vector<16x1xi32>
    %gather3A_105 = vector.shape_cast %broadcast_in_dim3A_104 : vector<16x1xi32> to vector<16xi32>
    %gather3A_106 = tpu.dynamic_gather %get3A_7[%gather3A_105] in [0] : vector<16xf32>, vector<16xi32> -> vector<16xf32>
    %get3A_107 = arith.constant 5 : i32
    %get3A_108 = arith.index_cast %get3A_107 : i32 to index
    %get3A_109 = arith.constant 0 : index
    %get3A_110 = tpu.vector_load %arg7[%get3A_108, %get3A_109] {strides = array<i32>} : memref<32x32xf32, #tpu.memory_space<vmem>>, vector<1x16xf32>,
    %get3A_111 = vector.shape_cast %get3A_110 : vector<1x16xf32> to vector<16xf32>
    %mul3A_112 = arith.mulf %gather3A_106, %get3A_111 : vector<16xf32>
    %add3A_113 = arith.addf %add3A_95, %mul3A_112 : vector<16xf32>
    %get3A_114 = arith.constant 5 : i32
    %get3A_115 = arith.index_cast %get3A_114 : i32 to index
    %get3A_116 = arith.constant 16 : index
    %get3A_117 = tpu.vector_load %arg7[%get3A_115, %get3A_116] {strides = array<i32>} : memref<32x32xf32, #tpu.memory_space<vmem>>, vector<1x16xf32>,
    %get3A_118 = vector.shape_cast %get3A_117 : vector<1x16xf32> to vector<16xf32>
    %mul3A_119 = arith.mulf %gather3A_106, %get3A_118 : vector<16xf32>
    %add3A_120 = arith.addf %add3A_102, %mul3A_119 : vector<16xf32>
    %broadcast_in_dim3A_121 = arith.constant 6 : i32
    %broadcast_in_dim3A_122 = vector.broadcast %broadcast_in_dim3A_121 : i32 to vector<16x1xi32>
    %gather3A_123 = vector.shape_cast %broadcast_in_dim3A_122 : vector<16x1xi32> to vector<16xi32>
    %gather3A_124 = tpu.dynamic_gather %get3A_7[%gather3A_123] in [0] : vector<16xf32>, vector<16xi32> -> vector<16xf32>
    %get3A_125 = arith.constant 6 : i32
    %get3A_126 = arith.index_cast %get3A_125 : i32 to index
    %get3A_127 = arith.constant 0 : index
    %get3A_128 = tpu.vector_load %arg7[%get3A_126, %get3A_127] {strides = array<i32>} : memref<32x32xf32, #tpu.memory_space<vmem>>, vector<1x16xf32>,
    %get3A_129 = vector.shape_cast %get3A_128 : vector<1x16xf32> to vector<16xf32>
    %mul3A_130 = arith.mulf %gather3A_124, %get3A_129 : vector<16xf32>
    %add3A_131 = arith.addf %add3A_113, %mul3A_130 : vector<16xf32>
    %get3A_132 = arith.constant 6 : i32
    %get3A_133 = arith.index_cast %get3A_132 : i32 to index
    %get3A_134 = arith.constant 16 : index
    %get3A_135 = tpu.vector_load %arg7[%get3A_133, %get3A_134] {strides = array<i32>} : memref<32x32xf32, #tpu.memory_space<vmem>>, vector<1x16xf32>,
    %get3A_136 = vector.shape_cast %get3A_135 : vector<1x16xf32> to vector<16xf32>
    %mul3A_137 = arith.mulf %gather3A_124, %get3A_136 : vector<16xf32>
    %add3A_138 = arith.addf %add3A_120, %mul3A_137 : vector<16xf32>
    %broadcast_in_dim3A_139 = arith.constant 7 : i32
    %broadcast_in_dim3A_140 = vector.broadcast %broadcast_in_dim3A_139 : i32 to vector<16x1xi32>
    %gather3A_141 = vector.shape_cast %broadcast_in_dim3A_140 : vector<16x1xi32> to vector<16xi32>
    %gather3A_142 = tpu.dynamic_gather %get3A_7[%gather3A_141] in [0] : vector<16xf32>, vector<16xi32> -> vector<16xf32>
    %get3A_143 = arith.constant 7 : i32
    %get3A_144 = arith.index_cast %get3A_143 : i32 to index
    %get3A_145 = arith.constant 0 : index
    %get3A_146 = tpu.vector_load %arg7[%get3A_144, %get3A_145] {strides = array<i32>} : memref<32x32xf32, #tpu.memory_space<vmem>>, vector<1x16xf32>,
    %get3A_147 = vector.shape_cast %get3A_146 : vector<1x16xf32> to vector<16xf32>
    %mul3A_148 = arith.mulf %gather3A_142, %get3A_147 : vector<16xf32>
    %add3A_149 = arith.addf %add3A_131, %mul3A_148 : vector<16xf32>
    %get3A_150 = arith.constant 7 : i32
    %get3A_151 = arith.index_cast %get3A_150 : i32 to index
    %get3A_152 = arith.constant 16 : index
    %get3A_153 = tpu.vector_load %arg7[%get3A_151, %get3A_152] {strides = array<i32>} : memref<32x32xf32, #tpu.memory_space<vmem>>, vector<1x16xf32>,
    %get3A_154 = vector.shape_cast %get3A_153 : vector<1x16xf32> to vector<16xf32>
    %mul3A_155 = arith.mulf %gather3A_142, %get3A_154 : vector<16xf32>
    %add3A_156 = arith.addf %add3A_138, %mul3A_155 : vector<16xf32>
    %broadcast_in_dim3A_157 = arith.constant 8 : i32
    %broadcast_in_dim3A_158 = vector.broadcast %broadcast_in_dim3A_157 : i32 to vector<16x1xi32>
    %gather3A_159 = vector.shape_cast %broadcast_in_dim3A_158 : vector<16x1xi32> to vector<16xi32>
    %gather3A_160 = tpu.dynamic_gather %get3A_7[%gather3A_159] in [0] : vector<16xf32>, vector<16xi32> -> vector<16xf32>
    %get3A_161 = arith.constant 8 : i32
    %get3A_162 = arith.index_cast %get3A_161 : i32 to index
    %get3A_163 = arith.constant 0 : index
    %get3A_164 = tpu.vector_load %arg7[%get3A_162, %get3A_163] {strides = array<i32>} : memref<32x32xf32, #tpu.memory_space<vmem>>, vector<1x16xf32>,
    %get3A_165 = vector.shape_cast %get3A_164 : vector<1x16xf32> to vector<16xf32>
    %mul3A_166 = arith.mulf %gather3A_160, %get3A_165 : vector<16xf32>
    %add3A_167 = arith.addf %add3A_149, %mul3A_166 : vector<16xf32>
    %get3A_168 = arith.constant 8 : i32
    %get3A_169 = arith.index_cast %get3A_168 : i32 to index
    %get3A_170 = arith.constant 16 : index
    %get3A_171 = tpu.vector_load %arg7[%get3A_169, %get3A_170] {strides = array<i32>} : memref<32x32xf32, #tpu.memory_space<vmem>>, vector<1x16xf32>,
    %get3A_172 = vector.shape_cast %get3A_171 : vector<1x16xf32> to vector<16xf32>
    %mul3A_173 = arith.mulf %gather3A_160, %get3A_172 : vector<16xf32>
    %add3A_174 = arith.addf %add3A_156, %mul3A_173 : vector<16xf32>
    %broadcast_in_dim3A_175 = arith.constant 9 : i32
    %broadcast_in_dim3A_176 = vector.broadcast %broadcast_in_dim3A_175 : i32 to vector<16x1xi32>
    %gather3A_177 = vector.shape_cast %broadcast_in_dim3A_176 : vector<16x1xi32> to vector<16xi32>
    %gather3A_178 = tpu.dynamic_gather %get3A_7[%gather3A_177] in [0] : vector<16xf32>, vector<16xi32> -> vector<16xf32>
    %get3A_179 = arith.constant 9 : i32
    %get3A_180 = arith.index_cast %get3A_179 : i32 to index
    %get3A_181 = arith.constant 0 : index
    %get3A_182 = tpu.vector_load %arg7[%get3A_180, %get3A_181] {strides = array<i32>} : memref<32x32xf32, #tpu.memory_space<vmem>>, vector<1x16xf32>,
    %get3A_183 = vector.shape_cast %get3A_182 : vector<1x16xf32> to vector<16xf32>
    %mul3A_184 = arith.mulf %gather3A_178, %get3A_183 : vector<16xf32>
    %add3A_185 = arith.addf %add3A_167, %mul3A_184 : vector<16xf32>
    %get3A_186 = arith.constant 9 : i32
    %get3A_187 = arith.index_cast %get3A_186 : i32 to index
    %get3A_188 = arith.constant 16 : index
    %get3A_189 = tpu.vector_load %arg7[%get3A_187, %get3A_188] {strides = array<i32>} : memref<32x32xf32, #tpu.memory_space<vmem>>, vector<1x16xf32>,
    %get3A_190 = vector.shape_cast %get3A_189 : vector<1x16xf32> to vector<16xf32>
    %mul3A_191 = arith.mulf %gather3A_178, %get3A_190 : vector<16xf32>
    %add3A_192 = arith.addf %add3A_174, %mul3A_191 : vector<16xf32>
    %broadcast_in_dim3A_193 = arith.constant 10 : i32
    %broadcast_in_dim3A_194 = vector.broadcast %broadcast_in_dim3A_193 : i32 to vector<16x1xi32>
    %gather3A_195 = vector.shape_cast %broadcast_in_dim3A_194 : vector<16x1xi32> to vector<16xi32>
    %gather3A_196 = tpu.dynamic_gather %get3A_7[%gather3A_195] in [0] : vector<16xf32>, vector<16xi32> -> vector<16xf32>
    %get3A_197 = arith.constant 10 : i32
    %get3A_198 = arith.index_cast %get3A_197 : i32 to index
    %get3A_199 = arith.constant 0 : index
    %get3A_200 = tpu.vector_load %arg7[%get3A_198, %get3A_199] {strides = array<i32>} : memref<32x32xf32, #tpu.memory_space<vmem>>, vector<1x16xf32>,
    %get3A_201 = vector.shape_cast %get3A_200 : vector<1x16xf32> to vector<16xf32>
    %mul3A_202 = arith.mulf %gather3A_196, %get3A_201 : vector<16xf32>
    %add3A_203 = arith.addf %add3A_185, %mul3A_202 : vector<16xf32>
    %get3A_204 = arith.constant 10 : i32
    %get3A_205 = arith.index_cast %get3A_204 : i32 to index
    %get3A_206 = arith.constant 16 : index
    %get3A_207 = tpu.vector_load %arg7[%get3A_205, %get3A_206] {strides = array<i32>} : memref<32x32xf32, #tpu.memory_space<vmem>>, vector<1x16xf32>,
    %get3A_208 = vector.shape_cast %get3A_207 : vector<1x16xf32> to vector<16xf32>
    %mul3A_209 = arith.mulf %gather3A_196, %get3A_208 : vector<16xf32>
    %add3A_210 = arith.addf %add3A_192, %mul3A_209 : vector<16xf32>
    %broadcast_in_dim3A_211 = arith.constant 11 : i32
    %broadcast_in_dim3A_212 = vector.broadcast %broadcast_in_dim3A_211 : i32 to vector<16x1xi32>
    %gather3A_213 = vector.shape_cast %broadcast_in_dim3A_212 : vector<16x1xi32> to vector<16xi32>
    %gather3A_214 = tpu.dynamic_gather %get3A_7[%gather3A_213] in [0] : vector<16xf32>, vector<16xi32> -> vector<16xf32>
    %get3A_215 = arith.constant 11 : i32
    %get3A_216 = arith.index_cast %get3A_215 : i32 to index
    %get3A_217 = arith.constant 0 : index
    %get3A_218 = tpu.vector_load %arg7[%get3A_216, %get3A_217] {strides = array<i32>} : memref<32x32xf32, #tpu.memory_space<vmem>>, vector<1x16xf32>,
    %get3A_219 = vector.shape_cast %get3A_218 : vector<1x16xf32> to vector<16xf32>
    %mul3A_220 = arith.mulf %gather3A_214, %get3A_219 : vector<16xf32>
    %add3A_221 = arith.addf %add3A_203, %mul3A_220 : vector<16xf32>
    %get3A_222 = arith.constant 11 : i32
    %get3A_223 = arith.index_cast %get3A_222 : i32 to index
    %get3A_224 = arith.constant 16 : index
    %get3A_225 = tpu.vector_load %arg7[%get3A_223, %get3A_224] {strides = array<i32>} : memref<32x32xf32, #tpu.memory_space<vmem>>, vector<1x16xf32>,
    %get3A_226 = vector.shape_cast %get3A_225 : vector<1x16xf32> to vector<16xf32>
    %mul3A_227 = arith.mulf %gather3A_214, %get3A_226 : vector<16xf32>
    %add3A_228 = arith.addf %add3A_210, %mul3A_227 : vector<16xf32>
    %broadcast_in_dim3A_229 = arith.constant 12 : i32
    %broadcast_in_dim3A_230 = vector.broadcast %broadcast_in_dim3A_229 : i32 to vector<16x1xi32>
    %gather3A_231 = vector.shape_cast %broadcast_in_dim3A_230 : vector<16x1xi32> to vector<16xi32>
    %gather3A_232 = tpu.dynamic_gather %get3A_7[%gather3A_231] in [0] : vector<16xf32>, vector<16xi32> -> vector<16xf32>
    %get3A_233 = arith.constant 12 : i32
    %get3A_234 = arith.index_cast %get3A_233 : i32 to index
    %get3A_235 = arith.constant 0 : index
    %get3A_236 = tpu.vector_load %arg7[%get3A_234, %get3A_235] {strides = array<i32>} : memref<32x32xf32, #tpu.memory_space<vmem>>, vector<1x16xf32>,
    %get3A_237 = vector.shape_cast %get3A_236 : vector<1x16xf32> to vector<16xf32>
    %mul3A_238 = arith.mulf %gather3A_232, %get3A_237 : vector<16xf32>
    %add3A_239 = arith.addf %add3A_221, %mul3A_238 : vector<16xf32>
    %get3A_240 = arith.constant 12 : i32
    %get3A_241 = arith.index_cast %get3A_240 : i32 to index
    %get3A_242 = arith.constant 16 : index
    %get3A_243 = tpu.vector_load %arg7[%get3A_241, %get3A_242] {strides = array<i32>} : memref<32x32xf32, #tpu.memory_space<vmem>>, vector<1x16xf32>,
    %get3A_244 = vector.shape_cast %get3A_243 : vector<1x16xf32> to vector<16xf32>
    %mul3A_245 = arith.mulf %gather3A_232, %get3A_244 : vector<16xf32>
    %add3A_246 = arith.addf %add3A_228, %mul3A_245 : vector<16xf32>
    %broadcast_in_dim3A_247 = arith.constant 13 : i32
    %broadcast_in_dim3A_248 = vector.broadcast %broadcast_in_dim3A_247 : i32 to vector<16x1xi32>
    %gather3A_249 = vector.shape_cast %broadcast_in_dim3A_248 : vector<16x1xi32> to vector<16xi32>
    %gather3A_250 = tpu.dynamic_gather %get3A_7[%gather3A_249] in [0] : vector<16xf32>, vector<16xi32> -> vector<16xf32>
    %get3A_251 = arith.constant 13 : i32
    %get3A_252 = arith.index_cast %get3A_251 : i32 to index
    %get3A_253 = arith.constant 0 : index
    %get3A_254 = tpu.vector_load %arg7[%get3A_252, %get3A_253] {strides = array<i32>} : memref<32x32xf32, #tpu.memory_space<vmem>>, vector<1x16xf32>,
    %get3A_255 = vector.shape_cast %get3A_254 : vector<1x16xf32> to vector<16xf32>
    %mul3A_256 = arith.mulf %gather3A_250, %get3A_255 : vector<16xf32>
    %add3A_257 = arith.addf %add3A_239, %mul3A_256 : vector<16xf32>
    %get3A_258 = arith.constant 13 : i32
    %get3A_259 = arith.index_cast %get3A_258 : i32 to index
    %get3A_260 = arith.constant 16 : index
    %get3A_261 = tpu.vector_load %arg7[%get3A_259, %get3A_260] {strides = array<i32>} : memref<32x32xf32, #tpu.memory_space<vmem>>, vector<1x16xf32>,
    %get3A_262 = vector.shape_cast %get3A_261 : vector<1x16xf32> to vector<16xf32>
    %mul3A_263 = arith.mulf %gather3A_250, %get3A_262 : vector<16xf32>
    %add3A_264 = arith.addf %add3A_246, %mul3A_263 : vector<16xf32>
    %broadcast_in_dim3A_265 = arith.constant 14 : i32
    %broadcast_in_dim3A_266 = vector.broadcast %broadcast_in_dim3A_265 : i32 to vector<16x1xi32>
    %gather3A_267 = vector.shape_cast %broadcast_in_dim3A_266 : vector<16x1xi32> to vector<16xi32>
    %gather3A_268 = tpu.dynamic_gather %get3A_7[%gather3A_267] in [0] : vector<16xf32>, vector<16xi32> -> vector<16xf32>
    %get3A_269 = arith.constant 14 : i32
    %get3A_270 = arith.index_cast %get3A_269 : i32 to index
    %get3A_271 = arith.constant 0 : index
    %get3A_272 = tpu.vector_load %arg7[%get3A_270, %get3A_271] {strides = array<i32>} : memref<32x32xf32, #tpu.memory_space<vmem>>, vector<1x16xf32>,
    %get3A_273 = vector.shape_cast %get3A_272 : vector<1x16xf32> to vector<16xf32>
    %mul3A_274 = arith.mulf %gather3A_268, %get3A_273 : vector<16xf32>
    %add3A_275 = arith.addf %add3A_257, %mul3A_274 : vector<16xf32>
    %get3A_276 = arith.constant 14 : i32
    %get3A_277 = arith.index_cast %get3A_276 : i32 to index
    %get3A_278 = arith.constant 16 : index
    %get3A_279 = tpu.vector_load %arg7[%get3A_277, %get3A_278] {strides = array<i32>} : memref<32x32xf32, #tpu.memory_space<vmem>>, vector<1x16xf32>,
    %get3A_280 = vector.shape_cast %get3A_279 : vector<1x16xf32> to vector<16xf32>
    %mul3A_281 = arith.mulf %gather3A_268, %get3A_280 : vector<16xf32>
    %add3A_282 = arith.addf %add3A_264, %mul3A_281 : vector<16xf32>
    %broadcast_in_dim3A_283 = arith.constant 15 : i32
    %broadcast_in_dim3A_284 = vector.broadcast %broadcast_in_dim3A_283 : i32 to vector<16x1xi32>
    %gather3A_285 = vector.shape_cast %broadcast_in_dim3A_284 : vector<16x1xi32> to vector<16xi32>
    %gather3A_286 = tpu.dynamic_gather %get3A_7[%gather3A_285] in [0] : vector<16xf32>, vector<16xi32> -> vector<16xf32>
    %get3A_287 = arith.constant 15 : i32
    %get3A_288 = arith.index_cast %get3A_287 : i32 to index
    %get3A_289 = arith.constant 0 : index
    %get3A_290 = tpu.vector_load %arg7[%get3A_288, %get3A_289] {strides = array<i32>} : memref<32x32xf32, #tpu.memory_space<vmem>>, vector<1x16xf32>,
    %get3A_291 = vector.shape_cast %get3A_290 : vector<1x16xf32> to vector<16xf32>
    %mul3A_292 = arith.mulf %gather3A_286, %get3A_291 : vector<16xf32>
    %add3A_293 = arith.addf %add3A_275, %mul3A_292 : vector<16xf32>
    %get3A_294 = arith.constant 15 : i32
    %get3A_295 = arith.index_cast %get3A_294 : i32 to index
    %get3A_296 = arith.constant 16 : index
    %get3A_297 = tpu.vector_load %arg7[%get3A_295, %get3A_296] {strides = array<i32>} : memref<32x32xf32, #tpu.memory_space<vmem>>, vector<1x16xf32>,
    %get3A_298 = vector.shape_cast %get3A_297 : vector<1x16xf32> to vector<16xf32>
    %mul3A_299 = arith.mulf %gather3A_286, %get3A_298 : vector<16xf32>
    %add3A_300 = arith.addf %add3A_282, %mul3A_299 : vector<16xf32>
    %broadcast_in_dim3A_301 = arith.constant 0 : i32
    %broadcast_in_dim3A_302 = vector.broadcast %broadcast_in_dim3A_301 : i32 to vector<16x1xi32>
    %gather3A_303 = vector.shape_cast %broadcast_in_dim3A_302 : vector<16x1xi32> to vector<16xi32>
    %gather3A_304 = tpu.dynamic_gather %get3A_10[%gather3A_303] in [0] : vector<16xf32>, vector<16xi32> -> vector<16xf32>
    %get3A_305 = arith.constant 16 : i32
    %get3A_306 = arith.index_cast %get3A_305 : i32 to index
    %get3A_307 = arith.constant 0 : index
    %get3A_308 = tpu.vector_load %arg7[%get3A_306, %get3A_307] {strides = array<i32>} : memref<32x32xf32, #tpu.memory_space<vmem>>, vector<1x16xf32>,
    %get3A_309 = vector.shape_cast %get3A_308 : vector<1x16xf32> to vector<16xf32>
    %mul3A_310 = arith.mulf %gather3A_304, %get3A_309 : vector<16xf32>
    %add3A_311 = arith.addf %add3A_293, %mul3A_310 : vector<16xf32>
    %get3A_312 = arith.constant 16 : i32
    %get3A_313 = arith.index_cast %get3A_312 : i32 to index
    %get3A_314 = arith.constant 16 : index
    %get3A_315 = tpu.vector_load %arg7[%get3A_313, %get3A_314] {strides = array<i32>} : memref<32x32xf32, #tpu.memory_space<vmem>>, vector<1x16xf32>,
    %get3A_316 = vector.shape_cast %get3A_315 : vector<1x16xf32> to vector<16xf32>
    %mul3A_317 = arith.mulf %gather3A_304, %get3A_316 : vector<16xf32>
    %add3A_318 = arith.addf %add3A_300, %mul3A_317 : vector<16xf32>
    %broadcast_in_dim3A_319 = arith.constant 1 : i32
    %broadcast_in_dim3A_320 = vector.broadcast %broadcast_in_dim3A_319 : i32 to vector<16x1xi32>
    %gather3A_321 = vector.shape_cast %broadcast_in_dim3A_320 : vector<16x1xi32> to vector<16xi32>
    %gather3A_322 = tpu.dynamic_gather %get3A_10[%gather3A_321] in [0] : vector<16xf32>, vector<16xi32> -> vector<16xf32>
    %get3A_323 = arith.constant 17 : i32
    %get3A_324 = arith.index_cast %get3A_323 : i32 to index
    %get3A_325 = arith.constant 0 : index
    %get3A_326 = tpu.vector_load %arg7[%get3A_324, %get3A_325] {strides = array<i32>} : memref<32x32xf32, #tpu.memory_space<vmem>>, vector<1x16xf32>,
    %get3A_327 = vector.shape_cast %get3A_326 : vector<1x16xf32> to vector<16xf32>
    %mul3A_328 = arith.mulf %gather3A_322, %get3A_327 : vector<16xf32>
    %add3A_329 = arith.addf %add3A_311, %mul3A_328 : vector<16xf32>
    %get3A_330 = arith.constant 17 : i32
    %get3A_331 = arith.index_cast %get3A_330 : i32 to index
    %get3A_332 = arith.constant 16 : index
    %get3A_333 = tpu.vector_load %arg7[%get3A_331, %get3A_332] {strides = array<i32>} : memref<32x32xf32, #tpu.memory_space<vmem>>, vector<1x16xf32>,
    %get3A_334 = vector.shape_cast %get3A_333 : vector<1x16xf32> to vector<16xf32>
    %mul3A_335 = arith.mulf %gather3A_322, %get3A_334 : vector<16xf32>
    %add3A_336 = arith.addf %add3A_318, %mul3A_335 : vector<16xf32>
    %broadcast_in_dim3A_337 = arith.constant 2 : i32
    %broadcast_in_dim3A_338 = vector.broadcast %broadcast_in_dim3A_337 : i32 to vector<16x1xi32>
    %gather3A_339 = vector.shape_cast %broadcast_in_dim3A_338 : vector<16x1xi32> to vector<16xi32>
    %gather3A_340 = tpu.dynamic_gather %get3A_10[%gather3A_339] in [0] : vector<16xf32>, vector<16xi32> -> vector<16xf32>
    %get3A_341 = arith.constant 18 : i32
    %get3A_342 = arith.index_cast %get3A_341 : i32 to index
    %get3A_343 = arith.constant 0 : index
    %get3A_344 = tpu.vector_load %arg7[%get3A_342, %get3A_343] {strides = array<i32>} : memref<32x32xf32, #tpu.memory_space<vmem>>, vector<1x16xf32>,
    %get3A_345 = vector.shape_cast %get3A_344 : vector<1x16xf32> to vector<16xf32>
    %mul3A_346 = arith.mulf %gather3A_340, %get3A_345 : vector<16xf32>
    %add3A_347 = arith.addf %add3A_329, %mul3A_346 : vector<16xf32>
    %get3A_348 = arith.constant 18 : i32
    %get3A_349 = arith.index_cast %get3A_348 : i32 to index
    %get3A_350 = arith.constant 16 : index
    %get3A_351 = tpu.vector_load %arg7[%get3A_349, %get3A_350] {strides = array<i32>} : memref<32x32xf32, #tpu.memory_space<vmem>>, vector<1x16xf32>,
    %get3A_352 = vector.shape_cast %get3A_351 : vector<1x16xf32> to vector<16xf32>
    %mul3A_353 = arith.mulf %gather3A_340, %get3A_352 : vector<16xf32>
    %add3A_354 = arith.addf %add3A_336, %mul3A_353 : vector<16xf32>
    %broadcast_in_dim3A_355 = arith.constant 3 : i32
    %broadcast_in_dim3A_356 = vector.broadcast %broadcast_in_dim3A_355 : i32 to vector<16x1xi32>
    %gather3A_357 = vector.shape_cast %broadcast_in_dim3A_356 : vector<16x1xi32> to vector<16xi32>
    %gather3A_358 = tpu.dynamic_gather %get3A_10[%gather3A_357] in [0] : vector<16xf32>, vector<16xi32> -> vector<16xf32>
    %get3A_359 = arith.constant 19 : i32
    %get3A_360 = arith.index_cast %get3A_359 : i32 to index
    %get3A_361 = arith.constant 0 : index
    %get3A_362 = tpu.vector_load %arg7[%get3A_360, %get3A_361] {strides = array<i32>} : memref<32x32xf32, #tpu.memory_space<vmem>>, vector<1x16xf32>,
    %get3A_363 = vector.shape_cast %get3A_362 : vector<1x16xf32> to vector<16xf32>
    %mul3A_364 = arith.mulf %gather3A_358, %get3A_363 : vector<16xf32>
    %add3A_365 = arith.addf %add3A_347, %mul3A_364 : vector<16xf32>
    %get3A_366 = arith.constant 19 : i32
    %get3A_367 = arith.index_cast %get3A_366 : i32 to index
    %get3A_368 = arith.constant 16 : index
    %get3A_369 = tpu.vector_load %arg7[%get3A_367, %get3A_368] {strides = array<i32>} : memref<32x32xf32, #tpu.memory_space<vmem>>, vector<1x16xf32>,
    %get3A_370 = vector.shape_cast %get3A_369 : vector<1x16xf32> to vector<16xf32>
    %mul3A_371 = arith.mulf %gather3A_358, %get3A_370 : vector<16xf32>
    %add3A_372 = arith.addf %add3A_354, %mul3A_371 : vector<16xf32>
    %broadcast_in_dim3A_373 = arith.constant 4 : i32
    %broadcast_in_dim3A_374 = vector.broadcast %broadcast_in_dim3A_373 : i32 to vector<16x1xi32>
    %gather3A_375 = vector.shape_cast %broadcast_in_dim3A_374 : vector<16x1xi32> to vector<16xi32>
    %gather3A_376 = tpu.dynamic_gather %get3A_10[%gather3A_375] in [0] : vector<16xf32>, vector<16xi32> -> vector<16xf32>
    %get3A_377 = arith.constant 20 : i32
    %get3A_378 = arith.index_cast %get3A_377 : i32 to index
    %get3A_379 = arith.constant 0 : index
    %get3A_380 = tpu.vector_load %arg7[%get3A_378, %get3A_379] {strides = array<i32>} : memref<32x32xf32, #tpu.memory_space<vmem>>, vector<1x16xf32>,
    %get3A_381 = vector.shape_cast %get3A_380 : vector<1x16xf32> to vector<16xf32>
    %mul3A_382 = arith.mulf %gather3A_376, %get3A_381 : vector<16xf32>
    %add3A_383 = arith.addf %add3A_365, %mul3A_382 : vector<16xf32>
    %get3A_384 = arith.constant 20 : i32
    %get3A_385 = arith.index_cast %get3A_384 : i32 to index
    %get3A_386 = arith.constant 16 : index
    %get3A_387 = tpu.vector_load %arg7[%get3A_385, %get3A_386] {strides = array<i32>} : memref<32x32xf32, #tpu.memory_space<vmem>>, vector<1x16xf32>,
    %get3A_388 = vector.shape_cast %get3A_387 : vector<1x16xf32> to vector<16xf32>
    %mul3A_389 = arith.mulf %gather3A_376, %get3A_388 : vector<16xf32>
    %add3A_390 = arith.addf %add3A_372, %mul3A_389 : vector<16xf32>
    %broadcast_in_dim3A_391 = arith.constant 5 : i32
    %broadcast_in_dim3A_392 = vector.broadcast %broadcast_in_dim3A_391 : i32 to vector<16x1xi32>
    %gather3A_393 = vector.shape_cast %broadcast_in_dim3A_392 : vector<16x1xi32> to vector<16xi32>
    %gather3A_394 = tpu.dynamic_gather %get3A_10[%gather3A_393] in [0] : vector<16xf32>, vector<16xi32> -> vector<16xf32>
    %get3A_395 = arith.constant 21 : i32
    %get3A_396 = arith.index_cast %get3A_395 : i32 to index
    %get3A_397 = arith.constant 0 : index
    %get3A_398 = tpu.vector_load %arg7[%get3A_396, %get3A_397] {strides = array<i32>} : memref<32x32xf32, #tpu.memory_space<vmem>>, vector<1x16xf32>,
    %get3A_399 = vector.shape_cast %get3A_398 : vector<1x16xf32> to vector<16xf32>
    %mul3A_400 = arith.mulf %gather3A_394, %get3A_399 : vector<16xf32>
    %add3A_401 = arith.addf %add3A_383, %mul3A_400 : vector<16xf32>
    %get3A_402 = arith.constant 21 : i32
    %get3A_403 = arith.index_cast %get3A_402 : i32 to index
    %get3A_404 = arith.constant 16 : index
    %get3A_405 = tpu.vector_load %arg7[%get3A_403, %get3A_404] {strides = array<i32>} : memref<32x32xf32, #tpu.memory_space<vmem>>, vector<1x16xf32>,
    %get3A_406 = vector.shape_cast %get3A_405 : vector<1x16xf32> to vector<16xf32>
    %mul3A_407 = arith.mulf %gather3A_394, %get3A_406 : vector<16xf32>
    %add3A_408 = arith.addf %add3A_390, %mul3A_407 : vector<16xf32>
    %broadcast_in_dim3A_409 = arith.constant 6 : i32
    %broadcast_in_dim3A_410 = vector.broadcast %broadcast_in_dim3A_409 : i32 to vector<16x1xi32>
    %gather3A_411 = vector.shape_cast %broadcast_in_dim3A_410 : vector<16x1xi32> to vector<16xi32>
    %gather3A_412 = tpu.dynamic_gather %get3A_10[%gather3A_411] in [0] : vector<16xf32>, vector<16xi32> -> vector<16xf32>
    %get3A_413 = arith.constant 22 : i32
    %get3A_414 = arith.index_cast %get3A_413 : i32 to index
    %get3A_415 = arith.constant 0 : index
    %get3A_416 = tpu.vector_load %arg7[%get3A_414, %get3A_415] {strides = array<i32>} : memref<32x32xf32, #tpu.memory_space<vmem>>, vector<1x16xf32>,
    %get3A_417 = vector.shape_cast %get3A_416 : vector<1x16xf32> to vector<16xf32>
    %mul3A_418 = arith.mulf %gather3A_412, %get3A_417 : vector<16xf32>
    %add3A_419 = arith.addf %add3A_401, %mul3A_418 : vector<16xf32>
    %get3A_420 = arith.constant 22 : i32
    %get3A_421 = arith.index_cast %get3A_420 : i32 to index
    %get3A_422 = arith.constant 16 : index
    %get3A_423 = tpu.vector_load %arg7[%get3A_421, %get3A_422] {strides = array<i32>} : memref<32x32xf32, #tpu.memory_space<vmem>>, vector<1x16xf32>,
    %get3A_424 = vector.shape_cast %get3A_423 : vector<1x16xf32> to vector<16xf32>
    %mul3A_425 = arith.mulf %gather3A_412, %get3A_424 : vector<16xf32>
    %add3A_426 = arith.addf %add3A_408, %mul3A_425 : vector<16xf32>
    %broadcast_in_dim3A_427 = arith.constant 7 : i32
    %broadcast_in_dim3A_428 = vector.broadcast %broadcast_in_dim3A_427 : i32 to vector<16x1xi32>
    %gather3A_429 = vector.shape_cast %broadcast_in_dim3A_428 : vector<16x1xi32> to vector<16xi32>
    %gather3A_430 = tpu.dynamic_gather %get3A_10[%gather3A_429] in [0] : vector<16xf32>, vector<16xi32> -> vector<16xf32>
    %get3A_431 = arith.constant 23 : i32
    %get3A_432 = arith.index_cast %get3A_431 : i32 to index
    %get3A_433 = arith.constant 0 : index
    %get3A_434 = tpu.vector_load %arg7[%get3A_432, %get3A_433] {strides = array<i32>} : memref<32x32xf32, #tpu.memory_space<vmem>>, vector<1x16xf32>,
    %get3A_435 = vector.shape_cast %get3A_434 : vector<1x16xf32> to vector<16xf32>
    %mul3A_436 = arith.mulf %gather3A_430, %get3A_435 : vector<16xf32>
    %add3A_437 = arith.addf %add3A_419, %mul3A_436 : vector<16xf32>
    %get3A_438 = arith.constant 23 : i32
    %get3A_439 = arith.index_cast %get3A_438 : i32 to index
    %get3A_440 = arith.constant 16 : index
    %get3A_441 = tpu.vector_load %arg7[%get3A_439, %get3A_440] {strides = array<i32>} : memref<32x32xf32, #tpu.memory_space<vmem>>, vector<1x16xf32>,
    %get3A_442 = vector.shape_cast %get3A_441 : vector<1x16xf32> to vector<16xf32>
    %mul3A_443 = arith.mulf %gather3A_430, %get3A_442 : vector<16xf32>
    %add3A_444 = arith.addf %add3A_426, %mul3A_443 : vector<16xf32>
    %broadcast_in_dim3A_445 = arith.constant 8 : i32
    %broadcast_in_dim3A_446 = vector.broadcast %broadcast_in_dim3A_445 : i32 to vector<16x1xi32>
    %gather3A_447 = vector.shape_cast %broadcast_in_dim3A_446 : vector<16x1xi32> to vector<16xi32>
    %gather3A_448 = tpu.dynamic_gather %get3A_10[%gather3A_447] in [0] : vector<16xf32>, vector<16xi32> -> vector<16xf32>
    %get3A_449 = arith.constant 24 : i32
    %get3A_450 = arith.index_cast %get3A_449 : i32 to index
    %get3A_451 = arith.constant 0 : index
    %get3A_452 = tpu.vector_load %arg7[%get3A_450, %get3A_451] {strides = array<i32>} : memref<32x32xf32, #tpu.memory_space<vmem>>, vector<1x16xf32>,
    %get3A_453 = vector.shape_cast %get3A_452 : vector<1x16xf32> to vector<16xf32>
    %mul3A_454 = arith.mulf %gather3A_448, %get3A_453 : vector<16xf32>
    %add3A_455 = arith.addf %add3A_437, %mul3A_454 : vector<16xf32>
    %get3A_456 = arith.constant 24 : i32
    %get3A_457 = arith.index_cast %get3A_456 : i32 to index
    %get3A_458 = arith.constant 16 : index
    %get3A_459 = tpu.vector_load %arg7[%get3A_457, %get3A_458] {strides = array<i32>} : memref<32x32xf32, #tpu.memory_space<vmem>>, vector<1x16xf32>,
    %get3A_460 = vector.shape_cast %get3A_459 : vector<1x16xf32> to vector<16xf32>
    %mul3A_461 = arith.mulf %gather3A_448, %get3A_460 : vector<16xf32>
    %add3A_462 = arith.addf %add3A_444, %mul3A_461 : vector<16xf32>
    %broadcast_in_dim3A_463 = arith.constant 9 : i32
    %broadcast_in_dim3A_464 = vector.broadcast %broadcast_in_dim3A_463 : i32 to vector<16x1xi32>
    %gather3A_465 = vector.shape_cast %broadcast_in_dim3A_464 : vector<16x1xi32> to vector<16xi32>
    %gather3A_466 = tpu.dynamic_gather %get3A_10[%gather3A_465] in [0] : vector<16xf32>, vector<16xi32> -> vector<16xf32>
    %get3A_467 = arith.constant 25 : i32
    %get3A_468 = arith.index_cast %get3A_467 : i32 to index
    %get3A_469 = arith.constant 0 : index
    %get3A_470 = tpu.vector_load %arg7[%get3A_468, %get3A_469] {strides = array<i32>} : memref<32x32xf32, #tpu.memory_space<vmem>>, vector<1x16xf32>,
    %get3A_471 = vector.shape_cast %get3A_470 : vector<1x16xf32> to vector<16xf32>
    %mul3A_472 = arith.mulf %gather3A_466, %get3A_471 : vector<16xf32>
    %add3A_473 = arith.addf %add3A_455, %mul3A_472 : vector<16xf32>
    %get3A_474 = arith.constant 25 : i32
    %get3A_475 = arith.index_cast %get3A_474 : i32 to index
    %get3A_476 = arith.constant 16 : index
    %get3A_477 = tpu.vector_load %arg7[%get3A_475, %get3A_476] {strides = array<i32>} : memref<32x32xf32, #tpu.memory_space<vmem>>, vector<1x16xf32>,
    %get3A_478 = vector.shape_cast %get3A_477 : vector<1x16xf32> to vector<16xf32>
    %mul3A_479 = arith.mulf %gather3A_466, %get3A_478 : vector<16xf32>
    %add3A_480 = arith.addf %add3A_462, %mul3A_479 : vector<16xf32>
    %broadcast_in_dim3A_481 = arith.constant 10 : i32
    %broadcast_in_dim3A_482 = vector.broadcast %broadcast_in_dim3A_481 : i32 to vector<16x1xi32>
    %gather3A_483 = vector.shape_cast %broadcast_in_dim3A_482 : vector<16x1xi32> to vector<16xi32>
    %gather3A_484 = tpu.dynamic_gather %get3A_10[%gather3A_483] in [0] : vector<16xf32>, vector<16xi32> -> vector<16xf32>
    %get3A_485 = arith.constant 26 : i32
    %get3A_486 = arith.index_cast %get3A_485 : i32 to index
    %get3A_487 = arith.constant 0 : index
    %get3A_488 = tpu.vector_load %arg7[%get3A_486, %get3A_487] {strides = array<i32>} : memref<32x32xf32, #tpu.memory_space<vmem>>, vector<1x16xf32>,
    %get3A_489 = vector.shape_cast %get3A_488 : vector<1x16xf32> to vector<16xf32>
    %mul3A_490 = arith.mulf %gather3A_484, %get3A_489 : vector<16xf32>
    %add3A_491 = arith.addf %add3A_473, %mul3A_490 : vector<16xf32>
    %get3A_492 = arith.constant 26 : i32
    %get3A_493 = arith.index_cast %get3A_492 : i32 to index
    %get3A_494 = arith.constant 16 : index
    %get3A_495 = tpu.vector_load %arg7[%get3A_493, %get3A_494] {strides = array<i32>} : memref<32x32xf32, #tpu.memory_space<vmem>>, vector<1x16xf32>,
    %get3A_496 = vector.shape_cast %get3A_495 : vector<1x16xf32> to vector<16xf32>
    %mul3A_497 = arith.mulf %gather3A_484, %get3A_496 : vector<16xf32>
    %add3A_498 = arith.addf %add3A_480, %mul3A_497 : vector<16xf32>
    %broadcast_in_dim3A_499 = arith.constant 11 : i32
    %broadcast_in_dim3A_500 = vector.broadcast %broadcast_in_dim3A_499 : i32 to vector<16x1xi32>
    %gather3A_501 = vector.shape_cast %broadcast_in_dim3A_500 : vector<16x1xi32> to vector<16xi32>
    %gather3A_502 = tpu.dynamic_gather %get3A_10[%gather3A_501] in [0] : vector<16xf32>, vector<16xi32> -> vector<16xf32>
    %get3A_503 = arith.constant 27 : i32
    %get3A_504 = arith.index_cast %get3A_503 : i32 to index
    %get3A_505 = arith.constant 0 : index
    %get3A_506 = tpu.vector_load %arg7[%get3A_504, %get3A_505] {strides = array<i32>} : memref<32x32xf32, #tpu.memory_space<vmem>>, vector<1x16xf32>,
    %get3A_507 = vector.shape_cast %get3A_506 : vector<1x16xf32> to vector<16xf32>
    %mul3A_508 = arith.mulf %gather3A_502, %get3A_507 : vector<16xf32>
    %add3A_509 = arith.addf %add3A_491, %mul3A_508 : vector<16xf32>
    %get3A_510 = arith.constant 27 : i32
    %get3A_511 = arith.index_cast %get3A_510 : i32 to index
    %get3A_512 = arith.constant 16 : index
    %get3A_513 = tpu.vector_load %arg7[%get3A_511, %get3A_512] {strides = array<i32>} : memref<32x32xf32, #tpu.memory_space<vmem>>, vector<1x16xf32>,
    %get3A_514 = vector.shape_cast %get3A_513 : vector<1x16xf32> to vector<16xf32>
    %mul3A_515 = arith.mulf %gather3A_502, %get3A_514 : vector<16xf32>
    %add3A_516 = arith.addf %add3A_498, %mul3A_515 : vector<16xf32>
    %broadcast_in_dim3A_517 = arith.constant 12 : i32
    %broadcast_in_dim3A_518 = vector.broadcast %broadcast_in_dim3A_517 : i32 to vector<16x1xi32>
    %gather3A_519 = vector.shape_cast %broadcast_in_dim3A_518 : vector<16x1xi32> to vector<16xi32>
    %gather3A_520 = tpu.dynamic_gather %get3A_10[%gather3A_519] in [0] : vector<16xf32>, vector<16xi32> -> vector<16xf32>
    %get3A_521 = arith.constant 28 : i32
    %get3A_522 = arith.index_cast %get3A_521 : i32 to index
    %get3A_523 = arith.constant 0 : index
    %get3A_524 = tpu.vector_load %arg7[%get3A_522, %get3A_523] {strides = array<i32>} : memref<32x32xf32, #tpu.memory_space<vmem>>, vector<1x16xf32>,
    %get3A_525 = vector.shape_cast %get3A_524 : vector<1x16xf32> to vector<16xf32>
    %mul3A_526 = arith.mulf %gather3A_520, %get3A_525 : vector<16xf32>
    %add3A_527 = arith.addf %add3A_509, %mul3A_526 : vector<16xf32>
    %get3A_528 = arith.constant 28 : i32
    %get3A_529 = arith.index_cast %get3A_528 : i32 to index
    %get3A_530 = arith.constant 16 : index
    %get3A_531 = tpu.vector_load %arg7[%get3A_529, %get3A_530] {strides = array<i32>} : memref<32x32xf32, #tpu.memory_space<vmem>>, vector<1x16xf32>,
    %get3A_532 = vector.shape_cast %get3A_531 : vector<1x16xf32> to vector<16xf32>
    %mul3A_533 = arith.mulf %gather3A_520, %get3A_532 : vector<16xf32>
    %add3A_534 = arith.addf %add3A_516, %mul3A_533 : vector<16xf32>
    %broadcast_in_dim3A_535 = arith.constant 13 : i32
    %broadcast_in_dim3A_536 = vector.broadcast %broadcast_in_dim3A_535 : i32 to vector<16x1xi32>
    %gather3A_537 = vector.shape_cast %broadcast_in_dim3A_536 : vector<16x1xi32> to vector<16xi32>
    %gather3A_538 = tpu.dynamic_gather %get3A_10[%gather3A_537] in [0] : vector<16xf32>, vector<16xi32> -> vector<16xf32>
    %get3A_539 = arith.constant 29 : i32
    %get3A_540 = arith.index_cast %get3A_539 : i32 to index
    %get3A_541 = arith.constant 0 : index
    %get3A_542 = tpu.vector_load %arg7[%get3A_540, %get3A_541] {strides = array<i32>} : memref<32x32xf32, #tpu.memory_space<vmem>>, vector<1x16xf32>,
    %get3A_543 = vector.shape_cast %get3A_542 : vector<1x16xf32> to vector<16xf32>
    %mul3A_544 = arith.mulf %gather3A_538, %get3A_543 : vector<16xf32>
    %add3A_545 = arith.addf %add3A_527, %mul3A_544 : vector<16xf32>
    %get3A_546 = arith.constant 29 : i32
    %get3A_547 = arith.index_cast %get3A_546 : i32 to index
    %get3A_548 = arith.constant 16 : index
    %get3A_549 = tpu.vector_load %arg7[%get3A_547, %get3A_548] {strides = array<i32>} : memref<32x32xf32, #tpu.memory_space<vmem>>, vector<1x16xf32>,
    %get3A_550 = vector.shape_cast %get3A_549 : vector<1x16xf32> to vector<16xf32>
    %mul3A_551 = arith.mulf %gather3A_538, %get3A_550 : vector<16xf32>
    %add3A_552 = arith.addf %add3A_534, %mul3A_551 : vector<16xf32>
    %broadcast_in_dim3A_553 = arith.constant 14 : i32
    %broadcast_in_dim3A_554 = vector.broadcast %broadcast_in_dim3A_553 : i32 to vector<16x1xi32>
    %gather3A_555 = vector.shape_cast %broadcast_in_dim3A_554 : vector<16x1xi32> to vector<16xi32>
    %gather3A_556 = tpu.dynamic_gather %get3A_10[%gather3A_555] in [0] : vector<16xf32>, vector<16xi32> -> vector<16xf32>
    %get3A_557 = arith.constant 30 : i32
    %get3A_558 = arith.index_cast %get3A_557 : i32 to index
    %get3A_559 = arith.constant 0 : index
    %get3A_560 = tpu.vector_load %arg7[%get3A_558, %get3A_559] {strides = array<i32>} : memref<32x32xf32, #tpu.memory_space<vmem>>, vector<1x16xf32>,
    %get3A_561 = vector.shape_cast %get3A_560 : vector<1x16xf32> to vector<16xf32>
    %mul3A_562 = arith.mulf %gather3A_556, %get3A_561 : vector<16xf32>
    %add3A_563 = arith.addf %add3A_545, %mul3A_562 : vector<16xf32>
    %get3A_564 = arith.constant 30 : i32
    %get3A_565 = arith.index_cast %get3A_564 : i32 to index
    %get3A_566 = arith.constant 16 : index
    %get3A_567 = tpu.vector_load %arg7[%get3A_565, %get3A_566] {strides = array<i32>} : memref<32x32xf32, #tpu.memory_space<vmem>>, vector<1x16xf32>,
    %get3A_568 = vector.shape_cast %get3A_567 : vector<1x16xf32> to vector<16xf32>
    %mul3A_569 = arith.mulf %gather3A_556, %get3A_568 : vector<16xf32>
    %add3A_570 = arith.addf %add3A_552, %mul3A_569 : vector<16xf32>
    %broadcast_in_dim3A_571 = arith.constant 15 : i32
    %broadcast_in_dim3A_572 = vector.broadcast %broadcast_in_dim3A_571 : i32 to vector<16x1xi32>
    %gather3A_573 = vector.shape_cast %broadcast_in_dim3A_572 : vector<16x1xi32> to vector<16xi32>
    %gather3A_574 = tpu.dynamic_gather %get3A_10[%gather3A_573] in [0] : vector<16xf32>, vector<16xi32> -> vector<16xf32>
    %get3A_575 = arith.constant 31 : i32
    %get3A_576 = arith.index_cast %get3A_575 : i32 to index
    %get3A_577 = arith.constant 0 : index
    %get3A_578 = tpu.vector_load %arg7[%get3A_576, %get3A_577] {strides = array<i32>} : memref<32x32xf32, #tpu.memory_space<vmem>>, vector<1x16xf32>,
    %get3A_579 = vector.shape_cast %get3A_578 : vector<1x16xf32> to vector<16xf32>
    %mul3A_580 = arith.mulf %gather3A_574, %get3A_579 : vector<16xf32>
    %add3A_581 = arith.addf %add3A_563, %mul3A_580 : vector<16xf32>
    %get3A_582 = arith.constant 31 : i32
    %get3A_583 = arith.index_cast %get3A_582 : i32 to index
    %get3A_584 = arith.constant 16 : index
    %get3A_585 = tpu.vector_load %arg7[%get3A_583, %get3A_584] {strides = array<i32>} : memref<32x32xf32, #tpu.memory_space<vmem>>, vector<1x16xf32>,
    %get3A_586 = vector.shape_cast %get3A_585 : vector<1x16xf32> to vector<16xf32>
    %mul3A_587 = arith.mulf %gather3A_574, %get3A_586 : vector<16xf32>
    %add3A_588 = arith.addf %add3A_570, %mul3A_587 : vector<16xf32>
    %dma_wait3A = arith.constant 0 : i32
    %dma_wait3A_589 = tpu.memref_slice %arg2[%mul3A_2, %dma_wait3A] : memref<16384x32xf32, #tpu.memory_space<hbm>> -> memref<192x32xf32, #tpu.memory_space<hbm>>
    %dma_wait3A_590 = arith.constant 0 : i32
    %dma_wait3A_591 = tpu.memref_slice %arg2[%mul3A_2, %dma_wait3A_590] : memref<16384x32xf32, #tpu.memory_space<hbm>> -> memref<192x32xf32, #tpu.memory_space<hbm>>
    tpu.wait_dma2 semaphore(%arg9 : memref<!tpu.dma_semaphore, #tpu.memory_space<semaphore_mem>>) src(%dma_wait3A_591 : memref<192x32xf32, #tpu.memory_space<hbm>>) dst(%arg6 : memref<192x32xf32, #tpu.memory_space<vmem>>)
    %scan3A = arith.constant 0 : i32
    %scan3A_592 = arith.constant 24 : i32
    %scan3A_593 = arith.addi %scan3A, %scan3A_592 : i32
    %scan3A_594 = arith.constant 1 : i32
    scf.for %scan3A_596 = %scan3A to %scan3A_593 step %scan3A_594  : i32 {
      %mul3A_597 = arith.constant 8 : i32
      %mul3A_598 = arith.muli %scan3A_596, %mul3A_597 : i32
      %add3A_599 = arith.constant 0 : i32
      %add3A_600 = arith.addi %mul3A_598, %add3A_599 : i32
      %get3A_601 = arith.index_cast %add3A_600 : i32 to index
      %get3A_602 = arith.constant 0 : index
      %get3A_603 = tpu.vector_load %arg6[%get3A_601, %get3A_602] {strides = array<i32>} : memref<192x32xf32, #tpu.memory_space<vmem>>, vector<1x16xf32>,
      %get3A_604 = vector.shape_cast %get3A_603 : vector<1x16xf32> to vector<16xf32>
      %add3A_605 = arith.constant 0 : i32
      %add3A_606 = arith.addi %mul3A_598, %add3A_605 : i32
      %get3A_607 = arith.index_cast %add3A_606 : i32 to index
      %get3A_608 = arith.constant 16 : index
      %get3A_609 = tpu.vector_load %arg6[%get3A_607, %get3A_608] {strides = array<i32>} : memref<192x32xf32, #tpu.memory_space<vmem>>, vector<1x16xf32>,
      %get3A_610 = vector.shape_cast %get3A_609 : vector<1x16xf32> to vector<16xf32>
      %add3A_611 = arith.constant 1 : i32
      %add3A_612 = arith.addi %mul3A_598, %add3A_611 : i32
      %get3A_613 = arith.index_cast %add3A_612 : i32 to index
      %get3A_614 = arith.constant 0 : index
      %get3A_615 = tpu.vector_load %arg6[%get3A_613, %get3A_614] {strides = array<i32>} : memref<192x32xf32, #tpu.memory_space<vmem>>, vector<1x16xf32>,
      %get3A_616 = vector.shape_cast %get3A_615 : vector<1x16xf32> to vector<16xf32>
      %add3A_617 = arith.constant 1 : i32
      %add3A_618 = arith.addi %mul3A_598, %add3A_617 : i32
      %get3A_619 = arith.index_cast %add3A_618 : i32 to index
      %get3A_620 = arith.constant 16 : index
      %get3A_621 = tpu.vector_load %arg6[%get3A_619, %get3A_620] {strides = array<i32>} : memref<192x32xf32, #tpu.memory_space<vmem>>, vector<1x16xf32>,
      %get3A_622 = vector.shape_cast %get3A_621 : vector<1x16xf32> to vector<16xf32>
      %add3A_623 = arith.constant 2 : i32
      %add3A_624 = arith.addi %mul3A_598, %add3A_623 : i32
      %get3A_625 = arith.index_cast %add3A_624 : i32 to index
      %get3A_626 = arith.constant 0 : index
      %get3A_627 = tpu.vector_load %arg6[%get3A_625, %get3A_626] {strides = array<i32>} : memref<192x32xf32, #tpu.memory_space<vmem>>, vector<1x16xf32>,
      %get3A_628 = vector.shape_cast %get3A_627 : vector<1x16xf32> to vector<16xf32>
      %add3A_629 = arith.constant 2 : i32
      %add3A_630 = arith.addi %mul3A_598, %add3A_629 : i32
      %get3A_631 = arith.index_cast %add3A_630 : i32 to index
      %get3A_632 = arith.constant 16 : index
      %get3A_633 = tpu.vector_load %arg6[%get3A_631, %get3A_632] {strides = array<i32>} : memref<192x32xf32, #tpu.memory_space<vmem>>, vector<1x16xf32>,
      %get3A_634 = vector.shape_cast %get3A_633 : vector<1x16xf32> to vector<16xf32>
      %add3A_635 = arith.constant 3 : i32
      %add3A_636 = arith.addi %mul3A_598, %add3A_635 : i32
      %get3A_637 = arith.index_cast %add3A_636 : i32 to index
      %get3A_638 = arith.constant 0 : index
      %get3A_639 = tpu.vector_load %arg6[%get3A_637, %get3A_638] {strides = array<i32>} : memref<192x32xf32, #tpu.memory_space<vmem>>, vector<1x16xf32>,
      %get3A_640 = vector.shape_cast %get3A_639 : vector<1x16xf32> to vector<16xf32>
      %add3A_641 = arith.constant 3 : i32
      %add3A_642 = arith.addi %mul3A_598, %add3A_641 : i32
      %get3A_643 = arith.index_cast %add3A_642 : i32 to index
      %get3A_644 = arith.constant 16 : index
      %get3A_645 = tpu.vector_load %arg6[%get3A_643, %get3A_644] {strides = array<i32>} : memref<192x32xf32, #tpu.memory_space<vmem>>, vector<1x16xf32>,
      %get3A_646 = vector.shape_cast %get3A_645 : vector<1x16xf32> to vector<16xf32>
      %add3A_647 = arith.constant 4 : i32
      %add3A_648 = arith.addi %mul3A_598, %add3A_647 : i32
      %get3A_649 = arith.index_cast %add3A_648 : i32 to index
      %get3A_650 = arith.constant 0 : index
      %get3A_651 = tpu.vector_load %arg6[%get3A_649, %get3A_650] {strides = array<i32>} : memref<192x32xf32, #tpu.memory_space<vmem>>, vector<1x16xf32>,
      %get3A_652 = vector.shape_cast %get3A_651 : vector<1x16xf32> to vector<16xf32>
      %add3A_653 = arith.constant 4 : i32
      %add3A_654 = arith.addi %mul3A_598, %add3A_653 : i32
      %get3A_655 = arith.index_cast %add3A_654 : i32 to index
      %get3A_656 = arith.constant 16 : index
      %get3A_657 = tpu.vector_load %arg6[%get3A_655, %get3A_656] {strides = array<i32>} : memref<192x32xf32, #tpu.memory_space<vmem>>, vector<1x16xf32>,
      %get3A_658 = vector.shape_cast %get3A_657 : vector<1x16xf32> to vector<16xf32>
      %add3A_659 = arith.constant 5 : i32
      %add3A_660 = arith.addi %mul3A_598, %add3A_659 : i32
      %get3A_661 = arith.index_cast %add3A_660 : i32 to index
      %get3A_662 = arith.constant 0 : index
      %get3A_663 = tpu.vector_load %arg6[%get3A_661, %get3A_662] {strides = array<i32>} : memref<192x32xf32, #tpu.memory_space<vmem>>, vector<1x16xf32>,
      %get3A_664 = vector.shape_cast %get3A_663 : vector<1x16xf32> to vector<16xf32>
      %add3A_665 = arith.constant 5 : i32
      %add3A_666 = arith.addi %mul3A_598, %add3A_665 : i32
      %get3A_667 = arith.index_cast %add3A_666 : i32 to index
      %get3A_668 = arith.constant 16 : index
      %get3A_669 = tpu.vector_load %arg6[%get3A_667, %get3A_668] {strides = array<i32>} : memref<192x32xf32, #tpu.memory_space<vmem>>, vector<1x16xf32>,
      %get3A_670 = vector.shape_cast %get3A_669 : vector<1x16xf32> to vector<16xf32>
      %add3A_671 = arith.constant 6 : i32
      %add3A_672 = arith.addi %mul3A_598, %add3A_671 : i32
      %get3A_673 = arith.index_cast %add3A_672 : i32 to index
      %get3A_674 = arith.constant 0 : index
      %get3A_675 = tpu.vector_load %arg6[%get3A_673, %get3A_674] {strides = array<i32>} : memref<192x32xf32, #tpu.memory_space<vmem>>, vector<1x16xf32>,
      %get3A_676 = vector.shape_cast %get3A_675 : vector<1x16xf32> to vector<16xf32>
      %add3A_677 = arith.constant 6 : i32
      %add3A_678 = arith.addi %mul3A_598, %add3A_677 : i32
      %get3A_679 = arith.index_cast %add3A_678 : i32 to index
      %get3A_680 = arith.constant 16 : index
      %get3A_681 = tpu.vector_load %arg6[%get3A_679, %get3A_680] {strides = array<i32>} : memref<192x32xf32, #tpu.memory_space<vmem>>, vector<1x16xf32>,
      %get3A_682 = vector.shape_cast %get3A_681 : vector<1x16xf32> to vector<16xf32>
      %add3A_683 = arith.constant 7 : i32
      %add3A_684 = arith.addi %mul3A_598, %add3A_683 : i32
      %get3A_685 = arith.index_cast %add3A_684 : i32 to index
      %get3A_686 = arith.constant 0 : index
      %get3A_687 = tpu.vector_load %arg6[%get3A_685, %get3A_686] {strides = array<i32>} : memref<192x32xf32, #tpu.memory_space<vmem>>, vector<1x16xf32>,
      %get3A_688 = vector.shape_cast %get3A_687 : vector<1x16xf32> to vector<16xf32>
      %add3A_689 = arith.constant 7 : i32
      %add3A_690 = arith.addi %mul3A_598, %add3A_689 : i32
      %get3A_691 = arith.index_cast %add3A_690 : i32 to index
      %get3A_692 = arith.constant 16 : index
      %get3A_693 = tpu.vector_load %arg6[%get3A_691, %get3A_692] {strides = array<i32>} : memref<192x32xf32, #tpu.memory_space<vmem>>, vector<1x16xf32>,
      %get3A_694 = vector.shape_cast %get3A_693 : vector<1x16xf32> to vector<16xf32>
      %get3A_695 = arith.constant 0 : i32
      %get3A_696 = arith.index_cast %get3A_695 : i32 to index
      %get3A_697 = arith.constant 0 : index
      %get3A_698 = tpu.vector_load %arg7[%get3A_696, %get3A_697] {strides = array<i32>} : memref<32x32xf32, #tpu.memory_space<vmem>>, vector<1x16xf32>,
      %get3A_699 = vector.shape_cast %get3A_698 : vector<1x16xf32> to vector<16xf32>
      %get3A_700 = arith.constant 0 : i32
      %get3A_701 = arith.index_cast %get3A_700 : i32 to index
      %get3A_702 = arith.constant 16 : index
      %get3A_703 = tpu.vector_load %arg7[%get3A_701, %get3A_702] {strides = array<i32>} : memref<32x32xf32, #tpu.memory_space<vmem>>, vector<1x16xf32>,
      %get3A_704 = vector.shape_cast %get3A_703 : vector<1x16xf32> to vector<16xf32>
      %broadcast_in_dim3A_705 = arith.constant 0 : i32
      %broadcast_in_dim3A_706 = vector.broadcast %broadcast_in_dim3A_705 : i32 to vector<16x1xi32>
      %gather3A_707 = vector.shape_cast %broadcast_in_dim3A_706 : vector<16x1xi32> to vector<16xi32>
      %gather3A_708 = tpu.dynamic_gather %get3A_604[%gather3A_707] in [0] : vector<16xf32>, vector<16xi32> -> vector<16xf32>
      %mul3A_709 = arith.mulf %gather3A_708, %get3A_699 : vector<16xf32>
      %add3A_710 = arith.addf %add3A_581, %mul3A_709 : vector<16xf32>
      %mul3A_711 = arith.mulf %gather3A_708, %get3A_704 : vector<16xf32>
      %add3A_712 = arith.addf %add3A_588, %mul3A_711 : vector<16xf32>
      %broadcast_in_dim3A_713 = arith.constant 0 : i32
      %broadcast_in_dim3A_714 = vector.broadcast %broadcast_in_dim3A_713 : i32 to vector<16x1xi32>
      %gather3A_715 = vector.shape_cast %broadcast_in_dim3A_714 : vector<16x1xi32> to vector<16xi32>
      %gather3A_716 = tpu.dynamic_gather %get3A_616[%gather3A_715] in [0] : vector<16xf32>, vector<16xi32> -> vector<16xf32>
      %mul3A_717 = arith.mulf %gather3A_716, %get3A_699 : vector<16xf32>
      %add3A_718 = arith.addf %add3A_581, %mul3A_717 : vector<16xf32>
      %mul3A_719 = arith.mulf %gather3A_716, %get3A_704 : vector<16xf32>
      %add3A_720 = arith.addf %add3A_588, %mul3A_719 : vector<16xf32>
      %broadcast_in_dim3A_721 = arith.constant 0 : i32
      %broadcast_in_dim3A_722 = vector.broadcast %broadcast_in_dim3A_721 : i32 to vector<16x1xi32>
      %gather3A_723 = vector.shape_cast %broadcast_in_dim3A_722 : vector<16x1xi32> to vector<16xi32>
      %gather3A_724 = tpu.dynamic_gather %get3A_628[%gather3A_723] in [0] : vector<16xf32>, vector<16xi32> -> vector<16xf32>
      %mul3A_725 = arith.mulf %gather3A_724, %get3A_699 : vector<16xf32>
      %add3A_726 = arith.addf %add3A_581, %mul3A_725 : vector<16xf32>
      %mul3A_727 = arith.mulf %gather3A_724, %get3A_704 : vector<16xf32>
      %add3A_728 = arith.addf %add3A_588, %mul3A_727 : vector<16xf32>
      %broadcast_in_dim3A_729 = arith.constant 0 : i32
      %broadcast_in_dim3A_730 = vector.broadcast %broadcast_in_dim3A_729 : i32 to vector<16x1xi32>
      %gather3A_731 = vector.shape_cast %broadcast_in_dim3A_730 : vector<16x1xi32> to vector<16xi32>
      %gather3A_732 = tpu.dynamic_gather %get3A_640[%gather3A_731] in [0] : vector<16xf32>, vector<16xi32> -> vector<16xf32>
      %mul3A_733 = arith.mulf %gather3A_732, %get3A_699 : vector<16xf32>
      %add3A_734 = arith.addf %add3A_581, %mul3A_733 : vector<16xf32>
      %mul3A_735 = arith.mulf %gather3A_732, %get3A_704 : vector<16xf32>
      %add3A_736 = arith.addf %add3A_588, %mul3A_735 : vector<16xf32>
      %broadcast_in_dim3A_737 = arith.constant 0 : i32
      %broadcast_in_dim3A_738 = vector.broadcast %broadcast_in_dim3A_737 : i32 to vector<16x1xi32>
      %gather3A_739 = vector.shape_cast %broadcast_in_dim3A_738 : vector<16x1xi32> to vector<16xi32>
      %gather3A_740 = tpu.dynamic_gather %get3A_652[%gather3A_739] in [0] : vector<16xf32>, vector<16xi32> -> vector<16xf32>
      %mul3A_741 = arith.mulf %gather3A_740, %get3A_699 : vector<16xf32>
      %add3A_742 = arith.addf %add3A_581, %mul3A_741 : vector<16xf32>
      %mul3A_743 = arith.mulf %gather3A_740, %get3A_704 : vector<16xf32>
      %add3A_744 = arith.addf %add3A_588, %mul3A_743 : vector<16xf32>
      %broadcast_in_dim3A_745 = arith.constant 0 : i32
      %broadcast_in_dim3A_746 = vector.broadcast %broadcast_in_dim3A_745 : i32 to vector<16x1xi32>
      %gather3A_747 = vector.shape_cast %broadcast_in_dim3A_746 : vector<16x1xi32> to vector<16xi32>
      %gather3A_748 = tpu.dynamic_gather %get3A_664[%gather3A_747] in [0] : vector<16xf32>, vector<16xi32> -> vector<16xf32>
      %mul3A_749 = arith.mulf %gather3A_748, %get3A_699 : vector<16xf32>
      %add3A_750 = arith.addf %add3A_581, %mul3A_749 : vector<16xf32>
      %mul3A_751 = arith.mulf %gather3A_748, %get3A_704 : vector<16xf32>
      %add3A_752 = arith.addf %add3A_588, %mul3A_751 : vector<16xf32>
      %broadcast_in_dim3A_753 = arith.constant 0 : i32
      %broadcast_in_dim3A_754 = vector.broadcast %broadcast_in_dim3A_753 : i32 to vector<16x1xi32>
      %gather3A_755 = vector.shape_cast %broadcast_in_dim3A_754 : vector<16x1xi32> to vector<16xi32>
      %gather3A_756 = tpu.dynamic_gather %get3A_676[%gather3A_755] in [0] : vector<16xf32>, vector<16xi32> -> vector<16xf32>
      %mul3A_757 = arith.mulf %gather3A_756, %get3A_699 : vector<16xf32>
      %add3A_758 = arith.addf %add3A_581, %mul3A_757 : vector<16xf32>
      %mul3A_759 = arith.mulf %gather3A_756, %get3A_704 : vector<16xf32>
      %add3A_760 = arith.addf %add3A_588, %mul3A_759 : vector<16xf32>
      %broadcast_in_dim3A_761 = arith.constant 0 : i32
      %broadcast_in_dim3A_762 = vector.broadcast %broadcast_in_dim3A_761 : i32 to vector<16x1xi32>
      %gather3A_763 = vector.shape_cast %broadcast_in_dim3A_762 : vector<16x1xi32> to vector<16xi32>
      %gather3A_764 = tpu.dynamic_gather %get3A_688[%gather3A_763] in [0] : vector<16xf32>, vector<16xi32> -> vector<16xf32>
      %mul3A_765 = arith.mulf %gather3A_764, %get3A_699 : vector<16xf32>
      %add3A_766 = arith.addf %add3A_581, %mul3A_765 : vector<16xf32>
      %mul3A_767 = arith.mulf %gather3A_764, %get3A_704 : vector<16xf32>
      %add3A_768 = arith.addf %add3A_588, %mul3A_767 : vector<16xf32>
      %get3A_769 = arith.constant 1 : i32
      %get3A_770 = arith.index_cast %get3A_769 : i32 to index
      %get3A_771 = arith.constant 0 : index
      %get3A_772 = tpu.vector_load %arg7[%get3A_770, %get3A_771] {strides = array<i32>} : memref<32x32xf32, #tpu.memory_space<vmem>>, vector<1x16xf32>,
      %get3A_773 = vector.shape_cast %get3A_772 : vector<1x16xf32> to vector<16xf32>
      %get3A_774 = arith.constant 1 : i32
      %get3A_775 = arith.index_cast %get3A_774 : i32 to index
      %get3A_776 = arith.constant 16 : index
      %get3A_777 = tpu.vector_load %arg7[%get3A_775, %get3A_776] {strides = array<i32>} : memref<32x32xf32, #tpu.memory_space<vmem>>, vector<1x16xf32>,
      %get3A_778 = vector.shape_cast %get3A_777 : vector<1x16xf32> to vector<16xf32>
      %broadcast_in_dim3A_779 = arith.constant 1 : i32
      %broadcast_in_dim3A_780 = vector.broadcast %broadcast_in_dim3A_779 : i32 to vector<16x1xi32>
      %gather3A_781 = vector.shape_cast %broadcast_in_dim3A_780 : vector<16x1xi32> to vector<16xi32>
      %gather3A_782 = tpu.dynamic_gather %get3A_604[%gather3A_781] in [0] : vector<16xf32>, vector<16xi32> -> vector<16xf32>
      %mul3A_783 = arith.mulf %gather3A_782, %get3A_773 : vector<16xf32>
      %add3A_784 = arith.addf %add3A_710, %mul3A_783 : vector<16xf32>
      %mul3A_785 = arith.mulf %gather3A_782, %get3A_778 : vector<16xf32>
      %add3A_786 = arith.addf %add3A_712, %mul3A_785 : vector<16xf32>
      %broadcast_in_dim3A_787 = arith.constant 1 : i32
      %broadcast_in_dim3A_788 = vector.broadcast %broadcast_in_dim3A_787 : i32 to vector<16x1xi32>
      %gather3A_789 = vector.shape_cast %broadcast_in_dim3A_788 : vector<16x1xi32> to vector<16xi32>
      %gather3A_790 = tpu.dynamic_gather %get3A_616[%gather3A_789] in [0] : vector<16xf32>, vector<16xi32> -> vector<16xf32>
      %mul3A_791 = arith.mulf %gather3A_790, %get3A_773 : vector<16xf32>
      %add3A_792 = arith.addf %add3A_718, %mul3A_791 : vector<16xf32>
      %mul3A_793 = arith.mulf %gather3A_790, %get3A_778 : vector<16xf32>
      %add3A_794 = arith.addf %add3A_720, %mul3A_793 : vector<16xf32>
      %broadcast_in_dim3A_795 = arith.constant 1 : i32
      %broadcast_in_dim3A_796 = vector.broadcast %broadcast_in_dim3A_795 : i32 to vector<16x1xi32>
      %gather3A_797 = vector.shape_cast %broadcast_in_dim3A_796 : vector<16x1xi32> to vector<16xi32>
      %gather3A_798 = tpu.dynamic_gather %get3A_628[%gather3A_797] in [0] : vector<16xf32>, vector<16xi32> -> vector<16xf32>
      %mul3A_799 = arith.mulf %gather3A_798, %get3A_773 : vector<16xf32>
      %add3A_800 = arith.addf %add3A_726, %mul3A_799 : vector<16xf32>
      %mul3A_801 = arith.mulf %gather3A_798, %get3A_778 : vector<16xf32>
      %add3A_802 = arith.addf %add3A_728, %mul3A_801 : vector<16xf32>
      %broadcast_in_dim3A_803 = arith.constant 1 : i32
      %broadcast_in_dim3A_804 = vector.broadcast %broadcast_in_dim3A_803 : i32 to vector<16x1xi32>
      %gather3A_805 = vector.shape_cast %broadcast_in_dim3A_804 : vector<16x1xi32> to vector<16xi32>
      %gather3A_806 = tpu.dynamic_gather %get3A_640[%gather3A_805] in [0] : vector<16xf32>, vector<16xi32> -> vector<16xf32>
      %mul3A_807 = arith.mulf %gather3A_806, %get3A_773 : vector<16xf32>
      %add3A_808 = arith.addf %add3A_734, %mul3A_807 : vector<16xf32>
      %mul3A_809 = arith.mulf %gather3A_806, %get3A_778 : vector<16xf32>
      %add3A_810 = arith.addf %add3A_736, %mul3A_809 : vector<16xf32>
      %broadcast_in_dim3A_811 = arith.constant 1 : i32
      %broadcast_in_dim3A_812 = vector.broadcast %broadcast_in_dim3A_811 : i32 to vector<16x1xi32>
      %gather3A_813 = vector.shape_cast %broadcast_in_dim3A_812 : vector<16x1xi32> to vector<16xi32>
      %gather3A_814 = tpu.dynamic_gather %get3A_652[%gather3A_813] in [0] : vector<16xf32>, vector<16xi32> -> vector<16xf32>
      %mul3A_815 = arith.mulf %gather3A_814, %get3A_773 : vector<16xf32>
      %add3A_816 = arith.addf %add3A_742, %mul3A_815 : vector<16xf32>
      %mul3A_817 = arith.mulf %gather3A_814, %get3A_778 : vector<16xf32>
      %add3A_818 = arith.addf %add3A_744, %mul3A_817 : vector<16xf32>
      %broadcast_in_dim3A_819 = arith.constant 1 : i32
      %broadcast_in_dim3A_820 = vector.broadcast %broadcast_in_dim3A_819 : i32 to vector<16x1xi32>
      %gather3A_821 = vector.shape_cast %broadcast_in_dim3A_820 : vector<16x1xi32> to vector<16xi32>
      %gather3A_822 = tpu.dynamic_gather %get3A_664[%gather3A_821] in [0] : vector<16xf32>, vector<16xi32> -> vector<16xf32>
      %mul3A_823 = arith.mulf %gather3A_822, %get3A_773 : vector<16xf32>
      %add3A_824 = arith.addf %add3A_750, %mul3A_823 : vector<16xf32>
      %mul3A_825 = arith.mulf %gather3A_822, %get3A_778 : vector<16xf32>
      %add3A_826 = arith.addf %add3A_752, %mul3A_825 : vector<16xf32>
      %broadcast_in_dim3A_827 = arith.constant 1 : i32
      %broadcast_in_dim3A_828 = vector.broadcast %broadcast_in_dim3A_827 : i32 to vector<16x1xi32>
      %gather3A_829 = vector.shape_cast %broadcast_in_dim3A_828 : vector<16x1xi32> to vector<16xi32>
      %gather3A_830 = tpu.dynamic_gather %get3A_676[%gather3A_829] in [0] : vector<16xf32>, vector<16xi32> -> vector<16xf32>
      %mul3A_831 = arith.mulf %gather3A_830, %get3A_773 : vector<16xf32>
      %add3A_832 = arith.addf %add3A_758, %mul3A_831 : vector<16xf32>
      %mul3A_833 = arith.mulf %gather3A_830, %get3A_778 : vector<16xf32>
      %add3A_834 = arith.addf %add3A_760, %mul3A_833 : vector<16xf32>
      %broadcast_in_dim3A_835 = arith.constant 1 : i32
      %broadcast_in_dim3A_836 = vector.broadcast %broadcast_in_dim3A_835 : i32 to vector<16x1xi32>
      %gather3A_837 = vector.shape_cast %broadcast_in_dim3A_836 : vector<16x1xi32> to vector<16xi32>
      %gather3A_838 = tpu.dynamic_gather %get3A_688[%gather3A_837] in [0] : vector<16xf32>, vector<16xi32> -> vector<16xf32>
      %mul3A_839 = arith.mulf %gather3A_838, %get3A_773 : vector<16xf32>
      %add3A_840 = arith.addf %add3A_766, %mul3A_839 : vector<16xf32>
      %mul3A_841 = arith.mulf %gather3A_838, %get3A_778 : vector<16xf32>
      %add3A_842 = arith.addf %add3A_768, %mul3A_841 : vector<16xf32>
      %get3A_843 = arith.constant 2 : i32
      %get3A_844 = arith.index_cast %get3A_843 : i32 to index
      %get3A_845 = arith.constant 0 : index
      %get3A_846 = tpu.vector_load %arg7[%get3A_844, %get3A_845] {strides = array<i32>} : memref<32x32xf32, #tpu.memory_space<vmem>>, vector<1x16xf32>,
      %get3A_847 = vector.shape_cast %get3A_846 : vector<1x16xf32> to vector<16xf32>
      %get3A_848 = arith.constant 2 : i32
      %get3A_849 = arith.index_cast %get3A_848 : i32 to index
      %get3A_850 = arith.constant 16 : index
      %get3A_851 = tpu.vector_load %arg7[%get3A_849, %get3A_850] {strides = array<i32>} : memref<32x32xf32, #tpu.memory_space<vmem>>, vector<1x16xf32>,
      %get3A_852 = vector.shape_cast %get3A_851 : vector<1x16xf32> to vector<16xf32>
      %broadcast_in_dim3A_853 = arith.constant 2 : i32
      %broadcast_in_dim3A_854 = vector.broadcast %broadcast_in_dim3A_853 : i32 to vector<16x1xi32>
      %gather3A_855 = vector.shape_cast %broadcast_in_dim3A_854 : vector<16x1xi32> to vector<16xi32>
      %gather3A_856 = tpu.dynamic_gather %get3A_604[%gather3A_855] in [0] : vector<16xf32>, vector<16xi32> -> vector<16xf32>
      %mul3A_857 = arith.mulf %gather3A_856, %get3A_847 : vector<16xf32>
      %add3A_858 = arith.addf %add3A_784, %mul3A_857 : vector<16xf32>
      %mul3A_859 = arith.mulf %gather3A_856, %get3A_852 : vector<16xf32>
      %add3A_860 = arith.addf %add3A_786, %mul3A_859 : vector<16xf32>
      %broadcast_in_dim3A_861 = arith.constant 2 : i32
      %broadcast_in_dim3A_862 = vector.broadcast %broadcast_in_dim3A_861 : i32 to vector<16x1xi32>
      %gather3A_863 = vector.shape_cast %broadcast_in_dim3A_862 : vector<16x1xi32> to vector<16xi32>
      %gather3A_864 = tpu.dynamic_gather %get3A_616[%gather3A_863] in [0] : vector<16xf32>, vector<16xi32> -> vector<16xf32>
      %mul3A_865 = arith.mulf %gather3A_864, %get3A_847 : vector<16xf32>
      %add3A_866 = arith.addf %add3A_792, %mul3A_865 : vector<16xf32>
      %mul3A_867 = arith.mulf %gather3A_864, %get3A_852 : vector<16xf32>
      %add3A_868 = arith.addf %add3A_794, %mul3A_867 : vector<16xf32>
      %broadcast_in_dim3A_869 = arith.constant 2 : i32
      %broadcast_in_dim3A_870 = vector.broadcast %broadcast_in_dim3A_869 : i32 to vector<16x1xi32>
      %gather3A_871 = vector.shape_cast %broadcast_in_dim3A_870 : vector<16x1xi32> to vector<16xi32>
      %gather3A_872 = tpu.dynamic_gather %get3A_628[%gather3A_871] in [0] : vector<16xf32>, vector<16xi32> -> vector<16xf32>
      %mul3A_873 = arith.mulf %gather3A_872, %get3A_847 : vector<16xf32>
      %add3A_874 = arith.addf %add3A_800, %mul3A_873 : vector<16xf32>
      %mul3A_875 = arith.mulf %gather3A_872, %get3A_852 : vector<16xf32>
      %add3A_876 = arith.addf %add3A_802, %mul3A_875 : vector<16xf32>
      %broadcast_in_dim3A_877 = arith.constant 2 : i32
      %broadcast_in_dim3A_878 = vector.broadcast %broadcast_in_dim3A_877 : i32 to vector<16x1xi32>
      %gather3A_879 = vector.shape_cast %broadcast_in_dim3A_878 : vector<16x1xi32> to vector<16xi32>
      %gather3A_880 = tpu.dynamic_gather %get3A_640[%gather3A_879] in [0] : vector<16xf32>, vector<16xi32> -> vector<16xf32>
      %mul3A_881 = arith.mulf %gather3A_880, %get3A_847 : vector<16xf32>
      %add3A_882 = arith.addf %add3A_808, %mul3A_881 : vector<16xf32>
      %mul3A_883 = arith.mulf %gather3A_880, %get3A_852 : vector<16xf32>
      %add3A_884 = arith.addf %add3A_810, %mul3A_883 : vector<16xf32>
      %broadcast_in_dim3A_885 = arith.constant 2 : i32
      %broadcast_in_dim3A_886 = vector.broadcast %broadcast_in_dim3A_885 : i32 to vector<16x1xi32>
      %gather3A_887 = vector.shape_cast %broadcast_in_dim3A_886 : vector<16x1xi32> to vector<16xi32>
      %gather3A_888 = tpu.dynamic_gather %get3A_652[%gather3A_887] in [0] : vector<16xf32>, vector<16xi32> -> vector<16xf32>
      %mul3A_889 = arith.mulf %gather3A_888, %get3A_847 : vector<16xf32>
      %add3A_890 = arith.addf %add3A_816, %mul3A_889 : vector<16xf32>
      %mul3A_891 = arith.mulf %gather3A_888, %get3A_852 : vector<16xf32>
      %add3A_892 = arith.addf %add3A_818, %mul3A_891 : vector<16xf32>
      %broadcast_in_dim3A_893 = arith.constant 2 : i32
      %broadcast_in_dim3A_894 = vector.broadcast %broadcast_in_dim3A_893 : i32 to vector<16x1xi32>
      %gather3A_895 = vector.shape_cast %broadcast_in_dim3A_894 : vector<16x1xi32> to vector<16xi32>
      %gather3A_896 = tpu.dynamic_gather %get3A_664[%gather3A_895] in [0] : vector<16xf32>, vector<16xi32> -> vector<16xf32>
      %mul3A_897 = arith.mulf %gather3A_896, %get3A_847 : vector<16xf32>
      %add3A_898 = arith.addf %add3A_824, %mul3A_897 : vector<16xf32>
      %mul3A_899 = arith.mulf %gather3A_896, %get3A_852 : vector<16xf32>
      %add3A_900 = arith.addf %add3A_826, %mul3A_899 : vector<16xf32>
      %broadcast_in_dim3A_901 = arith.constant 2 : i32
      %broadcast_in_dim3A_902 = vector.broadcast %broadcast_in_dim3A_901 : i32 to vector<16x1xi32>
      %gather3A_903 = vector.shape_cast %broadcast_in_dim3A_902 : vector<16x1xi32> to vector<16xi32>
      %gather3A_904 = tpu.dynamic_gather %get3A_676[%gather3A_903] in [0] : vector<16xf32>, vector<16xi32> -> vector<16xf32>
      %mul3A_905 = arith.mulf %gather3A_904, %get3A_847 : vector<16xf32>
      %add3A_906 = arith.addf %add3A_832, %mul3A_905 : vector<16xf32>
      %mul3A_907 = arith.mulf %gather3A_904, %get3A_852 : vector<16xf32>
      %add3A_908 = arith.addf %add3A_834, %mul3A_907 : vector<16xf32>
      %broadcast_in_dim3A_909 = arith.constant 2 : i32
      %broadcast_in_dim3A_910 = vector.broadcast %broadcast_in_dim3A_909 : i32 to vector<16x1xi32>
      %gather3A_911 = vector.shape_cast %broadcast_in_dim3A_910 : vector<16x1xi32> to vector<16xi32>
      %gather3A_912 = tpu.dynamic_gather %get3A_688[%gather3A_911] in [0] : vector<16xf32>, vector<16xi32> -> vector<16xf32>
      %mul3A_913 = arith.mulf %gather3A_912, %get3A_847 : vector<16xf32>
      %add3A_914 = arith.addf %add3A_840, %mul3A_913 : vector<16xf32>
      %mul3A_915 = arith.mulf %gather3A_912, %get3A_852 : vector<16xf32>
      %add3A_916 = arith.addf %add3A_842, %mul3A_915 : vector<16xf32>
      %get3A_917 = arith.constant 3 : i32
      %get3A_918 = arith.index_cast %get3A_917 : i32 to index
      %get3A_919 = arith.constant 0 : index
      %get3A_920 = tpu.vector_load %arg7[%get3A_918, %get3A_919] {strides = array<i32>} : memref<32x32xf32, #tpu.memory_space<vmem>>, vector<1x16xf32>,
      %get3A_921 = vector.shape_cast %get3A_920 : vector<1x16xf32> to vector<16xf32>
      %get3A_922 = arith.constant 3 : i32
      %get3A_923 = arith.index_cast %get3A_922 : i32 to index
      %get3A_924 = arith.constant 16 : index
      %get3A_925 = tpu.vector_load %arg7[%get3A_923, %get3A_924] {strides = array<i32>} : memref<32x32xf32, #tpu.memory_space<vmem>>, vector<1x16xf32>,
      %get3A_926 = vector.shape_cast %get3A_925 : vector<1x16xf32> to vector<16xf32>
      %broadcast_in_dim3A_927 = arith.constant 3 : i32
      %broadcast_in_dim3A_928 = vector.broadcast %broadcast_in_dim3A_927 : i32 to vector<16x1xi32>
      %gather3A_929 = vector.shape_cast %broadcast_in_dim3A_928 : vector<16x1xi32> to vector<16xi32>
      %gather3A_930 = tpu.dynamic_gather %get3A_604[%gather3A_929] in [0] : vector<16xf32>, vector<16xi32> -> vector<16xf32>
      %mul3A_931 = arith.mulf %gather3A_930, %get3A_921 : vector<16xf32>
      %add3A_932 = arith.addf %add3A_858, %mul3A_931 : vector<16xf32>
      %mul3A_933 = arith.mulf %gather3A_930, %get3A_926 : vector<16xf32>
      %add3A_934 = arith.addf %add3A_860, %mul3A_933 : vector<16xf32>
      %broadcast_in_dim3A_935 = arith.constant 3 : i32
      %broadcast_in_dim3A_936 = vector.broadcast %broadcast_in_dim3A_935 : i32 to vector<16x1xi32>
      %gather3A_937 = vector.shape_cast %broadcast_in_dim3A_936 : vector<16x1xi32> to vector<16xi32>
      %gather3A_938 = tpu.dynamic_gather %get3A_616[%gather3A_937] in [0] : vector<16xf32>, vector<16xi32> -> vector<16xf32>
      %mul3A_939 = arith.mulf %gather3A_938, %get3A_921 : vector<16xf32>
      %add3A_940 = arith.addf %add3A_866, %mul3A_939 : vector<16xf32>
      %mul3A_941 = arith.mulf %gather3A_938, %get3A_926 : vector<16xf32>
      %add3A_942 = arith.addf %add3A_868, %mul3A_941 : vector<16xf32>
      %broadcast_in_dim3A_943 = arith.constant 3 : i32
      %broadcast_in_dim3A_944 = vector.broadcast %broadcast_in_dim3A_943 : i32 to vector<16x1xi32>
      %gather3A_945 = vector.shape_cast %broadcast_in_dim3A_944 : vector<16x1xi32> to vector<16xi32>
      %gather3A_946 = tpu.dynamic_gather %get3A_628[%gather3A_945] in [0] : vector<16xf32>, vector<16xi32> -> vector<16xf32>
      %mul3A_947 = arith.mulf %gather3A_946, %get3A_921 : vector<16xf32>
      %add3A_948 = arith.addf %add3A_874, %mul3A_947 : vector<16xf32>
      %mul3A_949 = arith.mulf %gather3A_946, %get3A_926 : vector<16xf32>
      %add3A_950 = arith.addf %add3A_876, %mul3A_949 : vector<16xf32>
      %broadcast_in_dim3A_951 = arith.constant 3 : i32
      %broadcast_in_dim3A_952 = vector.broadcast %broadcast_in_dim3A_951 : i32 to vector<16x1xi32>
      %gather3A_953 = vector.shape_cast %broadcast_in_dim3A_952 : vector<16x1xi32> to vector<16xi32>
      %gather3A_954 = tpu.dynamic_gather %get3A_640[%gather3A_953] in [0] : vector<16xf32>, vector<16xi32> -> vector<16xf32>
      %mul3A_955 = arith.mulf %gather3A_954, %get3A_921 : vector<16xf32>
      %add3A_956 = arith.addf %add3A_882, %mul3A_955 : vector<16xf32>
      %mul3A_957 = arith.mulf %gather3A_954, %get3A_926 : vector<16xf32>
      %add3A_958 = arith.addf %add3A_884, %mul3A_957 : vector<16xf32>
      %broadcast_in_dim3A_959 = arith.constant 3 : i32
      %broadcast_in_dim3A_960 = vector.broadcast %broadcast_in_dim3A_959 : i32 to vector<16x1xi32>
      %gather3A_961 = vector.shape_cast %broadcast_in_dim3A_960 : vector<16x1xi32> to vector<16xi32>
      %gather3A_962 = tpu.dynamic_gather %get3A_652[%gather3A_961] in [0] : vector<16xf32>, vector<16xi32> -> vector<16xf32>
      %mul3A_963 = arith.mulf %gather3A_962, %get3A_921 : vector<16xf32>
      %add3A_964 = arith.addf %add3A_890, %mul3A_963 : vector<16xf32>
      %mul3A_965 = arith.mulf %gather3A_962, %get3A_926 : vector<16xf32>
      %add3A_966 = arith.addf %add3A_892, %mul3A_965 : vector<16xf32>
      %broadcast_in_dim3A_967 = arith.constant 3 : i32
      %broadcast_in_dim3A_968 = vector.broadcast %broadcast_in_dim3A_967 : i32 to vector<16x1xi32>
      %gather3A_969 = vector.shape_cast %broadcast_in_dim3A_968 : vector<16x1xi32> to vector<16xi32>
      %gather3A_970 = tpu.dynamic_gather %get3A_664[%gather3A_969] in [0] : vector<16xf32>, vector<16xi32> -> vector<16xf32>
      %mul3A_971 = arith.mulf %gather3A_970, %get3A_921 : vector<16xf32>
      %add3A_972 = arith.addf %add3A_898, %mul3A_971 : vector<16xf32>
      %mul3A_973 = arith.mulf %gather3A_970, %get3A_926 : vector<16xf32>
      %add3A_974 = arith.addf %add3A_900, %mul3A_973 : vector<16xf32>
      %broadcast_in_dim3A_975 = arith.constant 3 : i32
      %broadcast_in_dim3A_976 = vector.broadcast %broadcast_in_dim3A_975 : i32 to vector<16x1xi32>
      %gather3A_977 = vector.shape_cast %broadcast_in_dim3A_976 : vector<16x1xi32> to vector<16xi32>
      %gather3A_978 = tpu.dynamic_gather %get3A_676[%gather3A_977] in [0] : vector<16xf32>, vector<16xi32> -> vector<16xf32>
      %mul3A_979 = arith.mulf %gather3A_978, %get3A_921 : vector<16xf32>
      %add3A_980 = arith.addf %add3A_906, %mul3A_979 : vector<16xf32>
      %mul3A_981 = arith.mulf %gather3A_978, %get3A_926 : vector<16xf32>
      %add3A_982 = arith.addf %add3A_908, %mul3A_981 : vector<16xf32>
      %broadcast_in_dim3A_983 = arith.constant 3 : i32
      %broadcast_in_dim3A_984 = vector.broadcast %broadcast_in_dim3A_983 : i32 to vector<16x1xi32>
      %gather3A_985 = vector.shape_cast %broadcast_in_dim3A_984 : vector<16x1xi32> to vector<16xi32>
      %gather3A_986 = tpu.dynamic_gather %get3A_688[%gather3A_985] in [0] : vector<16xf32>, vector<16xi32> -> vector<16xf32>
      %mul3A_987 = arith.mulf %gather3A_986, %get3A_921 : vector<16xf32>
      %add3A_988 = arith.addf %add3A_914, %mul3A_987 : vector<16xf32>
      %mul3A_989 = arith.mulf %gather3A_986, %get3A_926 : vector<16xf32>
      %add3A_990 = arith.addf %add3A_916, %mul3A_989 : vector<16xf32>
      %get3A_991 = arith.constant 4 : i32
      %get3A_992 = arith.index_cast %get3A_991 : i32 to index
      %get3A_993 = arith.constant 0 : index
      %get3A_994 = tpu.vector_load %arg7[%get3A_992, %get3A_993] {strides = array<i32>} : memref<32x32xf32, #tpu.memory_space<vmem>>, vector<1x16xf32>,
      %get3A_995 = vector.shape_cast %get3A_994 : vector<1x16xf32> to vector<16xf32>
      %get3A_996 = arith.constant 4 : i32
      %get3A_997 = arith.index_cast %get3A_996 : i32 to index
      %get3A_998 = arith.constant 16 : index
      %get3A_999 = tpu.vector_load %arg7[%get3A_997, %get3A_998] {strides = array<i32>} : memref<32x32xf32, #tpu.memory_space<vmem>>, vector<1x16xf32>,
      %get3A_1000 = vector.shape_cast %get3A_999 : vector<1x16xf32> to vector<16xf32>
      %broadcast_in_dim3A_1001 = arith.constant 4 : i32
      %broadcast_in_dim3A_1002 = vector.broadcast %broadcast_in_dim3A_1001 : i32 to vector<16x1xi32>
      %gather3A_1003 = vector.shape_cast %broadcast_in_dim3A_1002 : vector<16x1xi32> to vector<16xi32>
      %gather3A_1004 = tpu.dynamic_gather %get3A_604[%gather3A_1003] in [0] : vector<16xf32>, vector<16xi32> -> vector<16xf32>
      %mul3A_1005 = arith.mulf %gather3A_1004, %get3A_995 : vector<16xf32>
      %add3A_1006 = arith.addf %add3A_932, %mul3A_1005 : vector<16xf32>
      %mul3A_1007 = arith.mulf %gather3A_1004, %get3A_1000 : vector<16xf32>
      %add3A_1008 = arith.addf %add3A_934, %mul3A_1007 : vector<16xf32>
      %broadcast_in_dim3A_1009 = arith.constant 4 : i32
      %broadcast_in_dim3A_1010 = vector.broadcast %broadcast_in_dim3A_1009 : i32 to vector<16x1xi32>
      %gather3A_1011 = vector.shape_cast %broadcast_in_dim3A_1010 : vector<16x1xi32> to vector<16xi32>
      %gather3A_1012 = tpu.dynamic_gather %get3A_616[%gather3A_1011] in [0] : vector<16xf32>, vector<16xi32> -> vector<16xf32>
      %mul3A_1013 = arith.mulf %gather3A_1012, %get3A_995 : vector<16xf32>
      %add3A_1014 = arith.addf %add3A_940, %mul3A_1013 : vector<16xf32>
      %mul3A_1015 = arith.mulf %gather3A_1012, %get3A_1000 : vector<16xf32>
      %add3A_1016 = arith.addf %add3A_942, %mul3A_1015 : vector<16xf32>
      %broadcast_in_dim3A_1017 = arith.constant 4 : i32
      %broadcast_in_dim3A_1018 = vector.broadcast %broadcast_in_dim3A_1017 : i32 to vector<16x1xi32>
      %gather3A_1019 = vector.shape_cast %broadcast_in_dim3A_1018 : vector<16x1xi32> to vector<16xi32>
      %gather3A_1020 = tpu.dynamic_gather %get3A_628[%gather3A_1019] in [0] : vector<16xf32>, vector<16xi32> -> vector<16xf32>
      %mul3A_1021 = arith.mulf %gather3A_1020, %get3A_995 : vector<16xf32>
      %add3A_1022 = arith.addf %add3A_948, %mul3A_1021 : vector<16xf32>
      %mul3A_1023 = arith.mulf %gather3A_1020, %get3A_1000 : vector<16xf32>
      %add3A_1024 = arith.addf %add3A_950, %mul3A_1023 : vector<16xf32>
      %broadcast_in_dim3A_1025 = arith.constant 4 : i32
      %broadcast_in_dim3A_1026 = vector.broadcast %broadcast_in_dim3A_1025 : i32 to vector<16x1xi32>
      %gather3A_1027 = vector.shape_cast %broadcast_in_dim3A_1026 : vector<16x1xi32> to vector<16xi32>
      %gather3A_1028 = tpu.dynamic_gather %get3A_640[%gather3A_1027] in [0] : vector<16xf32>, vector<16xi32> -> vector<16xf32>
      %mul3A_1029 = arith.mulf %gather3A_1028, %get3A_995 : vector<16xf32>
      %add3A_1030 = arith.addf %add3A_956, %mul3A_1029 : vector<16xf32>
      %mul3A_1031 = arith.mulf %gather3A_1028, %get3A_1000 : vector<16xf32>
      %add3A_1032 = arith.addf %add3A_958, %mul3A_1031 : vector<16xf32>
      %broadcast_in_dim3A_1033 = arith.constant 4 : i32
      %broadcast_in_dim3A_1034 = vector.broadcast %broadcast_in_dim3A_1033 : i32 to vector<16x1xi32>
      %gather3A_1035 = vector.shape_cast %broadcast_in_dim3A_1034 : vector<16x1xi32> to vector<16xi32>
      %gather3A_1036 = tpu.dynamic_gather %get3A_652[%gather3A_1035] in [0] : vector<16xf32>, vector<16xi32> -> vector<16xf32>
      %mul3A_1037 = arith.mulf %gather3A_1036, %get3A_995 : vector<16xf32>
      %add3A_1038 = arith.addf %add3A_964, %mul3A_1037 : vector<16xf32>
      %mul3A_1039 = arith.mulf %gather3A_1036, %get3A_1000 : vector<16xf32>
      %add3A_1040 = arith.addf %add3A_966, %mul3A_1039 : vector<16xf32>
      %broadcast_in_dim3A_1041 = arith.constant 4 : i32
      %broadcast_in_dim3A_1042 = vector.broadcast %broadcast_in_dim3A_1041 : i32 to vector<16x1xi32>
      %gather3A_1043 = vector.shape_cast %broadcast_in_dim3A_1042 : vector<16x1xi32> to vector<16xi32>
      %gather3A_1044 = tpu.dynamic_gather %get3A_664[%gather3A_1043] in [0] : vector<16xf32>, vector<16xi32> -> vector<16xf32>
      %mul3A_1045 = arith.mulf %gather3A_1044, %get3A_995 : vector<16xf32>
      %add3A_1046 = arith.addf %add3A_972, %mul3A_1045 : vector<16xf32>
      %mul3A_1047 = arith.mulf %gather3A_1044, %get3A_1000 : vector<16xf32>
      %add3A_1048 = arith.addf %add3A_974, %mul3A_1047 : vector<16xf32>
      %broadcast_in_dim3A_1049 = arith.constant 4 : i32
      %broadcast_in_dim3A_1050 = vector.broadcast %broadcast_in_dim3A_1049 : i32 to vector<16x1xi32>
      %gather3A_1051 = vector.shape_cast %broadcast_in_dim3A_1050 : vector<16x1xi32> to vector<16xi32>
      %gather3A_1052 = tpu.dynamic_gather %get3A_676[%gather3A_1051] in [0] : vector<16xf32>, vector<16xi32> -> vector<16xf32>
      %mul3A_1053 = arith.mulf %gather3A_1052, %get3A_995 : vector<16xf32>
      %add3A_1054 = arith.addf %add3A_980, %mul3A_1053 : vector<16xf32>
      %mul3A_1055 = arith.mulf %gather3A_1052, %get3A_1000 : vector<16xf32>
      %add3A_1056 = arith.addf %add3A_982, %mul3A_1055 : vector<16xf32>
      %broadcast_in_dim3A_1057 = arith.constant 4 : i32
      %broadcast_in_dim3A_1058 = vector.broadcast %broadcast_in_dim3A_1057 : i32 to vector<16x1xi32>
      %gather3A_1059 = vector.shape_cast %broadcast_in_dim3A_1058 : vector<16x1xi32> to vector<16xi32>
      %gather3A_1060 = tpu.dynamic_gather %get3A_688[%gather3A_1059] in [0] : vector<16xf32>, vector<16xi32> -> vector<16xf32>
      %mul3A_1061 = arith.mulf %gather3A_1060, %get3A_995 : vector<16xf32>
      %add3A_1062 = arith.addf %add3A_988, %mul3A_1061 : vector<16xf32>
      %mul3A_1063 = arith.mulf %gather3A_1060, %get3A_1000 : vector<16xf32>
      %add3A_1064 = arith.addf %add3A_990, %mul3A_1063 : vector<16xf32>
      %get3A_1065 = arith.constant 5 : i32
      %get3A_1066 = arith.index_cast %get3A_1065 : i32 to index
      %get3A_1067 = arith.constant 0 : index
      %get3A_1068 = tpu.vector_load %arg7[%get3A_1066, %get3A_1067] {strides = array<i32>} : memref<32x32xf32, #tpu.memory_space<vmem>>, vector<1x16xf32>,
      %get3A_1069 = vector.shape_cast %get3A_1068 : vector<1x16xf32> to vector<16xf32>
      %get3A_1070 = arith.constant 5 : i32
      %get3A_1071 = arith.index_cast %get3A_1070 : i32 to index
      %get3A_1072 = arith.constant 16 : index
      %get3A_1073 = tpu.vector_load %arg7[%get3A_1071, %get3A_1072] {strides = array<i32>} : memref<32x32xf32, #tpu.memory_space<vmem>>, vector<1x16xf32>,
      %get3A_1074 = vector.shape_cast %get3A_1073 : vector<1x16xf32> to vector<16xf32>
      %broadcast_in_dim3A_1075 = arith.constant 5 : i32
      %broadcast_in_dim3A_1076 = vector.broadcast %broadcast_in_dim3A_1075 : i32 to vector<16x1xi32>
      %gather3A_1077 = vector.shape_cast %broadcast_in_dim3A_1076 : vector<16x1xi32> to vector<16xi32>
      %gather3A_1078 = tpu.dynamic_gather %get3A_604[%gather3A_1077] in [0] : vector<16xf32>, vector<16xi32> -> vector<16xf32>
      %mul3A_1079 = arith.mulf %gather3A_1078, %get3A_1069 : vector<16xf32>
      %add3A_1080 = arith.addf %add3A_1006, %mul3A_1079 : vector<16xf32>
      %mul3A_1081 = arith.mulf %gather3A_1078, %get3A_1074 : vector<16xf32>
      %add3A_1082 = arith.addf %add3A_1008, %mul3A_1081 : vector<16xf32>
      %broadcast_in_dim3A_1083 = arith.constant 5 : i32
      %broadcast_in_dim3A_1084 = vector.broadcast %broadcast_in_dim3A_1083 : i32 to vector<16x1xi32>
      %gather3A_1085 = vector.shape_cast %broadcast_in_dim3A_1084 : vector<16x1xi32> to vector<16xi32>
      %gather3A_1086 = tpu.dynamic_gather %get3A_616[%gather3A_1085] in [0] : vector<16xf32>, vector<16xi32> -> vector<16xf32>
      %mul3A_1087 = arith.mulf %gather3A_1086, %get3A_1069 : vector<16xf32>
      %add3A_1088 = arith.addf %add3A_1014, %mul3A_1087 : vector<16xf32>
      %mul3A_1089 = arith.mulf %gather3A_1086, %get3A_1074 : vector<16xf32>
      %add3A_1090 = arith.addf %add3A_1016, %mul3A_1089 : vector<16xf32>
      %broadcast_in_dim3A_1091 = arith.constant 5 : i32
      %broadcast_in_dim3A_1092 = vector.broadcast %broadcast_in_dim3A_1091 : i32 to vector<16x1xi32>
      %gather3A_1093 = vector.shape_cast %broadcast_in_dim3A_1092 : vector<16x1xi32> to vector<16xi32>
      %gather3A_1094 = tpu.dynamic_gather %get3A_628[%gather3A_1093] in [0] : vector<16xf32>, vector<16xi32> -> vector<16xf32>
      %mul3A_1095 = arith.mulf %gather3A_1094, %get3A_1069 : vector<16xf32>
      %add3A_1096 = arith.addf %add3A_1022, %mul3A_1095 : vector<16xf32>
      %mul3A_1097 = arith.mulf %gather3A_1094, %get3A_1074 : vector<16xf32>
      %add3A_1098 = arith.addf %add3A_1024, %mul3A_1097 : vector<16xf32>
      %broadcast_in_dim3A_1099 = arith.constant 5 : i32
      %broadcast_in_dim3A_1100 = vector.broadcast %broadcast_in_dim3A_1099 : i32 to vector<16x1xi32>
      %gather3A_1101 = vector.shape_cast %broadcast_in_dim3A_1100 : vector<16x1xi32> to vector<16xi32>
      %gather3A_1102 = tpu.dynamic_gather %get3A_640[%gather3A_1101] in [0] : vector<16xf32>, vector<16xi32> -> vector<16xf32>
      %mul3A_1103 = arith.mulf %gather3A_1102, %get3A_1069 : vector<16xf32>
      %add3A_1104 = arith.addf %add3A_1030, %mul3A_1103 : vector<16xf32>
      %mul3A_1105 = arith.mulf %gather3A_1102, %get3A_1074 : vector<16xf32>
      %add3A_1106 = arith.addf %add3A_1032, %mul3A_1105 : vector<16xf32>
      %broadcast_in_dim3A_1107 = arith.constant 5 : i32
      %broadcast_in_dim3A_1108 = vector.broadcast %broadcast_in_dim3A_1107 : i32 to vector<16x1xi32>
      %gather3A_1109 = vector.shape_cast %broadcast_in_dim3A_1108 : vector<16x1xi32> to vector<16xi32>
      %gather3A_1110 = tpu.dynamic_gather %get3A_652[%gather3A_1109] in [0] : vector<16xf32>, vector<16xi32> -> vector<16xf32>
      %mul3A_1111 = arith.mulf %gather3A_1110, %get3A_1069 : vector<16xf32>
      %add3A_1112 = arith.addf %add3A_1038, %mul3A_1111 : vector<16xf32>
      %mul3A_1113 = arith.mulf %gather3A_1110, %get3A_1074 : vector<16xf32>
      %add3A_1114 = arith.addf %add3A_1040, %mul3A_1113 : vector<16xf32>
      %broadcast_in_dim3A_1115 = arith.constant 5 : i32
      %broadcast_in_dim3A_1116 = vector.broadcast %broadcast_in_dim3A_1115 : i32 to vector<16x1xi32>
      %gather3A_1117 = vector.shape_cast %broadcast_in_dim3A_1116 : vector<16x1xi32> to vector<16xi32>
      %gather3A_1118 = tpu.dynamic_gather %get3A_664[%gather3A_1117] in [0] : vector<16xf32>, vector<16xi32> -> vector<16xf32>
      %mul3A_1119 = arith.mulf %gather3A_1118, %get3A_1069 : vector<16xf32>
      %add3A_1120 = arith.addf %add3A_1046, %mul3A_1119 : vector<16xf32>
      %mul3A_1121 = arith.mulf %gather3A_1118, %get3A_1074 : vector<16xf32>
      %add3A_1122 = arith.addf %add3A_1048, %mul3A_1121 : vector<16xf32>
      %broadcast_in_dim3A_1123 = arith.constant 5 : i32
      %broadcast_in_dim3A_1124 = vector.broadcast %broadcast_in_dim3A_1123 : i32 to vector<16x1xi32>
      %gather3A_1125 = vector.shape_cast %broadcast_in_dim3A_1124 : vector<16x1xi32> to vector<16xi32>
      %gather3A_1126 = tpu.dynamic_gather %get3A_676[%gather3A_1125] in [0] : vector<16xf32>, vector<16xi32> -> vector<16xf32>
      %mul3A_1127 = arith.mulf %gather3A_1126, %get3A_1069 : vector<16xf32>
      %add3A_1128 = arith.addf %add3A_1054, %mul3A_1127 : vector<16xf32>
      %mul3A_1129 = arith.mulf %gather3A_1126, %get3A_1074 : vector<16xf32>
      %add3A_1130 = arith.addf %add3A_1056, %mul3A_1129 : vector<16xf32>
      %broadcast_in_dim3A_1131 = arith.constant 5 : i32
      %broadcast_in_dim3A_1132 = vector.broadcast %broadcast_in_dim3A_1131 : i32 to vector<16x1xi32>
      %gather3A_1133 = vector.shape_cast %broadcast_in_dim3A_1132 : vector<16x1xi32> to vector<16xi32>
      %gather3A_1134 = tpu.dynamic_gather %get3A_688[%gather3A_1133] in [0] : vector<16xf32>, vector<16xi32> -> vector<16xf32>
      %mul3A_1135 = arith.mulf %gather3A_1134, %get3A_1069 : vector<16xf32>
      %add3A_1136 = arith.addf %add3A_1062, %mul3A_1135 : vector<16xf32>
      %mul3A_1137 = arith.mulf %gather3A_1134, %get3A_1074 : vector<16xf32>
      %add3A_1138 = arith.addf %add3A_1064, %mul3A_1137 : vector<16xf32>
      %get3A_1139 = arith.constant 6 : i32
      %get3A_1140 = arith.index_cast %get3A_1139 : i32 to index
      %get3A_1141 = arith.constant 0 : index
      %get3A_1142 = tpu.vector_load %arg7[%get3A_1140, %get3A_1141] {strides = array<i32>} : memref<32x32xf32, #tpu.memory_space<vmem>>, vector<1x16xf32>,
      %get3A_1143 = vector.shape_cast %get3A_1142 : vector<1x16xf32> to vector<16xf32>
      %get3A_1144 = arith.constant 6 : i32
      %get3A_1145 = arith.index_cast %get3A_1144 : i32 to index
      %get3A_1146 = arith.constant 16 : index
      %get3A_1147 = tpu.vector_load %arg7[%get3A_1145, %get3A_1146] {strides = array<i32>} : memref<32x32xf32, #tpu.memory_space<vmem>>, vector<1x16xf32>,
      %get3A_1148 = vector.shape_cast %get3A_1147 : vector<1x16xf32> to vector<16xf32>
      %broadcast_in_dim3A_1149 = arith.constant 6 : i32
      %broadcast_in_dim3A_1150 = vector.broadcast %broadcast_in_dim3A_1149 : i32 to vector<16x1xi32>
      %gather3A_1151 = vector.shape_cast %broadcast_in_dim3A_1150 : vector<16x1xi32> to vector<16xi32>
      %gather3A_1152 = tpu.dynamic_gather %get3A_604[%gather3A_1151] in [0] : vector<16xf32>, vector<16xi32> -> vector<16xf32>
      %mul3A_1153 = arith.mulf %gather3A_1152, %get3A_1143 : vector<16xf32>
      %add3A_1154 = arith.addf %add3A_1080, %mul3A_1153 : vector<16xf32>
      %mul3A_1155 = arith.mulf %gather3A_1152, %get3A_1148 : vector<16xf32>
      %add3A_1156 = arith.addf %add3A_1082, %mul3A_1155 : vector<16xf32>
      %broadcast_in_dim3A_1157 = arith.constant 6 : i32
      %broadcast_in_dim3A_1158 = vector.broadcast %broadcast_in_dim3A_1157 : i32 to vector<16x1xi32>
      %gather3A_1159 = vector.shape_cast %broadcast_in_dim3A_1158 : vector<16x1xi32> to vector<16xi32>
      %gather3A_1160 = tpu.dynamic_gather %get3A_616[%gather3A_1159] in [0] : vector<16xf32>, vector<16xi32> -> vector<16xf32>
      %mul3A_1161 = arith.mulf %gather3A_1160, %get3A_1143 : vector<16xf32>
      %add3A_1162 = arith.addf %add3A_1088, %mul3A_1161 : vector<16xf32>
      %mul3A_1163 = arith.mulf %gather3A_1160, %get3A_1148 : vector<16xf32>
      %add3A_1164 = arith.addf %add3A_1090, %mul3A_1163 : vector<16xf32>
      %broadcast_in_dim3A_1165 = arith.constant 6 : i32
      %broadcast_in_dim3A_1166 = vector.broadcast %broadcast_in_dim3A_1165 : i32 to vector<16x1xi32>
      %gather3A_1167 = vector.shape_cast %broadcast_in_dim3A_1166 : vector<16x1xi32> to vector<16xi32>
      %gather3A_1168 = tpu.dynamic_gather %get3A_628[%gather3A_1167] in [0] : vector<16xf32>, vector<16xi32> -> vector<16xf32>
      %mul3A_1169 = arith.mulf %gather3A_1168, %get3A_1143 : vector<16xf32>
      %add3A_1170 = arith.addf %add3A_1096, %mul3A_1169 : vector<16xf32>
      %mul3A_1171 = arith.mulf %gather3A_1168, %get3A_1148 : vector<16xf32>
      %add3A_1172 = arith.addf %add3A_1098, %mul3A_1171 : vector<16xf32>
      %broadcast_in_dim3A_1173 = arith.constant 6 : i32
      %broadcast_in_dim3A_1174 = vector.broadcast %broadcast_in_dim3A_1173 : i32 to vector<16x1xi32>
      %gather3A_1175 = vector.shape_cast %broadcast_in_dim3A_1174 : vector<16x1xi32> to vector<16xi32>
      %gather3A_1176 = tpu.dynamic_gather %get3A_640[%gather3A_1175] in [0] : vector<16xf32>, vector<16xi32> -> vector<16xf32>
      %mul3A_1177 = arith.mulf %gather3A_1176, %get3A_1143 : vector<16xf32>
      %add3A_1178 = arith.addf %add3A_1104, %mul3A_1177 : vector<16xf32>
      %mul3A_1179 = arith.mulf %gather3A_1176, %get3A_1148 : vector<16xf32>
      %add3A_1180 = arith.addf %add3A_1106, %mul3A_1179 : vector<16xf32>
      %broadcast_in_dim3A_1181 = arith.constant 6 : i32
      %broadcast_in_dim3A_1182 = vector.broadcast %broadcast_in_dim3A_1181 : i32 to vector<16x1xi32>
      %gather3A_1183 = vector.shape_cast %broadcast_in_dim3A_1182 : vector<16x1xi32> to vector<16xi32>
      %gather3A_1184 = tpu.dynamic_gather %get3A_652[%gather3A_1183] in [0] : vector<16xf32>, vector<16xi32> -> vector<16xf32>
      %mul3A_1185 = arith.mulf %gather3A_1184, %get3A_1143 : vector<16xf32>
      %add3A_1186 = arith.addf %add3A_1112, %mul3A_1185 : vector<16xf32>
      %mul3A_1187 = arith.mulf %gather3A_1184, %get3A_1148 : vector<16xf32>
      %add3A_1188 = arith.addf %add3A_1114, %mul3A_1187 : vector<16xf32>
      %broadcast_in_dim3A_1189 = arith.constant 6 : i32
      %broadcast_in_dim3A_1190 = vector.broadcast %broadcast_in_dim3A_1189 : i32 to vector<16x1xi32>
      %gather3A_1191 = vector.shape_cast %broadcast_in_dim3A_1190 : vector<16x1xi32> to vector<16xi32>
      %gather3A_1192 = tpu.dynamic_gather %get3A_664[%gather3A_1191] in [0] : vector<16xf32>, vector<16xi32> -> vector<16xf32>
      %mul3A_1193 = arith.mulf %gather3A_1192, %get3A_1143 : vector<16xf32>
      %add3A_1194 = arith.addf %add3A_1120, %mul3A_1193 : vector<16xf32>
      %mul3A_1195 = arith.mulf %gather3A_1192, %get3A_1148 : vector<16xf32>
      %add3A_1196 = arith.addf %add3A_1122, %mul3A_1195 : vector<16xf32>
      %broadcast_in_dim3A_1197 = arith.constant 6 : i32
      %broadcast_in_dim3A_1198 = vector.broadcast %broadcast_in_dim3A_1197 : i32 to vector<16x1xi32>
      %gather3A_1199 = vector.shape_cast %broadcast_in_dim3A_1198 : vector<16x1xi32> to vector<16xi32>
      %gather3A_1200 = tpu.dynamic_gather %get3A_676[%gather3A_1199] in [0] : vector<16xf32>, vector<16xi32> -> vector<16xf32>
      %mul3A_1201 = arith.mulf %gather3A_1200, %get3A_1143 : vector<16xf32>
      %add3A_1202 = arith.addf %add3A_1128, %mul3A_1201 : vector<16xf32>
      %mul3A_1203 = arith.mulf %gather3A_1200, %get3A_1148 : vector<16xf32>
      %add3A_1204 = arith.addf %add3A_1130, %mul3A_1203 : vector<16xf32>
      %broadcast_in_dim3A_1205 = arith.constant 6 : i32
      %broadcast_in_dim3A_1206 = vector.broadcast %broadcast_in_dim3A_1205 : i32 to vector<16x1xi32>
      %gather3A_1207 = vector.shape_cast %broadcast_in_dim3A_1206 : vector<16x1xi32> to vector<16xi32>
      %gather3A_1208 = tpu.dynamic_gather %get3A_688[%gather3A_1207] in [0] : vector<16xf32>, vector<16xi32> -> vector<16xf32>
      %mul3A_1209 = arith.mulf %gather3A_1208, %get3A_1143 : vector<16xf32>
      %add3A_1210 = arith.addf %add3A_1136, %mul3A_1209 : vector<16xf32>
      %mul3A_1211 = arith.mulf %gather3A_1208, %get3A_1148 : vector<16xf32>
      %add3A_1212 = arith.addf %add3A_1138, %mul3A_1211 : vector<16xf32>
      %get3A_1213 = arith.constant 7 : i32
      %get3A_1214 = arith.index_cast %get3A_1213 : i32 to index
      %get3A_1215 = arith.constant 0 : index
      %get3A_1216 = tpu.vector_load %arg7[%get3A_1214, %get3A_1215] {strides = array<i32>} : memref<32x32xf32, #tpu.memory_space<vmem>>, vector<1x16xf32>,
      %get3A_1217 = vector.shape_cast %get3A_1216 : vector<1x16xf32> to vector<16xf32>
      %get3A_1218 = arith.constant 7 : i32
      %get3A_1219 = arith.index_cast %get3A_1218 : i32 to index
      %get3A_1220 = arith.constant 16 : index
      %get3A_1221 = tpu.vector_load %arg7[%get3A_1219, %get3A_1220] {strides = array<i32>} : memref<32x32xf32, #tpu.memory_space<vmem>>, vector<1x16xf32>,
      %get3A_1222 = vector.shape_cast %get3A_1221 : vector<1x16xf32> to vector<16xf32>
      %broadcast_in_dim3A_1223 = arith.constant 7 : i32
      %broadcast_in_dim3A_1224 = vector.broadcast %broadcast_in_dim3A_1223 : i32 to vector<16x1xi32>
      %gather3A_1225 = vector.shape_cast %broadcast_in_dim3A_1224 : vector<16x1xi32> to vector<16xi32>
      %gather3A_1226 = tpu.dynamic_gather %get3A_604[%gather3A_1225] in [0] : vector<16xf32>, vector<16xi32> -> vector<16xf32>
      %mul3A_1227 = arith.mulf %gather3A_1226, %get3A_1217 : vector<16xf32>
      %add3A_1228 = arith.addf %add3A_1154, %mul3A_1227 : vector<16xf32>
      %mul3A_1229 = arith.mulf %gather3A_1226, %get3A_1222 : vector<16xf32>
      %add3A_1230 = arith.addf %add3A_1156, %mul3A_1229 : vector<16xf32>
      %broadcast_in_dim3A_1231 = arith.constant 7 : i32
      %broadcast_in_dim3A_1232 = vector.broadcast %broadcast_in_dim3A_1231 : i32 to vector<16x1xi32>
      %gather3A_1233 = vector.shape_cast %broadcast_in_dim3A_1232 : vector<16x1xi32> to vector<16xi32>
      %gather3A_1234 = tpu.dynamic_gather %get3A_616[%gather3A_1233] in [0] : vector<16xf32>, vector<16xi32> -> vector<16xf32>
      %mul3A_1235 = arith.mulf %gather3A_1234, %get3A_1217 : vector<16xf32>
      %add3A_1236 = arith.addf %add3A_1162, %mul3A_1235 : vector<16xf32>
      %mul3A_1237 = arith.mulf %gather3A_1234, %get3A_1222 : vector<16xf32>
      %add3A_1238 = arith.addf %add3A_1164, %mul3A_1237 : vector<16xf32>
      %broadcast_in_dim3A_1239 = arith.constant 7 : i32
      %broadcast_in_dim3A_1240 = vector.broadcast %broadcast_in_dim3A_1239 : i32 to vector<16x1xi32>
      %gather3A_1241 = vector.shape_cast %broadcast_in_dim3A_1240 : vector<16x1xi32> to vector<16xi32>
      %gather3A_1242 = tpu.dynamic_gather %get3A_628[%gather3A_1241] in [0] : vector<16xf32>, vector<16xi32> -> vector<16xf32>
      %mul3A_1243 = arith.mulf %gather3A_1242, %get3A_1217 : vector<16xf32>
      %add3A_1244 = arith.addf %add3A_1170, %mul3A_1243 : vector<16xf32>
      %mul3A_1245 = arith.mulf %gather3A_1242, %get3A_1222 : vector<16xf32>
      %add3A_1246 = arith.addf %add3A_1172, %mul3A_1245 : vector<16xf32>
      %broadcast_in_dim3A_1247 = arith.constant 7 : i32
      %broadcast_in_dim3A_1248 = vector.broadcast %broadcast_in_dim3A_1247 : i32 to vector<16x1xi32>
      %gather3A_1249 = vector.shape_cast %broadcast_in_dim3A_1248 : vector<16x1xi32> to vector<16xi32>
      %gather3A_1250 = tpu.dynamic_gather %get3A_640[%gather3A_1249] in [0] : vector<16xf32>, vector<16xi32> -> vector<16xf32>
      %mul3A_1251 = arith.mulf %gather3A_1250, %get3A_1217 : vector<16xf32>
      %add3A_1252 = arith.addf %add3A_1178, %mul3A_1251 : vector<16xf32>
      %mul3A_1253 = arith.mulf %gather3A_1250, %get3A_1222 : vector<16xf32>
      %add3A_1254 = arith.addf %add3A_1180, %mul3A_1253 : vector<16xf32>
      %broadcast_in_dim3A_1255 = arith.constant 7 : i32
      %broadcast_in_dim3A_1256 = vector.broadcast %broadcast_in_dim3A_1255 : i32 to vector<16x1xi32>
      %gather3A_1257 = vector.shape_cast %broadcast_in_dim3A_1256 : vector<16x1xi32> to vector<16xi32>
      %gather3A_1258 = tpu.dynamic_gather %get3A_652[%gather3A_1257] in [0] : vector<16xf32>, vector<16xi32> -> vector<16xf32>
      %mul3A_1259 = arith.mulf %gather3A_1258, %get3A_1217 : vector<16xf32>
      %add3A_1260 = arith.addf %add3A_1186, %mul3A_1259 : vector<16xf32>
      %mul3A_1261 = arith.mulf %gather3A_1258, %get3A_1222 : vector<16xf32>
      %add3A_1262 = arith.addf %add3A_1188, %mul3A_1261 : vector<16xf32>
      %broadcast_in_dim3A_1263 = arith.constant 7 : i32
      %broadcast_in_dim3A_1264 = vector.broadcast %broadcast_in_dim3A_1263 : i32 to vector<16x1xi32>
      %gather3A_1265 = vector.shape_cast %broadcast_in_dim3A_1264 : vector<16x1xi32> to vector<16xi32>
      %gather3A_1266 = tpu.dynamic_gather %get3A_664[%gather3A_1265] in [0] : vector<16xf32>, vector<16xi32> -> vector<16xf32>
      %mul3A_1267 = arith.mulf %gather3A_1266, %get3A_1217 : vector<16xf32>
      %add3A_1268 = arith.addf %add3A_1194, %mul3A_1267 : vector<16xf32>
      %mul3A_1269 = arith.mulf %gather3A_1266, %get3A_1222 : vector<16xf32>
      %add3A_1270 = arith.addf %add3A_1196, %mul3A_1269 : vector<16xf32>
      %broadcast_in_dim3A_1271 = arith.constant 7 : i32
      %broadcast_in_dim3A_1272 = vector.broadcast %broadcast_in_dim3A_1271 : i32 to vector<16x1xi32>
      %gather3A_1273 = vector.shape_cast %broadcast_in_dim3A_1272 : vector<16x1xi32> to vector<16xi32>
      %gather3A_1274 = tpu.dynamic_gather %get3A_676[%gather3A_1273] in [0] : vector<16xf32>, vector<16xi32> -> vector<16xf32>
      %mul3A_1275 = arith.mulf %gather3A_1274, %get3A_1217 : vector<16xf32>
      %add3A_1276 = arith.addf %add3A_1202, %mul3A_1275 : vector<16xf32>
      %mul3A_1277 = arith.mulf %gather3A_1274, %get3A_1222 : vector<16xf32>
      %add3A_1278 = arith.addf %add3A_1204, %mul3A_1277 : vector<16xf32>
      %broadcast_in_dim3A_1279 = arith.constant 7 : i32
      %broadcast_in_dim3A_1280 = vector.broadcast %broadcast_in_dim3A_1279 : i32 to vector<16x1xi32>
      %gather3A_1281 = vector.shape_cast %broadcast_in_dim3A_1280 : vector<16x1xi32> to vector<16xi32>
      %gather3A_1282 = tpu.dynamic_gather %get3A_688[%gather3A_1281] in [0] : vector<16xf32>, vector<16xi32> -> vector<16xf32>
      %mul3A_1283 = arith.mulf %gather3A_1282, %get3A_1217 : vector<16xf32>
      %add3A_1284 = arith.addf %add3A_1210, %mul3A_1283 : vector<16xf32>
      %mul3A_1285 = arith.mulf %gather3A_1282, %get3A_1222 : vector<16xf32>
      %add3A_1286 = arith.addf %add3A_1212, %mul3A_1285 : vector<16xf32>
      %get3A_1287 = arith.constant 8 : i32
      %get3A_1288 = arith.index_cast %get3A_1287 : i32 to index
      %get3A_1289 = arith.constant 0 : index
      %get3A_1290 = tpu.vector_load %arg7[%get3A_1288, %get3A_1289] {strides = array<i32>} : memref<32x32xf32, #tpu.memory_space<vmem>>, vector<1x16xf32>,
      %get3A_1291 = vector.shape_cast %get3A_1290 : vector<1x16xf32> to vector<16xf32>
      %get3A_1292 = arith.constant 8 : i32
      %get3A_1293 = arith.index_cast %get3A_1292 : i32 to index
      %get3A_1294 = arith.constant 16 : index
      %get3A_1295 = tpu.vector_load %arg7[%get3A_1293, %get3A_1294] {strides = array<i32>} : memref<32x32xf32, #tpu.memory_space<vmem>>, vector<1x16xf32>,
      %get3A_1296 = vector.shape_cast %get3A_1295 : vector<1x16xf32> to vector<16xf32>
      %broadcast_in_dim3A_1297 = arith.constant 8 : i32
      %broadcast_in_dim3A_1298 = vector.broadcast %broadcast_in_dim3A_1297 : i32 to vector<16x1xi32>
      %gather3A_1299 = vector.shape_cast %broadcast_in_dim3A_1298 : vector<16x1xi32> to vector<16xi32>
      %gather3A_1300 = tpu.dynamic_gather %get3A_604[%gather3A_1299] in [0] : vector<16xf32>, vector<16xi32> -> vector<16xf32>
      %mul3A_1301 = arith.mulf %gather3A_1300, %get3A_1291 : vector<16xf32>
      %add3A_1302 = arith.addf %add3A_1228, %mul3A_1301 : vector<16xf32>
      %mul3A_1303 = arith.mulf %gather3A_1300, %get3A_1296 : vector<16xf32>
      %add3A_1304 = arith.addf %add3A_1230, %mul3A_1303 : vector<16xf32>
      %broadcast_in_dim3A_1305 = arith.constant 8 : i32
      %broadcast_in_dim3A_1306 = vector.broadcast %broadcast_in_dim3A_1305 : i32 to vector<16x1xi32>
      %gather3A_1307 = vector.shape_cast %broadcast_in_dim3A_1306 : vector<16x1xi32> to vector<16xi32>
      %gather3A_1308 = tpu.dynamic_gather %get3A_616[%gather3A_1307] in [0] : vector<16xf32>, vector<16xi32> -> vector<16xf32>
      %mul3A_1309 = arith.mulf %gather3A_1308, %get3A_1291 : vector<16xf32>
      %add3A_1310 = arith.addf %add3A_1236, %mul3A_1309 : vector<16xf32>
      %mul3A_1311 = arith.mulf %gather3A_1308, %get3A_1296 : vector<16xf32>
      %add3A_1312 = arith.addf %add3A_1238, %mul3A_1311 : vector<16xf32>
      %broadcast_in_dim3A_1313 = arith.constant 8 : i32
      %broadcast_in_dim3A_1314 = vector.broadcast %broadcast_in_dim3A_1313 : i32 to vector<16x1xi32>
      %gather3A_1315 = vector.shape_cast %broadcast_in_dim3A_1314 : vector<16x1xi32> to vector<16xi32>
      %gather3A_1316 = tpu.dynamic_gather %get3A_628[%gather3A_1315] in [0] : vector<16xf32>, vector<16xi32> -> vector<16xf32>
      %mul3A_1317 = arith.mulf %gather3A_1316, %get3A_1291 : vector<16xf32>
      %add3A_1318 = arith.addf %add3A_1244, %mul3A_1317 : vector<16xf32>
      %mul3A_1319 = arith.mulf %gather3A_1316, %get3A_1296 : vector<16xf32>
      %add3A_1320 = arith.addf %add3A_1246, %mul3A_1319 : vector<16xf32>
      %broadcast_in_dim3A_1321 = arith.constant 8 : i32
      %broadcast_in_dim3A_1322 = vector.broadcast %broadcast_in_dim3A_1321 : i32 to vector<16x1xi32>
      %gather3A_1323 = vector.shape_cast %broadcast_in_dim3A_1322 : vector<16x1xi32> to vector<16xi32>
      %gather3A_1324 = tpu.dynamic_gather %get3A_640[%gather3A_1323] in [0] : vector<16xf32>, vector<16xi32> -> vector<16xf32>
      %mul3A_1325 = arith.mulf %gather3A_1324, %get3A_1291 : vector<16xf32>
      %add3A_1326 = arith.addf %add3A_1252, %mul3A_1325 : vector<16xf32>
      %mul3A_1327 = arith.mulf %gather3A_1324, %get3A_1296 : vector<16xf32>
      %add3A_1328 = arith.addf %add3A_1254, %mul3A_1327 : vector<16xf32>
      %broadcast_in_dim3A_1329 = arith.constant 8 : i32
      %broadcast_in_dim3A_1330 = vector.broadcast %broadcast_in_dim3A_1329 : i32 to vector<16x1xi32>
      %gather3A_1331 = vector.shape_cast %broadcast_in_dim3A_1330 : vector<16x1xi32> to vector<16xi32>
      %gather3A_1332 = tpu.dynamic_gather %get3A_652[%gather3A_1331] in [0] : vector<16xf32>, vector<16xi32> -> vector<16xf32>
      %mul3A_1333 = arith.mulf %gather3A_1332, %get3A_1291 : vector<16xf32>
      %add3A_1334 = arith.addf %add3A_1260, %mul3A_1333 : vector<16xf32>
      %mul3A_1335 = arith.mulf %gather3A_1332, %get3A_1296 : vector<16xf32>
      %add3A_1336 = arith.addf %add3A_1262, %mul3A_1335 : vector<16xf32>
      %broadcast_in_dim3A_1337 = arith.constant 8 : i32
      %broadcast_in_dim3A_1338 = vector.broadcast %broadcast_in_dim3A_1337 : i32 to vector<16x1xi32>
      %gather3A_1339 = vector.shape_cast %broadcast_in_dim3A_1338 : vector<16x1xi32> to vector<16xi32>
      %gather3A_1340 = tpu.dynamic_gather %get3A_664[%gather3A_1339] in [0] : vector<16xf32>, vector<16xi32> -> vector<16xf32>
      %mul3A_1341 = arith.mulf %gather3A_1340, %get3A_1291 : vector<16xf32>
      %add3A_1342 = arith.addf %add3A_1268, %mul3A_1341 : vector<16xf32>
      %mul3A_1343 = arith.mulf %gather3A_1340, %get3A_1296 : vector<16xf32>
      %add3A_1344 = arith.addf %add3A_1270, %mul3A_1343 : vector<16xf32>
      %broadcast_in_dim3A_1345 = arith.constant 8 : i32
      %broadcast_in_dim3A_1346 = vector.broadcast %broadcast_in_dim3A_1345 : i32 to vector<16x1xi32>
      %gather3A_1347 = vector.shape_cast %broadcast_in_dim3A_1346 : vector<16x1xi32> to vector<16xi32>
      %gather3A_1348 = tpu.dynamic_gather %get3A_676[%gather3A_1347] in [0] : vector<16xf32>, vector<16xi32> -> vector<16xf32>
      %mul3A_1349 = arith.mulf %gather3A_1348, %get3A_1291 : vector<16xf32>
      %add3A_1350 = arith.addf %add3A_1276, %mul3A_1349 : vector<16xf32>
      %mul3A_1351 = arith.mulf %gather3A_1348, %get3A_1296 : vector<16xf32>
      %add3A_1352 = arith.addf %add3A_1278, %mul3A_1351 : vector<16xf32>
      %broadcast_in_dim3A_1353 = arith.constant 8 : i32
      %broadcast_in_dim3A_1354 = vector.broadcast %broadcast_in_dim3A_1353 : i32 to vector<16x1xi32>
      %gather3A_1355 = vector.shape_cast %broadcast_in_dim3A_1354 : vector<16x1xi32> to vector<16xi32>
      %gather3A_1356 = tpu.dynamic_gather %get3A_688[%gather3A_1355] in [0] : vector<16xf32>, vector<16xi32> -> vector<16xf32>
      %mul3A_1357 = arith.mulf %gather3A_1356, %get3A_1291 : vector<16xf32>
      %add3A_1358 = arith.addf %add3A_1284, %mul3A_1357 : vector<16xf32>
      %mul3A_1359 = arith.mulf %gather3A_1356, %get3A_1296 : vector<16xf32>
      %add3A_1360 = arith.addf %add3A_1286, %mul3A_1359 : vector<16xf32>
      %get3A_1361 = arith.constant 9 : i32
      %get3A_1362 = arith.index_cast %get3A_1361 : i32 to index
      %get3A_1363 = arith.constant 0 : index
      %get3A_1364 = tpu.vector_load %arg7[%get3A_1362, %get3A_1363] {strides = array<i32>} : memref<32x32xf32, #tpu.memory_space<vmem>>, vector<1x16xf32>,
      %get3A_1365 = vector.shape_cast %get3A_1364 : vector<1x16xf32> to vector<16xf32>
      %get3A_1366 = arith.constant 9 : i32
      %get3A_1367 = arith.index_cast %get3A_1366 : i32 to index
      %get3A_1368 = arith.constant 16 : index
      %get3A_1369 = tpu.vector_load %arg7[%get3A_1367, %get3A_1368] {strides = array<i32>} : memref<32x32xf32, #tpu.memory_space<vmem>>, vector<1x16xf32>,
      %get3A_1370 = vector.shape_cast %get3A_1369 : vector<1x16xf32> to vector<16xf32>
      %broadcast_in_dim3A_1371 = arith.constant 9 : i32
      %broadcast_in_dim3A_1372 = vector.broadcast %broadcast_in_dim3A_1371 : i32 to vector<16x1xi32>
      %gather3A_1373 = vector.shape_cast %broadcast_in_dim3A_1372 : vector<16x1xi32> to vector<16xi32>
      %gather3A_1374 = tpu.dynamic_gather %get3A_604[%gather3A_1373] in [0] : vector<16xf32>, vector<16xi32> -> vector<16xf32>
      %mul3A_1375 = arith.mulf %gather3A_1374, %get3A_1365 : vector<16xf32>
      %add3A_1376 = arith.addf %add3A_1302, %mul3A_1375 : vector<16xf32>
      %mul3A_1377 = arith.mulf %gather3A_1374, %get3A_1370 : vector<16xf32>
      %add3A_1378 = arith.addf %add3A_1304, %mul3A_1377 : vector<16xf32>
      %broadcast_in_dim3A_1379 = arith.constant 9 : i32
      %broadcast_in_dim3A_1380 = vector.broadcast %broadcast_in_dim3A_1379 : i32 to vector<16x1xi32>
      %gather3A_1381 = vector.shape_cast %broadcast_in_dim3A_1380 : vector<16x1xi32> to vector<16xi32>
      %gather3A_1382 = tpu.dynamic_gather %get3A_616[%gather3A_1381] in [0] : vector<16xf32>, vector<16xi32> -> vector<16xf32>
      %mul3A_1383 = arith.mulf %gather3A_1382, %get3A_1365 : vector<16xf32>
      %add3A_1384 = arith.addf %add3A_1310, %mul3A_1383 : vector<16xf32>
      %mul3A_1385 = arith.mulf %gather3A_1382, %get3A_1370 : vector<16xf32>
      %add3A_1386 = arith.addf %add3A_1312, %mul3A_1385 : vector<16xf32>
      %broadcast_in_dim3A_1387 = arith.constant 9 : i32
      %broadcast_in_dim3A_1388 = vector.broadcast %broadcast_in_dim3A_1387 : i32 to vector<16x1xi32>
      %gather3A_1389 = vector.shape_cast %broadcast_in_dim3A_1388 : vector<16x1xi32> to vector<16xi32>
      %gather3A_1390 = tpu.dynamic_gather %get3A_628[%gather3A_1389] in [0] : vector<16xf32>, vector<16xi32> -> vector<16xf32>
      %mul3A_1391 = arith.mulf %gather3A_1390, %get3A_1365 : vector<16xf32>
      %add3A_1392 = arith.addf %add3A_1318, %mul3A_1391 : vector<16xf32>
      %mul3A_1393 = arith.mulf %gather3A_1390, %get3A_1370 : vector<16xf32>
      %add3A_1394 = arith.addf %add3A_1320, %mul3A_1393 : vector<16xf32>
      %broadcast_in_dim3A_1395 = arith.constant 9 : i32
      %broadcast_in_dim3A_1396 = vector.broadcast %broadcast_in_dim3A_1395 : i32 to vector<16x1xi32>
      %gather3A_1397 = vector.shape_cast %broadcast_in_dim3A_1396 : vector<16x1xi32> to vector<16xi32>
      %gather3A_1398 = tpu.dynamic_gather %get3A_640[%gather3A_1397] in [0] : vector<16xf32>, vector<16xi32> -> vector<16xf32>
      %mul3A_1399 = arith.mulf %gather3A_1398, %get3A_1365 : vector<16xf32>
      %add3A_1400 = arith.addf %add3A_1326, %mul3A_1399 : vector<16xf32>
      %mul3A_1401 = arith.mulf %gather3A_1398, %get3A_1370 : vector<16xf32>
      %add3A_1402 = arith.addf %add3A_1328, %mul3A_1401 : vector<16xf32>
      %broadcast_in_dim3A_1403 = arith.constant 9 : i32
      %broadcast_in_dim3A_1404 = vector.broadcast %broadcast_in_dim3A_1403 : i32 to vector<16x1xi32>
      %gather3A_1405 = vector.shape_cast %broadcast_in_dim3A_1404 : vector<16x1xi32> to vector<16xi32>
      %gather3A_1406 = tpu.dynamic_gather %get3A_652[%gather3A_1405] in [0] : vector<16xf32>, vector<16xi32> -> vector<16xf32>
      %mul3A_1407 = arith.mulf %gather3A_1406, %get3A_1365 : vector<16xf32>
      %add3A_1408 = arith.addf %add3A_1334, %mul3A_1407 : vector<16xf32>
      %mul3A_1409 = arith.mulf %gather3A_1406, %get3A_1370 : vector<16xf32>
      %add3A_1410 = arith.addf %add3A_1336, %mul3A_1409 : vector<16xf32>
      %broadcast_in_dim3A_1411 = arith.constant 9 : i32
      %broadcast_in_dim3A_1412 = vector.broadcast %broadcast_in_dim3A_1411 : i32 to vector<16x1xi32>
      %gather3A_1413 = vector.shape_cast %broadcast_in_dim3A_1412 : vector<16x1xi32> to vector<16xi32>
      %gather3A_1414 = tpu.dynamic_gather %get3A_664[%gather3A_1413] in [0] : vector<16xf32>, vector<16xi32> -> vector<16xf32>
      %mul3A_1415 = arith.mulf %gather3A_1414, %get3A_1365 : vector<16xf32>
      %add3A_1416 = arith.addf %add3A_1342, %mul3A_1415 : vector<16xf32>
      %mul3A_1417 = arith.mulf %gather3A_1414, %get3A_1370 : vector<16xf32>
      %add3A_1418 = arith.addf %add3A_1344, %mul3A_1417 : vector<16xf32>
      %broadcast_in_dim3A_1419 = arith.constant 9 : i32
      %broadcast_in_dim3A_1420 = vector.broadcast %broadcast_in_dim3A_1419 : i32 to vector<16x1xi32>
      %gather3A_1421 = vector.shape_cast %broadcast_in_dim3A_1420 : vector<16x1xi32> to vector<16xi32>
      %gather3A_1422 = tpu.dynamic_gather %get3A_676[%gather3A_1421] in [0] : vector<16xf32>, vector<16xi32> -> vector<16xf32>
      %mul3A_1423 = arith.mulf %gather3A_1422, %get3A_1365 : vector<16xf32>
      %add3A_1424 = arith.addf %add3A_1350, %mul3A_1423 : vector<16xf32>
      %mul3A_1425 = arith.mulf %gather3A_1422, %get3A_1370 : vector<16xf32>
      %add3A_1426 = arith.addf %add3A_1352, %mul3A_1425 : vector<16xf32>
      %broadcast_in_dim3A_1427 = arith.constant 9 : i32
      %broadcast_in_dim3A_1428 = vector.broadcast %broadcast_in_dim3A_1427 : i32 to vector<16x1xi32>
      %gather3A_1429 = vector.shape_cast %broadcast_in_dim3A_1428 : vector<16x1xi32> to vector<16xi32>
      %gather3A_1430 = tpu.dynamic_gather %get3A_688[%gather3A_1429] in [0] : vector<16xf32>, vector<16xi32> -> vector<16xf32>
      %mul3A_1431 = arith.mulf %gather3A_1430, %get3A_1365 : vector<16xf32>
      %add3A_1432 = arith.addf %add3A_1358, %mul3A_1431 : vector<16xf32>
      %mul3A_1433 = arith.mulf %gather3A_1430, %get3A_1370 : vector<16xf32>
      %add3A_1434 = arith.addf %add3A_1360, %mul3A_1433 : vector<16xf32>
      %get3A_1435 = arith.constant 10 : i32
      %get3A_1436 = arith.index_cast %get3A_1435 : i32 to index
      %get3A_1437 = arith.constant 0 : index
      %get3A_1438 = tpu.vector_load %arg7[%get3A_1436, %get3A_1437] {strides = array<i32>} : memref<32x32xf32, #tpu.memory_space<vmem>>, vector<1x16xf32>,
      %get3A_1439 = vector.shape_cast %get3A_1438 : vector<1x16xf32> to vector<16xf32>
      %get3A_1440 = arith.constant 10 : i32
      %get3A_1441 = arith.index_cast %get3A_1440 : i32 to index
      %get3A_1442 = arith.constant 16 : index
      %get3A_1443 = tpu.vector_load %arg7[%get3A_1441, %get3A_1442] {strides = array<i32>} : memref<32x32xf32, #tpu.memory_space<vmem>>, vector<1x16xf32>,
      %get3A_1444 = vector.shape_cast %get3A_1443 : vector<1x16xf32> to vector<16xf32>
      %broadcast_in_dim3A_1445 = arith.constant 10 : i32
      %broadcast_in_dim3A_1446 = vector.broadcast %broadcast_in_dim3A_1445 : i32 to vector<16x1xi32>
      %gather3A_1447 = vector.shape_cast %broadcast_in_dim3A_1446 : vector<16x1xi32> to vector<16xi32>
      %gather3A_1448 = tpu.dynamic_gather %get3A_604[%gather3A_1447] in [0] : vector<16xf32>, vector<16xi32> -> vector<16xf32>
      %mul3A_1449 = arith.mulf %gather3A_1448, %get3A_1439 : vector<16xf32>
      %add3A_1450 = arith.addf %add3A_1376, %mul3A_1449 : vector<16xf32>
      %mul3A_1451 = arith.mulf %gather3A_1448, %get3A_1444 : vector<16xf32>
      %add3A_1452 = arith.addf %add3A_1378, %mul3A_1451 : vector<16xf32>
      %broadcast_in_dim3A_1453 = arith.constant 10 : i32
      %broadcast_in_dim3A_1454 = vector.broadcast %broadcast_in_dim3A_1453 : i32 to vector<16x1xi32>
      %gather3A_1455 = vector.shape_cast %broadcast_in_dim3A_1454 : vector<16x1xi32> to vector<16xi32>
      %gather3A_1456 = tpu.dynamic_gather %get3A_616[%gather3A_1455] in [0] : vector<16xf32>, vector<16xi32> -> vector<16xf32>
      %mul3A_1457 = arith.mulf %gather3A_1456, %get3A_1439 : vector<16xf32>
      %add3A_1458 = arith.addf %add3A_1384, %mul3A_1457 : vector<16xf32>
      %mul3A_1459 = arith.mulf %gather3A_1456, %get3A_1444 : vector<16xf32>
      %add3A_1460 = arith.addf %add3A_1386, %mul3A_1459 : vector<16xf32>
      %broadcast_in_dim3A_1461 = arith.constant 10 : i32
      %broadcast_in_dim3A_1462 = vector.broadcast %broadcast_in_dim3A_1461 : i32 to vector<16x1xi32>
      %gather3A_1463 = vector.shape_cast %broadcast_in_dim3A_1462 : vector<16x1xi32> to vector<16xi32>
      %gather3A_1464 = tpu.dynamic_gather %get3A_628[%gather3A_1463] in [0] : vector<16xf32>, vector<16xi32> -> vector<16xf32>
      %mul3A_1465 = arith.mulf %gather3A_1464, %get3A_1439 : vector<16xf32>
      %add3A_1466 = arith.addf %add3A_1392, %mul3A_1465 : vector<16xf32>
      %mul3A_1467 = arith.mulf %gather3A_1464, %get3A_1444 : vector<16xf32>
      %add3A_1468 = arith.addf %add3A_1394, %mul3A_1467 : vector<16xf32>
      %broadcast_in_dim3A_1469 = arith.constant 10 : i32
      %broadcast_in_dim3A_1470 = vector.broadcast %broadcast_in_dim3A_1469 : i32 to vector<16x1xi32>
      %gather3A_1471 = vector.shape_cast %broadcast_in_dim3A_1470 : vector<16x1xi32> to vector<16xi32>
      %gather3A_1472 = tpu.dynamic_gather %get3A_640[%gather3A_1471] in [0] : vector<16xf32>, vector<16xi32> -> vector<16xf32>
      %mul3A_1473 = arith.mulf %gather3A_1472, %get3A_1439 : vector<16xf32>
      %add3A_1474 = arith.addf %add3A_1400, %mul3A_1473 : vector<16xf32>
      %mul3A_1475 = arith.mulf %gather3A_1472, %get3A_1444 : vector<16xf32>
      %add3A_1476 = arith.addf %add3A_1402, %mul3A_1475 : vector<16xf32>
      %broadcast_in_dim3A_1477 = arith.constant 10 : i32
      %broadcast_in_dim3A_1478 = vector.broadcast %broadcast_in_dim3A_1477 : i32 to vector<16x1xi32>
      %gather3A_1479 = vector.shape_cast %broadcast_in_dim3A_1478 : vector<16x1xi32> to vector<16xi32>
      %gather3A_1480 = tpu.dynamic_gather %get3A_652[%gather3A_1479] in [0] : vector<16xf32>, vector<16xi32> -> vector<16xf32>
      %mul3A_1481 = arith.mulf %gather3A_1480, %get3A_1439 : vector<16xf32>
      %add3A_1482 = arith.addf %add3A_1408, %mul3A_1481 : vector<16xf32>
      %mul3A_1483 = arith.mulf %gather3A_1480, %get3A_1444 : vector<16xf32>
      %add3A_1484 = arith.addf %add3A_1410, %mul3A_1483 : vector<16xf32>
      %broadcast_in_dim3A_1485 = arith.constant 10 : i32
      %broadcast_in_dim3A_1486 = vector.broadcast %broadcast_in_dim3A_1485 : i32 to vector<16x1xi32>
      %gather3A_1487 = vector.shape_cast %broadcast_in_dim3A_1486 : vector<16x1xi32> to vector<16xi32>
      %gather3A_1488 = tpu.dynamic_gather %get3A_664[%gather3A_1487] in [0] : vector<16xf32>, vector<16xi32> -> vector<16xf32>
      %mul3A_1489 = arith.mulf %gather3A_1488, %get3A_1439 : vector<16xf32>
      %add3A_1490 = arith.addf %add3A_1416, %mul3A_1489 : vector<16xf32>
      %mul3A_1491 = arith.mulf %gather3A_1488, %get3A_1444 : vector<16xf32>
      %add3A_1492 = arith.addf %add3A_1418, %mul3A_1491 : vector<16xf32>
      %broadcast_in_dim3A_1493 = arith.constant 10 : i32
      %broadcast_in_dim3A_1494 = vector.broadcast %broadcast_in_dim3A_1493 : i32 to vector<16x1xi32>
      %gather3A_1495 = vector.shape_cast %broadcast_in_dim3A_1494 : vector<16x1xi32> to vector<16xi32>
      %gather3A_1496 = tpu.dynamic_gather %get3A_676[%gather3A_1495] in [0] : vector<16xf32>, vector<16xi32> -> vector<16xf32>
      %mul3A_1497 = arith.mulf %gather3A_1496, %get3A_1439 : vector<16xf32>
      %add3A_1498 = arith.addf %add3A_1424, %mul3A_1497 : vector<16xf32>
      %mul3A_1499 = arith.mulf %gather3A_1496, %get3A_1444 : vector<16xf32>
      %add3A_1500 = arith.addf %add3A_1426, %mul3A_1499 : vector<16xf32>
      %broadcast_in_dim3A_1501 = arith.constant 10 : i32
      %broadcast_in_dim3A_1502 = vector.broadcast %broadcast_in_dim3A_1501 : i32 to vector<16x1xi32>
      %gather3A_1503 = vector.shape_cast %broadcast_in_dim3A_1502 : vector<16x1xi32> to vector<16xi32>
      %gather3A_1504 = tpu.dynamic_gather %get3A_688[%gather3A_1503] in [0] : vector<16xf32>, vector<16xi32> -> vector<16xf32>
      %mul3A_1505 = arith.mulf %gather3A_1504, %get3A_1439 : vector<16xf32>
      %add3A_1506 = arith.addf %add3A_1432, %mul3A_1505 : vector<16xf32>
      %mul3A_1507 = arith.mulf %gather3A_1504, %get3A_1444 : vector<16xf32>
      %add3A_1508 = arith.addf %add3A_1434, %mul3A_1507 : vector<16xf32>
      %get3A_1509 = arith.constant 11 : i32
      %get3A_1510 = arith.index_cast %get3A_1509 : i32 to index
      %get3A_1511 = arith.constant 0 : index
      %get3A_1512 = tpu.vector_load %arg7[%get3A_1510, %get3A_1511] {strides = array<i32>} : memref<32x32xf32, #tpu.memory_space<vmem>>, vector<1x16xf32>,
      %get3A_1513 = vector.shape_cast %get3A_1512 : vector<1x16xf32> to vector<16xf32>
      %get3A_1514 = arith.constant 11 : i32
      %get3A_1515 = arith.index_cast %get3A_1514 : i32 to index
      %get3A_1516 = arith.constant 16 : index
      %get3A_1517 = tpu.vector_load %arg7[%get3A_1515, %get3A_1516] {strides = array<i32>} : memref<32x32xf32, #tpu.memory_space<vmem>>, vector<1x16xf32>,
      %get3A_1518 = vector.shape_cast %get3A_1517 : vector<1x16xf32> to vector<16xf32>
      %broadcast_in_dim3A_1519 = arith.constant 11 : i32
      %broadcast_in_dim3A_1520 = vector.broadcast %broadcast_in_dim3A_1519 : i32 to vector<16x1xi32>
      %gather3A_1521 = vector.shape_cast %broadcast_in_dim3A_1520 : vector<16x1xi32> to vector<16xi32>
      %gather3A_1522 = tpu.dynamic_gather %get3A_604[%gather3A_1521] in [0] : vector<16xf32>, vector<16xi32> -> vector<16xf32>
      %mul3A_1523 = arith.mulf %gather3A_1522, %get3A_1513 : vector<16xf32>
      %add3A_1524 = arith.addf %add3A_1450, %mul3A_1523 : vector<16xf32>
      %mul3A_1525 = arith.mulf %gather3A_1522, %get3A_1518 : vector<16xf32>
      %add3A_1526 = arith.addf %add3A_1452, %mul3A_1525 : vector<16xf32>
      %broadcast_in_dim3A_1527 = arith.constant 11 : i32
      %broadcast_in_dim3A_1528 = vector.broadcast %broadcast_in_dim3A_1527 : i32 to vector<16x1xi32>
      %gather3A_1529 = vector.shape_cast %broadcast_in_dim3A_1528 : vector<16x1xi32> to vector<16xi32>
      %gather3A_1530 = tpu.dynamic_gather %get3A_616[%gather3A_1529] in [0] : vector<16xf32>, vector<16xi32> -> vector<16xf32>
      %mul3A_1531 = arith.mulf %gather3A_1530, %get3A_1513 : vector<16xf32>
      %add3A_1532 = arith.addf %add3A_1458, %mul3A_1531 : vector<16xf32>
      %mul3A_1533 = arith.mulf %gather3A_1530, %get3A_1518 : vector<16xf32>
      %add3A_1534 = arith.addf %add3A_1460, %mul3A_1533 : vector<16xf32>
      %broadcast_in_dim3A_1535 = arith.constant 11 : i32
      %broadcast_in_dim3A_1536 = vector.broadcast %broadcast_in_dim3A_1535 : i32 to vector<16x1xi32>
      %gather3A_1537 = vector.shape_cast %broadcast_in_dim3A_1536 : vector<16x1xi32> to vector<16xi32>
      %gather3A_1538 = tpu.dynamic_gather %get3A_628[%gather3A_1537] in [0] : vector<16xf32>, vector<16xi32> -> vector<16xf32>
      %mul3A_1539 = arith.mulf %gather3A_1538, %get3A_1513 : vector<16xf32>
      %add3A_1540 = arith.addf %add3A_1466, %mul3A_1539 : vector<16xf32>
      %mul3A_1541 = arith.mulf %gather3A_1538, %get3A_1518 : vector<16xf32>
      %add3A_1542 = arith.addf %add3A_1468, %mul3A_1541 : vector<16xf32>
      %broadcast_in_dim3A_1543 = arith.constant 11 : i32
      %broadcast_in_dim3A_1544 = vector.broadcast %broadcast_in_dim3A_1543 : i32 to vector<16x1xi32>
      %gather3A_1545 = vector.shape_cast %broadcast_in_dim3A_1544 : vector<16x1xi32> to vector<16xi32>
      %gather3A_1546 = tpu.dynamic_gather %get3A_640[%gather3A_1545] in [0] : vector<16xf32>, vector<16xi32> -> vector<16xf32>
      %mul3A_1547 = arith.mulf %gather3A_1546, %get3A_1513 : vector<16xf32>
      %add3A_1548 = arith.addf %add3A_1474, %mul3A_1547 : vector<16xf32>
      %mul3A_1549 = arith.mulf %gather3A_1546, %get3A_1518 : vector<16xf32>
      %add3A_1550 = arith.addf %add3A_1476, %mul3A_1549 : vector<16xf32>
      %broadcast_in_dim3A_1551 = arith.constant 11 : i32
      %broadcast_in_dim3A_1552 = vector.broadcast %broadcast_in_dim3A_1551 : i32 to vector<16x1xi32>
      %gather3A_1553 = vector.shape_cast %broadcast_in_dim3A_1552 : vector<16x1xi32> to vector<16xi32>
      %gather3A_1554 = tpu.dynamic_gather %get3A_652[%gather3A_1553] in [0] : vector<16xf32>, vector<16xi32> -> vector<16xf32>
      %mul3A_1555 = arith.mulf %gather3A_1554, %get3A_1513 : vector<16xf32>
      %add3A_1556 = arith.addf %add3A_1482, %mul3A_1555 : vector<16xf32>
      %mul3A_1557 = arith.mulf %gather3A_1554, %get3A_1518 : vector<16xf32>
      %add3A_1558 = arith.addf %add3A_1484, %mul3A_1557 : vector<16xf32>
      %broadcast_in_dim3A_1559 = arith.constant 11 : i32
      %broadcast_in_dim3A_1560 = vector.broadcast %broadcast_in_dim3A_1559 : i32 to vector<16x1xi32>
      %gather3A_1561 = vector.shape_cast %broadcast_in_dim3A_1560 : vector<16x1xi32> to vector<16xi32>
      %gather3A_1562 = tpu.dynamic_gather %get3A_664[%gather3A_1561] in [0] : vector<16xf32>, vector<16xi32> -> vector<16xf32>
      %mul3A_1563 = arith.mulf %gather3A_1562, %get3A_1513 : vector<16xf32>
      %add3A_1564 = arith.addf %add3A_1490, %mul3A_1563 : vector<16xf32>
      %mul3A_1565 = arith.mulf %gather3A_1562, %get3A_1518 : vector<16xf32>
      %add3A_1566 = arith.addf %add3A_1492, %mul3A_1565 : vector<16xf32>
      %broadcast_in_dim3A_1567 = arith.constant 11 : i32
      %broadcast_in_dim3A_1568 = vector.broadcast %broadcast_in_dim3A_1567 : i32 to vector<16x1xi32>
      %gather3A_1569 = vector.shape_cast %broadcast_in_dim3A_1568 : vector<16x1xi32> to vector<16xi32>
      %gather3A_1570 = tpu.dynamic_gather %get3A_676[%gather3A_1569] in [0] : vector<16xf32>, vector<16xi32> -> vector<16xf32>
      %mul3A_1571 = arith.mulf %gather3A_1570, %get3A_1513 : vector<16xf32>
      %add3A_1572 = arith.addf %add3A_1498, %mul3A_1571 : vector<16xf32>
      %mul3A_1573 = arith.mulf %gather3A_1570, %get3A_1518 : vector<16xf32>
      %add3A_1574 = arith.addf %add3A_1500, %mul3A_1573 : vector<16xf32>
      %broadcast_in_dim3A_1575 = arith.constant 11 : i32
      %broadcast_in_dim3A_1576 = vector.broadcast %broadcast_in_dim3A_1575 : i32 to vector<16x1xi32>
      %gather3A_1577 = vector.shape_cast %broadcast_in_dim3A_1576 : vector<16x1xi32> to vector<16xi32>
      %gather3A_1578 = tpu.dynamic_gather %get3A_688[%gather3A_1577] in [0] : vector<16xf32>, vector<16xi32> -> vector<16xf32>
      %mul3A_1579 = arith.mulf %gather3A_1578, %get3A_1513 : vector<16xf32>
      %add3A_1580 = arith.addf %add3A_1506, %mul3A_1579 : vector<16xf32>
      %mul3A_1581 = arith.mulf %gather3A_1578, %get3A_1518 : vector<16xf32>
      %add3A_1582 = arith.addf %add3A_1508, %mul3A_1581 : vector<16xf32>
      %get3A_1583 = arith.constant 12 : i32
      %get3A_1584 = arith.index_cast %get3A_1583 : i32 to index
      %get3A_1585 = arith.constant 0 : index
      %get3A_1586 = tpu.vector_load %arg7[%get3A_1584, %get3A_1585] {strides = array<i32>} : memref<32x32xf32, #tpu.memory_space<vmem>>, vector<1x16xf32>,
      %get3A_1587 = vector.shape_cast %get3A_1586 : vector<1x16xf32> to vector<16xf32>
      %get3A_1588 = arith.constant 12 : i32
      %get3A_1589 = arith.index_cast %get3A_1588 : i32 to index
      %get3A_1590 = arith.constant 16 : index
      %get3A_1591 = tpu.vector_load %arg7[%get3A_1589, %get3A_1590] {strides = array<i32>} : memref<32x32xf32, #tpu.memory_space<vmem>>, vector<1x16xf32>,
      %get3A_1592 = vector.shape_cast %get3A_1591 : vector<1x16xf32> to vector<16xf32>
      %broadcast_in_dim3A_1593 = arith.constant 12 : i32
      %broadcast_in_dim3A_1594 = vector.broadcast %broadcast_in_dim3A_1593 : i32 to vector<16x1xi32>
      %gather3A_1595 = vector.shape_cast %broadcast_in_dim3A_1594 : vector<16x1xi32> to vector<16xi32>
      %gather3A_1596 = tpu.dynamic_gather %get3A_604[%gather3A_1595] in [0] : vector<16xf32>, vector<16xi32> -> vector<16xf32>
      %mul3A_1597 = arith.mulf %gather3A_1596, %get3A_1587 : vector<16xf32>
      %add3A_1598 = arith.addf %add3A_1524, %mul3A_1597 : vector<16xf32>
      %mul3A_1599 = arith.mulf %gather3A_1596, %get3A_1592 : vector<16xf32>
      %add3A_1600 = arith.addf %add3A_1526, %mul3A_1599 : vector<16xf32>
      %broadcast_in_dim3A_1601 = arith.constant 12 : i32
      %broadcast_in_dim3A_1602 = vector.broadcast %broadcast_in_dim3A_1601 : i32 to vector<16x1xi32>
      %gather3A_1603 = vector.shape_cast %broadcast_in_dim3A_1602 : vector<16x1xi32> to vector<16xi32>
      %gather3A_1604 = tpu.dynamic_gather %get3A_616[%gather3A_1603] in [0] : vector<16xf32>, vector<16xi32> -> vector<16xf32>
      %mul3A_1605 = arith.mulf %gather3A_1604, %get3A_1587 : vector<16xf32>
      %add3A_1606 = arith.addf %add3A_1532, %mul3A_1605 : vector<16xf32>
      %mul3A_1607 = arith.mulf %gather3A_1604, %get3A_1592 : vector<16xf32>
      %add3A_1608 = arith.addf %add3A_1534, %mul3A_1607 : vector<16xf32>
      %broadcast_in_dim3A_1609 = arith.constant 12 : i32
      %broadcast_in_dim3A_1610 = vector.broadcast %broadcast_in_dim3A_1609 : i32 to vector<16x1xi32>
      %gather3A_1611 = vector.shape_cast %broadcast_in_dim3A_1610 : vector<16x1xi32> to vector<16xi32>
      %gather3A_1612 = tpu.dynamic_gather %get3A_628[%gather3A_1611] in [0] : vector<16xf32>, vector<16xi32> -> vector<16xf32>
      %mul3A_1613 = arith.mulf %gather3A_1612, %get3A_1587 : vector<16xf32>
      %add3A_1614 = arith.addf %add3A_1540, %mul3A_1613 : vector<16xf32>
      %mul3A_1615 = arith.mulf %gather3A_1612, %get3A_1592 : vector<16xf32>
      %add3A_1616 = arith.addf %add3A_1542, %mul3A_1615 : vector<16xf32>
      %broadcast_in_dim3A_1617 = arith.constant 12 : i32
      %broadcast_in_dim3A_1618 = vector.broadcast %broadcast_in_dim3A_1617 : i32 to vector<16x1xi32>
      %gather3A_1619 = vector.shape_cast %broadcast_in_dim3A_1618 : vector<16x1xi32> to vector<16xi32>
      %gather3A_1620 = tpu.dynamic_gather %get3A_640[%gather3A_1619] in [0] : vector<16xf32>, vector<16xi32> -> vector<16xf32>
      %mul3A_1621 = arith.mulf %gather3A_1620, %get3A_1587 : vector<16xf32>
      %add3A_1622 = arith.addf %add3A_1548, %mul3A_1621 : vector<16xf32>
      %mul3A_1623 = arith.mulf %gather3A_1620, %get3A_1592 : vector<16xf32>
      %add3A_1624 = arith.addf %add3A_1550, %mul3A_1623 : vector<16xf32>
      %broadcast_in_dim3A_1625 = arith.constant 12 : i32
      %broadcast_in_dim3A_1626 = vector.broadcast %broadcast_in_dim3A_1625 : i32 to vector<16x1xi32>
      %gather3A_1627 = vector.shape_cast %broadcast_in_dim3A_1626 : vector<16x1xi32> to vector<16xi32>
      %gather3A_1628 = tpu.dynamic_gather %get3A_652[%gather3A_1627] in [0] : vector<16xf32>, vector<16xi32> -> vector<16xf32>
      %mul3A_1629 = arith.mulf %gather3A_1628, %get3A_1587 : vector<16xf32>
      %add3A_1630 = arith.addf %add3A_1556, %mul3A_1629 : vector<16xf32>
      %mul3A_1631 = arith.mulf %gather3A_1628, %get3A_1592 : vector<16xf32>
      %add3A_1632 = arith.addf %add3A_1558, %mul3A_1631 : vector<16xf32>
      %broadcast_in_dim3A_1633 = arith.constant 12 : i32
      %broadcast_in_dim3A_1634 = vector.broadcast %broadcast_in_dim3A_1633 : i32 to vector<16x1xi32>
      %gather3A_1635 = vector.shape_cast %broadcast_in_dim3A_1634 : vector<16x1xi32> to vector<16xi32>
      %gather3A_1636 = tpu.dynamic_gather %get3A_664[%gather3A_1635] in [0] : vector<16xf32>, vector<16xi32> -> vector<16xf32>
      %mul3A_1637 = arith.mulf %gather3A_1636, %get3A_1587 : vector<16xf32>
      %add3A_1638 = arith.addf %add3A_1564, %mul3A_1637 : vector<16xf32>
      %mul3A_1639 = arith.mulf %gather3A_1636, %get3A_1592 : vector<16xf32>
      %add3A_1640 = arith.addf %add3A_1566, %mul3A_1639 : vector<16xf32>
      %broadcast_in_dim3A_1641 = arith.constant 12 : i32
      %broadcast_in_dim3A_1642 = vector.broadcast %broadcast_in_dim3A_1641 : i32 to vector<16x1xi32>
      %gather3A_1643 = vector.shape_cast %broadcast_in_dim3A_1642 : vector<16x1xi32> to vector<16xi32>
      %gather3A_1644 = tpu.dynamic_gather %get3A_676[%gather3A_1643] in [0] : vector<16xf32>, vector<16xi32> -> vector<16xf32>
      %mul3A_1645 = arith.mulf %gather3A_1644, %get3A_1587 : vector<16xf32>
      %add3A_1646 = arith.addf %add3A_1572, %mul3A_1645 : vector<16xf32>
      %mul3A_1647 = arith.mulf %gather3A_1644, %get3A_1592 : vector<16xf32>
      %add3A_1648 = arith.addf %add3A_1574, %mul3A_1647 : vector<16xf32>
      %broadcast_in_dim3A_1649 = arith.constant 12 : i32
      %broadcast_in_dim3A_1650 = vector.broadcast %broadcast_in_dim3A_1649 : i32 to vector<16x1xi32>
      %gather3A_1651 = vector.shape_cast %broadcast_in_dim3A_1650 : vector<16x1xi32> to vector<16xi32>
      %gather3A_1652 = tpu.dynamic_gather %get3A_688[%gather3A_1651] in [0] : vector<16xf32>, vector<16xi32> -> vector<16xf32>
      %mul3A_1653 = arith.mulf %gather3A_1652, %get3A_1587 : vector<16xf32>
      %add3A_1654 = arith.addf %add3A_1580, %mul3A_1653 : vector<16xf32>
      %mul3A_1655 = arith.mulf %gather3A_1652, %get3A_1592 : vector<16xf32>
      %add3A_1656 = arith.addf %add3A_1582, %mul3A_1655 : vector<16xf32>
      %get3A_1657 = arith.constant 13 : i32
      %get3A_1658 = arith.index_cast %get3A_1657 : i32 to index
      %get3A_1659 = arith.constant 0 : index
      %get3A_1660 = tpu.vector_load %arg7[%get3A_1658, %get3A_1659] {strides = array<i32>} : memref<32x32xf32, #tpu.memory_space<vmem>>, vector<1x16xf32>,
      %get3A_1661 = vector.shape_cast %get3A_1660 : vector<1x16xf32> to vector<16xf32>
      %get3A_1662 = arith.constant 13 : i32
      %get3A_1663 = arith.index_cast %get3A_1662 : i32 to index
      %get3A_1664 = arith.constant 16 : index
      %get3A_1665 = tpu.vector_load %arg7[%get3A_1663, %get3A_1664] {strides = array<i32>} : memref<32x32xf32, #tpu.memory_space<vmem>>, vector<1x16xf32>,
      %get3A_1666 = vector.shape_cast %get3A_1665 : vector<1x16xf32> to vector<16xf32>
      %broadcast_in_dim3A_1667 = arith.constant 13 : i32
      %broadcast_in_dim3A_1668 = vector.broadcast %broadcast_in_dim3A_1667 : i32 to vector<16x1xi32>
      %gather3A_1669 = vector.shape_cast %broadcast_in_dim3A_1668 : vector<16x1xi32> to vector<16xi32>
      %gather3A_1670 = tpu.dynamic_gather %get3A_604[%gather3A_1669] in [0] : vector<16xf32>, vector<16xi32> -> vector<16xf32>
      %mul3A_1671 = arith.mulf %gather3A_1670, %get3A_1661 : vector<16xf32>
      %add3A_1672 = arith.addf %add3A_1598, %mul3A_1671 : vector<16xf32>
      %mul3A_1673 = arith.mulf %gather3A_1670, %get3A_1666 : vector<16xf32>
      %add3A_1674 = arith.addf %add3A_1600, %mul3A_1673 : vector<16xf32>
      %broadcast_in_dim3A_1675 = arith.constant 13 : i32
      %broadcast_in_dim3A_1676 = vector.broadcast %broadcast_in_dim3A_1675 : i32 to vector<16x1xi32>
      %gather3A_1677 = vector.shape_cast %broadcast_in_dim3A_1676 : vector<16x1xi32> to vector<16xi32>
      %gather3A_1678 = tpu.dynamic_gather %get3A_616[%gather3A_1677] in [0] : vector<16xf32>, vector<16xi32> -> vector<16xf32>
      %mul3A_1679 = arith.mulf %gather3A_1678, %get3A_1661 : vector<16xf32>
      %add3A_1680 = arith.addf %add3A_1606, %mul3A_1679 : vector<16xf32>
      %mul3A_1681 = arith.mulf %gather3A_1678, %get3A_1666 : vector<16xf32>
      %add3A_1682 = arith.addf %add3A_1608, %mul3A_1681 : vector<16xf32>
      %broadcast_in_dim3A_1683 = arith.constant 13 : i32
      %broadcast_in_dim3A_1684 = vector.broadcast %broadcast_in_dim3A_1683 : i32 to vector<16x1xi32>
      %gather3A_1685 = vector.shape_cast %broadcast_in_dim3A_1684 : vector<16x1xi32> to vector<16xi32>
      %gather3A_1686 = tpu.dynamic_gather %get3A_628[%gather3A_1685] in [0] : vector<16xf32>, vector<16xi32> -> vector<16xf32>
      %mul3A_1687 = arith.mulf %gather3A_1686, %get3A_1661 : vector<16xf32>
      %add3A_1688 = arith.addf %add3A_1614, %mul3A_1687 : vector<16xf32>
      %mul3A_1689 = arith.mulf %gather3A_1686, %get3A_1666 : vector<16xf32>
      %add3A_1690 = arith.addf %add3A_1616, %mul3A_1689 : vector<16xf32>
      %broadcast_in_dim3A_1691 = arith.constant 13 : i32
      %broadcast_in_dim3A_1692 = vector.broadcast %broadcast_in_dim3A_1691 : i32 to vector<16x1xi32>
      %gather3A_1693 = vector.shape_cast %broadcast_in_dim3A_1692 : vector<16x1xi32> to vector<16xi32>
      %gather3A_1694 = tpu.dynamic_gather %get3A_640[%gather3A_1693] in [0] : vector<16xf32>, vector<16xi32> -> vector<16xf32>
      %mul3A_1695 = arith.mulf %gather3A_1694, %get3A_1661 : vector<16xf32>
      %add3A_1696 = arith.addf %add3A_1622, %mul3A_1695 : vector<16xf32>
      %mul3A_1697 = arith.mulf %gather3A_1694, %get3A_1666 : vector<16xf32>
      %add3A_1698 = arith.addf %add3A_1624, %mul3A_1697 : vector<16xf32>
      %broadcast_in_dim3A_1699 = arith.constant 13 : i32
      %broadcast_in_dim3A_1700 = vector.broadcast %broadcast_in_dim3A_1699 : i32 to vector<16x1xi32>
      %gather3A_1701 = vector.shape_cast %broadcast_in_dim3A_1700 : vector<16x1xi32> to vector<16xi32>
      %gather3A_1702 = tpu.dynamic_gather %get3A_652[%gather3A_1701] in [0] : vector<16xf32>, vector<16xi32> -> vector<16xf32>
      %mul3A_1703 = arith.mulf %gather3A_1702, %get3A_1661 : vector<16xf32>
      %add3A_1704 = arith.addf %add3A_1630, %mul3A_1703 : vector<16xf32>
      %mul3A_1705 = arith.mulf %gather3A_1702, %get3A_1666 : vector<16xf32>
      %add3A_1706 = arith.addf %add3A_1632, %mul3A_1705 : vector<16xf32>
      %broadcast_in_dim3A_1707 = arith.constant 13 : i32
      %broadcast_in_dim3A_1708 = vector.broadcast %broadcast_in_dim3A_1707 : i32 to vector<16x1xi32>
      %gather3A_1709 = vector.shape_cast %broadcast_in_dim3A_1708 : vector<16x1xi32> to vector<16xi32>
      %gather3A_1710 = tpu.dynamic_gather %get3A_664[%gather3A_1709] in [0] : vector<16xf32>, vector<16xi32> -> vector<16xf32>
      %mul3A_1711 = arith.mulf %gather3A_1710, %get3A_1661 : vector<16xf32>
      %add3A_1712 = arith.addf %add3A_1638, %mul3A_1711 : vector<16xf32>
      %mul3A_1713 = arith.mulf %gather3A_1710, %get3A_1666 : vector<16xf32>
      %add3A_1714 = arith.addf %add3A_1640, %mul3A_1713 : vector<16xf32>
      %broadcast_in_dim3A_1715 = arith.constant 13 : i32
      %broadcast_in_dim3A_1716 = vector.broadcast %broadcast_in_dim3A_1715 : i32 to vector<16x1xi32>
      %gather3A_1717 = vector.shape_cast %broadcast_in_dim3A_1716 : vector<16x1xi32> to vector<16xi32>
      %gather3A_1718 = tpu.dynamic_gather %get3A_676[%gather3A_1717] in [0] : vector<16xf32>, vector<16xi32> -> vector<16xf32>
      %mul3A_1719 = arith.mulf %gather3A_1718, %get3A_1661 : vector<16xf32>
      %add3A_1720 = arith.addf %add3A_1646, %mul3A_1719 : vector<16xf32>
      %mul3A_1721 = arith.mulf %gather3A_1718, %get3A_1666 : vector<16xf32>
      %add3A_1722 = arith.addf %add3A_1648, %mul3A_1721 : vector<16xf32>
      %broadcast_in_dim3A_1723 = arith.constant 13 : i32
      %broadcast_in_dim3A_1724 = vector.broadcast %broadcast_in_dim3A_1723 : i32 to vector<16x1xi32>
      %gather3A_1725 = vector.shape_cast %broadcast_in_dim3A_1724 : vector<16x1xi32> to vector<16xi32>
      %gather3A_1726 = tpu.dynamic_gather %get3A_688[%gather3A_1725] in [0] : vector<16xf32>, vector<16xi32> -> vector<16xf32>
      %mul3A_1727 = arith.mulf %gather3A_1726, %get3A_1661 : vector<16xf32>
      %add3A_1728 = arith.addf %add3A_1654, %mul3A_1727 : vector<16xf32>
      %mul3A_1729 = arith.mulf %gather3A_1726, %get3A_1666 : vector<16xf32>
      %add3A_1730 = arith.addf %add3A_1656, %mul3A_1729 : vector<16xf32>
      %get3A_1731 = arith.constant 14 : i32
      %get3A_1732 = arith.index_cast %get3A_1731 : i32 to index
      %get3A_1733 = arith.constant 0 : index
      %get3A_1734 = tpu.vector_load %arg7[%get3A_1732, %get3A_1733] {strides = array<i32>} : memref<32x32xf32, #tpu.memory_space<vmem>>, vector<1x16xf32>,
      %get3A_1735 = vector.shape_cast %get3A_1734 : vector<1x16xf32> to vector<16xf32>
      %get3A_1736 = arith.constant 14 : i32
      %get3A_1737 = arith.index_cast %get3A_1736 : i32 to index
      %get3A_1738 = arith.constant 16 : index
      %get3A_1739 = tpu.vector_load %arg7[%get3A_1737, %get3A_1738] {strides = array<i32>} : memref<32x32xf32, #tpu.memory_space<vmem>>, vector<1x16xf32>,
      %get3A_1740 = vector.shape_cast %get3A_1739 : vector<1x16xf32> to vector<16xf32>
      %broadcast_in_dim3A_1741 = arith.constant 14 : i32
      %broadcast_in_dim3A_1742 = vector.broadcast %broadcast_in_dim3A_1741 : i32 to vector<16x1xi32>
      %gather3A_1743 = vector.shape_cast %broadcast_in_dim3A_1742 : vector<16x1xi32> to vector<16xi32>
      %gather3A_1744 = tpu.dynamic_gather %get3A_604[%gather3A_1743] in [0] : vector<16xf32>, vector<16xi32> -> vector<16xf32>
      %mul3A_1745 = arith.mulf %gather3A_1744, %get3A_1735 : vector<16xf32>
      %add3A_1746 = arith.addf %add3A_1672, %mul3A_1745 : vector<16xf32>
      %mul3A_1747 = arith.mulf %gather3A_1744, %get3A_1740 : vector<16xf32>
      %add3A_1748 = arith.addf %add3A_1674, %mul3A_1747 : vector<16xf32>
      %broadcast_in_dim3A_1749 = arith.constant 14 : i32
      %broadcast_in_dim3A_1750 = vector.broadcast %broadcast_in_dim3A_1749 : i32 to vector<16x1xi32>
      %gather3A_1751 = vector.shape_cast %broadcast_in_dim3A_1750 : vector<16x1xi32> to vector<16xi32>
      %gather3A_1752 = tpu.dynamic_gather %get3A_616[%gather3A_1751] in [0] : vector<16xf32>, vector<16xi32> -> vector<16xf32>
      %mul3A_1753 = arith.mulf %gather3A_1752, %get3A_1735 : vector<16xf32>
      %add3A_1754 = arith.addf %add3A_1680, %mul3A_1753 : vector<16xf32>
      %mul3A_1755 = arith.mulf %gather3A_1752, %get3A_1740 : vector<16xf32>
      %add3A_1756 = arith.addf %add3A_1682, %mul3A_1755 : vector<16xf32>
      %broadcast_in_dim3A_1757 = arith.constant 14 : i32
      %broadcast_in_dim3A_1758 = vector.broadcast %broadcast_in_dim3A_1757 : i32 to vector<16x1xi32>
      %gather3A_1759 = vector.shape_cast %broadcast_in_dim3A_1758 : vector<16x1xi32> to vector<16xi32>
      %gather3A_1760 = tpu.dynamic_gather %get3A_628[%gather3A_1759] in [0] : vector<16xf32>, vector<16xi32> -> vector<16xf32>
      %mul3A_1761 = arith.mulf %gather3A_1760, %get3A_1735 : vector<16xf32>
      %add3A_1762 = arith.addf %add3A_1688, %mul3A_1761 : vector<16xf32>
      %mul3A_1763 = arith.mulf %gather3A_1760, %get3A_1740 : vector<16xf32>
      %add3A_1764 = arith.addf %add3A_1690, %mul3A_1763 : vector<16xf32>
      %broadcast_in_dim3A_1765 = arith.constant 14 : i32
      %broadcast_in_dim3A_1766 = vector.broadcast %broadcast_in_dim3A_1765 : i32 to vector<16x1xi32>
      %gather3A_1767 = vector.shape_cast %broadcast_in_dim3A_1766 : vector<16x1xi32> to vector<16xi32>
      %gather3A_1768 = tpu.dynamic_gather %get3A_640[%gather3A_1767] in [0] : vector<16xf32>, vector<16xi32> -> vector<16xf32>
      %mul3A_1769 = arith.mulf %gather3A_1768, %get3A_1735 : vector<16xf32>
      %add3A_1770 = arith.addf %add3A_1696, %mul3A_1769 : vector<16xf32>
      %mul3A_1771 = arith.mulf %gather3A_1768, %get3A_1740 : vector<16xf32>
      %add3A_1772 = arith.addf %add3A_1698, %mul3A_1771 : vector<16xf32>
      %broadcast_in_dim3A_1773 = arith.constant 14 : i32
      %broadcast_in_dim3A_1774 = vector.broadcast %broadcast_in_dim3A_1773 : i32 to vector<16x1xi32>
      %gather3A_1775 = vector.shape_cast %broadcast_in_dim3A_1774 : vector<16x1xi32> to vector<16xi32>
      %gather3A_1776 = tpu.dynamic_gather %get3A_652[%gather3A_1775] in [0] : vector<16xf32>, vector<16xi32> -> vector<16xf32>
      %mul3A_1777 = arith.mulf %gather3A_1776, %get3A_1735 : vector<16xf32>
      %add3A_1778 = arith.addf %add3A_1704, %mul3A_1777 : vector<16xf32>
      %mul3A_1779 = arith.mulf %gather3A_1776, %get3A_1740 : vector<16xf32>
      %add3A_1780 = arith.addf %add3A_1706, %mul3A_1779 : vector<16xf32>
      %broadcast_in_dim3A_1781 = arith.constant 14 : i32
      %broadcast_in_dim3A_1782 = vector.broadcast %broadcast_in_dim3A_1781 : i32 to vector<16x1xi32>
      %gather3A_1783 = vector.shape_cast %broadcast_in_dim3A_1782 : vector<16x1xi32> to vector<16xi32>
      %gather3A_1784 = tpu.dynamic_gather %get3A_664[%gather3A_1783] in [0] : vector<16xf32>, vector<16xi32> -> vector<16xf32>
      %mul3A_1785 = arith.mulf %gather3A_1784, %get3A_1735 : vector<16xf32>
      %add3A_1786 = arith.addf %add3A_1712, %mul3A_1785 : vector<16xf32>
      %mul3A_1787 = arith.mulf %gather3A_1784, %get3A_1740 : vector<16xf32>
      %add3A_1788 = arith.addf %add3A_1714, %mul3A_1787 : vector<16xf32>
      %broadcast_in_dim3A_1789 = arith.constant 14 : i32
      %broadcast_in_dim3A_1790 = vector.broadcast %broadcast_in_dim3A_1789 : i32 to vector<16x1xi32>
      %gather3A_1791 = vector.shape_cast %broadcast_in_dim3A_1790 : vector<16x1xi32> to vector<16xi32>
      %gather3A_1792 = tpu.dynamic_gather %get3A_676[%gather3A_1791] in [0] : vector<16xf32>, vector<16xi32> -> vector<16xf32>
      %mul3A_1793 = arith.mulf %gather3A_1792, %get3A_1735 : vector<16xf32>
      %add3A_1794 = arith.addf %add3A_1720, %mul3A_1793 : vector<16xf32>
      %mul3A_1795 = arith.mulf %gather3A_1792, %get3A_1740 : vector<16xf32>
      %add3A_1796 = arith.addf %add3A_1722, %mul3A_1795 : vector<16xf32>
      %broadcast_in_dim3A_1797 = arith.constant 14 : i32
      %broadcast_in_dim3A_1798 = vector.broadcast %broadcast_in_dim3A_1797 : i32 to vector<16x1xi32>
      %gather3A_1799 = vector.shape_cast %broadcast_in_dim3A_1798 : vector<16x1xi32> to vector<16xi32>
      %gather3A_1800 = tpu.dynamic_gather %get3A_688[%gather3A_1799] in [0] : vector<16xf32>, vector<16xi32> -> vector<16xf32>
      %mul3A_1801 = arith.mulf %gather3A_1800, %get3A_1735 : vector<16xf32>
      %add3A_1802 = arith.addf %add3A_1728, %mul3A_1801 : vector<16xf32>
      %mul3A_1803 = arith.mulf %gather3A_1800, %get3A_1740 : vector<16xf32>
      %add3A_1804 = arith.addf %add3A_1730, %mul3A_1803 : vector<16xf32>
      %get3A_1805 = arith.constant 15 : i32
      %get3A_1806 = arith.index_cast %get3A_1805 : i32 to index
      %get3A_1807 = arith.constant 0 : index
      %get3A_1808 = tpu.vector_load %arg7[%get3A_1806, %get3A_1807] {strides = array<i32>} : memref<32x32xf32, #tpu.memory_space<vmem>>, vector<1x16xf32>,
      %get3A_1809 = vector.shape_cast %get3A_1808 : vector<1x16xf32> to vector<16xf32>
      %get3A_1810 = arith.constant 15 : i32
      %get3A_1811 = arith.index_cast %get3A_1810 : i32 to index
      %get3A_1812 = arith.constant 16 : index
      %get3A_1813 = tpu.vector_load %arg7[%get3A_1811, %get3A_1812] {strides = array<i32>} : memref<32x32xf32, #tpu.memory_space<vmem>>, vector<1x16xf32>,
      %get3A_1814 = vector.shape_cast %get3A_1813 : vector<1x16xf32> to vector<16xf32>
      %broadcast_in_dim3A_1815 = arith.constant 15 : i32
      %broadcast_in_dim3A_1816 = vector.broadcast %broadcast_in_dim3A_1815 : i32 to vector<16x1xi32>
      %gather3A_1817 = vector.shape_cast %broadcast_in_dim3A_1816 : vector<16x1xi32> to vector<16xi32>
      %gather3A_1818 = tpu.dynamic_gather %get3A_604[%gather3A_1817] in [0] : vector<16xf32>, vector<16xi32> -> vector<16xf32>
      %mul3A_1819 = arith.mulf %gather3A_1818, %get3A_1809 : vector<16xf32>
      %add3A_1820 = arith.addf %add3A_1746, %mul3A_1819 : vector<16xf32>
      %mul3A_1821 = arith.mulf %gather3A_1818, %get3A_1814 : vector<16xf32>
      %add3A_1822 = arith.addf %add3A_1748, %mul3A_1821 : vector<16xf32>
      %broadcast_in_dim3A_1823 = arith.constant 15 : i32
      %broadcast_in_dim3A_1824 = vector.broadcast %broadcast_in_dim3A_1823 : i32 to vector<16x1xi32>
      %gather3A_1825 = vector.shape_cast %broadcast_in_dim3A_1824 : vector<16x1xi32> to vector<16xi32>
      %gather3A_1826 = tpu.dynamic_gather %get3A_616[%gather3A_1825] in [0] : vector<16xf32>, vector<16xi32> -> vector<16xf32>
      %mul3A_1827 = arith.mulf %gather3A_1826, %get3A_1809 : vector<16xf32>
      %add3A_1828 = arith.addf %add3A_1754, %mul3A_1827 : vector<16xf32>
      %mul3A_1829 = arith.mulf %gather3A_1826, %get3A_1814 : vector<16xf32>
      %add3A_1830 = arith.addf %add3A_1756, %mul3A_1829 : vector<16xf32>
      %broadcast_in_dim3A_1831 = arith.constant 15 : i32
      %broadcast_in_dim3A_1832 = vector.broadcast %broadcast_in_dim3A_1831 : i32 to vector<16x1xi32>
      %gather3A_1833 = vector.shape_cast %broadcast_in_dim3A_1832 : vector<16x1xi32> to vector<16xi32>
      %gather3A_1834 = tpu.dynamic_gather %get3A_628[%gather3A_1833] in [0] : vector<16xf32>, vector<16xi32> -> vector<16xf32>
      %mul3A_1835 = arith.mulf %gather3A_1834, %get3A_1809 : vector<16xf32>
      %add3A_1836 = arith.addf %add3A_1762, %mul3A_1835 : vector<16xf32>
      %mul3A_1837 = arith.mulf %gather3A_1834, %get3A_1814 : vector<16xf32>
      %add3A_1838 = arith.addf %add3A_1764, %mul3A_1837 : vector<16xf32>
      %broadcast_in_dim3A_1839 = arith.constant 15 : i32
      %broadcast_in_dim3A_1840 = vector.broadcast %broadcast_in_dim3A_1839 : i32 to vector<16x1xi32>
      %gather3A_1841 = vector.shape_cast %broadcast_in_dim3A_1840 : vector<16x1xi32> to vector<16xi32>
      %gather3A_1842 = tpu.dynamic_gather %get3A_640[%gather3A_1841] in [0] : vector<16xf32>, vector<16xi32> -> vector<16xf32>
      %mul3A_1843 = arith.mulf %gather3A_1842, %get3A_1809 : vector<16xf32>
      %add3A_1844 = arith.addf %add3A_1770, %mul3A_1843 : vector<16xf32>
      %mul3A_1845 = arith.mulf %gather3A_1842, %get3A_1814 : vector<16xf32>
      %add3A_1846 = arith.addf %add3A_1772, %mul3A_1845 : vector<16xf32>
      %broadcast_in_dim3A_1847 = arith.constant 15 : i32
      %broadcast_in_dim3A_1848 = vector.broadcast %broadcast_in_dim3A_1847 : i32 to vector<16x1xi32>
      %gather3A_1849 = vector.shape_cast %broadcast_in_dim3A_1848 : vector<16x1xi32> to vector<16xi32>
      %gather3A_1850 = tpu.dynamic_gather %get3A_652[%gather3A_1849] in [0] : vector<16xf32>, vector<16xi32> -> vector<16xf32>
      %mul3A_1851 = arith.mulf %gather3A_1850, %get3A_1809 : vector<16xf32>
      %add3A_1852 = arith.addf %add3A_1778, %mul3A_1851 : vector<16xf32>
      %mul3A_1853 = arith.mulf %gather3A_1850, %get3A_1814 : vector<16xf32>
      %add3A_1854 = arith.addf %add3A_1780, %mul3A_1853 : vector<16xf32>
      %broadcast_in_dim3A_1855 = arith.constant 15 : i32
      %broadcast_in_dim3A_1856 = vector.broadcast %broadcast_in_dim3A_1855 : i32 to vector<16x1xi32>
      %gather3A_1857 = vector.shape_cast %broadcast_in_dim3A_1856 : vector<16x1xi32> to vector<16xi32>
      %gather3A_1858 = tpu.dynamic_gather %get3A_664[%gather3A_1857] in [0] : vector<16xf32>, vector<16xi32> -> vector<16xf32>
      %mul3A_1859 = arith.mulf %gather3A_1858, %get3A_1809 : vector<16xf32>
      %add3A_1860 = arith.addf %add3A_1786, %mul3A_1859 : vector<16xf32>
      %mul3A_1861 = arith.mulf %gather3A_1858, %get3A_1814 : vector<16xf32>
      %add3A_1862 = arith.addf %add3A_1788, %mul3A_1861 : vector<16xf32>
      %broadcast_in_dim3A_1863 = arith.constant 15 : i32
      %broadcast_in_dim3A_1864 = vector.broadcast %broadcast_in_dim3A_1863 : i32 to vector<16x1xi32>
      %gather3A_1865 = vector.shape_cast %broadcast_in_dim3A_1864 : vector<16x1xi32> to vector<16xi32>
      %gather3A_1866 = tpu.dynamic_gather %get3A_676[%gather3A_1865] in [0] : vector<16xf32>, vector<16xi32> -> vector<16xf32>
      %mul3A_1867 = arith.mulf %gather3A_1866, %get3A_1809 : vector<16xf32>
      %add3A_1868 = arith.addf %add3A_1794, %mul3A_1867 : vector<16xf32>
      %mul3A_1869 = arith.mulf %gather3A_1866, %get3A_1814 : vector<16xf32>
      %add3A_1870 = arith.addf %add3A_1796, %mul3A_1869 : vector<16xf32>
      %broadcast_in_dim3A_1871 = arith.constant 15 : i32
      %broadcast_in_dim3A_1872 = vector.broadcast %broadcast_in_dim3A_1871 : i32 to vector<16x1xi32>
      %gather3A_1873 = vector.shape_cast %broadcast_in_dim3A_1872 : vector<16x1xi32> to vector<16xi32>
      %gather3A_1874 = tpu.dynamic_gather %get3A_688[%gather3A_1873] in [0] : vector<16xf32>, vector<16xi32> -> vector<16xf32>
      %mul3A_1875 = arith.mulf %gather3A_1874, %get3A_1809 : vector<16xf32>
      %add3A_1876 = arith.addf %add3A_1802, %mul3A_1875 : vector<16xf32>
      %mul3A_1877 = arith.mulf %gather3A_1874, %get3A_1814 : vector<16xf32>
      %add3A_1878 = arith.addf %add3A_1804, %mul3A_1877 : vector<16xf32>
      %get3A_1879 = arith.constant 16 : i32
      %get3A_1880 = arith.index_cast %get3A_1879 : i32 to index
      %get3A_1881 = arith.constant 0 : index
      %get3A_1882 = tpu.vector_load %arg7[%get3A_1880, %get3A_1881] {strides = array<i32>} : memref<32x32xf32, #tpu.memory_space<vmem>>, vector<1x16xf32>,
      %get3A_1883 = vector.shape_cast %get3A_1882 : vector<1x16xf32> to vector<16xf32>
      %get3A_1884 = arith.constant 16 : i32
      %get3A_1885 = arith.index_cast %get3A_1884 : i32 to index
      %get3A_1886 = arith.constant 16 : index
      %get3A_1887 = tpu.vector_load %arg7[%get3A_1885, %get3A_1886] {strides = array<i32>} : memref<32x32xf32, #tpu.memory_space<vmem>>, vector<1x16xf32>,
      %get3A_1888 = vector.shape_cast %get3A_1887 : vector<1x16xf32> to vector<16xf32>
      %broadcast_in_dim3A_1889 = arith.constant 0 : i32
      %broadcast_in_dim3A_1890 = vector.broadcast %broadcast_in_dim3A_1889 : i32 to vector<16x1xi32>
      %gather3A_1891 = vector.shape_cast %broadcast_in_dim3A_1890 : vector<16x1xi32> to vector<16xi32>
      %gather3A_1892 = tpu.dynamic_gather %get3A_610[%gather3A_1891] in [0] : vector<16xf32>, vector<16xi32> -> vector<16xf32>
      %mul3A_1893 = arith.mulf %gather3A_1892, %get3A_1883 : vector<16xf32>
      %add3A_1894 = arith.addf %add3A_1820, %mul3A_1893 : vector<16xf32>
      %mul3A_1895 = arith.mulf %gather3A_1892, %get3A_1888 : vector<16xf32>
      %add3A_1896 = arith.addf %add3A_1822, %mul3A_1895 : vector<16xf32>
      %broadcast_in_dim3A_1897 = arith.constant 0 : i32
      %broadcast_in_dim3A_1898 = vector.broadcast %broadcast_in_dim3A_1897 : i32 to vector<16x1xi32>
      %gather3A_1899 = vector.shape_cast %broadcast_in_dim3A_1898 : vector<16x1xi32> to vector<16xi32>
      %gather3A_1900 = tpu.dynamic_gather %get3A_622[%gather3A_1899] in [0] : vector<16xf32>, vector<16xi32> -> vector<16xf32>
      %mul3A_1901 = arith.mulf %gather3A_1900, %get3A_1883 : vector<16xf32>
      %add3A_1902 = arith.addf %add3A_1828, %mul3A_1901 : vector<16xf32>
      %mul3A_1903 = arith.mulf %gather3A_1900, %get3A_1888 : vector<16xf32>
      %add3A_1904 = arith.addf %add3A_1830, %mul3A_1903 : vector<16xf32>
      %broadcast_in_dim3A_1905 = arith.constant 0 : i32
      %broadcast_in_dim3A_1906 = vector.broadcast %broadcast_in_dim3A_1905 : i32 to vector<16x1xi32>
      %gather3A_1907 = vector.shape_cast %broadcast_in_dim3A_1906 : vector<16x1xi32> to vector<16xi32>
      %gather3A_1908 = tpu.dynamic_gather %get3A_634[%gather3A_1907] in [0] : vector<16xf32>, vector<16xi32> -> vector<16xf32>
      %mul3A_1909 = arith.mulf %gather3A_1908, %get3A_1883 : vector<16xf32>
      %add3A_1910 = arith.addf %add3A_1836, %mul3A_1909 : vector<16xf32>
      %mul3A_1911 = arith.mulf %gather3A_1908, %get3A_1888 : vector<16xf32>
      %add3A_1912 = arith.addf %add3A_1838, %mul3A_1911 : vector<16xf32>
      %broadcast_in_dim3A_1913 = arith.constant 0 : i32
      %broadcast_in_dim3A_1914 = vector.broadcast %broadcast_in_dim3A_1913 : i32 to vector<16x1xi32>
      %gather3A_1915 = vector.shape_cast %broadcast_in_dim3A_1914 : vector<16x1xi32> to vector<16xi32>
      %gather3A_1916 = tpu.dynamic_gather %get3A_646[%gather3A_1915] in [0] : vector<16xf32>, vector<16xi32> -> vector<16xf32>
      %mul3A_1917 = arith.mulf %gather3A_1916, %get3A_1883 : vector<16xf32>
      %add3A_1918 = arith.addf %add3A_1844, %mul3A_1917 : vector<16xf32>
      %mul3A_1919 = arith.mulf %gather3A_1916, %get3A_1888 : vector<16xf32>
      %add3A_1920 = arith.addf %add3A_1846, %mul3A_1919 : vector<16xf32>
      %broadcast_in_dim3A_1921 = arith.constant 0 : i32
      %broadcast_in_dim3A_1922 = vector.broadcast %broadcast_in_dim3A_1921 : i32 to vector<16x1xi32>
      %gather3A_1923 = vector.shape_cast %broadcast_in_dim3A_1922 : vector<16x1xi32> to vector<16xi32>
      %gather3A_1924 = tpu.dynamic_gather %get3A_658[%gather3A_1923] in [0] : vector<16xf32>, vector<16xi32> -> vector<16xf32>
      %mul3A_1925 = arith.mulf %gather3A_1924, %get3A_1883 : vector<16xf32>
      %add3A_1926 = arith.addf %add3A_1852, %mul3A_1925 : vector<16xf32>
      %mul3A_1927 = arith.mulf %gather3A_1924, %get3A_1888 : vector<16xf32>
      %add3A_1928 = arith.addf %add3A_1854, %mul3A_1927 : vector<16xf32>
      %broadcast_in_dim3A_1929 = arith.constant 0 : i32
      %broadcast_in_dim3A_1930 = vector.broadcast %broadcast_in_dim3A_1929 : i32 to vector<16x1xi32>
      %gather3A_1931 = vector.shape_cast %broadcast_in_dim3A_1930 : vector<16x1xi32> to vector<16xi32>
      %gather3A_1932 = tpu.dynamic_gather %get3A_670[%gather3A_1931] in [0] : vector<16xf32>, vector<16xi32> -> vector<16xf32>
      %mul3A_1933 = arith.mulf %gather3A_1932, %get3A_1883 : vector<16xf32>
      %add3A_1934 = arith.addf %add3A_1860, %mul3A_1933 : vector<16xf32>
      %mul3A_1935 = arith.mulf %gather3A_1932, %get3A_1888 : vector<16xf32>
      %add3A_1936 = arith.addf %add3A_1862, %mul3A_1935 : vector<16xf32>
      %broadcast_in_dim3A_1937 = arith.constant 0 : i32
      %broadcast_in_dim3A_1938 = vector.broadcast %broadcast_in_dim3A_1937 : i32 to vector<16x1xi32>
      %gather3A_1939 = vector.shape_cast %broadcast_in_dim3A_1938 : vector<16x1xi32> to vector<16xi32>
      %gather3A_1940 = tpu.dynamic_gather %get3A_682[%gather3A_1939] in [0] : vector<16xf32>, vector<16xi32> -> vector<16xf32>
      %mul3A_1941 = arith.mulf %gather3A_1940, %get3A_1883 : vector<16xf32>
      %add3A_1942 = arith.addf %add3A_1868, %mul3A_1941 : vector<16xf32>
      %mul3A_1943 = arith.mulf %gather3A_1940, %get3A_1888 : vector<16xf32>
      %add3A_1944 = arith.addf %add3A_1870, %mul3A_1943 : vector<16xf32>
      %broadcast_in_dim3A_1945 = arith.constant 0 : i32
      %broadcast_in_dim3A_1946 = vector.broadcast %broadcast_in_dim3A_1945 : i32 to vector<16x1xi32>
      %gather3A_1947 = vector.shape_cast %broadcast_in_dim3A_1946 : vector<16x1xi32> to vector<16xi32>
      %gather3A_1948 = tpu.dynamic_gather %get3A_694[%gather3A_1947] in [0] : vector<16xf32>, vector<16xi32> -> vector<16xf32>
      %mul3A_1949 = arith.mulf %gather3A_1948, %get3A_1883 : vector<16xf32>
      %add3A_1950 = arith.addf %add3A_1876, %mul3A_1949 : vector<16xf32>
      %mul3A_1951 = arith.mulf %gather3A_1948, %get3A_1888 : vector<16xf32>
      %add3A_1952 = arith.addf %add3A_1878, %mul3A_1951 : vector<16xf32>
      %get3A_1953 = arith.constant 17 : i32
      %get3A_1954 = arith.index_cast %get3A_1953 : i32 to index
      %get3A_1955 = arith.constant 0 : index
      %get3A_1956 = tpu.vector_load %arg7[%get3A_1954, %get3A_1955] {strides = array<i32>} : memref<32x32xf32, #tpu.memory_space<vmem>>, vector<1x16xf32>,
      %get3A_1957 = vector.shape_cast %get3A_1956 : vector<1x16xf32> to vector<16xf32>
      %get3A_1958 = arith.constant 17 : i32
      %get3A_1959 = arith.index_cast %get3A_1958 : i32 to index
      %get3A_1960 = arith.constant 16 : index
      %get3A_1961 = tpu.vector_load %arg7[%get3A_1959, %get3A_1960] {strides = array<i32>} : memref<32x32xf32, #tpu.memory_space<vmem>>, vector<1x16xf32>,
      %get3A_1962 = vector.shape_cast %get3A_1961 : vector<1x16xf32> to vector<16xf32>
      %broadcast_in_dim3A_1963 = arith.constant 1 : i32
      %broadcast_in_dim3A_1964 = vector.broadcast %broadcast_in_dim3A_1963 : i32 to vector<16x1xi32>
      %gather3A_1965 = vector.shape_cast %broadcast_in_dim3A_1964 : vector<16x1xi32> to vector<16xi32>
      %gather3A_1966 = tpu.dynamic_gather %get3A_610[%gather3A_1965] in [0] : vector<16xf32>, vector<16xi32> -> vector<16xf32>
      %mul3A_1967 = arith.mulf %gather3A_1966, %get3A_1957 : vector<16xf32>
      %add3A_1968 = arith.addf %add3A_1894, %mul3A_1967 : vector<16xf32>
      %mul3A_1969 = arith.mulf %gather3A_1966, %get3A_1962 : vector<16xf32>
      %add3A_1970 = arith.addf %add3A_1896, %mul3A_1969 : vector<16xf32>
      %broadcast_in_dim3A_1971 = arith.constant 1 : i32
      %broadcast_in_dim3A_1972 = vector.broadcast %broadcast_in_dim3A_1971 : i32 to vector<16x1xi32>
      %gather3A_1973 = vector.shape_cast %broadcast_in_dim3A_1972 : vector<16x1xi32> to vector<16xi32>
      %gather3A_1974 = tpu.dynamic_gather %get3A_622[%gather3A_1973] in [0] : vector<16xf32>, vector<16xi32> -> vector<16xf32>
      %mul3A_1975 = arith.mulf %gather3A_1974, %get3A_1957 : vector<16xf32>
      %add3A_1976 = arith.addf %add3A_1902, %mul3A_1975 : vector<16xf32>
      %mul3A_1977 = arith.mulf %gather3A_1974, %get3A_1962 : vector<16xf32>
      %add3A_1978 = arith.addf %add3A_1904, %mul3A_1977 : vector<16xf32>
      %broadcast_in_dim3A_1979 = arith.constant 1 : i32
      %broadcast_in_dim3A_1980 = vector.broadcast %broadcast_in_dim3A_1979 : i32 to vector<16x1xi32>
      %gather3A_1981 = vector.shape_cast %broadcast_in_dim3A_1980 : vector<16x1xi32> to vector<16xi32>
      %gather3A_1982 = tpu.dynamic_gather %get3A_634[%gather3A_1981] in [0] : vector<16xf32>, vector<16xi32> -> vector<16xf32>
      %mul3A_1983 = arith.mulf %gather3A_1982, %get3A_1957 : vector<16xf32>
      %add3A_1984 = arith.addf %add3A_1910, %mul3A_1983 : vector<16xf32>
      %mul3A_1985 = arith.mulf %gather3A_1982, %get3A_1962 : vector<16xf32>
      %add3A_1986 = arith.addf %add3A_1912, %mul3A_1985 : vector<16xf32>
      %broadcast_in_dim3A_1987 = arith.constant 1 : i32
      %broadcast_in_dim3A_1988 = vector.broadcast %broadcast_in_dim3A_1987 : i32 to vector<16x1xi32>
      %gather3A_1989 = vector.shape_cast %broadcast_in_dim3A_1988 : vector<16x1xi32> to vector<16xi32>
      %gather3A_1990 = tpu.dynamic_gather %get3A_646[%gather3A_1989] in [0] : vector<16xf32>, vector<16xi32> -> vector<16xf32>
      %mul3A_1991 = arith.mulf %gather3A_1990, %get3A_1957 : vector<16xf32>
      %add3A_1992 = arith.addf %add3A_1918, %mul3A_1991 : vector<16xf32>
      %mul3A_1993 = arith.mulf %gather3A_1990, %get3A_1962 : vector<16xf32>
      %add3A_1994 = arith.addf %add3A_1920, %mul3A_1993 : vector<16xf32>
      %broadcast_in_dim3A_1995 = arith.constant 1 : i32
      %broadcast_in_dim3A_1996 = vector.broadcast %broadcast_in_dim3A_1995 : i32 to vector<16x1xi32>
      %gather3A_1997 = vector.shape_cast %broadcast_in_dim3A_1996 : vector<16x1xi32> to vector<16xi32>
      %gather3A_1998 = tpu.dynamic_gather %get3A_658[%gather3A_1997] in [0] : vector<16xf32>, vector<16xi32> -> vector<16xf32>
      %mul3A_1999 = arith.mulf %gather3A_1998, %get3A_1957 : vector<16xf32>
      %add3A_2000 = arith.addf %add3A_1926, %mul3A_1999 : vector<16xf32>
      %mul3A_2001 = arith.mulf %gather3A_1998, %get3A_1962 : vector<16xf32>
      %add3A_2002 = arith.addf %add3A_1928, %mul3A_2001 : vector<16xf32>
      %broadcast_in_dim3A_2003 = arith.constant 1 : i32
      %broadcast_in_dim3A_2004 = vector.broadcast %broadcast_in_dim3A_2003 : i32 to vector<16x1xi32>
      %gather3A_2005 = vector.shape_cast %broadcast_in_dim3A_2004 : vector<16x1xi32> to vector<16xi32>
      %gather3A_2006 = tpu.dynamic_gather %get3A_670[%gather3A_2005] in [0] : vector<16xf32>, vector<16xi32> -> vector<16xf32>
      %mul3A_2007 = arith.mulf %gather3A_2006, %get3A_1957 : vector<16xf32>
      %add3A_2008 = arith.addf %add3A_1934, %mul3A_2007 : vector<16xf32>
      %mul3A_2009 = arith.mulf %gather3A_2006, %get3A_1962 : vector<16xf32>
      %add3A_2010 = arith.addf %add3A_1936, %mul3A_2009 : vector<16xf32>
      %broadcast_in_dim3A_2011 = arith.constant 1 : i32
      %broadcast_in_dim3A_2012 = vector.broadcast %broadcast_in_dim3A_2011 : i32 to vector<16x1xi32>
      %gather3A_2013 = vector.shape_cast %broadcast_in_dim3A_2012 : vector<16x1xi32> to vector<16xi32>
      %gather3A_2014 = tpu.dynamic_gather %get3A_682[%gather3A_2013] in [0] : vector<16xf32>, vector<16xi32> -> vector<16xf32>
      %mul3A_2015 = arith.mulf %gather3A_2014, %get3A_1957 : vector<16xf32>
      %add3A_2016 = arith.addf %add3A_1942, %mul3A_2015 : vector<16xf32>
      %mul3A_2017 = arith.mulf %gather3A_2014, %get3A_1962 : vector<16xf32>
      %add3A_2018 = arith.addf %add3A_1944, %mul3A_2017 : vector<16xf32>
      %broadcast_in_dim3A_2019 = arith.constant 1 : i32
      %broadcast_in_dim3A_2020 = vector.broadcast %broadcast_in_dim3A_2019 : i32 to vector<16x1xi32>
      %gather3A_2021 = vector.shape_cast %broadcast_in_dim3A_2020 : vector<16x1xi32> to vector<16xi32>
      %gather3A_2022 = tpu.dynamic_gather %get3A_694[%gather3A_2021] in [0] : vector<16xf32>, vector<16xi32> -> vector<16xf32>
      %mul3A_2023 = arith.mulf %gather3A_2022, %get3A_1957 : vector<16xf32>
      %add3A_2024 = arith.addf %add3A_1950, %mul3A_2023 : vector<16xf32>
      %mul3A_2025 = arith.mulf %gather3A_2022, %get3A_1962 : vector<16xf32>
      %add3A_2026 = arith.addf %add3A_1952, %mul3A_2025 : vector<16xf32>
      %get3A_2027 = arith.constant 18 : i32
      %get3A_2028 = arith.index_cast %get3A_2027 : i32 to index
      %get3A_2029 = arith.constant 0 : index
      %get3A_2030 = tpu.vector_load %arg7[%get3A_2028, %get3A_2029] {strides = array<i32>} : memref<32x32xf32, #tpu.memory_space<vmem>>, vector<1x16xf32>,
      %get3A_2031 = vector.shape_cast %get3A_2030 : vector<1x16xf32> to vector<16xf32>
      %get3A_2032 = arith.constant 18 : i32
      %get3A_2033 = arith.index_cast %get3A_2032 : i32 to index
      %get3A_2034 = arith.constant 16 : index
      %get3A_2035 = tpu.vector_load %arg7[%get3A_2033, %get3A_2034] {strides = array<i32>} : memref<32x32xf32, #tpu.memory_space<vmem>>, vector<1x16xf32>,
      %get3A_2036 = vector.shape_cast %get3A_2035 : vector<1x16xf32> to vector<16xf32>
      %broadcast_in_dim3A_2037 = arith.constant 2 : i32
      %broadcast_in_dim3A_2038 = vector.broadcast %broadcast_in_dim3A_2037 : i32 to vector<16x1xi32>
      %gather3A_2039 = vector.shape_cast %broadcast_in_dim3A_2038 : vector<16x1xi32> to vector<16xi32>
      %gather3A_2040 = tpu.dynamic_gather %get3A_610[%gather3A_2039] in [0] : vector<16xf32>, vector<16xi32> -> vector<16xf32>
      %mul3A_2041 = arith.mulf %gather3A_2040, %get3A_2031 : vector<16xf32>
      %add3A_2042 = arith.addf %add3A_1968, %mul3A_2041 : vector<16xf32>
      %mul3A_2043 = arith.mulf %gather3A_2040, %get3A_2036 : vector<16xf32>
      %add3A_2044 = arith.addf %add3A_1970, %mul3A_2043 : vector<16xf32>
      %broadcast_in_dim3A_2045 = arith.constant 2 : i32
      %broadcast_in_dim3A_2046 = vector.broadcast %broadcast_in_dim3A_2045 : i32 to vector<16x1xi32>
      %gather3A_2047 = vector.shape_cast %broadcast_in_dim3A_2046 : vector<16x1xi32> to vector<16xi32>
      %gather3A_2048 = tpu.dynamic_gather %get3A_622[%gather3A_2047] in [0] : vector<16xf32>, vector<16xi32> -> vector<16xf32>
      %mul3A_2049 = arith.mulf %gather3A_2048, %get3A_2031 : vector<16xf32>
      %add3A_2050 = arith.addf %add3A_1976, %mul3A_2049 : vector<16xf32>
      %mul3A_2051 = arith.mulf %gather3A_2048, %get3A_2036 : vector<16xf32>
      %add3A_2052 = arith.addf %add3A_1978, %mul3A_2051 : vector<16xf32>
      %broadcast_in_dim3A_2053 = arith.constant 2 : i32
      %broadcast_in_dim3A_2054 = vector.broadcast %broadcast_in_dim3A_2053 : i32 to vector<16x1xi32>
      %gather3A_2055 = vector.shape_cast %broadcast_in_dim3A_2054 : vector<16x1xi32> to vector<16xi32>
      %gather3A_2056 = tpu.dynamic_gather %get3A_634[%gather3A_2055] in [0] : vector<16xf32>, vector<16xi32> -> vector<16xf32>
      %mul3A_2057 = arith.mulf %gather3A_2056, %get3A_2031 : vector<16xf32>
      %add3A_2058 = arith.addf %add3A_1984, %mul3A_2057 : vector<16xf32>
      %mul3A_2059 = arith.mulf %gather3A_2056, %get3A_2036 : vector<16xf32>
      %add3A_2060 = arith.addf %add3A_1986, %mul3A_2059 : vector<16xf32>
      %broadcast_in_dim3A_2061 = arith.constant 2 : i32
      %broadcast_in_dim3A_2062 = vector.broadcast %broadcast_in_dim3A_2061 : i32 to vector<16x1xi32>
      %gather3A_2063 = vector.shape_cast %broadcast_in_dim3A_2062 : vector<16x1xi32> to vector<16xi32>
      %gather3A_2064 = tpu.dynamic_gather %get3A_646[%gather3A_2063] in [0] : vector<16xf32>, vector<16xi32> -> vector<16xf32>
      %mul3A_2065 = arith.mulf %gather3A_2064, %get3A_2031 : vector<16xf32>
      %add3A_2066 = arith.addf %add3A_1992, %mul3A_2065 : vector<16xf32>
      %mul3A_2067 = arith.mulf %gather3A_2064, %get3A_2036 : vector<16xf32>
      %add3A_2068 = arith.addf %add3A_1994, %mul3A_2067 : vector<16xf32>
      %broadcast_in_dim3A_2069 = arith.constant 2 : i32
      %broadcast_in_dim3A_2070 = vector.broadcast %broadcast_in_dim3A_2069 : i32 to vector<16x1xi32>
      %gather3A_2071 = vector.shape_cast %broadcast_in_dim3A_2070 : vector<16x1xi32> to vector<16xi32>
      %gather3A_2072 = tpu.dynamic_gather %get3A_658[%gather3A_2071] in [0] : vector<16xf32>, vector<16xi32> -> vector<16xf32>
      %mul3A_2073 = arith.mulf %gather3A_2072, %get3A_2031 : vector<16xf32>
      %add3A_2074 = arith.addf %add3A_2000, %mul3A_2073 : vector<16xf32>
      %mul3A_2075 = arith.mulf %gather3A_2072, %get3A_2036 : vector<16xf32>
      %add3A_2076 = arith.addf %add3A_2002, %mul3A_2075 : vector<16xf32>
      %broadcast_in_dim3A_2077 = arith.constant 2 : i32
      %broadcast_in_dim3A_2078 = vector.broadcast %broadcast_in_dim3A_2077 : i32 to vector<16x1xi32>
      %gather3A_2079 = vector.shape_cast %broadcast_in_dim3A_2078 : vector<16x1xi32> to vector<16xi32>
      %gather3A_2080 = tpu.dynamic_gather %get3A_670[%gather3A_2079] in [0] : vector<16xf32>, vector<16xi32> -> vector<16xf32>
      %mul3A_2081 = arith.mulf %gather3A_2080, %get3A_2031 : vector<16xf32>
      %add3A_2082 = arith.addf %add3A_2008, %mul3A_2081 : vector<16xf32>
      %mul3A_2083 = arith.mulf %gather3A_2080, %get3A_2036 : vector<16xf32>
      %add3A_2084 = arith.addf %add3A_2010, %mul3A_2083 : vector<16xf32>
      %broadcast_in_dim3A_2085 = arith.constant 2 : i32
      %broadcast_in_dim3A_2086 = vector.broadcast %broadcast_in_dim3A_2085 : i32 to vector<16x1xi32>
      %gather3A_2087 = vector.shape_cast %broadcast_in_dim3A_2086 : vector<16x1xi32> to vector<16xi32>
      %gather3A_2088 = tpu.dynamic_gather %get3A_682[%gather3A_2087] in [0] : vector<16xf32>, vector<16xi32> -> vector<16xf32>
      %mul3A_2089 = arith.mulf %gather3A_2088, %get3A_2031 : vector<16xf32>
      %add3A_2090 = arith.addf %add3A_2016, %mul3A_2089 : vector<16xf32>
      %mul3A_2091 = arith.mulf %gather3A_2088, %get3A_2036 : vector<16xf32>
      %add3A_2092 = arith.addf %add3A_2018, %mul3A_2091 : vector<16xf32>
      %broadcast_in_dim3A_2093 = arith.constant 2 : i32
      %broadcast_in_dim3A_2094 = vector.broadcast %broadcast_in_dim3A_2093 : i32 to vector<16x1xi32>
      %gather3A_2095 = vector.shape_cast %broadcast_in_dim3A_2094 : vector<16x1xi32> to vector<16xi32>
      %gather3A_2096 = tpu.dynamic_gather %get3A_694[%gather3A_2095] in [0] : vector<16xf32>, vector<16xi32> -> vector<16xf32>
      %mul3A_2097 = arith.mulf %gather3A_2096, %get3A_2031 : vector<16xf32>
      %add3A_2098 = arith.addf %add3A_2024, %mul3A_2097 : vector<16xf32>
      %mul3A_2099 = arith.mulf %gather3A_2096, %get3A_2036 : vector<16xf32>
      %add3A_2100 = arith.addf %add3A_2026, %mul3A_2099 : vector<16xf32>
      %get3A_2101 = arith.constant 19 : i32
      %get3A_2102 = arith.index_cast %get3A_2101 : i32 to index
      %get3A_2103 = arith.constant 0 : index
      %get3A_2104 = tpu.vector_load %arg7[%get3A_2102, %get3A_2103] {strides = array<i32>} : memref<32x32xf32, #tpu.memory_space<vmem>>, vector<1x16xf32>,
      %get3A_2105 = vector.shape_cast %get3A_2104 : vector<1x16xf32> to vector<16xf32>
      %get3A_2106 = arith.constant 19 : i32
      %get3A_2107 = arith.index_cast %get3A_2106 : i32 to index
      %get3A_2108 = arith.constant 16 : index
      %get3A_2109 = tpu.vector_load %arg7[%get3A_2107, %get3A_2108] {strides = array<i32>} : memref<32x32xf32, #tpu.memory_space<vmem>>, vector<1x16xf32>,
      %get3A_2110 = vector.shape_cast %get3A_2109 : vector<1x16xf32> to vector<16xf32>
      %broadcast_in_dim3A_2111 = arith.constant 3 : i32
      %broadcast_in_dim3A_2112 = vector.broadcast %broadcast_in_dim3A_2111 : i32 to vector<16x1xi32>
      %gather3A_2113 = vector.shape_cast %broadcast_in_dim3A_2112 : vector<16x1xi32> to vector<16xi32>
      %gather3A_2114 = tpu.dynamic_gather %get3A_610[%gather3A_2113] in [0] : vector<16xf32>, vector<16xi32> -> vector<16xf32>
      %mul3A_2115 = arith.mulf %gather3A_2114, %get3A_2105 : vector<16xf32>
      %add3A_2116 = arith.addf %add3A_2042, %mul3A_2115 : vector<16xf32>
      %mul3A_2117 = arith.mulf %gather3A_2114, %get3A_2110 : vector<16xf32>
      %add3A_2118 = arith.addf %add3A_2044, %mul3A_2117 : vector<16xf32>
      %broadcast_in_dim3A_2119 = arith.constant 3 : i32
      %broadcast_in_dim3A_2120 = vector.broadcast %broadcast_in_dim3A_2119 : i32 to vector<16x1xi32>
      %gather3A_2121 = vector.shape_cast %broadcast_in_dim3A_2120 : vector<16x1xi32> to vector<16xi32>
      %gather3A_2122 = tpu.dynamic_gather %get3A_622[%gather3A_2121] in [0] : vector<16xf32>, vector<16xi32> -> vector<16xf32>
      %mul3A_2123 = arith.mulf %gather3A_2122, %get3A_2105 : vector<16xf32>
      %add3A_2124 = arith.addf %add3A_2050, %mul3A_2123 : vector<16xf32>
      %mul3A_2125 = arith.mulf %gather3A_2122, %get3A_2110 : vector<16xf32>
      %add3A_2126 = arith.addf %add3A_2052, %mul3A_2125 : vector<16xf32>
      %broadcast_in_dim3A_2127 = arith.constant 3 : i32
      %broadcast_in_dim3A_2128 = vector.broadcast %broadcast_in_dim3A_2127 : i32 to vector<16x1xi32>
      %gather3A_2129 = vector.shape_cast %broadcast_in_dim3A_2128 : vector<16x1xi32> to vector<16xi32>
      %gather3A_2130 = tpu.dynamic_gather %get3A_634[%gather3A_2129] in [0] : vector<16xf32>, vector<16xi32> -> vector<16xf32>
      %mul3A_2131 = arith.mulf %gather3A_2130, %get3A_2105 : vector<16xf32>
      %add3A_2132 = arith.addf %add3A_2058, %mul3A_2131 : vector<16xf32>
      %mul3A_2133 = arith.mulf %gather3A_2130, %get3A_2110 : vector<16xf32>
      %add3A_2134 = arith.addf %add3A_2060, %mul3A_2133 : vector<16xf32>
      %broadcast_in_dim3A_2135 = arith.constant 3 : i32
      %broadcast_in_dim3A_2136 = vector.broadcast %broadcast_in_dim3A_2135 : i32 to vector<16x1xi32>
      %gather3A_2137 = vector.shape_cast %broadcast_in_dim3A_2136 : vector<16x1xi32> to vector<16xi32>
      %gather3A_2138 = tpu.dynamic_gather %get3A_646[%gather3A_2137] in [0] : vector<16xf32>, vector<16xi32> -> vector<16xf32>
      %mul3A_2139 = arith.mulf %gather3A_2138, %get3A_2105 : vector<16xf32>
      %add3A_2140 = arith.addf %add3A_2066, %mul3A_2139 : vector<16xf32>
      %mul3A_2141 = arith.mulf %gather3A_2138, %get3A_2110 : vector<16xf32>
      %add3A_2142 = arith.addf %add3A_2068, %mul3A_2141 : vector<16xf32>
      %broadcast_in_dim3A_2143 = arith.constant 3 : i32
      %broadcast_in_dim3A_2144 = vector.broadcast %broadcast_in_dim3A_2143 : i32 to vector<16x1xi32>
      %gather3A_2145 = vector.shape_cast %broadcast_in_dim3A_2144 : vector<16x1xi32> to vector<16xi32>
      %gather3A_2146 = tpu.dynamic_gather %get3A_658[%gather3A_2145] in [0] : vector<16xf32>, vector<16xi32> -> vector<16xf32>
      %mul3A_2147 = arith.mulf %gather3A_2146, %get3A_2105 : vector<16xf32>
      %add3A_2148 = arith.addf %add3A_2074, %mul3A_2147 : vector<16xf32>
      %mul3A_2149 = arith.mulf %gather3A_2146, %get3A_2110 : vector<16xf32>
      %add3A_2150 = arith.addf %add3A_2076, %mul3A_2149 : vector<16xf32>
      %broadcast_in_dim3A_2151 = arith.constant 3 : i32
      %broadcast_in_dim3A_2152 = vector.broadcast %broadcast_in_dim3A_2151 : i32 to vector<16x1xi32>
      %gather3A_2153 = vector.shape_cast %broadcast_in_dim3A_2152 : vector<16x1xi32> to vector<16xi32>
      %gather3A_2154 = tpu.dynamic_gather %get3A_670[%gather3A_2153] in [0] : vector<16xf32>, vector<16xi32> -> vector<16xf32>
      %mul3A_2155 = arith.mulf %gather3A_2154, %get3A_2105 : vector<16xf32>
      %add3A_2156 = arith.addf %add3A_2082, %mul3A_2155 : vector<16xf32>
      %mul3A_2157 = arith.mulf %gather3A_2154, %get3A_2110 : vector<16xf32>
      %add3A_2158 = arith.addf %add3A_2084, %mul3A_2157 : vector<16xf32>
      %broadcast_in_dim3A_2159 = arith.constant 3 : i32
      %broadcast_in_dim3A_2160 = vector.broadcast %broadcast_in_dim3A_2159 : i32 to vector<16x1xi32>
      %gather3A_2161 = vector.shape_cast %broadcast_in_dim3A_2160 : vector<16x1xi32> to vector<16xi32>
      %gather3A_2162 = tpu.dynamic_gather %get3A_682[%gather3A_2161] in [0] : vector<16xf32>, vector<16xi32> -> vector<16xf32>
      %mul3A_2163 = arith.mulf %gather3A_2162, %get3A_2105 : vector<16xf32>
      %add3A_2164 = arith.addf %add3A_2090, %mul3A_2163 : vector<16xf32>
      %mul3A_2165 = arith.mulf %gather3A_2162, %get3A_2110 : vector<16xf32>
      %add3A_2166 = arith.addf %add3A_2092, %mul3A_2165 : vector<16xf32>
      %broadcast_in_dim3A_2167 = arith.constant 3 : i32
      %broadcast_in_dim3A_2168 = vector.broadcast %broadcast_in_dim3A_2167 : i32 to vector<16x1xi32>
      %gather3A_2169 = vector.shape_cast %broadcast_in_dim3A_2168 : vector<16x1xi32> to vector<16xi32>
      %gather3A_2170 = tpu.dynamic_gather %get3A_694[%gather3A_2169] in [0] : vector<16xf32>, vector<16xi32> -> vector<16xf32>
      %mul3A_2171 = arith.mulf %gather3A_2170, %get3A_2105 : vector<16xf32>
      %add3A_2172 = arith.addf %add3A_2098, %mul3A_2171 : vector<16xf32>
      %mul3A_2173 = arith.mulf %gather3A_2170, %get3A_2110 : vector<16xf32>
      %add3A_2174 = arith.addf %add3A_2100, %mul3A_2173 : vector<16xf32>
      %get3A_2175 = arith.constant 20 : i32
      %get3A_2176 = arith.index_cast %get3A_2175 : i32 to index
      %get3A_2177 = arith.constant 0 : index
      %get3A_2178 = tpu.vector_load %arg7[%get3A_2176, %get3A_2177] {strides = array<i32>} : memref<32x32xf32, #tpu.memory_space<vmem>>, vector<1x16xf32>,
      %get3A_2179 = vector.shape_cast %get3A_2178 : vector<1x16xf32> to vector<16xf32>
      %get3A_2180 = arith.constant 20 : i32
      %get3A_2181 = arith.index_cast %get3A_2180 : i32 to index
      %get3A_2182 = arith.constant 16 : index
      %get3A_2183 = tpu.vector_load %arg7[%get3A_2181, %get3A_2182] {strides = array<i32>} : memref<32x32xf32, #tpu.memory_space<vmem>>, vector<1x16xf32>,
      %get3A_2184 = vector.shape_cast %get3A_2183 : vector<1x16xf32> to vector<16xf32>
      %broadcast_in_dim3A_2185 = arith.constant 4 : i32
      %broadcast_in_dim3A_2186 = vector.broadcast %broadcast_in_dim3A_2185 : i32 to vector<16x1xi32>
      %gather3A_2187 = vector.shape_cast %broadcast_in_dim3A_2186 : vector<16x1xi32> to vector<16xi32>
      %gather3A_2188 = tpu.dynamic_gather %get3A_610[%gather3A_2187] in [0] : vector<16xf32>, vector<16xi32> -> vector<16xf32>
      %mul3A_2189 = arith.mulf %gather3A_2188, %get3A_2179 : vector<16xf32>
      %add3A_2190 = arith.addf %add3A_2116, %mul3A_2189 : vector<16xf32>
      %mul3A_2191 = arith.mulf %gather3A_2188, %get3A_2184 : vector<16xf32>
      %add3A_2192 = arith.addf %add3A_2118, %mul3A_2191 : vector<16xf32>
      %broadcast_in_dim3A_2193 = arith.constant 4 : i32
      %broadcast_in_dim3A_2194 = vector.broadcast %broadcast_in_dim3A_2193 : i32 to vector<16x1xi32>
      %gather3A_2195 = vector.shape_cast %broadcast_in_dim3A_2194 : vector<16x1xi32> to vector<16xi32>
      %gather3A_2196 = tpu.dynamic_gather %get3A_622[%gather3A_2195] in [0] : vector<16xf32>, vector<16xi32> -> vector<16xf32>
      %mul3A_2197 = arith.mulf %gather3A_2196, %get3A_2179 : vector<16xf32>
      %add3A_2198 = arith.addf %add3A_2124, %mul3A_2197 : vector<16xf32>
      %mul3A_2199 = arith.mulf %gather3A_2196, %get3A_2184 : vector<16xf32>
      %add3A_2200 = arith.addf %add3A_2126, %mul3A_2199 : vector<16xf32>
      %broadcast_in_dim3A_2201 = arith.constant 4 : i32
      %broadcast_in_dim3A_2202 = vector.broadcast %broadcast_in_dim3A_2201 : i32 to vector<16x1xi32>
      %gather3A_2203 = vector.shape_cast %broadcast_in_dim3A_2202 : vector<16x1xi32> to vector<16xi32>
      %gather3A_2204 = tpu.dynamic_gather %get3A_634[%gather3A_2203] in [0] : vector<16xf32>, vector<16xi32> -> vector<16xf32>
      %mul3A_2205 = arith.mulf %gather3A_2204, %get3A_2179 : vector<16xf32>
      %add3A_2206 = arith.addf %add3A_2132, %mul3A_2205 : vector<16xf32>
      %mul3A_2207 = arith.mulf %gather3A_2204, %get3A_2184 : vector<16xf32>
      %add3A_2208 = arith.addf %add3A_2134, %mul3A_2207 : vector<16xf32>
      %broadcast_in_dim3A_2209 = arith.constant 4 : i32
      %broadcast_in_dim3A_2210 = vector.broadcast %broadcast_in_dim3A_2209 : i32 to vector<16x1xi32>
      %gather3A_2211 = vector.shape_cast %broadcast_in_dim3A_2210 : vector<16x1xi32> to vector<16xi32>
      %gather3A_2212 = tpu.dynamic_gather %get3A_646[%gather3A_2211] in [0] : vector<16xf32>, vector<16xi32> -> vector<16xf32>
      %mul3A_2213 = arith.mulf %gather3A_2212, %get3A_2179 : vector<16xf32>
      %add3A_2214 = arith.addf %add3A_2140, %mul3A_2213 : vector<16xf32>
      %mul3A_2215 = arith.mulf %gather3A_2212, %get3A_2184 : vector<16xf32>
      %add3A_2216 = arith.addf %add3A_2142, %mul3A_2215 : vector<16xf32>
      %broadcast_in_dim3A_2217 = arith.constant 4 : i32
      %broadcast_in_dim3A_2218 = vector.broadcast %broadcast_in_dim3A_2217 : i32 to vector<16x1xi32>
      %gather3A_2219 = vector.shape_cast %broadcast_in_dim3A_2218 : vector<16x1xi32> to vector<16xi32>
      %gather3A_2220 = tpu.dynamic_gather %get3A_658[%gather3A_2219] in [0] : vector<16xf32>, vector<16xi32> -> vector<16xf32>
      %mul3A_2221 = arith.mulf %gather3A_2220, %get3A_2179 : vector<16xf32>
      %add3A_2222 = arith.addf %add3A_2148, %mul3A_2221 : vector<16xf32>
      %mul3A_2223 = arith.mulf %gather3A_2220, %get3A_2184 : vector<16xf32>
      %add3A_2224 = arith.addf %add3A_2150, %mul3A_2223 : vector<16xf32>
      %broadcast_in_dim3A_2225 = arith.constant 4 : i32
      %broadcast_in_dim3A_2226 = vector.broadcast %broadcast_in_dim3A_2225 : i32 to vector<16x1xi32>
      %gather3A_2227 = vector.shape_cast %broadcast_in_dim3A_2226 : vector<16x1xi32> to vector<16xi32>
      %gather3A_2228 = tpu.dynamic_gather %get3A_670[%gather3A_2227] in [0] : vector<16xf32>, vector<16xi32> -> vector<16xf32>
      %mul3A_2229 = arith.mulf %gather3A_2228, %get3A_2179 : vector<16xf32>
      %add3A_2230 = arith.addf %add3A_2156, %mul3A_2229 : vector<16xf32>
      %mul3A_2231 = arith.mulf %gather3A_2228, %get3A_2184 : vector<16xf32>
      %add3A_2232 = arith.addf %add3A_2158, %mul3A_2231 : vector<16xf32>
      %broadcast_in_dim3A_2233 = arith.constant 4 : i32
      %broadcast_in_dim3A_2234 = vector.broadcast %broadcast_in_dim3A_2233 : i32 to vector<16x1xi32>
      %gather3A_2235 = vector.shape_cast %broadcast_in_dim3A_2234 : vector<16x1xi32> to vector<16xi32>
      %gather3A_2236 = tpu.dynamic_gather %get3A_682[%gather3A_2235] in [0] : vector<16xf32>, vector<16xi32> -> vector<16xf32>
      %mul3A_2237 = arith.mulf %gather3A_2236, %get3A_2179 : vector<16xf32>
      %add3A_2238 = arith.addf %add3A_2164, %mul3A_2237 : vector<16xf32>
      %mul3A_2239 = arith.mulf %gather3A_2236, %get3A_2184 : vector<16xf32>
      %add3A_2240 = arith.addf %add3A_2166, %mul3A_2239 : vector<16xf32>
      %broadcast_in_dim3A_2241 = arith.constant 4 : i32
      %broadcast_in_dim3A_2242 = vector.broadcast %broadcast_in_dim3A_2241 : i32 to vector<16x1xi32>
      %gather3A_2243 = vector.shape_cast %broadcast_in_dim3A_2242 : vector<16x1xi32> to vector<16xi32>
      %gather3A_2244 = tpu.dynamic_gather %get3A_694[%gather3A_2243] in [0] : vector<16xf32>, vector<16xi32> -> vector<16xf32>
      %mul3A_2245 = arith.mulf %gather3A_2244, %get3A_2179 : vector<16xf32>
      %add3A_2246 = arith.addf %add3A_2172, %mul3A_2245 : vector<16xf32>
      %mul3A_2247 = arith.mulf %gather3A_2244, %get3A_2184 : vector<16xf32>
      %add3A_2248 = arith.addf %add3A_2174, %mul3A_2247 : vector<16xf32>
      %get3A_2249 = arith.constant 21 : i32
      %get3A_2250 = arith.index_cast %get3A_2249 : i32 to index
      %get3A_2251 = arith.constant 0 : index
      %get3A_2252 = tpu.vector_load %arg7[%get3A_2250, %get3A_2251] {strides = array<i32>} : memref<32x32xf32, #tpu.memory_space<vmem>>, vector<1x16xf32>,
      %get3A_2253 = vector.shape_cast %get3A_2252 : vector<1x16xf32> to vector<16xf32>
      %get3A_2254 = arith.constant 21 : i32
      %get3A_2255 = arith.index_cast %get3A_2254 : i32 to index
      %get3A_2256 = arith.constant 16 : index
      %get3A_2257 = tpu.vector_load %arg7[%get3A_2255, %get3A_2256] {strides = array<i32>} : memref<32x32xf32, #tpu.memory_space<vmem>>, vector<1x16xf32>,
      %get3A_2258 = vector.shape_cast %get3A_2257 : vector<1x16xf32> to vector<16xf32>
      %broadcast_in_dim3A_2259 = arith.constant 5 : i32
      %broadcast_in_dim3A_2260 = vector.broadcast %broadcast_in_dim3A_2259 : i32 to vector<16x1xi32>
      %gather3A_2261 = vector.shape_cast %broadcast_in_dim3A_2260 : vector<16x1xi32> to vector<16xi32>
      %gather3A_2262 = tpu.dynamic_gather %get3A_610[%gather3A_2261] in [0] : vector<16xf32>, vector<16xi32> -> vector<16xf32>
      %mul3A_2263 = arith.mulf %gather3A_2262, %get3A_2253 : vector<16xf32>
      %add3A_2264 = arith.addf %add3A_2190, %mul3A_2263 : vector<16xf32>
      %mul3A_2265 = arith.mulf %gather3A_2262, %get3A_2258 : vector<16xf32>
      %add3A_2266 = arith.addf %add3A_2192, %mul3A_2265 : vector<16xf32>
      %broadcast_in_dim3A_2267 = arith.constant 5 : i32
      %broadcast_in_dim3A_2268 = vector.broadcast %broadcast_in_dim3A_2267 : i32 to vector<16x1xi32>
      %gather3A_2269 = vector.shape_cast %broadcast_in_dim3A_2268 : vector<16x1xi32> to vector<16xi32>
      %gather3A_2270 = tpu.dynamic_gather %get3A_622[%gather3A_2269] in [0] : vector<16xf32>, vector<16xi32> -> vector<16xf32>
      %mul3A_2271 = arith.mulf %gather3A_2270, %get3A_2253 : vector<16xf32>
      %add3A_2272 = arith.addf %add3A_2198, %mul3A_2271 : vector<16xf32>
      %mul3A_2273 = arith.mulf %gather3A_2270, %get3A_2258 : vector<16xf32>
      %add3A_2274 = arith.addf %add3A_2200, %mul3A_2273 : vector<16xf32>
      %broadcast_in_dim3A_2275 = arith.constant 5 : i32
      %broadcast_in_dim3A_2276 = vector.broadcast %broadcast_in_dim3A_2275 : i32 to vector<16x1xi32>
      %gather3A_2277 = vector.shape_cast %broadcast_in_dim3A_2276 : vector<16x1xi32> to vector<16xi32>
      %gather3A_2278 = tpu.dynamic_gather %get3A_634[%gather3A_2277] in [0] : vector<16xf32>, vector<16xi32> -> vector<16xf32>
      %mul3A_2279 = arith.mulf %gather3A_2278, %get3A_2253 : vector<16xf32>
      %add3A_2280 = arith.addf %add3A_2206, %mul3A_2279 : vector<16xf32>
      %mul3A_2281 = arith.mulf %gather3A_2278, %get3A_2258 : vector<16xf32>
      %add3A_2282 = arith.addf %add3A_2208, %mul3A_2281 : vector<16xf32>
      %broadcast_in_dim3A_2283 = arith.constant 5 : i32
      %broadcast_in_dim3A_2284 = vector.broadcast %broadcast_in_dim3A_2283 : i32 to vector<16x1xi32>
      %gather3A_2285 = vector.shape_cast %broadcast_in_dim3A_2284 : vector<16x1xi32> to vector<16xi32>
      %gather3A_2286 = tpu.dynamic_gather %get3A_646[%gather3A_2285] in [0] : vector<16xf32>, vector<16xi32> -> vector<16xf32>
      %mul3A_2287 = arith.mulf %gather3A_2286, %get3A_2253 : vector<16xf32>
      %add3A_2288 = arith.addf %add3A_2214, %mul3A_2287 : vector<16xf32>
      %mul3A_2289 = arith.mulf %gather3A_2286, %get3A_2258 : vector<16xf32>
      %add3A_2290 = arith.addf %add3A_2216, %mul3A_2289 : vector<16xf32>
      %broadcast_in_dim3A_2291 = arith.constant 5 : i32
      %broadcast_in_dim3A_2292 = vector.broadcast %broadcast_in_dim3A_2291 : i32 to vector<16x1xi32>
      %gather3A_2293 = vector.shape_cast %broadcast_in_dim3A_2292 : vector<16x1xi32> to vector<16xi32>
      %gather3A_2294 = tpu.dynamic_gather %get3A_658[%gather3A_2293] in [0] : vector<16xf32>, vector<16xi32> -> vector<16xf32>
      %mul3A_2295 = arith.mulf %gather3A_2294, %get3A_2253 : vector<16xf32>
      %add3A_2296 = arith.addf %add3A_2222, %mul3A_2295 : vector<16xf32>
      %mul3A_2297 = arith.mulf %gather3A_2294, %get3A_2258 : vector<16xf32>
      %add3A_2298 = arith.addf %add3A_2224, %mul3A_2297 : vector<16xf32>
      %broadcast_in_dim3A_2299 = arith.constant 5 : i32
      %broadcast_in_dim3A_2300 = vector.broadcast %broadcast_in_dim3A_2299 : i32 to vector<16x1xi32>
      %gather3A_2301 = vector.shape_cast %broadcast_in_dim3A_2300 : vector<16x1xi32> to vector<16xi32>
      %gather3A_2302 = tpu.dynamic_gather %get3A_670[%gather3A_2301] in [0] : vector<16xf32>, vector<16xi32> -> vector<16xf32>
      %mul3A_2303 = arith.mulf %gather3A_2302, %get3A_2253 : vector<16xf32>
      %add3A_2304 = arith.addf %add3A_2230, %mul3A_2303 : vector<16xf32>
      %mul3A_2305 = arith.mulf %gather3A_2302, %get3A_2258 : vector<16xf32>
      %add3A_2306 = arith.addf %add3A_2232, %mul3A_2305 : vector<16xf32>
      %broadcast_in_dim3A_2307 = arith.constant 5 : i32
      %broadcast_in_dim3A_2308 = vector.broadcast %broadcast_in_dim3A_2307 : i32 to vector<16x1xi32>
      %gather3A_2309 = vector.shape_cast %broadcast_in_dim3A_2308 : vector<16x1xi32> to vector<16xi32>
      %gather3A_2310 = tpu.dynamic_gather %get3A_682[%gather3A_2309] in [0] : vector<16xf32>, vector<16xi32> -> vector<16xf32>
      %mul3A_2311 = arith.mulf %gather3A_2310, %get3A_2253 : vector<16xf32>
      %add3A_2312 = arith.addf %add3A_2238, %mul3A_2311 : vector<16xf32>
      %mul3A_2313 = arith.mulf %gather3A_2310, %get3A_2258 : vector<16xf32>
      %add3A_2314 = arith.addf %add3A_2240, %mul3A_2313 : vector<16xf32>
      %broadcast_in_dim3A_2315 = arith.constant 5 : i32
      %broadcast_in_dim3A_2316 = vector.broadcast %broadcast_in_dim3A_2315 : i32 to vector<16x1xi32>
      %gather3A_2317 = vector.shape_cast %broadcast_in_dim3A_2316 : vector<16x1xi32> to vector<16xi32>
      %gather3A_2318 = tpu.dynamic_gather %get3A_694[%gather3A_2317] in [0] : vector<16xf32>, vector<16xi32> -> vector<16xf32>
      %mul3A_2319 = arith.mulf %gather3A_2318, %get3A_2253 : vector<16xf32>
      %add3A_2320 = arith.addf %add3A_2246, %mul3A_2319 : vector<16xf32>
      %mul3A_2321 = arith.mulf %gather3A_2318, %get3A_2258 : vector<16xf32>
      %add3A_2322 = arith.addf %add3A_2248, %mul3A_2321 : vector<16xf32>
      %get3A_2323 = arith.constant 22 : i32
      %get3A_2324 = arith.index_cast %get3A_2323 : i32 to index
      %get3A_2325 = arith.constant 0 : index
      %get3A_2326 = tpu.vector_load %arg7[%get3A_2324, %get3A_2325] {strides = array<i32>} : memref<32x32xf32, #tpu.memory_space<vmem>>, vector<1x16xf32>,
      %get3A_2327 = vector.shape_cast %get3A_2326 : vector<1x16xf32> to vector<16xf32>
      %get3A_2328 = arith.constant 22 : i32
      %get3A_2329 = arith.index_cast %get3A_2328 : i32 to index
      %get3A_2330 = arith.constant 16 : index
      %get3A_2331 = tpu.vector_load %arg7[%get3A_2329, %get3A_2330] {strides = array<i32>} : memref<32x32xf32, #tpu.memory_space<vmem>>, vector<1x16xf32>,
      %get3A_2332 = vector.shape_cast %get3A_2331 : vector<1x16xf32> to vector<16xf32>
      %broadcast_in_dim3A_2333 = arith.constant 6 : i32
      %broadcast_in_dim3A_2334 = vector.broadcast %broadcast_in_dim3A_2333 : i32 to vector<16x1xi32>
      %gather3A_2335 = vector.shape_cast %broadcast_in_dim3A_2334 : vector<16x1xi32> to vector<16xi32>
      %gather3A_2336 = tpu.dynamic_gather %get3A_610[%gather3A_2335] in [0] : vector<16xf32>, vector<16xi32> -> vector<16xf32>
      %mul3A_2337 = arith.mulf %gather3A_2336, %get3A_2327 : vector<16xf32>
      %add3A_2338 = arith.addf %add3A_2264, %mul3A_2337 : vector<16xf32>
      %mul3A_2339 = arith.mulf %gather3A_2336, %get3A_2332 : vector<16xf32>
      %add3A_2340 = arith.addf %add3A_2266, %mul3A_2339 : vector<16xf32>
      %broadcast_in_dim3A_2341 = arith.constant 6 : i32
      %broadcast_in_dim3A_2342 = vector.broadcast %broadcast_in_dim3A_2341 : i32 to vector<16x1xi32>
      %gather3A_2343 = vector.shape_cast %broadcast_in_dim3A_2342 : vector<16x1xi32> to vector<16xi32>
      %gather3A_2344 = tpu.dynamic_gather %get3A_622[%gather3A_2343] in [0] : vector<16xf32>, vector<16xi32> -> vector<16xf32>
      %mul3A_2345 = arith.mulf %gather3A_2344, %get3A_2327 : vector<16xf32>
      %add3A_2346 = arith.addf %add3A_2272, %mul3A_2345 : vector<16xf32>
      %mul3A_2347 = arith.mulf %gather3A_2344, %get3A_2332 : vector<16xf32>
      %add3A_2348 = arith.addf %add3A_2274, %mul3A_2347 : vector<16xf32>
      %broadcast_in_dim3A_2349 = arith.constant 6 : i32
      %broadcast_in_dim3A_2350 = vector.broadcast %broadcast_in_dim3A_2349 : i32 to vector<16x1xi32>
      %gather3A_2351 = vector.shape_cast %broadcast_in_dim3A_2350 : vector<16x1xi32> to vector<16xi32>
      %gather3A_2352 = tpu.dynamic_gather %get3A_634[%gather3A_2351] in [0] : vector<16xf32>, vector<16xi32> -> vector<16xf32>
      %mul3A_2353 = arith.mulf %gather3A_2352, %get3A_2327 : vector<16xf32>
      %add3A_2354 = arith.addf %add3A_2280, %mul3A_2353 : vector<16xf32>
      %mul3A_2355 = arith.mulf %gather3A_2352, %get3A_2332 : vector<16xf32>
      %add3A_2356 = arith.addf %add3A_2282, %mul3A_2355 : vector<16xf32>
      %broadcast_in_dim3A_2357 = arith.constant 6 : i32
      %broadcast_in_dim3A_2358 = vector.broadcast %broadcast_in_dim3A_2357 : i32 to vector<16x1xi32>
      %gather3A_2359 = vector.shape_cast %broadcast_in_dim3A_2358 : vector<16x1xi32> to vector<16xi32>
      %gather3A_2360 = tpu.dynamic_gather %get3A_646[%gather3A_2359] in [0] : vector<16xf32>, vector<16xi32> -> vector<16xf32>
      %mul3A_2361 = arith.mulf %gather3A_2360, %get3A_2327 : vector<16xf32>
      %add3A_2362 = arith.addf %add3A_2288, %mul3A_2361 : vector<16xf32>
      %mul3A_2363 = arith.mulf %gather3A_2360, %get3A_2332 : vector<16xf32>
      %add3A_2364 = arith.addf %add3A_2290, %mul3A_2363 : vector<16xf32>
      %broadcast_in_dim3A_2365 = arith.constant 6 : i32
      %broadcast_in_dim3A_2366 = vector.broadcast %broadcast_in_dim3A_2365 : i32 to vector<16x1xi32>
      %gather3A_2367 = vector.shape_cast %broadcast_in_dim3A_2366 : vector<16x1xi32> to vector<16xi32>
      %gather3A_2368 = tpu.dynamic_gather %get3A_658[%gather3A_2367] in [0] : vector<16xf32>, vector<16xi32> -> vector<16xf32>
      %mul3A_2369 = arith.mulf %gather3A_2368, %get3A_2327 : vector<16xf32>
      %add3A_2370 = arith.addf %add3A_2296, %mul3A_2369 : vector<16xf32>
      %mul3A_2371 = arith.mulf %gather3A_2368, %get3A_2332 : vector<16xf32>
      %add3A_2372 = arith.addf %add3A_2298, %mul3A_2371 : vector<16xf32>
      %broadcast_in_dim3A_2373 = arith.constant 6 : i32
      %broadcast_in_dim3A_2374 = vector.broadcast %broadcast_in_dim3A_2373 : i32 to vector<16x1xi32>
      %gather3A_2375 = vector.shape_cast %broadcast_in_dim3A_2374 : vector<16x1xi32> to vector<16xi32>
      %gather3A_2376 = tpu.dynamic_gather %get3A_670[%gather3A_2375] in [0] : vector<16xf32>, vector<16xi32> -> vector<16xf32>
      %mul3A_2377 = arith.mulf %gather3A_2376, %get3A_2327 : vector<16xf32>
      %add3A_2378 = arith.addf %add3A_2304, %mul3A_2377 : vector<16xf32>
      %mul3A_2379 = arith.mulf %gather3A_2376, %get3A_2332 : vector<16xf32>
      %add3A_2380 = arith.addf %add3A_2306, %mul3A_2379 : vector<16xf32>
      %broadcast_in_dim3A_2381 = arith.constant 6 : i32
      %broadcast_in_dim3A_2382 = vector.broadcast %broadcast_in_dim3A_2381 : i32 to vector<16x1xi32>
      %gather3A_2383 = vector.shape_cast %broadcast_in_dim3A_2382 : vector<16x1xi32> to vector<16xi32>
      %gather3A_2384 = tpu.dynamic_gather %get3A_682[%gather3A_2383] in [0] : vector<16xf32>, vector<16xi32> -> vector<16xf32>
      %mul3A_2385 = arith.mulf %gather3A_2384, %get3A_2327 : vector<16xf32>
      %add3A_2386 = arith.addf %add3A_2312, %mul3A_2385 : vector<16xf32>
      %mul3A_2387 = arith.mulf %gather3A_2384, %get3A_2332 : vector<16xf32>
      %add3A_2388 = arith.addf %add3A_2314, %mul3A_2387 : vector<16xf32>
      %broadcast_in_dim3A_2389 = arith.constant 6 : i32
      %broadcast_in_dim3A_2390 = vector.broadcast %broadcast_in_dim3A_2389 : i32 to vector<16x1xi32>
      %gather3A_2391 = vector.shape_cast %broadcast_in_dim3A_2390 : vector<16x1xi32> to vector<16xi32>
      %gather3A_2392 = tpu.dynamic_gather %get3A_694[%gather3A_2391] in [0] : vector<16xf32>, vector<16xi32> -> vector<16xf32>
      %mul3A_2393 = arith.mulf %gather3A_2392, %get3A_2327 : vector<16xf32>
      %add3A_2394 = arith.addf %add3A_2320, %mul3A_2393 : vector<16xf32>
      %mul3A_2395 = arith.mulf %gather3A_2392, %get3A_2332 : vector<16xf32>
      %add3A_2396 = arith.addf %add3A_2322, %mul3A_2395 : vector<16xf32>
      %get3A_2397 = arith.constant 23 : i32
      %get3A_2398 = arith.index_cast %get3A_2397 : i32 to index
      %get3A_2399 = arith.constant 0 : index
      %get3A_2400 = tpu.vector_load %arg7[%get3A_2398, %get3A_2399] {strides = array<i32>} : memref<32x32xf32, #tpu.memory_space<vmem>>, vector<1x16xf32>,
      %get3A_2401 = vector.shape_cast %get3A_2400 : vector<1x16xf32> to vector<16xf32>
      %get3A_2402 = arith.constant 23 : i32
      %get3A_2403 = arith.index_cast %get3A_2402 : i32 to index
      %get3A_2404 = arith.constant 16 : index
      %get3A_2405 = tpu.vector_load %arg7[%get3A_2403, %get3A_2404] {strides = array<i32>} : memref<32x32xf32, #tpu.memory_space<vmem>>, vector<1x16xf32>,
      %get3A_2406 = vector.shape_cast %get3A_2405 : vector<1x16xf32> to vector<16xf32>
      %broadcast_in_dim3A_2407 = arith.constant 7 : i32
      %broadcast_in_dim3A_2408 = vector.broadcast %broadcast_in_dim3A_2407 : i32 to vector<16x1xi32>
      %gather3A_2409 = vector.shape_cast %broadcast_in_dim3A_2408 : vector<16x1xi32> to vector<16xi32>
      %gather3A_2410 = tpu.dynamic_gather %get3A_610[%gather3A_2409] in [0] : vector<16xf32>, vector<16xi32> -> vector<16xf32>
      %mul3A_2411 = arith.mulf %gather3A_2410, %get3A_2401 : vector<16xf32>
      %add3A_2412 = arith.addf %add3A_2338, %mul3A_2411 : vector<16xf32>
      %mul3A_2413 = arith.mulf %gather3A_2410, %get3A_2406 : vector<16xf32>
      %add3A_2414 = arith.addf %add3A_2340, %mul3A_2413 : vector<16xf32>
      %broadcast_in_dim3A_2415 = arith.constant 7 : i32
      %broadcast_in_dim3A_2416 = vector.broadcast %broadcast_in_dim3A_2415 : i32 to vector<16x1xi32>
      %gather3A_2417 = vector.shape_cast %broadcast_in_dim3A_2416 : vector<16x1xi32> to vector<16xi32>
      %gather3A_2418 = tpu.dynamic_gather %get3A_622[%gather3A_2417] in [0] : vector<16xf32>, vector<16xi32> -> vector<16xf32>
      %mul3A_2419 = arith.mulf %gather3A_2418, %get3A_2401 : vector<16xf32>
      %add3A_2420 = arith.addf %add3A_2346, %mul3A_2419 : vector<16xf32>
      %mul3A_2421 = arith.mulf %gather3A_2418, %get3A_2406 : vector<16xf32>
      %add3A_2422 = arith.addf %add3A_2348, %mul3A_2421 : vector<16xf32>
      %broadcast_in_dim3A_2423 = arith.constant 7 : i32
      %broadcast_in_dim3A_2424 = vector.broadcast %broadcast_in_dim3A_2423 : i32 to vector<16x1xi32>
      %gather3A_2425 = vector.shape_cast %broadcast_in_dim3A_2424 : vector<16x1xi32> to vector<16xi32>
      %gather3A_2426 = tpu.dynamic_gather %get3A_634[%gather3A_2425] in [0] : vector<16xf32>, vector<16xi32> -> vector<16xf32>
      %mul3A_2427 = arith.mulf %gather3A_2426, %get3A_2401 : vector<16xf32>
      %add3A_2428 = arith.addf %add3A_2354, %mul3A_2427 : vector<16xf32>
      %mul3A_2429 = arith.mulf %gather3A_2426, %get3A_2406 : vector<16xf32>
      %add3A_2430 = arith.addf %add3A_2356, %mul3A_2429 : vector<16xf32>
      %broadcast_in_dim3A_2431 = arith.constant 7 : i32
      %broadcast_in_dim3A_2432 = vector.broadcast %broadcast_in_dim3A_2431 : i32 to vector<16x1xi32>
      %gather3A_2433 = vector.shape_cast %broadcast_in_dim3A_2432 : vector<16x1xi32> to vector<16xi32>
      %gather3A_2434 = tpu.dynamic_gather %get3A_646[%gather3A_2433] in [0] : vector<16xf32>, vector<16xi32> -> vector<16xf32>
      %mul3A_2435 = arith.mulf %gather3A_2434, %get3A_2401 : vector<16xf32>
      %add3A_2436 = arith.addf %add3A_2362, %mul3A_2435 : vector<16xf32>
      %mul3A_2437 = arith.mulf %gather3A_2434, %get3A_2406 : vector<16xf32>
      %add3A_2438 = arith.addf %add3A_2364, %mul3A_2437 : vector<16xf32>
      %broadcast_in_dim3A_2439 = arith.constant 7 : i32
      %broadcast_in_dim3A_2440 = vector.broadcast %broadcast_in_dim3A_2439 : i32 to vector<16x1xi32>
      %gather3A_2441 = vector.shape_cast %broadcast_in_dim3A_2440 : vector<16x1xi32> to vector<16xi32>
      %gather3A_2442 = tpu.dynamic_gather %get3A_658[%gather3A_2441] in [0] : vector<16xf32>, vector<16xi32> -> vector<16xf32>
      %mul3A_2443 = arith.mulf %gather3A_2442, %get3A_2401 : vector<16xf32>
      %add3A_2444 = arith.addf %add3A_2370, %mul3A_2443 : vector<16xf32>
      %mul3A_2445 = arith.mulf %gather3A_2442, %get3A_2406 : vector<16xf32>
      %add3A_2446 = arith.addf %add3A_2372, %mul3A_2445 : vector<16xf32>
      %broadcast_in_dim3A_2447 = arith.constant 7 : i32
      %broadcast_in_dim3A_2448 = vector.broadcast %broadcast_in_dim3A_2447 : i32 to vector<16x1xi32>
      %gather3A_2449 = vector.shape_cast %broadcast_in_dim3A_2448 : vector<16x1xi32> to vector<16xi32>
      %gather3A_2450 = tpu.dynamic_gather %get3A_670[%gather3A_2449] in [0] : vector<16xf32>, vector<16xi32> -> vector<16xf32>
      %mul3A_2451 = arith.mulf %gather3A_2450, %get3A_2401 : vector<16xf32>
      %add3A_2452 = arith.addf %add3A_2378, %mul3A_2451 : vector<16xf32>
      %mul3A_2453 = arith.mulf %gather3A_2450, %get3A_2406 : vector<16xf32>
      %add3A_2454 = arith.addf %add3A_2380, %mul3A_2453 : vector<16xf32>
      %broadcast_in_dim3A_2455 = arith.constant 7 : i32
      %broadcast_in_dim3A_2456 = vector.broadcast %broadcast_in_dim3A_2455 : i32 to vector<16x1xi32>
      %gather3A_2457 = vector.shape_cast %broadcast_in_dim3A_2456 : vector<16x1xi32> to vector<16xi32>
      %gather3A_2458 = tpu.dynamic_gather %get3A_682[%gather3A_2457] in [0] : vector<16xf32>, vector<16xi32> -> vector<16xf32>
      %mul3A_2459 = arith.mulf %gather3A_2458, %get3A_2401 : vector<16xf32>
      %add3A_2460 = arith.addf %add3A_2386, %mul3A_2459 : vector<16xf32>
      %mul3A_2461 = arith.mulf %gather3A_2458, %get3A_2406 : vector<16xf32>
      %add3A_2462 = arith.addf %add3A_2388, %mul3A_2461 : vector<16xf32>
      %broadcast_in_dim3A_2463 = arith.constant 7 : i32
      %broadcast_in_dim3A_2464 = vector.broadcast %broadcast_in_dim3A_2463 : i32 to vector<16x1xi32>
      %gather3A_2465 = vector.shape_cast %broadcast_in_dim3A_2464 : vector<16x1xi32> to vector<16xi32>
      %gather3A_2466 = tpu.dynamic_gather %get3A_694[%gather3A_2465] in [0] : vector<16xf32>, vector<16xi32> -> vector<16xf32>
      %mul3A_2467 = arith.mulf %gather3A_2466, %get3A_2401 : vector<16xf32>
      %add3A_2468 = arith.addf %add3A_2394, %mul3A_2467 : vector<16xf32>
      %mul3A_2469 = arith.mulf %gather3A_2466, %get3A_2406 : vector<16xf32>
      %add3A_2470 = arith.addf %add3A_2396, %mul3A_2469 : vector<16xf32>
      %get3A_2471 = arith.constant 24 : i32
      %get3A_2472 = arith.index_cast %get3A_2471 : i32 to index
      %get3A_2473 = arith.constant 0 : index
      %get3A_2474 = tpu.vector_load %arg7[%get3A_2472, %get3A_2473] {strides = array<i32>} : memref<32x32xf32, #tpu.memory_space<vmem>>, vector<1x16xf32>,
      %get3A_2475 = vector.shape_cast %get3A_2474 : vector<1x16xf32> to vector<16xf32>
      %get3A_2476 = arith.constant 24 : i32
      %get3A_2477 = arith.index_cast %get3A_2476 : i32 to index
      %get3A_2478 = arith.constant 16 : index
      %get3A_2479 = tpu.vector_load %arg7[%get3A_2477, %get3A_2478] {strides = array<i32>} : memref<32x32xf32, #tpu.memory_space<vmem>>, vector<1x16xf32>,
      %get3A_2480 = vector.shape_cast %get3A_2479 : vector<1x16xf32> to vector<16xf32>
      %broadcast_in_dim3A_2481 = arith.constant 8 : i32
      %broadcast_in_dim3A_2482 = vector.broadcast %broadcast_in_dim3A_2481 : i32 to vector<16x1xi32>
      %gather3A_2483 = vector.shape_cast %broadcast_in_dim3A_2482 : vector<16x1xi32> to vector<16xi32>
      %gather3A_2484 = tpu.dynamic_gather %get3A_610[%gather3A_2483] in [0] : vector<16xf32>, vector<16xi32> -> vector<16xf32>
      %mul3A_2485 = arith.mulf %gather3A_2484, %get3A_2475 : vector<16xf32>
      %add3A_2486 = arith.addf %add3A_2412, %mul3A_2485 : vector<16xf32>
      %mul3A_2487 = arith.mulf %gather3A_2484, %get3A_2480 : vector<16xf32>
      %add3A_2488 = arith.addf %add3A_2414, %mul3A_2487 : vector<16xf32>
      %broadcast_in_dim3A_2489 = arith.constant 8 : i32
      %broadcast_in_dim3A_2490 = vector.broadcast %broadcast_in_dim3A_2489 : i32 to vector<16x1xi32>
      %gather3A_2491 = vector.shape_cast %broadcast_in_dim3A_2490 : vector<16x1xi32> to vector<16xi32>
      %gather3A_2492 = tpu.dynamic_gather %get3A_622[%gather3A_2491] in [0] : vector<16xf32>, vector<16xi32> -> vector<16xf32>
      %mul3A_2493 = arith.mulf %gather3A_2492, %get3A_2475 : vector<16xf32>
      %add3A_2494 = arith.addf %add3A_2420, %mul3A_2493 : vector<16xf32>
      %mul3A_2495 = arith.mulf %gather3A_2492, %get3A_2480 : vector<16xf32>
      %add3A_2496 = arith.addf %add3A_2422, %mul3A_2495 : vector<16xf32>
      %broadcast_in_dim3A_2497 = arith.constant 8 : i32
      %broadcast_in_dim3A_2498 = vector.broadcast %broadcast_in_dim3A_2497 : i32 to vector<16x1xi32>
      %gather3A_2499 = vector.shape_cast %broadcast_in_dim3A_2498 : vector<16x1xi32> to vector<16xi32>
      %gather3A_2500 = tpu.dynamic_gather %get3A_634[%gather3A_2499] in [0] : vector<16xf32>, vector<16xi32> -> vector<16xf32>
      %mul3A_2501 = arith.mulf %gather3A_2500, %get3A_2475 : vector<16xf32>
      %add3A_2502 = arith.addf %add3A_2428, %mul3A_2501 : vector<16xf32>
      %mul3A_2503 = arith.mulf %gather3A_2500, %get3A_2480 : vector<16xf32>
      %add3A_2504 = arith.addf %add3A_2430, %mul3A_2503 : vector<16xf32>
      %broadcast_in_dim3A_2505 = arith.constant 8 : i32
      %broadcast_in_dim3A_2506 = vector.broadcast %broadcast_in_dim3A_2505 : i32 to vector<16x1xi32>
      %gather3A_2507 = vector.shape_cast %broadcast_in_dim3A_2506 : vector<16x1xi32> to vector<16xi32>
      %gather3A_2508 = tpu.dynamic_gather %get3A_646[%gather3A_2507] in [0] : vector<16xf32>, vector<16xi32> -> vector<16xf32>
      %mul3A_2509 = arith.mulf %gather3A_2508, %get3A_2475 : vector<16xf32>
      %add3A_2510 = arith.addf %add3A_2436, %mul3A_2509 : vector<16xf32>
      %mul3A_2511 = arith.mulf %gather3A_2508, %get3A_2480 : vector<16xf32>
      %add3A_2512 = arith.addf %add3A_2438, %mul3A_2511 : vector<16xf32>
      %broadcast_in_dim3A_2513 = arith.constant 8 : i32
      %broadcast_in_dim3A_2514 = vector.broadcast %broadcast_in_dim3A_2513 : i32 to vector<16x1xi32>
      %gather3A_2515 = vector.shape_cast %broadcast_in_dim3A_2514 : vector<16x1xi32> to vector<16xi32>
      %gather3A_2516 = tpu.dynamic_gather %get3A_658[%gather3A_2515] in [0] : vector<16xf32>, vector<16xi32> -> vector<16xf32>
      %mul3A_2517 = arith.mulf %gather3A_2516, %get3A_2475 : vector<16xf32>
      %add3A_2518 = arith.addf %add3A_2444, %mul3A_2517 : vector<16xf32>
      %mul3A_2519 = arith.mulf %gather3A_2516, %get3A_2480 : vector<16xf32>
      %add3A_2520 = arith.addf %add3A_2446, %mul3A_2519 : vector<16xf32>
      %broadcast_in_dim3A_2521 = arith.constant 8 : i32
      %broadcast_in_dim3A_2522 = vector.broadcast %broadcast_in_dim3A_2521 : i32 to vector<16x1xi32>
      %gather3A_2523 = vector.shape_cast %broadcast_in_dim3A_2522 : vector<16x1xi32> to vector<16xi32>
      %gather3A_2524 = tpu.dynamic_gather %get3A_670[%gather3A_2523] in [0] : vector<16xf32>, vector<16xi32> -> vector<16xf32>
      %mul3A_2525 = arith.mulf %gather3A_2524, %get3A_2475 : vector<16xf32>
      %add3A_2526 = arith.addf %add3A_2452, %mul3A_2525 : vector<16xf32>
      %mul3A_2527 = arith.mulf %gather3A_2524, %get3A_2480 : vector<16xf32>
      %add3A_2528 = arith.addf %add3A_2454, %mul3A_2527 : vector<16xf32>
      %broadcast_in_dim3A_2529 = arith.constant 8 : i32
      %broadcast_in_dim3A_2530 = vector.broadcast %broadcast_in_dim3A_2529 : i32 to vector<16x1xi32>
      %gather3A_2531 = vector.shape_cast %broadcast_in_dim3A_2530 : vector<16x1xi32> to vector<16xi32>
      %gather3A_2532 = tpu.dynamic_gather %get3A_682[%gather3A_2531] in [0] : vector<16xf32>, vector<16xi32> -> vector<16xf32>
      %mul3A_2533 = arith.mulf %gather3A_2532, %get3A_2475 : vector<16xf32>
      %add3A_2534 = arith.addf %add3A_2460, %mul3A_2533 : vector<16xf32>
      %mul3A_2535 = arith.mulf %gather3A_2532, %get3A_2480 : vector<16xf32>
      %add3A_2536 = arith.addf %add3A_2462, %mul3A_2535 : vector<16xf32>
      %broadcast_in_dim3A_2537 = arith.constant 8 : i32
      %broadcast_in_dim3A_2538 = vector.broadcast %broadcast_in_dim3A_2537 : i32 to vector<16x1xi32>
      %gather3A_2539 = vector.shape_cast %broadcast_in_dim3A_2538 : vector<16x1xi32> to vector<16xi32>
      %gather3A_2540 = tpu.dynamic_gather %get3A_694[%gather3A_2539] in [0] : vector<16xf32>, vector<16xi32> -> vector<16xf32>
      %mul3A_2541 = arith.mulf %gather3A_2540, %get3A_2475 : vector<16xf32>
      %add3A_2542 = arith.addf %add3A_2468, %mul3A_2541 : vector<16xf32>
      %mul3A_2543 = arith.mulf %gather3A_2540, %get3A_2480 : vector<16xf32>
      %add3A_2544 = arith.addf %add3A_2470, %mul3A_2543 : vector<16xf32>
      %get3A_2545 = arith.constant 25 : i32
      %get3A_2546 = arith.index_cast %get3A_2545 : i32 to index
      %get3A_2547 = arith.constant 0 : index
      %get3A_2548 = tpu.vector_load %arg7[%get3A_2546, %get3A_2547] {strides = array<i32>} : memref<32x32xf32, #tpu.memory_space<vmem>>, vector<1x16xf32>,
      %get3A_2549 = vector.shape_cast %get3A_2548 : vector<1x16xf32> to vector<16xf32>
      %get3A_2550 = arith.constant 25 : i32
      %get3A_2551 = arith.index_cast %get3A_2550 : i32 to index
      %get3A_2552 = arith.constant 16 : index
      %get3A_2553 = tpu.vector_load %arg7[%get3A_2551, %get3A_2552] {strides = array<i32>} : memref<32x32xf32, #tpu.memory_space<vmem>>, vector<1x16xf32>,
      %get3A_2554 = vector.shape_cast %get3A_2553 : vector<1x16xf32> to vector<16xf32>
      %broadcast_in_dim3A_2555 = arith.constant 9 : i32
      %broadcast_in_dim3A_2556 = vector.broadcast %broadcast_in_dim3A_2555 : i32 to vector<16x1xi32>
      %gather3A_2557 = vector.shape_cast %broadcast_in_dim3A_2556 : vector<16x1xi32> to vector<16xi32>
      %gather3A_2558 = tpu.dynamic_gather %get3A_610[%gather3A_2557] in [0] : vector<16xf32>, vector<16xi32> -> vector<16xf32>
      %mul3A_2559 = arith.mulf %gather3A_2558, %get3A_2549 : vector<16xf32>
      %add3A_2560 = arith.addf %add3A_2486, %mul3A_2559 : vector<16xf32>
      %mul3A_2561 = arith.mulf %gather3A_2558, %get3A_2554 : vector<16xf32>
      %add3A_2562 = arith.addf %add3A_2488, %mul3A_2561 : vector<16xf32>
      %broadcast_in_dim3A_2563 = arith.constant 9 : i32
      %broadcast_in_dim3A_2564 = vector.broadcast %broadcast_in_dim3A_2563 : i32 to vector<16x1xi32>
      %gather3A_2565 = vector.shape_cast %broadcast_in_dim3A_2564 : vector<16x1xi32> to vector<16xi32>
      %gather3A_2566 = tpu.dynamic_gather %get3A_622[%gather3A_2565] in [0] : vector<16xf32>, vector<16xi32> -> vector<16xf32>
      %mul3A_2567 = arith.mulf %gather3A_2566, %get3A_2549 : vector<16xf32>
      %add3A_2568 = arith.addf %add3A_2494, %mul3A_2567 : vector<16xf32>
      %mul3A_2569 = arith.mulf %gather3A_2566, %get3A_2554 : vector<16xf32>
      %add3A_2570 = arith.addf %add3A_2496, %mul3A_2569 : vector<16xf32>
      %broadcast_in_dim3A_2571 = arith.constant 9 : i32
      %broadcast_in_dim3A_2572 = vector.broadcast %broadcast_in_dim3A_2571 : i32 to vector<16x1xi32>
      %gather3A_2573 = vector.shape_cast %broadcast_in_dim3A_2572 : vector<16x1xi32> to vector<16xi32>
      %gather3A_2574 = tpu.dynamic_gather %get3A_634[%gather3A_2573] in [0] : vector<16xf32>, vector<16xi32> -> vector<16xf32>
      %mul3A_2575 = arith.mulf %gather3A_2574, %get3A_2549 : vector<16xf32>
      %add3A_2576 = arith.addf %add3A_2502, %mul3A_2575 : vector<16xf32>
      %mul3A_2577 = arith.mulf %gather3A_2574, %get3A_2554 : vector<16xf32>
      %add3A_2578 = arith.addf %add3A_2504, %mul3A_2577 : vector<16xf32>
      %broadcast_in_dim3A_2579 = arith.constant 9 : i32
      %broadcast_in_dim3A_2580 = vector.broadcast %broadcast_in_dim3A_2579 : i32 to vector<16x1xi32>
      %gather3A_2581 = vector.shape_cast %broadcast_in_dim3A_2580 : vector<16x1xi32> to vector<16xi32>
      %gather3A_2582 = tpu.dynamic_gather %get3A_646[%gather3A_2581] in [0] : vector<16xf32>, vector<16xi32> -> vector<16xf32>
      %mul3A_2583 = arith.mulf %gather3A_2582, %get3A_2549 : vector<16xf32>
      %add3A_2584 = arith.addf %add3A_2510, %mul3A_2583 : vector<16xf32>
      %mul3A_2585 = arith.mulf %gather3A_2582, %get3A_2554 : vector<16xf32>
      %add3A_2586 = arith.addf %add3A_2512, %mul3A_2585 : vector<16xf32>
      %broadcast_in_dim3A_2587 = arith.constant 9 : i32
      %broadcast_in_dim3A_2588 = vector.broadcast %broadcast_in_dim3A_2587 : i32 to vector<16x1xi32>
      %gather3A_2589 = vector.shape_cast %broadcast_in_dim3A_2588 : vector<16x1xi32> to vector<16xi32>
      %gather3A_2590 = tpu.dynamic_gather %get3A_658[%gather3A_2589] in [0] : vector<16xf32>, vector<16xi32> -> vector<16xf32>
      %mul3A_2591 = arith.mulf %gather3A_2590, %get3A_2549 : vector<16xf32>
      %add3A_2592 = arith.addf %add3A_2518, %mul3A_2591 : vector<16xf32>
      %mul3A_2593 = arith.mulf %gather3A_2590, %get3A_2554 : vector<16xf32>
      %add3A_2594 = arith.addf %add3A_2520, %mul3A_2593 : vector<16xf32>
      %broadcast_in_dim3A_2595 = arith.constant 9 : i32
      %broadcast_in_dim3A_2596 = vector.broadcast %broadcast_in_dim3A_2595 : i32 to vector<16x1xi32>
      %gather3A_2597 = vector.shape_cast %broadcast_in_dim3A_2596 : vector<16x1xi32> to vector<16xi32>
      %gather3A_2598 = tpu.dynamic_gather %get3A_670[%gather3A_2597] in [0] : vector<16xf32>, vector<16xi32> -> vector<16xf32>
      %mul3A_2599 = arith.mulf %gather3A_2598, %get3A_2549 : vector<16xf32>
      %add3A_2600 = arith.addf %add3A_2526, %mul3A_2599 : vector<16xf32>
      %mul3A_2601 = arith.mulf %gather3A_2598, %get3A_2554 : vector<16xf32>
      %add3A_2602 = arith.addf %add3A_2528, %mul3A_2601 : vector<16xf32>
      %broadcast_in_dim3A_2603 = arith.constant 9 : i32
      %broadcast_in_dim3A_2604 = vector.broadcast %broadcast_in_dim3A_2603 : i32 to vector<16x1xi32>
      %gather3A_2605 = vector.shape_cast %broadcast_in_dim3A_2604 : vector<16x1xi32> to vector<16xi32>
      %gather3A_2606 = tpu.dynamic_gather %get3A_682[%gather3A_2605] in [0] : vector<16xf32>, vector<16xi32> -> vector<16xf32>
      %mul3A_2607 = arith.mulf %gather3A_2606, %get3A_2549 : vector<16xf32>
      %add3A_2608 = arith.addf %add3A_2534, %mul3A_2607 : vector<16xf32>
      %mul3A_2609 = arith.mulf %gather3A_2606, %get3A_2554 : vector<16xf32>
      %add3A_2610 = arith.addf %add3A_2536, %mul3A_2609 : vector<16xf32>
      %broadcast_in_dim3A_2611 = arith.constant 9 : i32
      %broadcast_in_dim3A_2612 = vector.broadcast %broadcast_in_dim3A_2611 : i32 to vector<16x1xi32>
      %gather3A_2613 = vector.shape_cast %broadcast_in_dim3A_2612 : vector<16x1xi32> to vector<16xi32>
      %gather3A_2614 = tpu.dynamic_gather %get3A_694[%gather3A_2613] in [0] : vector<16xf32>, vector<16xi32> -> vector<16xf32>
      %mul3A_2615 = arith.mulf %gather3A_2614, %get3A_2549 : vector<16xf32>
      %add3A_2616 = arith.addf %add3A_2542, %mul3A_2615 : vector<16xf32>
      %mul3A_2617 = arith.mulf %gather3A_2614, %get3A_2554 : vector<16xf32>
      %add3A_2618 = arith.addf %add3A_2544, %mul3A_2617 : vector<16xf32>
      %get3A_2619 = arith.constant 26 : i32
      %get3A_2620 = arith.index_cast %get3A_2619 : i32 to index
      %get3A_2621 = arith.constant 0 : index
      %get3A_2622 = tpu.vector_load %arg7[%get3A_2620, %get3A_2621] {strides = array<i32>} : memref<32x32xf32, #tpu.memory_space<vmem>>, vector<1x16xf32>,
      %get3A_2623 = vector.shape_cast %get3A_2622 : vector<1x16xf32> to vector<16xf32>
      %get3A_2624 = arith.constant 26 : i32
      %get3A_2625 = arith.index_cast %get3A_2624 : i32 to index
      %get3A_2626 = arith.constant 16 : index
      %get3A_2627 = tpu.vector_load %arg7[%get3A_2625, %get3A_2626] {strides = array<i32>} : memref<32x32xf32, #tpu.memory_space<vmem>>, vector<1x16xf32>,
      %get3A_2628 = vector.shape_cast %get3A_2627 : vector<1x16xf32> to vector<16xf32>
      %broadcast_in_dim3A_2629 = arith.constant 10 : i32
      %broadcast_in_dim3A_2630 = vector.broadcast %broadcast_in_dim3A_2629 : i32 to vector<16x1xi32>
      %gather3A_2631 = vector.shape_cast %broadcast_in_dim3A_2630 : vector<16x1xi32> to vector<16xi32>
      %gather3A_2632 = tpu.dynamic_gather %get3A_610[%gather3A_2631] in [0] : vector<16xf32>, vector<16xi32> -> vector<16xf32>
      %mul3A_2633 = arith.mulf %gather3A_2632, %get3A_2623 : vector<16xf32>
      %add3A_2634 = arith.addf %add3A_2560, %mul3A_2633 : vector<16xf32>
      %mul3A_2635 = arith.mulf %gather3A_2632, %get3A_2628 : vector<16xf32>
      %add3A_2636 = arith.addf %add3A_2562, %mul3A_2635 : vector<16xf32>
      %broadcast_in_dim3A_2637 = arith.constant 10 : i32
      %broadcast_in_dim3A_2638 = vector.broadcast %broadcast_in_dim3A_2637 : i32 to vector<16x1xi32>
      %gather3A_2639 = vector.shape_cast %broadcast_in_dim3A_2638 : vector<16x1xi32> to vector<16xi32>
      %gather3A_2640 = tpu.dynamic_gather %get3A_622[%gather3A_2639] in [0] : vector<16xf32>, vector<16xi32> -> vector<16xf32>
      %mul3A_2641 = arith.mulf %gather3A_2640, %get3A_2623 : vector<16xf32>
      %add3A_2642 = arith.addf %add3A_2568, %mul3A_2641 : vector<16xf32>
      %mul3A_2643 = arith.mulf %gather3A_2640, %get3A_2628 : vector<16xf32>
      %add3A_2644 = arith.addf %add3A_2570, %mul3A_2643 : vector<16xf32>
      %broadcast_in_dim3A_2645 = arith.constant 10 : i32
      %broadcast_in_dim3A_2646 = vector.broadcast %broadcast_in_dim3A_2645 : i32 to vector<16x1xi32>
      %gather3A_2647 = vector.shape_cast %broadcast_in_dim3A_2646 : vector<16x1xi32> to vector<16xi32>
      %gather3A_2648 = tpu.dynamic_gather %get3A_634[%gather3A_2647] in [0] : vector<16xf32>, vector<16xi32> -> vector<16xf32>
      %mul3A_2649 = arith.mulf %gather3A_2648, %get3A_2623 : vector<16xf32>
      %add3A_2650 = arith.addf %add3A_2576, %mul3A_2649 : vector<16xf32>
      %mul3A_2651 = arith.mulf %gather3A_2648, %get3A_2628 : vector<16xf32>
      %add3A_2652 = arith.addf %add3A_2578, %mul3A_2651 : vector<16xf32>
      %broadcast_in_dim3A_2653 = arith.constant 10 : i32
      %broadcast_in_dim3A_2654 = vector.broadcast %broadcast_in_dim3A_2653 : i32 to vector<16x1xi32>
      %gather3A_2655 = vector.shape_cast %broadcast_in_dim3A_2654 : vector<16x1xi32> to vector<16xi32>
      %gather3A_2656 = tpu.dynamic_gather %get3A_646[%gather3A_2655] in [0] : vector<16xf32>, vector<16xi32> -> vector<16xf32>
      %mul3A_2657 = arith.mulf %gather3A_2656, %get3A_2623 : vector<16xf32>
      %add3A_2658 = arith.addf %add3A_2584, %mul3A_2657 : vector<16xf32>
      %mul3A_2659 = arith.mulf %gather3A_2656, %get3A_2628 : vector<16xf32>
      %add3A_2660 = arith.addf %add3A_2586, %mul3A_2659 : vector<16xf32>
      %broadcast_in_dim3A_2661 = arith.constant 10 : i32
      %broadcast_in_dim3A_2662 = vector.broadcast %broadcast_in_dim3A_2661 : i32 to vector<16x1xi32>
      %gather3A_2663 = vector.shape_cast %broadcast_in_dim3A_2662 : vector<16x1xi32> to vector<16xi32>
      %gather3A_2664 = tpu.dynamic_gather %get3A_658[%gather3A_2663] in [0] : vector<16xf32>, vector<16xi32> -> vector<16xf32>
      %mul3A_2665 = arith.mulf %gather3A_2664, %get3A_2623 : vector<16xf32>
      %add3A_2666 = arith.addf %add3A_2592, %mul3A_2665 : vector<16xf32>
      %mul3A_2667 = arith.mulf %gather3A_2664, %get3A_2628 : vector<16xf32>
      %add3A_2668 = arith.addf %add3A_2594, %mul3A_2667 : vector<16xf32>
      %broadcast_in_dim3A_2669 = arith.constant 10 : i32
      %broadcast_in_dim3A_2670 = vector.broadcast %broadcast_in_dim3A_2669 : i32 to vector<16x1xi32>
      %gather3A_2671 = vector.shape_cast %broadcast_in_dim3A_2670 : vector<16x1xi32> to vector<16xi32>
      %gather3A_2672 = tpu.dynamic_gather %get3A_670[%gather3A_2671] in [0] : vector<16xf32>, vector<16xi32> -> vector<16xf32>
      %mul3A_2673 = arith.mulf %gather3A_2672, %get3A_2623 : vector<16xf32>
      %add3A_2674 = arith.addf %add3A_2600, %mul3A_2673 : vector<16xf32>
      %mul3A_2675 = arith.mulf %gather3A_2672, %get3A_2628 : vector<16xf32>
      %add3A_2676 = arith.addf %add3A_2602, %mul3A_2675 : vector<16xf32>
      %broadcast_in_dim3A_2677 = arith.constant 10 : i32
      %broadcast_in_dim3A_2678 = vector.broadcast %broadcast_in_dim3A_2677 : i32 to vector<16x1xi32>
      %gather3A_2679 = vector.shape_cast %broadcast_in_dim3A_2678 : vector<16x1xi32> to vector<16xi32>
      %gather3A_2680 = tpu.dynamic_gather %get3A_682[%gather3A_2679] in [0] : vector<16xf32>, vector<16xi32> -> vector<16xf32>
      %mul3A_2681 = arith.mulf %gather3A_2680, %get3A_2623 : vector<16xf32>
      %add3A_2682 = arith.addf %add3A_2608, %mul3A_2681 : vector<16xf32>
      %mul3A_2683 = arith.mulf %gather3A_2680, %get3A_2628 : vector<16xf32>
      %add3A_2684 = arith.addf %add3A_2610, %mul3A_2683 : vector<16xf32>
      %broadcast_in_dim3A_2685 = arith.constant 10 : i32
      %broadcast_in_dim3A_2686 = vector.broadcast %broadcast_in_dim3A_2685 : i32 to vector<16x1xi32>
      %gather3A_2687 = vector.shape_cast %broadcast_in_dim3A_2686 : vector<16x1xi32> to vector<16xi32>
      %gather3A_2688 = tpu.dynamic_gather %get3A_694[%gather3A_2687] in [0] : vector<16xf32>, vector<16xi32> -> vector<16xf32>
      %mul3A_2689 = arith.mulf %gather3A_2688, %get3A_2623 : vector<16xf32>
      %add3A_2690 = arith.addf %add3A_2616, %mul3A_2689 : vector<16xf32>
      %mul3A_2691 = arith.mulf %gather3A_2688, %get3A_2628 : vector<16xf32>
      %add3A_2692 = arith.addf %add3A_2618, %mul3A_2691 : vector<16xf32>
      %get3A_2693 = arith.constant 27 : i32
      %get3A_2694 = arith.index_cast %get3A_2693 : i32 to index
      %get3A_2695 = arith.constant 0 : index
      %get3A_2696 = tpu.vector_load %arg7[%get3A_2694, %get3A_2695] {strides = array<i32>} : memref<32x32xf32, #tpu.memory_space<vmem>>, vector<1x16xf32>,
      %get3A_2697 = vector.shape_cast %get3A_2696 : vector<1x16xf32> to vector<16xf32>
      %get3A_2698 = arith.constant 27 : i32
      %get3A_2699 = arith.index_cast %get3A_2698 : i32 to index
      %get3A_2700 = arith.constant 16 : index
      %get3A_2701 = tpu.vector_load %arg7[%get3A_2699, %get3A_2700] {strides = array<i32>} : memref<32x32xf32, #tpu.memory_space<vmem>>, vector<1x16xf32>,
      %get3A_2702 = vector.shape_cast %get3A_2701 : vector<1x16xf32> to vector<16xf32>
      %broadcast_in_dim3A_2703 = arith.constant 11 : i32
      %broadcast_in_dim3A_2704 = vector.broadcast %broadcast_in_dim3A_2703 : i32 to vector<16x1xi32>
      %gather3A_2705 = vector.shape_cast %broadcast_in_dim3A_2704 : vector<16x1xi32> to vector<16xi32>
      %gather3A_2706 = tpu.dynamic_gather %get3A_610[%gather3A_2705] in [0] : vector<16xf32>, vector<16xi32> -> vector<16xf32>
      %mul3A_2707 = arith.mulf %gather3A_2706, %get3A_2697 : vector<16xf32>
      %add3A_2708 = arith.addf %add3A_2634, %mul3A_2707 : vector<16xf32>
      %mul3A_2709 = arith.mulf %gather3A_2706, %get3A_2702 : vector<16xf32>
      %add3A_2710 = arith.addf %add3A_2636, %mul3A_2709 : vector<16xf32>
      %broadcast_in_dim3A_2711 = arith.constant 11 : i32
      %broadcast_in_dim3A_2712 = vector.broadcast %broadcast_in_dim3A_2711 : i32 to vector<16x1xi32>
      %gather3A_2713 = vector.shape_cast %broadcast_in_dim3A_2712 : vector<16x1xi32> to vector<16xi32>
      %gather3A_2714 = tpu.dynamic_gather %get3A_622[%gather3A_2713] in [0] : vector<16xf32>, vector<16xi32> -> vector<16xf32>
      %mul3A_2715 = arith.mulf %gather3A_2714, %get3A_2697 : vector<16xf32>
      %add3A_2716 = arith.addf %add3A_2642, %mul3A_2715 : vector<16xf32>
      %mul3A_2717 = arith.mulf %gather3A_2714, %get3A_2702 : vector<16xf32>
      %add3A_2718 = arith.addf %add3A_2644, %mul3A_2717 : vector<16xf32>
      %broadcast_in_dim3A_2719 = arith.constant 11 : i32
      %broadcast_in_dim3A_2720 = vector.broadcast %broadcast_in_dim3A_2719 : i32 to vector<16x1xi32>
      %gather3A_2721 = vector.shape_cast %broadcast_in_dim3A_2720 : vector<16x1xi32> to vector<16xi32>
      %gather3A_2722 = tpu.dynamic_gather %get3A_634[%gather3A_2721] in [0] : vector<16xf32>, vector<16xi32> -> vector<16xf32>
      %mul3A_2723 = arith.mulf %gather3A_2722, %get3A_2697 : vector<16xf32>
      %add3A_2724 = arith.addf %add3A_2650, %mul3A_2723 : vector<16xf32>
      %mul3A_2725 = arith.mulf %gather3A_2722, %get3A_2702 : vector<16xf32>
      %add3A_2726 = arith.addf %add3A_2652, %mul3A_2725 : vector<16xf32>
      %broadcast_in_dim3A_2727 = arith.constant 11 : i32
      %broadcast_in_dim3A_2728 = vector.broadcast %broadcast_in_dim3A_2727 : i32 to vector<16x1xi32>
      %gather3A_2729 = vector.shape_cast %broadcast_in_dim3A_2728 : vector<16x1xi32> to vector<16xi32>
      %gather3A_2730 = tpu.dynamic_gather %get3A_646[%gather3A_2729] in [0] : vector<16xf32>, vector<16xi32> -> vector<16xf32>
      %mul3A_2731 = arith.mulf %gather3A_2730, %get3A_2697 : vector<16xf32>
      %add3A_2732 = arith.addf %add3A_2658, %mul3A_2731 : vector<16xf32>
      %mul3A_2733 = arith.mulf %gather3A_2730, %get3A_2702 : vector<16xf32>
      %add3A_2734 = arith.addf %add3A_2660, %mul3A_2733 : vector<16xf32>
      %broadcast_in_dim3A_2735 = arith.constant 11 : i32
      %broadcast_in_dim3A_2736 = vector.broadcast %broadcast_in_dim3A_2735 : i32 to vector<16x1xi32>
      %gather3A_2737 = vector.shape_cast %broadcast_in_dim3A_2736 : vector<16x1xi32> to vector<16xi32>
      %gather3A_2738 = tpu.dynamic_gather %get3A_658[%gather3A_2737] in [0] : vector<16xf32>, vector<16xi32> -> vector<16xf32>
      %mul3A_2739 = arith.mulf %gather3A_2738, %get3A_2697 : vector<16xf32>
      %add3A_2740 = arith.addf %add3A_2666, %mul3A_2739 : vector<16xf32>
      %mul3A_2741 = arith.mulf %gather3A_2738, %get3A_2702 : vector<16xf32>
      %add3A_2742 = arith.addf %add3A_2668, %mul3A_2741 : vector<16xf32>
      %broadcast_in_dim3A_2743 = arith.constant 11 : i32
      %broadcast_in_dim3A_2744 = vector.broadcast %broadcast_in_dim3A_2743 : i32 to vector<16x1xi32>
      %gather3A_2745 = vector.shape_cast %broadcast_in_dim3A_2744 : vector<16x1xi32> to vector<16xi32>
      %gather3A_2746 = tpu.dynamic_gather %get3A_670[%gather3A_2745] in [0] : vector<16xf32>, vector<16xi32> -> vector<16xf32>
      %mul3A_2747 = arith.mulf %gather3A_2746, %get3A_2697 : vector<16xf32>
      %add3A_2748 = arith.addf %add3A_2674, %mul3A_2747 : vector<16xf32>
      %mul3A_2749 = arith.mulf %gather3A_2746, %get3A_2702 : vector<16xf32>
      %add3A_2750 = arith.addf %add3A_2676, %mul3A_2749 : vector<16xf32>
      %broadcast_in_dim3A_2751 = arith.constant 11 : i32
      %broadcast_in_dim3A_2752 = vector.broadcast %broadcast_in_dim3A_2751 : i32 to vector<16x1xi32>
      %gather3A_2753 = vector.shape_cast %broadcast_in_dim3A_2752 : vector<16x1xi32> to vector<16xi32>
      %gather3A_2754 = tpu.dynamic_gather %get3A_682[%gather3A_2753] in [0] : vector<16xf32>, vector<16xi32> -> vector<16xf32>
      %mul3A_2755 = arith.mulf %gather3A_2754, %get3A_2697 : vector<16xf32>
      %add3A_2756 = arith.addf %add3A_2682, %mul3A_2755 : vector<16xf32>
      %mul3A_2757 = arith.mulf %gather3A_2754, %get3A_2702 : vector<16xf32>
      %add3A_2758 = arith.addf %add3A_2684, %mul3A_2757 : vector<16xf32>
      %broadcast_in_dim3A_2759 = arith.constant 11 : i32
      %broadcast_in_dim3A_2760 = vector.broadcast %broadcast_in_dim3A_2759 : i32 to vector<16x1xi32>
      %gather3A_2761 = vector.shape_cast %broadcast_in_dim3A_2760 : vector<16x1xi32> to vector<16xi32>
      %gather3A_2762 = tpu.dynamic_gather %get3A_694[%gather3A_2761] in [0] : vector<16xf32>, vector<16xi32> -> vector<16xf32>
      %mul3A_2763 = arith.mulf %gather3A_2762, %get3A_2697 : vector<16xf32>
      %add3A_2764 = arith.addf %add3A_2690, %mul3A_2763 : vector<16xf32>
      %mul3A_2765 = arith.mulf %gather3A_2762, %get3A_2702 : vector<16xf32>
      %add3A_2766 = arith.addf %add3A_2692, %mul3A_2765 : vector<16xf32>
      %get3A_2767 = arith.constant 28 : i32
      %get3A_2768 = arith.index_cast %get3A_2767 : i32 to index
      %get3A_2769 = arith.constant 0 : index
      %get3A_2770 = tpu.vector_load %arg7[%get3A_2768, %get3A_2769] {strides = array<i32>} : memref<32x32xf32, #tpu.memory_space<vmem>>, vector<1x16xf32>,
      %get3A_2771 = vector.shape_cast %get3A_2770 : vector<1x16xf32> to vector<16xf32>
      %get3A_2772 = arith.constant 28 : i32
      %get3A_2773 = arith.index_cast %get3A_2772 : i32 to index
      %get3A_2774 = arith.constant 16 : index
      %get3A_2775 = tpu.vector_load %arg7[%get3A_2773, %get3A_2774] {strides = array<i32>} : memref<32x32xf32, #tpu.memory_space<vmem>>, vector<1x16xf32>,
      %get3A_2776 = vector.shape_cast %get3A_2775 : vector<1x16xf32> to vector<16xf32>
      %broadcast_in_dim3A_2777 = arith.constant 12 : i32
      %broadcast_in_dim3A_2778 = vector.broadcast %broadcast_in_dim3A_2777 : i32 to vector<16x1xi32>
      %gather3A_2779 = vector.shape_cast %broadcast_in_dim3A_2778 : vector<16x1xi32> to vector<16xi32>
      %gather3A_2780 = tpu.dynamic_gather %get3A_610[%gather3A_2779] in [0] : vector<16xf32>, vector<16xi32> -> vector<16xf32>
      %mul3A_2781 = arith.mulf %gather3A_2780, %get3A_2771 : vector<16xf32>
      %add3A_2782 = arith.addf %add3A_2708, %mul3A_2781 : vector<16xf32>
      %mul3A_2783 = arith.mulf %gather3A_2780, %get3A_2776 : vector<16xf32>
      %add3A_2784 = arith.addf %add3A_2710, %mul3A_2783 : vector<16xf32>
      %broadcast_in_dim3A_2785 = arith.constant 12 : i32
      %broadcast_in_dim3A_2786 = vector.broadcast %broadcast_in_dim3A_2785 : i32 to vector<16x1xi32>
      %gather3A_2787 = vector.shape_cast %broadcast_in_dim3A_2786 : vector<16x1xi32> to vector<16xi32>
      %gather3A_2788 = tpu.dynamic_gather %get3A_622[%gather3A_2787] in [0] : vector<16xf32>, vector<16xi32> -> vector<16xf32>
      %mul3A_2789 = arith.mulf %gather3A_2788, %get3A_2771 : vector<16xf32>
      %add3A_2790 = arith.addf %add3A_2716, %mul3A_2789 : vector<16xf32>
      %mul3A_2791 = arith.mulf %gather3A_2788, %get3A_2776 : vector<16xf32>
      %add3A_2792 = arith.addf %add3A_2718, %mul3A_2791 : vector<16xf32>
      %broadcast_in_dim3A_2793 = arith.constant 12 : i32
      %broadcast_in_dim3A_2794 = vector.broadcast %broadcast_in_dim3A_2793 : i32 to vector<16x1xi32>
      %gather3A_2795 = vector.shape_cast %broadcast_in_dim3A_2794 : vector<16x1xi32> to vector<16xi32>
      %gather3A_2796 = tpu.dynamic_gather %get3A_634[%gather3A_2795] in [0] : vector<16xf32>, vector<16xi32> -> vector<16xf32>
      %mul3A_2797 = arith.mulf %gather3A_2796, %get3A_2771 : vector<16xf32>
      %add3A_2798 = arith.addf %add3A_2724, %mul3A_2797 : vector<16xf32>
      %mul3A_2799 = arith.mulf %gather3A_2796, %get3A_2776 : vector<16xf32>
      %add3A_2800 = arith.addf %add3A_2726, %mul3A_2799 : vector<16xf32>
      %broadcast_in_dim3A_2801 = arith.constant 12 : i32
      %broadcast_in_dim3A_2802 = vector.broadcast %broadcast_in_dim3A_2801 : i32 to vector<16x1xi32>
      %gather3A_2803 = vector.shape_cast %broadcast_in_dim3A_2802 : vector<16x1xi32> to vector<16xi32>
      %gather3A_2804 = tpu.dynamic_gather %get3A_646[%gather3A_2803] in [0] : vector<16xf32>, vector<16xi32> -> vector<16xf32>
      %mul3A_2805 = arith.mulf %gather3A_2804, %get3A_2771 : vector<16xf32>
      %add3A_2806 = arith.addf %add3A_2732, %mul3A_2805 : vector<16xf32>
      %mul3A_2807 = arith.mulf %gather3A_2804, %get3A_2776 : vector<16xf32>
      %add3A_2808 = arith.addf %add3A_2734, %mul3A_2807 : vector<16xf32>
      %broadcast_in_dim3A_2809 = arith.constant 12 : i32
      %broadcast_in_dim3A_2810 = vector.broadcast %broadcast_in_dim3A_2809 : i32 to vector<16x1xi32>
      %gather3A_2811 = vector.shape_cast %broadcast_in_dim3A_2810 : vector<16x1xi32> to vector<16xi32>
      %gather3A_2812 = tpu.dynamic_gather %get3A_658[%gather3A_2811] in [0] : vector<16xf32>, vector<16xi32> -> vector<16xf32>
      %mul3A_2813 = arith.mulf %gather3A_2812, %get3A_2771 : vector<16xf32>
      %add3A_2814 = arith.addf %add3A_2740, %mul3A_2813 : vector<16xf32>
      %mul3A_2815 = arith.mulf %gather3A_2812, %get3A_2776 : vector<16xf32>
      %add3A_2816 = arith.addf %add3A_2742, %mul3A_2815 : vector<16xf32>
      %broadcast_in_dim3A_2817 = arith.constant 12 : i32
      %broadcast_in_dim3A_2818 = vector.broadcast %broadcast_in_dim3A_2817 : i32 to vector<16x1xi32>
      %gather3A_2819 = vector.shape_cast %broadcast_in_dim3A_2818 : vector<16x1xi32> to vector<16xi32>
      %gather3A_2820 = tpu.dynamic_gather %get3A_670[%gather3A_2819] in [0] : vector<16xf32>, vector<16xi32> -> vector<16xf32>
      %mul3A_2821 = arith.mulf %gather3A_2820, %get3A_2771 : vector<16xf32>
      %add3A_2822 = arith.addf %add3A_2748, %mul3A_2821 : vector<16xf32>
      %mul3A_2823 = arith.mulf %gather3A_2820, %get3A_2776 : vector<16xf32>
      %add3A_2824 = arith.addf %add3A_2750, %mul3A_2823 : vector<16xf32>
      %broadcast_in_dim3A_2825 = arith.constant 12 : i32
      %broadcast_in_dim3A_2826 = vector.broadcast %broadcast_in_dim3A_2825 : i32 to vector<16x1xi32>
      %gather3A_2827 = vector.shape_cast %broadcast_in_dim3A_2826 : vector<16x1xi32> to vector<16xi32>
      %gather3A_2828 = tpu.dynamic_gather %get3A_682[%gather3A_2827] in [0] : vector<16xf32>, vector<16xi32> -> vector<16xf32>
      %mul3A_2829 = arith.mulf %gather3A_2828, %get3A_2771 : vector<16xf32>
      %add3A_2830 = arith.addf %add3A_2756, %mul3A_2829 : vector<16xf32>
      %mul3A_2831 = arith.mulf %gather3A_2828, %get3A_2776 : vector<16xf32>
      %add3A_2832 = arith.addf %add3A_2758, %mul3A_2831 : vector<16xf32>
      %broadcast_in_dim3A_2833 = arith.constant 12 : i32
      %broadcast_in_dim3A_2834 = vector.broadcast %broadcast_in_dim3A_2833 : i32 to vector<16x1xi32>
      %gather3A_2835 = vector.shape_cast %broadcast_in_dim3A_2834 : vector<16x1xi32> to vector<16xi32>
      %gather3A_2836 = tpu.dynamic_gather %get3A_694[%gather3A_2835] in [0] : vector<16xf32>, vector<16xi32> -> vector<16xf32>
      %mul3A_2837 = arith.mulf %gather3A_2836, %get3A_2771 : vector<16xf32>
      %add3A_2838 = arith.addf %add3A_2764, %mul3A_2837 : vector<16xf32>
      %mul3A_2839 = arith.mulf %gather3A_2836, %get3A_2776 : vector<16xf32>
      %add3A_2840 = arith.addf %add3A_2766, %mul3A_2839 : vector<16xf32>
      %get3A_2841 = arith.constant 29 : i32
      %get3A_2842 = arith.index_cast %get3A_2841 : i32 to index
      %get3A_2843 = arith.constant 0 : index
      %get3A_2844 = tpu.vector_load %arg7[%get3A_2842, %get3A_2843] {strides = array<i32>} : memref<32x32xf32, #tpu.memory_space<vmem>>, vector<1x16xf32>,
      %get3A_2845 = vector.shape_cast %get3A_2844 : vector<1x16xf32> to vector<16xf32>
      %get3A_2846 = arith.constant 29 : i32
      %get3A_2847 = arith.index_cast %get3A_2846 : i32 to index
      %get3A_2848 = arith.constant 16 : index
      %get3A_2849 = tpu.vector_load %arg7[%get3A_2847, %get3A_2848] {strides = array<i32>} : memref<32x32xf32, #tpu.memory_space<vmem>>, vector<1x16xf32>,
      %get3A_2850 = vector.shape_cast %get3A_2849 : vector<1x16xf32> to vector<16xf32>
      %broadcast_in_dim3A_2851 = arith.constant 13 : i32
      %broadcast_in_dim3A_2852 = vector.broadcast %broadcast_in_dim3A_2851 : i32 to vector<16x1xi32>
      %gather3A_2853 = vector.shape_cast %broadcast_in_dim3A_2852 : vector<16x1xi32> to vector<16xi32>
      %gather3A_2854 = tpu.dynamic_gather %get3A_610[%gather3A_2853] in [0] : vector<16xf32>, vector<16xi32> -> vector<16xf32>
      %mul3A_2855 = arith.mulf %gather3A_2854, %get3A_2845 : vector<16xf32>
      %add3A_2856 = arith.addf %add3A_2782, %mul3A_2855 : vector<16xf32>
      %mul3A_2857 = arith.mulf %gather3A_2854, %get3A_2850 : vector<16xf32>
      %add3A_2858 = arith.addf %add3A_2784, %mul3A_2857 : vector<16xf32>
      %broadcast_in_dim3A_2859 = arith.constant 13 : i32
      %broadcast_in_dim3A_2860 = vector.broadcast %broadcast_in_dim3A_2859 : i32 to vector<16x1xi32>
      %gather3A_2861 = vector.shape_cast %broadcast_in_dim3A_2860 : vector<16x1xi32> to vector<16xi32>
      %gather3A_2862 = tpu.dynamic_gather %get3A_622[%gather3A_2861] in [0] : vector<16xf32>, vector<16xi32> -> vector<16xf32>
      %mul3A_2863 = arith.mulf %gather3A_2862, %get3A_2845 : vector<16xf32>
      %add3A_2864 = arith.addf %add3A_2790, %mul3A_2863 : vector<16xf32>
      %mul3A_2865 = arith.mulf %gather3A_2862, %get3A_2850 : vector<16xf32>
      %add3A_2866 = arith.addf %add3A_2792, %mul3A_2865 : vector<16xf32>
      %broadcast_in_dim3A_2867 = arith.constant 13 : i32
      %broadcast_in_dim3A_2868 = vector.broadcast %broadcast_in_dim3A_2867 : i32 to vector<16x1xi32>
      %gather3A_2869 = vector.shape_cast %broadcast_in_dim3A_2868 : vector<16x1xi32> to vector<16xi32>
      %gather3A_2870 = tpu.dynamic_gather %get3A_634[%gather3A_2869] in [0] : vector<16xf32>, vector<16xi32> -> vector<16xf32>
      %mul3A_2871 = arith.mulf %gather3A_2870, %get3A_2845 : vector<16xf32>
      %add3A_2872 = arith.addf %add3A_2798, %mul3A_2871 : vector<16xf32>
      %mul3A_2873 = arith.mulf %gather3A_2870, %get3A_2850 : vector<16xf32>
      %add3A_2874 = arith.addf %add3A_2800, %mul3A_2873 : vector<16xf32>
      %broadcast_in_dim3A_2875 = arith.constant 13 : i32
      %broadcast_in_dim3A_2876 = vector.broadcast %broadcast_in_dim3A_2875 : i32 to vector<16x1xi32>
      %gather3A_2877 = vector.shape_cast %broadcast_in_dim3A_2876 : vector<16x1xi32> to vector<16xi32>
      %gather3A_2878 = tpu.dynamic_gather %get3A_646[%gather3A_2877] in [0] : vector<16xf32>, vector<16xi32> -> vector<16xf32>
      %mul3A_2879 = arith.mulf %gather3A_2878, %get3A_2845 : vector<16xf32>
      %add3A_2880 = arith.addf %add3A_2806, %mul3A_2879 : vector<16xf32>
      %mul3A_2881 = arith.mulf %gather3A_2878, %get3A_2850 : vector<16xf32>
      %add3A_2882 = arith.addf %add3A_2808, %mul3A_2881 : vector<16xf32>
      %broadcast_in_dim3A_2883 = arith.constant 13 : i32
      %broadcast_in_dim3A_2884 = vector.broadcast %broadcast_in_dim3A_2883 : i32 to vector<16x1xi32>
      %gather3A_2885 = vector.shape_cast %broadcast_in_dim3A_2884 : vector<16x1xi32> to vector<16xi32>
      %gather3A_2886 = tpu.dynamic_gather %get3A_658[%gather3A_2885] in [0] : vector<16xf32>, vector<16xi32> -> vector<16xf32>
      %mul3A_2887 = arith.mulf %gather3A_2886, %get3A_2845 : vector<16xf32>
      %add3A_2888 = arith.addf %add3A_2814, %mul3A_2887 : vector<16xf32>
      %mul3A_2889 = arith.mulf %gather3A_2886, %get3A_2850 : vector<16xf32>
      %add3A_2890 = arith.addf %add3A_2816, %mul3A_2889 : vector<16xf32>
      %broadcast_in_dim3A_2891 = arith.constant 13 : i32
      %broadcast_in_dim3A_2892 = vector.broadcast %broadcast_in_dim3A_2891 : i32 to vector<16x1xi32>
      %gather3A_2893 = vector.shape_cast %broadcast_in_dim3A_2892 : vector<16x1xi32> to vector<16xi32>
      %gather3A_2894 = tpu.dynamic_gather %get3A_670[%gather3A_2893] in [0] : vector<16xf32>, vector<16xi32> -> vector<16xf32>
      %mul3A_2895 = arith.mulf %gather3A_2894, %get3A_2845 : vector<16xf32>
      %add3A_2896 = arith.addf %add3A_2822, %mul3A_2895 : vector<16xf32>
      %mul3A_2897 = arith.mulf %gather3A_2894, %get3A_2850 : vector<16xf32>
      %add3A_2898 = arith.addf %add3A_2824, %mul3A_2897 : vector<16xf32>
      %broadcast_in_dim3A_2899 = arith.constant 13 : i32
      %broadcast_in_dim3A_2900 = vector.broadcast %broadcast_in_dim3A_2899 : i32 to vector<16x1xi32>
      %gather3A_2901 = vector.shape_cast %broadcast_in_dim3A_2900 : vector<16x1xi32> to vector<16xi32>
      %gather3A_2902 = tpu.dynamic_gather %get3A_682[%gather3A_2901] in [0] : vector<16xf32>, vector<16xi32> -> vector<16xf32>
      %mul3A_2903 = arith.mulf %gather3A_2902, %get3A_2845 : vector<16xf32>
      %add3A_2904 = arith.addf %add3A_2830, %mul3A_2903 : vector<16xf32>
      %mul3A_2905 = arith.mulf %gather3A_2902, %get3A_2850 : vector<16xf32>
      %add3A_2906 = arith.addf %add3A_2832, %mul3A_2905 : vector<16xf32>
      %broadcast_in_dim3A_2907 = arith.constant 13 : i32
      %broadcast_in_dim3A_2908 = vector.broadcast %broadcast_in_dim3A_2907 : i32 to vector<16x1xi32>
      %gather3A_2909 = vector.shape_cast %broadcast_in_dim3A_2908 : vector<16x1xi32> to vector<16xi32>
      %gather3A_2910 = tpu.dynamic_gather %get3A_694[%gather3A_2909] in [0] : vector<16xf32>, vector<16xi32> -> vector<16xf32>
      %mul3A_2911 = arith.mulf %gather3A_2910, %get3A_2845 : vector<16xf32>
      %add3A_2912 = arith.addf %add3A_2838, %mul3A_2911 : vector<16xf32>
      %mul3A_2913 = arith.mulf %gather3A_2910, %get3A_2850 : vector<16xf32>
      %add3A_2914 = arith.addf %add3A_2840, %mul3A_2913 : vector<16xf32>
      %get3A_2915 = arith.constant 30 : i32
      %get3A_2916 = arith.index_cast %get3A_2915 : i32 to index
      %get3A_2917 = arith.constant 0 : index
      %get3A_2918 = tpu.vector_load %arg7[%get3A_2916, %get3A_2917] {strides = array<i32>} : memref<32x32xf32, #tpu.memory_space<vmem>>, vector<1x16xf32>,
      %get3A_2919 = vector.shape_cast %get3A_2918 : vector<1x16xf32> to vector<16xf32>
      %get3A_2920 = arith.constant 30 : i32
      %get3A_2921 = arith.index_cast %get3A_2920 : i32 to index
      %get3A_2922 = arith.constant 16 : index
      %get3A_2923 = tpu.vector_load %arg7[%get3A_2921, %get3A_2922] {strides = array<i32>} : memref<32x32xf32, #tpu.memory_space<vmem>>, vector<1x16xf32>,
      %get3A_2924 = vector.shape_cast %get3A_2923 : vector<1x16xf32> to vector<16xf32>
      %broadcast_in_dim3A_2925 = arith.constant 14 : i32
      %broadcast_in_dim3A_2926 = vector.broadcast %broadcast_in_dim3A_2925 : i32 to vector<16x1xi32>
      %gather3A_2927 = vector.shape_cast %broadcast_in_dim3A_2926 : vector<16x1xi32> to vector<16xi32>
      %gather3A_2928 = tpu.dynamic_gather %get3A_610[%gather3A_2927] in [0] : vector<16xf32>, vector<16xi32> -> vector<16xf32>
      %mul3A_2929 = arith.mulf %gather3A_2928, %get3A_2919 : vector<16xf32>
      %add3A_2930 = arith.addf %add3A_2856, %mul3A_2929 : vector<16xf32>
      %mul3A_2931 = arith.mulf %gather3A_2928, %get3A_2924 : vector<16xf32>
      %add3A_2932 = arith.addf %add3A_2858, %mul3A_2931 : vector<16xf32>
      %broadcast_in_dim3A_2933 = arith.constant 14 : i32
      %broadcast_in_dim3A_2934 = vector.broadcast %broadcast_in_dim3A_2933 : i32 to vector<16x1xi32>
      %gather3A_2935 = vector.shape_cast %broadcast_in_dim3A_2934 : vector<16x1xi32> to vector<16xi32>
      %gather3A_2936 = tpu.dynamic_gather %get3A_622[%gather3A_2935] in [0] : vector<16xf32>, vector<16xi32> -> vector<16xf32>
      %mul3A_2937 = arith.mulf %gather3A_2936, %get3A_2919 : vector<16xf32>
      %add3A_2938 = arith.addf %add3A_2864, %mul3A_2937 : vector<16xf32>
      %mul3A_2939 = arith.mulf %gather3A_2936, %get3A_2924 : vector<16xf32>
      %add3A_2940 = arith.addf %add3A_2866, %mul3A_2939 : vector<16xf32>
      %broadcast_in_dim3A_2941 = arith.constant 14 : i32
      %broadcast_in_dim3A_2942 = vector.broadcast %broadcast_in_dim3A_2941 : i32 to vector<16x1xi32>
      %gather3A_2943 = vector.shape_cast %broadcast_in_dim3A_2942 : vector<16x1xi32> to vector<16xi32>
      %gather3A_2944 = tpu.dynamic_gather %get3A_634[%gather3A_2943] in [0] : vector<16xf32>, vector<16xi32> -> vector<16xf32>
      %mul3A_2945 = arith.mulf %gather3A_2944, %get3A_2919 : vector<16xf32>
      %add3A_2946 = arith.addf %add3A_2872, %mul3A_2945 : vector<16xf32>
      %mul3A_2947 = arith.mulf %gather3A_2944, %get3A_2924 : vector<16xf32>
      %add3A_2948 = arith.addf %add3A_2874, %mul3A_2947 : vector<16xf32>
      %broadcast_in_dim3A_2949 = arith.constant 14 : i32
      %broadcast_in_dim3A_2950 = vector.broadcast %broadcast_in_dim3A_2949 : i32 to vector<16x1xi32>
      %gather3A_2951 = vector.shape_cast %broadcast_in_dim3A_2950 : vector<16x1xi32> to vector<16xi32>
      %gather3A_2952 = tpu.dynamic_gather %get3A_646[%gather3A_2951] in [0] : vector<16xf32>, vector<16xi32> -> vector<16xf32>
      %mul3A_2953 = arith.mulf %gather3A_2952, %get3A_2919 : vector<16xf32>
      %add3A_2954 = arith.addf %add3A_2880, %mul3A_2953 : vector<16xf32>
      %mul3A_2955 = arith.mulf %gather3A_2952, %get3A_2924 : vector<16xf32>
      %add3A_2956 = arith.addf %add3A_2882, %mul3A_2955 : vector<16xf32>
      %broadcast_in_dim3A_2957 = arith.constant 14 : i32
      %broadcast_in_dim3A_2958 = vector.broadcast %broadcast_in_dim3A_2957 : i32 to vector<16x1xi32>
      %gather3A_2959 = vector.shape_cast %broadcast_in_dim3A_2958 : vector<16x1xi32> to vector<16xi32>
      %gather3A_2960 = tpu.dynamic_gather %get3A_658[%gather3A_2959] in [0] : vector<16xf32>, vector<16xi32> -> vector<16xf32>
      %mul3A_2961 = arith.mulf %gather3A_2960, %get3A_2919 : vector<16xf32>
      %add3A_2962 = arith.addf %add3A_2888, %mul3A_2961 : vector<16xf32>
      %mul3A_2963 = arith.mulf %gather3A_2960, %get3A_2924 : vector<16xf32>
      %add3A_2964 = arith.addf %add3A_2890, %mul3A_2963 : vector<16xf32>
      %broadcast_in_dim3A_2965 = arith.constant 14 : i32
      %broadcast_in_dim3A_2966 = vector.broadcast %broadcast_in_dim3A_2965 : i32 to vector<16x1xi32>
      %gather3A_2967 = vector.shape_cast %broadcast_in_dim3A_2966 : vector<16x1xi32> to vector<16xi32>
      %gather3A_2968 = tpu.dynamic_gather %get3A_670[%gather3A_2967] in [0] : vector<16xf32>, vector<16xi32> -> vector<16xf32>
      %mul3A_2969 = arith.mulf %gather3A_2968, %get3A_2919 : vector<16xf32>
      %add3A_2970 = arith.addf %add3A_2896, %mul3A_2969 : vector<16xf32>
      %mul3A_2971 = arith.mulf %gather3A_2968, %get3A_2924 : vector<16xf32>
      %add3A_2972 = arith.addf %add3A_2898, %mul3A_2971 : vector<16xf32>
      %broadcast_in_dim3A_2973 = arith.constant 14 : i32
      %broadcast_in_dim3A_2974 = vector.broadcast %broadcast_in_dim3A_2973 : i32 to vector<16x1xi32>
      %gather3A_2975 = vector.shape_cast %broadcast_in_dim3A_2974 : vector<16x1xi32> to vector<16xi32>
      %gather3A_2976 = tpu.dynamic_gather %get3A_682[%gather3A_2975] in [0] : vector<16xf32>, vector<16xi32> -> vector<16xf32>
      %mul3A_2977 = arith.mulf %gather3A_2976, %get3A_2919 : vector<16xf32>
      %add3A_2978 = arith.addf %add3A_2904, %mul3A_2977 : vector<16xf32>
      %mul3A_2979 = arith.mulf %gather3A_2976, %get3A_2924 : vector<16xf32>
      %add3A_2980 = arith.addf %add3A_2906, %mul3A_2979 : vector<16xf32>
      %broadcast_in_dim3A_2981 = arith.constant 14 : i32
      %broadcast_in_dim3A_2982 = vector.broadcast %broadcast_in_dim3A_2981 : i32 to vector<16x1xi32>
      %gather3A_2983 = vector.shape_cast %broadcast_in_dim3A_2982 : vector<16x1xi32> to vector<16xi32>
      %gather3A_2984 = tpu.dynamic_gather %get3A_694[%gather3A_2983] in [0] : vector<16xf32>, vector<16xi32> -> vector<16xf32>
      %mul3A_2985 = arith.mulf %gather3A_2984, %get3A_2919 : vector<16xf32>
      %add3A_2986 = arith.addf %add3A_2912, %mul3A_2985 : vector<16xf32>
      %mul3A_2987 = arith.mulf %gather3A_2984, %get3A_2924 : vector<16xf32>
      %add3A_2988 = arith.addf %add3A_2914, %mul3A_2987 : vector<16xf32>
      %get3A_2989 = arith.constant 31 : i32
      %get3A_2990 = arith.index_cast %get3A_2989 : i32 to index
      %get3A_2991 = arith.constant 0 : index
      %get3A_2992 = tpu.vector_load %arg7[%get3A_2990, %get3A_2991] {strides = array<i32>} : memref<32x32xf32, #tpu.memory_space<vmem>>, vector<1x16xf32>,
      %get3A_2993 = vector.shape_cast %get3A_2992 : vector<1x16xf32> to vector<16xf32>
      %get3A_2994 = arith.constant 31 : i32
      %get3A_2995 = arith.index_cast %get3A_2994 : i32 to index
      %get3A_2996 = arith.constant 16 : index
      %get3A_2997 = tpu.vector_load %arg7[%get3A_2995, %get3A_2996] {strides = array<i32>} : memref<32x32xf32, #tpu.memory_space<vmem>>, vector<1x16xf32>,
      %get3A_2998 = vector.shape_cast %get3A_2997 : vector<1x16xf32> to vector<16xf32>
      %broadcast_in_dim3A_2999 = arith.constant 15 : i32
      %broadcast_in_dim3A_3000 = vector.broadcast %broadcast_in_dim3A_2999 : i32 to vector<16x1xi32>
      %gather3A_3001 = vector.shape_cast %broadcast_in_dim3A_3000 : vector<16x1xi32> to vector<16xi32>
      %gather3A_3002 = tpu.dynamic_gather %get3A_610[%gather3A_3001] in [0] : vector<16xf32>, vector<16xi32> -> vector<16xf32>
      %mul3A_3003 = arith.mulf %gather3A_3002, %get3A_2993 : vector<16xf32>
      %add3A_3004 = arith.addf %add3A_2930, %mul3A_3003 : vector<16xf32>
      %mul3A_3005 = arith.mulf %gather3A_3002, %get3A_2998 : vector<16xf32>
      %add3A_3006 = arith.addf %add3A_2932, %mul3A_3005 : vector<16xf32>
      %broadcast_in_dim3A_3007 = arith.constant 15 : i32
      %broadcast_in_dim3A_3008 = vector.broadcast %broadcast_in_dim3A_3007 : i32 to vector<16x1xi32>
      %gather3A_3009 = vector.shape_cast %broadcast_in_dim3A_3008 : vector<16x1xi32> to vector<16xi32>
      %gather3A_3010 = tpu.dynamic_gather %get3A_622[%gather3A_3009] in [0] : vector<16xf32>, vector<16xi32> -> vector<16xf32>
      %mul3A_3011 = arith.mulf %gather3A_3010, %get3A_2993 : vector<16xf32>
      %add3A_3012 = arith.addf %add3A_2938, %mul3A_3011 : vector<16xf32>
      %mul3A_3013 = arith.mulf %gather3A_3010, %get3A_2998 : vector<16xf32>
      %add3A_3014 = arith.addf %add3A_2940, %mul3A_3013 : vector<16xf32>
      %broadcast_in_dim3A_3015 = arith.constant 15 : i32
      %broadcast_in_dim3A_3016 = vector.broadcast %broadcast_in_dim3A_3015 : i32 to vector<16x1xi32>
      %gather3A_3017 = vector.shape_cast %broadcast_in_dim3A_3016 : vector<16x1xi32> to vector<16xi32>
      %gather3A_3018 = tpu.dynamic_gather %get3A_634[%gather3A_3017] in [0] : vector<16xf32>, vector<16xi32> -> vector<16xf32>
      %mul3A_3019 = arith.mulf %gather3A_3018, %get3A_2993 : vector<16xf32>
      %add3A_3020 = arith.addf %add3A_2946, %mul3A_3019 : vector<16xf32>
      %mul3A_3021 = arith.mulf %gather3A_3018, %get3A_2998 : vector<16xf32>
      %add3A_3022 = arith.addf %add3A_2948, %mul3A_3021 : vector<16xf32>
      %broadcast_in_dim3A_3023 = arith.constant 15 : i32
      %broadcast_in_dim3A_3024 = vector.broadcast %broadcast_in_dim3A_3023 : i32 to vector<16x1xi32>
      %gather3A_3025 = vector.shape_cast %broadcast_in_dim3A_3024 : vector<16x1xi32> to vector<16xi32>
      %gather3A_3026 = tpu.dynamic_gather %get3A_646[%gather3A_3025] in [0] : vector<16xf32>, vector<16xi32> -> vector<16xf32>
      %mul3A_3027 = arith.mulf %gather3A_3026, %get3A_2993 : vector<16xf32>
      %add3A_3028 = arith.addf %add3A_2954, %mul3A_3027 : vector<16xf32>
      %mul3A_3029 = arith.mulf %gather3A_3026, %get3A_2998 : vector<16xf32>
      %add3A_3030 = arith.addf %add3A_2956, %mul3A_3029 : vector<16xf32>
      %broadcast_in_dim3A_3031 = arith.constant 15 : i32
      %broadcast_in_dim3A_3032 = vector.broadcast %broadcast_in_dim3A_3031 : i32 to vector<16x1xi32>
      %gather3A_3033 = vector.shape_cast %broadcast_in_dim3A_3032 : vector<16x1xi32> to vector<16xi32>
      %gather3A_3034 = tpu.dynamic_gather %get3A_658[%gather3A_3033] in [0] : vector<16xf32>, vector<16xi32> -> vector<16xf32>
      %mul3A_3035 = arith.mulf %gather3A_3034, %get3A_2993 : vector<16xf32>
      %add3A_3036 = arith.addf %add3A_2962, %mul3A_3035 : vector<16xf32>
      %mul3A_3037 = arith.mulf %gather3A_3034, %get3A_2998 : vector<16xf32>
      %add3A_3038 = arith.addf %add3A_2964, %mul3A_3037 : vector<16xf32>
      %broadcast_in_dim3A_3039 = arith.constant 15 : i32
      %broadcast_in_dim3A_3040 = vector.broadcast %broadcast_in_dim3A_3039 : i32 to vector<16x1xi32>
      %gather3A_3041 = vector.shape_cast %broadcast_in_dim3A_3040 : vector<16x1xi32> to vector<16xi32>
      %gather3A_3042 = tpu.dynamic_gather %get3A_670[%gather3A_3041] in [0] : vector<16xf32>, vector<16xi32> -> vector<16xf32>
      %mul3A_3043 = arith.mulf %gather3A_3042, %get3A_2993 : vector<16xf32>
      %add3A_3044 = arith.addf %add3A_2970, %mul3A_3043 : vector<16xf32>
      %mul3A_3045 = arith.mulf %gather3A_3042, %get3A_2998 : vector<16xf32>
      %add3A_3046 = arith.addf %add3A_2972, %mul3A_3045 : vector<16xf32>
      %broadcast_in_dim3A_3047 = arith.constant 15 : i32
      %broadcast_in_dim3A_3048 = vector.broadcast %broadcast_in_dim3A_3047 : i32 to vector<16x1xi32>
      %gather3A_3049 = vector.shape_cast %broadcast_in_dim3A_3048 : vector<16x1xi32> to vector<16xi32>
      %gather3A_3050 = tpu.dynamic_gather %get3A_682[%gather3A_3049] in [0] : vector<16xf32>, vector<16xi32> -> vector<16xf32>
      %mul3A_3051 = arith.mulf %gather3A_3050, %get3A_2993 : vector<16xf32>
      %add3A_3052 = arith.addf %add3A_2978, %mul3A_3051 : vector<16xf32>
      %mul3A_3053 = arith.mulf %gather3A_3050, %get3A_2998 : vector<16xf32>
      %add3A_3054 = arith.addf %add3A_2980, %mul3A_3053 : vector<16xf32>
      %broadcast_in_dim3A_3055 = arith.constant 15 : i32
      %broadcast_in_dim3A_3056 = vector.broadcast %broadcast_in_dim3A_3055 : i32 to vector<16x1xi32>
      %gather3A_3057 = vector.shape_cast %broadcast_in_dim3A_3056 : vector<16x1xi32> to vector<16xi32>
      %gather3A_3058 = tpu.dynamic_gather %get3A_694[%gather3A_3057] in [0] : vector<16xf32>, vector<16xi32> -> vector<16xf32>
      %mul3A_3059 = arith.mulf %gather3A_3058, %get3A_2993 : vector<16xf32>
      %add3A_3060 = arith.addf %add3A_2986, %mul3A_3059 : vector<16xf32>
      %mul3A_3061 = arith.mulf %gather3A_3058, %get3A_2998 : vector<16xf32>
      %add3A_3062 = arith.addf %add3A_2988, %mul3A_3061 : vector<16xf32>
      %broadcast_in_dim3A_3063 = arith.constant 0.000000e+00 : f32
      %broadcast_in_dim3A_3064 = vector.broadcast %broadcast_in_dim3A_3063 : f32 to vector<16xf32>
      %max3A = arith.maximumf %add3A_3004, %broadcast_in_dim3A_3064 : vector<16xf32>
      %add3A_3065 = arith.constant 0 : i32
      %add3A_3066 = arith.addi %mul3A_598, %add3A_3065 : i32
      %swap3A = arith.index_cast %add3A_3066 : i32 to index
      %swap3A_3067 = arith.constant 0 : index
      %swap3A_3068 = tpu.vector_load %arg6[%swap3A, %swap3A_3067] {strides = array<i32>} : memref<192x32xf32, #tpu.memory_space<vmem>>, vector<1x16xf32>,
      %swap3A_3069 = vector.shape_cast %swap3A_3068 : vector<1x16xf32> to vector<16xf32>
      %swap3A_3070 = vector.shape_cast %max3A : vector<16xf32> to vector<1x16xf32>
      tpu.vector_store %arg6[%swap3A, %swap3A_3067], %swap3A_3070 {strides = array<i32>} : memref<192x32xf32, #tpu.memory_space<vmem>>, vector<1x16xf32>,
      %max3A_3071 = arith.maximumf %add3A_3006, %broadcast_in_dim3A_3064 : vector<16xf32>
      %add3A_3072 = arith.constant 0 : i32
      %add3A_3073 = arith.addi %mul3A_598, %add3A_3072 : i32
      %swap3A_3074 = arith.index_cast %add3A_3073 : i32 to index
      %swap3A_3075 = arith.constant 16 : index
      %swap3A_3076 = tpu.vector_load %arg6[%swap3A_3074, %swap3A_3075] {strides = array<i32>} : memref<192x32xf32, #tpu.memory_space<vmem>>, vector<1x16xf32>,
      %swap3A_3077 = vector.shape_cast %swap3A_3076 : vector<1x16xf32> to vector<16xf32>
      %swap3A_3078 = vector.shape_cast %max3A_3071 : vector<16xf32> to vector<1x16xf32>
      tpu.vector_store %arg6[%swap3A_3074, %swap3A_3075], %swap3A_3078 {strides = array<i32>} : memref<192x32xf32, #tpu.memory_space<vmem>>, vector<1x16xf32>,
      %max3A_3079 = arith.maximumf %add3A_3012, %broadcast_in_dim3A_3064 : vector<16xf32>
      %add3A_3080 = arith.constant 1 : i32
      %add3A_3081 = arith.addi %mul3A_598, %add3A_3080 : i32
      %swap3A_3082 = arith.index_cast %add3A_3081 : i32 to index
      %swap3A_3083 = arith.constant 0 : index
      %swap3A_3084 = tpu.vector_load %arg6[%swap3A_3082, %swap3A_3083] {strides = array<i32>} : memref<192x32xf32, #tpu.memory_space<vmem>>, vector<1x16xf32>,
      %swap3A_3085 = vector.shape_cast %swap3A_3084 : vector<1x16xf32> to vector<16xf32>
      %swap3A_3086 = vector.shape_cast %max3A_3079 : vector<16xf32> to vector<1x16xf32>
      tpu.vector_store %arg6[%swap3A_3082, %swap3A_3083], %swap3A_3086 {strides = array<i32>} : memref<192x32xf32, #tpu.memory_space<vmem>>, vector<1x16xf32>,
      %max3A_3087 = arith.maximumf %add3A_3014, %broadcast_in_dim3A_3064 : vector<16xf32>
      %add3A_3088 = arith.constant 1 : i32
      %add3A_3089 = arith.addi %mul3A_598, %add3A_3088 : i32
      %swap3A_3090 = arith.index_cast %add3A_3089 : i32 to index
      %swap3A_3091 = arith.constant 16 : index
      %swap3A_3092 = tpu.vector_load %arg6[%swap3A_3090, %swap3A_3091] {strides = array<i32>} : memref<192x32xf32, #tpu.memory_space<vmem>>, vector<1x16xf32>,
      %swap3A_3093 = vector.shape_cast %swap3A_3092 : vector<1x16xf32> to vector<16xf32>
      %swap3A_3094 = vector.shape_cast %max3A_3087 : vector<16xf32> to vector<1x16xf32>
      tpu.vector_store %arg6[%swap3A_3090, %swap3A_3091], %swap3A_3094 {strides = array<i32>} : memref<192x32xf32, #tpu.memory_space<vmem>>, vector<1x16xf32>,
      %max3A_3095 = arith.maximumf %add3A_3020, %broadcast_in_dim3A_3064 : vector<16xf32>
      %add3A_3096 = arith.constant 2 : i32
      %add3A_3097 = arith.addi %mul3A_598, %add3A_3096 : i32
      %swap3A_3098 = arith.index_cast %add3A_3097 : i32 to index
      %swap3A_3099 = arith.constant 0 : index
      %swap3A_3100 = tpu.vector_load %arg6[%swap3A_3098, %swap3A_3099] {strides = array<i32>} : memref<192x32xf32, #tpu.memory_space<vmem>>, vector<1x16xf32>,
      %swap3A_3101 = vector.shape_cast %swap3A_3100 : vector<1x16xf32> to vector<16xf32>
      %swap3A_3102 = vector.shape_cast %max3A_3095 : vector<16xf32> to vector<1x16xf32>
      tpu.vector_store %arg6[%swap3A_3098, %swap3A_3099], %swap3A_3102 {strides = array<i32>} : memref<192x32xf32, #tpu.memory_space<vmem>>, vector<1x16xf32>,
      %max3A_3103 = arith.maximumf %add3A_3022, %broadcast_in_dim3A_3064 : vector<16xf32>
      %add3A_3104 = arith.constant 2 : i32
      %add3A_3105 = arith.addi %mul3A_598, %add3A_3104 : i32
      %swap3A_3106 = arith.index_cast %add3A_3105 : i32 to index
      %swap3A_3107 = arith.constant 16 : index
      %swap3A_3108 = tpu.vector_load %arg6[%swap3A_3106, %swap3A_3107] {strides = array<i32>} : memref<192x32xf32, #tpu.memory_space<vmem>>, vector<1x16xf32>,
      %swap3A_3109 = vector.shape_cast %swap3A_3108 : vector<1x16xf32> to vector<16xf32>
      %swap3A_3110 = vector.shape_cast %max3A_3103 : vector<16xf32> to vector<1x16xf32>
      tpu.vector_store %arg6[%swap3A_3106, %swap3A_3107], %swap3A_3110 {strides = array<i32>} : memref<192x32xf32, #tpu.memory_space<vmem>>, vector<1x16xf32>,
      %max3A_3111 = arith.maximumf %add3A_3028, %broadcast_in_dim3A_3064 : vector<16xf32>
      %add3A_3112 = arith.constant 3 : i32
      %add3A_3113 = arith.addi %mul3A_598, %add3A_3112 : i32
      %swap3A_3114 = arith.index_cast %add3A_3113 : i32 to index
      %swap3A_3115 = arith.constant 0 : index
      %swap3A_3116 = tpu.vector_load %arg6[%swap3A_3114, %swap3A_3115] {strides = array<i32>} : memref<192x32xf32, #tpu.memory_space<vmem>>, vector<1x16xf32>,
      %swap3A_3117 = vector.shape_cast %swap3A_3116 : vector<1x16xf32> to vector<16xf32>
      %swap3A_3118 = vector.shape_cast %max3A_3111 : vector<16xf32> to vector<1x16xf32>
      tpu.vector_store %arg6[%swap3A_3114, %swap3A_3115], %swap3A_3118 {strides = array<i32>} : memref<192x32xf32, #tpu.memory_space<vmem>>, vector<1x16xf32>,
      %max3A_3119 = arith.maximumf %add3A_3030, %broadcast_in_dim3A_3064 : vector<16xf32>
      %add3A_3120 = arith.constant 3 : i32
      %add3A_3121 = arith.addi %mul3A_598, %add3A_3120 : i32
      %swap3A_3122 = arith.index_cast %add3A_3121 : i32 to index
      %swap3A_3123 = arith.constant 16 : index
      %swap3A_3124 = tpu.vector_load %arg6[%swap3A_3122, %swap3A_3123] {strides = array<i32>} : memref<192x32xf32, #tpu.memory_space<vmem>>, vector<1x16xf32>,
      %swap3A_3125 = vector.shape_cast %swap3A_3124 : vector<1x16xf32> to vector<16xf32>
      %swap3A_3126 = vector.shape_cast %max3A_3119 : vector<16xf32> to vector<1x16xf32>
      tpu.vector_store %arg6[%swap3A_3122, %swap3A_3123], %swap3A_3126 {strides = array<i32>} : memref<192x32xf32, #tpu.memory_space<vmem>>, vector<1x16xf32>,
      %max3A_3127 = arith.maximumf %add3A_3036, %broadcast_in_dim3A_3064 : vector<16xf32>
      %add3A_3128 = arith.constant 4 : i32
      %add3A_3129 = arith.addi %mul3A_598, %add3A_3128 : i32
      %swap3A_3130 = arith.index_cast %add3A_3129 : i32 to index
      %swap3A_3131 = arith.constant 0 : index
      %swap3A_3132 = tpu.vector_load %arg6[%swap3A_3130, %swap3A_3131] {strides = array<i32>} : memref<192x32xf32, #tpu.memory_space<vmem>>, vector<1x16xf32>,
      %swap3A_3133 = vector.shape_cast %swap3A_3132 : vector<1x16xf32> to vector<16xf32>
      %swap3A_3134 = vector.shape_cast %max3A_3127 : vector<16xf32> to vector<1x16xf32>
      tpu.vector_store %arg6[%swap3A_3130, %swap3A_3131], %swap3A_3134 {strides = array<i32>} : memref<192x32xf32, #tpu.memory_space<vmem>>, vector<1x16xf32>,
      %max3A_3135 = arith.maximumf %add3A_3038, %broadcast_in_dim3A_3064 : vector<16xf32>
      %add3A_3136 = arith.constant 4 : i32
      %add3A_3137 = arith.addi %mul3A_598, %add3A_3136 : i32
      %swap3A_3138 = arith.index_cast %add3A_3137 : i32 to index
      %swap3A_3139 = arith.constant 16 : index
      %swap3A_3140 = tpu.vector_load %arg6[%swap3A_3138, %swap3A_3139] {strides = array<i32>} : memref<192x32xf32, #tpu.memory_space<vmem>>, vector<1x16xf32>,
      %swap3A_3141 = vector.shape_cast %swap3A_3140 : vector<1x16xf32> to vector<16xf32>
      %swap3A_3142 = vector.shape_cast %max3A_3135 : vector<16xf32> to vector<1x16xf32>
      tpu.vector_store %arg6[%swap3A_3138, %swap3A_3139], %swap3A_3142 {strides = array<i32>} : memref<192x32xf32, #tpu.memory_space<vmem>>, vector<1x16xf32>,
      %max3A_3143 = arith.maximumf %add3A_3044, %broadcast_in_dim3A_3064 : vector<16xf32>
      %add3A_3144 = arith.constant 5 : i32
      %add3A_3145 = arith.addi %mul3A_598, %add3A_3144 : i32
      %swap3A_3146 = arith.index_cast %add3A_3145 : i32 to index
      %swap3A_3147 = arith.constant 0 : index
      %swap3A_3148 = tpu.vector_load %arg6[%swap3A_3146, %swap3A_3147] {strides = array<i32>} : memref<192x32xf32, #tpu.memory_space<vmem>>, vector<1x16xf32>,
      %swap3A_3149 = vector.shape_cast %swap3A_3148 : vector<1x16xf32> to vector<16xf32>
      %swap3A_3150 = vector.shape_cast %max3A_3143 : vector<16xf32> to vector<1x16xf32>
      tpu.vector_store %arg6[%swap3A_3146, %swap3A_3147], %swap3A_3150 {strides = array<i32>} : memref<192x32xf32, #tpu.memory_space<vmem>>, vector<1x16xf32>,
      %max3A_3151 = arith.maximumf %add3A_3046, %broadcast_in_dim3A_3064 : vector<16xf32>
      %add3A_3152 = arith.constant 5 : i32
      %add3A_3153 = arith.addi %mul3A_598, %add3A_3152 : i32
      %swap3A_3154 = arith.index_cast %add3A_3153 : i32 to index
      %swap3A_3155 = arith.constant 16 : index
      %swap3A_3156 = tpu.vector_load %arg6[%swap3A_3154, %swap3A_3155] {strides = array<i32>} : memref<192x32xf32, #tpu.memory_space<vmem>>, vector<1x16xf32>,
      %swap3A_3157 = vector.shape_cast %swap3A_3156 : vector<1x16xf32> to vector<16xf32>
      %swap3A_3158 = vector.shape_cast %max3A_3151 : vector<16xf32> to vector<1x16xf32>
      tpu.vector_store %arg6[%swap3A_3154, %swap3A_3155], %swap3A_3158 {strides = array<i32>} : memref<192x32xf32, #tpu.memory_space<vmem>>, vector<1x16xf32>,
      %max3A_3159 = arith.maximumf %add3A_3052, %broadcast_in_dim3A_3064 : vector<16xf32>
      %add3A_3160 = arith.constant 6 : i32
      %add3A_3161 = arith.addi %mul3A_598, %add3A_3160 : i32
      %swap3A_3162 = arith.index_cast %add3A_3161 : i32 to index
      %swap3A_3163 = arith.constant 0 : index
      %swap3A_3164 = tpu.vector_load %arg6[%swap3A_3162, %swap3A_3163] {strides = array<i32>} : memref<192x32xf32, #tpu.memory_space<vmem>>, vector<1x16xf32>,
      %swap3A_3165 = vector.shape_cast %swap3A_3164 : vector<1x16xf32> to vector<16xf32>
      %swap3A_3166 = vector.shape_cast %max3A_3159 : vector<16xf32> to vector<1x16xf32>
      tpu.vector_store %arg6[%swap3A_3162, %swap3A_3163], %swap3A_3166 {strides = array<i32>} : memref<192x32xf32, #tpu.memory_space<vmem>>, vector<1x16xf32>,
      %max3A_3167 = arith.maximumf %add3A_3054, %broadcast_in_dim3A_3064 : vector<16xf32>
      %add3A_3168 = arith.constant 6 : i32
      %add3A_3169 = arith.addi %mul3A_598, %add3A_3168 : i32
      %swap3A_3170 = arith.index_cast %add3A_3169 : i32 to index
      %swap3A_3171 = arith.constant 16 : index
      %swap3A_3172 = tpu.vector_load %arg6[%swap3A_3170, %swap3A_3171] {strides = array<i32>} : memref<192x32xf32, #tpu.memory_space<vmem>>, vector<1x16xf32>,
      %swap3A_3173 = vector.shape_cast %swap3A_3172 : vector<1x16xf32> to vector<16xf32>
      %swap3A_3174 = vector.shape_cast %max3A_3167 : vector<16xf32> to vector<1x16xf32>
      tpu.vector_store %arg6[%swap3A_3170, %swap3A_3171], %swap3A_3174 {strides = array<i32>} : memref<192x32xf32, #tpu.memory_space<vmem>>, vector<1x16xf32>,
      %max3A_3175 = arith.maximumf %add3A_3060, %broadcast_in_dim3A_3064 : vector<16xf32>
      %add3A_3176 = arith.constant 7 : i32
      %add3A_3177 = arith.addi %mul3A_598, %add3A_3176 : i32
      %swap3A_3178 = arith.index_cast %add3A_3177 : i32 to index
      %swap3A_3179 = arith.constant 0 : index
      %swap3A_3180 = tpu.vector_load %arg6[%swap3A_3178, %swap3A_3179] {strides = array<i32>} : memref<192x32xf32, #tpu.memory_space<vmem>>, vector<1x16xf32>,
      %swap3A_3181 = vector.shape_cast %swap3A_3180 : vector<1x16xf32> to vector<16xf32>
      %swap3A_3182 = vector.shape_cast %max3A_3175 : vector<16xf32> to vector<1x16xf32>
      tpu.vector_store %arg6[%swap3A_3178, %swap3A_3179], %swap3A_3182 {strides = array<i32>} : memref<192x32xf32, #tpu.memory_space<vmem>>, vector<1x16xf32>,
      %max3A_3183 = arith.maximumf %add3A_3062, %broadcast_in_dim3A_3064 : vector<16xf32>
      %add3A_3184 = arith.constant 7 : i32
      %add3A_3185 = arith.addi %mul3A_598, %add3A_3184 : i32
      %swap3A_3186 = arith.index_cast %add3A_3185 : i32 to index
      %swap3A_3187 = arith.constant 16 : index
      %swap3A_3188 = tpu.vector_load %arg6[%swap3A_3186, %swap3A_3187] {strides = array<i32>} : memref<192x32xf32, #tpu.memory_space<vmem>>, vector<1x16xf32>,
      %swap3A_3189 = vector.shape_cast %swap3A_3188 : vector<1x16xf32> to vector<16xf32>
      %swap3A_3190 = vector.shape_cast %max3A_3183 : vector<16xf32> to vector<1x16xf32>
      tpu.vector_store %arg6[%swap3A_3186, %swap3A_3187], %swap3A_3190 {strides = array<i32>} : memref<192x32xf32, #tpu.memory_space<vmem>>, vector<1x16xf32>,
    }
    %scan3A_595 = arith.constant 24 : i32
    "tpu.region"() ({
      %run_scoped3A = tpu.sem_alloc : memref<!tpu.dma_semaphore, #tpu.memory_space<semaphore_mem>>
      %dma_start3A_596 = arith.constant 0 : i32
      %dma_start3A_597 = tpu.memref_slice %arg5[%mul3A_2, %dma_start3A_596] : memref<6144x32xf32, #tpu.memory_space<hbm>> -> memref<192x32xf32, #tpu.memory_space<hbm>>
      %dma_start3A_598 = arith.constant 0 : i32
      %dma_start3A_599 = tpu.memref_slice %arg5[%mul3A_2, %dma_start3A_598] : memref<6144x32xf32, #tpu.memory_space<hbm>> -> memref<192x32xf32, #tpu.memory_space<hbm>>
      tpu.enqueue_dma source(%arg6 : memref<192x32xf32, #tpu.memory_space<vmem>>) target(%dma_start3A_599 : memref<192x32xf32, #tpu.memory_space<hbm>>) target_semaphore(%run_scoped3A : memref<!tpu.dma_semaphore, #tpu.memory_space<semaphore_mem>>)
      %dma_wait3A_600 = arith.constant 0 : i32
      %dma_wait3A_601 = tpu.memref_slice %arg5[%mul3A_2, %dma_wait3A_600] : memref<6144x32xf32, #tpu.memory_space<hbm>> -> memref<192x32xf32, #tpu.memory_space<hbm>>
      %dma_wait3A_602 = arith.constant 0 : i32
      %dma_wait3A_603 = tpu.memref_slice %arg5[%mul3A_2, %dma_wait3A_602] : memref<6144x32xf32, #tpu.memory_space<hbm>> -> memref<192x32xf32, #tpu.memory_space<hbm>>
      tpu.wait_dma2 semaphore(%run_scoped3A : memref<!tpu.dma_semaphore, #tpu.memory_space<semaphore_mem>>) src(%arg6 : memref<192x32xf32, #tpu.memory_space<vmem>>) dst(%dma_wait3A_603 : memref<192x32xf32, #tpu.memory_space<hbm>>)
      tpu.yield
    }) : () -> ()
    return
  }
}

module attributes {stable_mosaic.version = 14 : i64} {
  func.func @_tc_body(%arg0: i32, %arg1: memref<2048x32xf32, #tpu.memory_space<vmem>>, %arg2: memref<32x32xf32, #tpu.memory_space<vmem>>, %arg3: memref<1x32xf32, #tpu.memory_space<vmem>>, %arg4: memref<2048x32xf32, #tpu.memory_space<vmem>>) attributes {dimension_semantics = [#tpu.dimension_semantics<arbitrary>], iteration_bounds = array<i64: 5>, scalar_prefetch = 0 : i64, scratch_operands = 0 : i64, tpu.core_type = #tpu.core_type<tc>, window_params = [{transform_indices = @transform_0, window_bounds = array<i64: 2048, 32>}, {pipeline_mode = #tpu.pipeline_mode<synchronous>, transform_indices = @transform_1, window_bounds = array<i64: 32, 32>}, {pipeline_mode = #tpu.pipeline_mode<synchronous>, transform_indices = @transform_2, window_bounds = array<i64: 1, 32>}, {transform_indices = @transform_3, window_bounds = array<i64: 2048, 32>}]} {
    %get3A = arith.constant 0 : index
    %get3A_0 = arith.constant 0 : index
    %get3A_1 = vector.load %arg1[%get3A, %get3A_0] : memref<2048x32xf32, #tpu.memory_space<vmem>>, vector<2048x32xf32>
    %get3A_2 = arith.constant 0 : index
    %get3A_3 = arith.constant 0 : index
    %get3A_4 = vector.load %arg3[%get3A_2, %get3A_3] : memref<1x32xf32, #tpu.memory_space<vmem>>, vector<1x32xf32>
    %add3A = vector.broadcast %get3A_4 : vector<1x32xf32> to vector<2048x32xf32>
    %add3A_5 = arith.addf %get3A_1, %add3A : vector<2048x32xf32>
    %get3A_6 = arith.constant 0 : index
    %get3A_7 = arith.constant 0 : index
    %get3A_8 = vector.load %arg2[%get3A_6, %get3A_7] : memref<32x32xf32, #tpu.memory_space<vmem>>, vector<32x32xf32>
    %dot_general3A = arith.constant dense<0.000000e+00> : vector<2048x32xf32>
    %dot_general3A_9 = tpu.matmul %add3A_5, %get3A_8, %dot_general3A {dimension_numbers = #tpu.dot_dimension_numbers<[1], [0], [0], [1], [0, 0, 1, 1], [], []>, precision = #tpu.contract_precision<fp32>, transpose_lhs_hint = false} : vector<2048x32xf32>, vector<32x32xf32>, vector<2048x32xf32> -> vector<2048x32xf32>
    %max3A = arith.constant 0.000000e+00 : f32
    %max3A_10 = vector.broadcast %max3A : f32 to vector<2048x32xf32>
    %max3A_11 = arith.maximumf %dot_general3A_9, %max3A_10 : vector<2048x32xf32>
    %swap3A = arith.constant 0 : index
    %swap3A_12 = arith.constant 0 : index
    %swap3A_13 = vector.load %arg4[%swap3A, %swap3A_12] : memref<2048x32xf32, #tpu.memory_space<vmem>>, vector<2048x32xf32>
    tpu.vector_store %arg4[%swap3A, %swap3A_12], %max3A_11 {strides = array<i32>} : memref<2048x32xf32, #tpu.memory_space<vmem>>, vector<2048x32xf32>,
    return
  }
  func.func @transform_0(%arg0: i32) -> (i32, i32) {
    %add3A = arith.constant 3 : i32
    %add3A_0 = arith.addi %arg0, %add3A : i32
    %c0_i32 = arith.constant 0 : i32
    %c0_i32_1 = arith.constant 0 : i32
    return %add3A_0, %c0_i32 : i32, i32
  }
  func.func @transform_1(%arg0: i32) -> (i32, i32) {
    %c0_i32 = arith.constant 0 : i32
    %c0_i32_0 = arith.constant 0 : i32
    %c0_i32_1 = arith.constant 0 : i32
    return %c0_i32, %c0_i32_0 : i32, i32
  }
  func.func @transform_2(%arg0: i32) -> (i32, i32) {
    %c0_i32 = arith.constant 0 : i32
    %c0_i32_0 = arith.constant 0 : i32
    %c0_i32_1 = arith.constant 0 : i32
    return %c0_i32, %c0_i32_0 : i32, i32
  }
  func.func @transform_3(%arg0: i32) -> (i32, i32) {
    %c0_i32 = arith.constant 0 : i32
    %c0_i32_0 = arith.constant 0 : i32
    return %arg0, %c0_i32 : i32, i32
  }
}

</mosaic_0001>

<sc_bundles>
// kernel: kernel.4.cloned.1.call-start
scs
__scs_entry_jumppad:
0x0: {  	(pc) =	sbr.rel $0x88, $3  }
0x1: {  	(tag) =	ssettag $0x0;
	lr =	simm.s32 $0x1  }
0x2: {  	[smem:$0x3F9E] =	sst lr;
	_ =	strace $0xD0000000  }
0x3: {  	_ = 	snop  }
0x4: {  	_ = 	snop  }
0x5: {  	_ = 	snop  }
0x6: {  	_ = 	snop  }
0x7: {  	_ = 	snop  }
__scs_overlays_trampoline_lowered:
0x8: {  	[smem:$0x3FAD] =	sst s0  }
0x9: {  	[smem:$0x3FAE] =	sst s1  }
0xa: {  	[smem:$0x3FAF] =	sst s2  }
0xb: {  	[smem:$0x3FB0] =	sst s3  }
0xc: {  	[smem:$0x3FB1] =	sst s4  }
0xd: {  	[smem:$0x3FB2] =	sst s5  }
0xe: {  	[smem:$0x3FB3] =	sst s6  }
0xf: {  	[smem:$0x3FB4] =	sst s7  }
0x10: {  	[smem:$0x3FB5] =	sst s8  }
0x11: {  	[smem:$0x3FB6] =	sst s9;
	s0 =	simm.s32 @!p0 $0x0  }
0x12: {  	s1 =	sld [smem:$0x3F9C];
	s0 =	simm.s32 @p0 $0x1  }
0x13: {  	[smem:$0x3FB7] =	sst s0;
	s0 =	simm.s32 @!p1 $0x0  }
0x14: {  	s2 =	sld [smem:$0x3F9B];
	s0 =	simm.s32 @p1 $0x1  }
0x15: {  	[smem:$0x3FB8] =	sst s0;
	s0 =	simm.s32 @!p2 $0x0  }
0x16: {  	s3 =	sld [smem:$0x3FDB];
	s0 =	simm.s32 @p2 $0x1  }
0x17: {  	s4 =	simm.s32 $0x1BF5;
	[smem:$0x3FBA] =	sst s0  }
0x18: {  	s0 =	sld [smem:$0x3F9D];
	_ =	swait.ge [sflag:s4], $0x0  }
0x19: {  	s7 =	sld [smem:$0x3F9E]  }
0x1a: {  	s8 =	sadd.s32 $0xFFFFE003, lr  }
0x1b: {  	s9 =	sadd.s32 $0xFFFFFEF7, lr;
	s5 =	simm.s32 $0xFFFFFFFF;
	p2 =	slt.u32 s8, $0xFFFFF086  }
0x1c: {  	p1 =	slt.u32 s9, $0xF7A;
	s5 =	simm.s32 @!p2 $0x0  }
0x1d: {  	s5 =	simm.s32 @p1 $0x1;
	p0 =	seq.s32 s7, s2  }
0x1e: {  	s7 =	smul.u32 @!p0 $0xF7A, s2;
	p2 =	seq.s32 @!p0 s5, $0x0  }
0x1f: {  	s9 =	smul.u32 $0xF7A, s1;
	s8 =	simm.s32 @!p0 $0x1BF5;
	p2 =	por !p2, p0  }
0x20: {  	[sflag:s8] =	ssyncset.s32 @!p0 $0xFFFFF086;
	s6 =	sadd.s32 @!p0 s3, s7;
	s7 =	simm.s32 @!p0 $0x108  }
0x21: {  	s3 =	sadd.s32 s3, s9;
	s6 =	sadd.s32 @!p0 $0x88, s6;
	s7 =	simm.s32 @p2 $0x1082  }
0x22: {  	[simem:s7], [sflag:s8] =	dma.local @!p0 [hbm:s6], $0xF7A  }
0x23: {  	s9 =	sor.u32 $0xD0000000, s2;
	s6 =	simm.s32 $0x108;
	_ =	swait.ge @!p0 [sflag:s8], $0x0  }
0x24: {  	s3 =	sadd.s32 $0x88, s3;
	s6 =	simm.s32 @!p1 $0x1082;
	[sflag:s4] =	ssyncset.s32 $0xFFFFF086  }
0x25: {  	[simem:s6], [sflag:s4] =	dma.local [hbm:s3], $0xF7A  }
0x26: {  	[smem:$0x3F9E] =	sst s1;
	(tag) =	ssettag s2;
	_ =	strace s9  }
0x27: {  	s1 =	sld [smem:$0x3FAE]  }
0x28: {  	s2 =	sld [smem:$0x3FAF]  }
0x29: {  	s4 =	sld [smem:$0x3FB1]  }
0x2a: {  	p0 =	seq.s32 s5, $0x0;
	s5 =	sld [smem:$0x3FB2]  }
0x2b: {  	s6 =	sld [smem:$0x3FB3]  }
0x2c: {  	s7 =	sld [smem:$0x3FB4]  }
0x2d: {  	s3 =	simm.s32 $0x108;
	s8 =	sld [smem:$0x3FB5]  }
0x2e: {  	s3 =	simm.s32 @!p0 $0x1082;
	s9 =	sld [smem:$0x3FB6]  }
0x2f: {  	lr =	sadd.s32 s0, s3;
	s0 =	sld [smem:$0x3FAD]  }
0x30: {  	s3 =	sld [smem:$0x3FB0]  }
0x31: {  	[smem:$0x3FB9] =	sst s10  }
0x32: {  	s10 =	sld [smem:$0x3FB7];
	_ =	sdelay $0x3  }
0x33: {  	p0 =	seq.s32 s10, $0x1;
	s10 =	sld [smem:$0x3FB9];
	_ =	sdelay $0x3  }
0x34: {  	[smem:$0x3FB9] =	sst s10  }
0x35: {  	s10 =	sld [smem:$0x3FB8];
	_ =	sdelay $0x3  }
0x36: {  	p1 =	seq.s32 s10, $0x1;
	s10 =	sld [smem:$0x3FB9];
	_ =	sdelay $0x3  }
0x37: {  	[smem:$0x3FB9] =	sst s10  }
0x38: {  	s10 =	sld [smem:$0x3FBA]  }
0x39: {  	_ = 	snop;
	(pc) =	sbr.ind lr, $3  }
0x3a: {  	_ = 	snop  }
0x3b: {  	_ = 	snop  }
0x3c: {  	p2 =	seq.s32 s10, $0x1;
	s10 =	sld [smem:$0x3FB9]  }
0x3d: {  	_ =	shalt  }
0x3e: {  	_ =	shalt  }
0x3f: {  	_ =	shalt  }
0x40: {  	_ =	shalt  }
0x41: {  	_ =	shalt  }
0x42: {  	_ =	shalt  }
0x43: {  	_ =	shalt  }
0x44: {  	_ =	shalt  }
0x45: {  	_ =	shalt  }
0x46: {  	_ =	shalt  }
0x47: {  	_ =	shalt  }
0x48: {  	_ =	shalt  }
0x49: {  	_ =	shalt  }
0x4a: {  	_ =	shalt  }
0x4b: {  	_ =	shalt  }
0x4c: {  	_ =	shalt  }
0x4d: {  	_ =	shalt  }
0x4e: {  	_ =	shalt  }
0x4f: {  	_ =	shalt  }
0x50: {  	_ =	shalt  }
0x51: {  	_ =	shalt  }
0x52: {  	_ =	shalt  }
0x53: {  	_ =	shalt  }
0x54: {  	_ =	shalt  }
0x55: {  	_ =	shalt  }
0x56: {  	_ =	shalt  }
0x57: {  	_ =	shalt  }
0x58: {  	_ =	shalt  }
0x59: {  	_ =	shalt  }
0x5a: {  	_ =	shalt  }
0x5b: {  	_ =	shalt  }
0x5c: {  	_ =	shalt  }
0x5d: {  	_ =	shalt  }
0x5e: {  	_ =	shalt  }
0x5f: {  	_ =	shalt  }
0x60: {  	_ =	shalt  }
0x61: {  	_ =	shalt  }
0x62: {  	_ =	shalt  }
0x63: {  	_ =	shalt  }
0x64: {  	_ =	shalt  }
0x65: {  	_ =	shalt  }
0x66: {  	_ =	shalt  }
0x67: {  	_ =	shalt  }
0x68: {  	_ =	shalt  }
0x69: {  	_ =	shalt  }
0x6a: {  	_ =	shalt  }
0x6b: {  	_ =	shalt  }
0x6c: {  	_ =	shalt  }
0x6d: {  	_ =	shalt  }
0x6e: {  	_ =	shalt  }
0x6f: {  	_ =	shalt  }
0x70: {  	_ =	shalt  }
0x71: {  	_ =	shalt  }
0x72: {  	_ =	shalt  }
0x73: {  	_ =	shalt  }
0x74: {  	_ =	shalt  }
0x75: {  	_ =	shalt  }
0x76: {  	_ =	shalt  }
0x77: {  	_ =	shalt  }
0x78: {  	_ =	shalt  }
0x79: {  	_ =	shalt  }
0x7a: {  	_ =	shalt  }
0x7b: {  	_ =	shalt  }
0x7c: {  	_ =	shalt  }
0x7d: {  	_ =	shalt  }
0x7e: {  	_ =	shalt  }
0x7f: {  	_ =	shalt  }
0x80: {  	_ =	shalt  }
0x81: {  	_ =	shalt  }
0x82: {  	_ =	shalt  }
0x83: {  	_ =	shalt  }
0x84: {  	_ =	shalt  }
0x85: {  	_ =	shalt  }
0x86: {  	_ =	shalt  }
0x87: {  	_ =	shalt  }
.Lfunc_end0:
.L_simem_size_0:
called_computation_lowered:
.L_overlay_start_0:
0x88: {  	s2 =	sld [smem:$0x3FD9]  }
0x89: {  	s3 =	sld [smem:$0x3FFE];
	_ =	sdelay $0x1  }
0x8a: {  	s1 =	srdreg.scid  }
0x8b: {  	s0 =	sand.u32 $0x1, s1  }
0x8c: {  	s17 =	sshll.u32 s0, $0xA;
	s2 =	sadd.s32 s3, s2  }
0x8d: {  	s2 =	sadd.s32 s2, s17  }
0x8e: {  	[smem:$0x3FC5] =	sst s2  }
0x8f: {  	_ = 	snop  }
0x90: {  	s2 =	sld [smem:$0x3FC8]  }
0x91: {  	s18 =	sld [smem:$0x3FC7];
	(tm) =	ssettm $0x1  }
0x92: {  	s4 =	sld [smem:$0x3FFB];
	_ =	sdelay $0x3  }
0x93: {  	_ =	strace s4  }
0x94: {  	s4 =	sld [smem:$0x3FFC];
	_ =	sdelay $0x3  }
0x95: {  	_ =	strace s4  }
0x96: {  	s4 =	sld [smem:$0x3FFD];
	_ =	sdelay $0x3  }
0x97: {  	_ =	strace s4  }
0x98: {  	_ =	strace $0x8FFFFFFF  }
0x99: {  	s19 =	sld [smem:$0x3FDB];
	_ =	sdelay $0x1  }
0x9a: {  	s5 =	simm.s32 $_scs_section_size  }
0x9b: {  	s6 =	simm.s32 $_size__tile_overlayer_lowered;
	s7 =	simm.s32 $_tile_overlayer_lowered  }
0x9c: {  	s22 =	simm.s32 $0x1BFF;
	s21 =	sshll.u32 s7, $0x1;
	s4 =	sadd.s32 s5, s19  }
0x9d: {  	s8 =	simm.s32 $0x0;
	s20 =	sshll.u32 s6, $0x1;
	s6 =	sadd.s32 s21, s4  }
0x9e: {  	[timem:s8], [sflag:s22] =	dma.local [hbm:s6], s20  }
0x9f: {  	_ =	swait.ge [sflag:s22], s20  }
0xa0: {  	s5 =	ssub.s32 $0x0, s20;
	[sflag:s22] =	ssyncset.done $0x0  }
0xa1: {  	[sflag:s22] =	ssyncadd.s32 s5;
	_ =	sdelay $0x1  }
0xa2: {  	s23 =	simm.s32 $0x1B8B  }
0xa3: {  	_ =	swait.ge [sflag:s23], $0x1  }
0xa4: {  	[sflag:s23] =	ssyncset.done $0x0  }
0xa5: {  	s25 =	simm.s32 $0x1B8E;
	s24 =	sld [smem:$0x3FFE];
	[sflag:s23] =	ssyncadd.s32 $0xFFFFFFFF  }
0xa6: {  	s26 =	simm.s32 $execute0_lowered;
	[smem:$0x3FD2] =	sst s25  }
0xa7: {  	s6 =	sshll.u32 s26, $0x1;
	_ =	strace $0x80000046;
	[dreg:$0x1] =	wrdreg $0xFFFFFFFF  }
0xa8: {  	s28 =	simm.s32 $_size_execute0_lowered;
	s4 =	sadd.s32 s4, s6;
	[dreg:$0x0] =	wrdreg $0x0  }
0xa9: {  	s6 =	sshll.u32 s28, $0x1;
	[dreg:$0x2] =	wrdreg s4  }
0xaa: {  	[dreg:$0x3] =	wrdreg s6  }
0xab: {  	[dreg:$0x4] =	wrdreg $0xC0  }
0xac: {  	_ =	task [dreg:s8], $0x5FFFF  }
0xad: {  	[dreg:$0x1] =	wrdreg $0xFFFFFFFF  }
0xae: {  	[dreg:$0x0] =	wrdreg $0x60  }
0xaf: {  	[dreg:$0x2] =	wrdreg s24  }
0xb0: {  	[dreg:$0x3] =	wrdreg s2  }
0xb1: {  	[dreg:$0x4] =	wrdreg s18  }
0xb2: {  	[dreg:$0x5] =	wrdreg $0x9  }
0xb3: {  	_ =	task.clear_ibuf [dreg:s8], $0x6FFFF;
	_ =	strace $0x90000046  }
0xb4: {  	s29 =	simm.s32 $0x9;
	_ =	strace $0x80000048  }
0xb5: {  	_ =	swait.ge [sflag:s29], $0x1  }
0xb6: {  	[sflag:s29] =	ssyncadd.s32 $0xFFFFFFFF  }
0xb7: {  	_ =	strace $0x90000048  }
0xb8: {  	_ =	sfence  }
0xb9: {  	s30 =	sld [smem:$0x0];
	_ =	sdelay $0x2  }
0xba: {  	s31 =	sshll.u32 s1, $0xD;
	s1 =	sshrl.u32 s1, $0x2  }
0xbb: {  	s3 =	sand.u32 $0x4000, s31;
	s1 =	sadd.s32 s1, s30  }
0xbc: {  	s0 =	sor.u32 s3, s0;
	s1 =	sshll.u32 s1, $0x11  }
0xbd: {  	s0 =	sor.u32 s1, s0  }
0xbe: {  	s0 =	sadd.s32 $0x8F2B, s0  }
0xbf: {  	[sflag:s0] =	ssyncadd.remote.s32 $0x1  }
0xc0: {  	_ =	sfence.sel $0xFFFF  }
0xc1: {  	[dreg:$0x0] =	wrdreg $0xFFFFFFFF;
	(pc) =	sbr.abs _section_cstart, $3  }
0xc2: {  	[dreg:$0x1] =	wrdreg $0xFFFFFFFF  }
0xc3: {  	_ =	task.clear_ibuf [dreg:s8], $0x2FFFF;
	_ =	strace $0x9FFFFFFF  }
0xc4: {  	(tm) =	ssettm $0x7FFFFFFF  }
0xc5: {  	_ =	shalt  }
tec
execute0_lowered:
.L_overlay_start_1:
0x0: {  	(tag) =	ssettag $0x1  }
0x1: {  	s5 =	rddreg [dreg:$0x0]  }
0x2: {  	s1 =	srdreg.scid;
	s2 =	rddreg [dreg:$0x1]  }
0x3: {  	s0 =	stileid.u32;
	s3 =	rddreg [dreg:$0x2];
	s4 =	simm.s32 $0x0  }
0x4: {  	s9 =	simm.s32 $0x7000;
	s6 =	sand.u32 $0x1, s1;
	s30 =	sshll.u32 s0, $0x1  }
0x5: {  	v0 =	vimm.s32 $0x0;
	s10 =	simm.s32 $0x2;
	s11 =	simm.s32 $0x3;
	s1 =	sor.u32 s6, s30  }
0x6: {  	v1 =	vimm.s32 $0x1;
	v2 =	vimm.s32 $0x2;
	v3 =	vimm.s32 $0x3;
	s12 =	simm.s32 $0x1;
	s13 =	simm.s32 $0x4;
	s7 =	smul.u32 $0xC00, s1  }
0x7: {  	v4 =	vimm.s32 $0x4;
	v5 =	vimm.s32 $0x5;
	v6 =	vimm.s32 $0x6;
	s14 =	simm.s32 $0x0;
	[smem:$0x7FF] =	sst s4;
	s6 =	ssub.s32 $0x2, s6  }
0x8: {  	v7 =	vimm.s32 $0x7;
	v8 =	vimm.s32 $0x8;
	v9 =	vimm.s32 $0x9;
	s1 =	rddreg [dreg:$0x3];
	s31 =	sshrl.u32 s6, $0x1;
	s7 =	sadd.s32 s7, s5  }
0x9: {  	v10 =	vimm.s32 $0xA;
	v11 =	vimm.s32 $0xB;
	v12 =	vimm.s32 $0xC;
	_ =	strace $0x80000047;
	s8 =	ssub.s32 s6, s31;
	s5 =	sadd.s32 $0xA00, s7  }
0xa: {  	v13 =	vimm.s32 $0xD;
	v14 =	vimm.s32 $0xE;
	v15 =	vimm.s32 $0xF;
	s6 =	sadd.s32 $0x40A00, s7;
	s7 =	smax.u32 s8, $0x1;
	s8 =	simm.s32 $0x6000  }
.LBB2_1:
0xb: {  	[tilespmem:s4], [sflag:$0x1] =	stream.linear.gather [hbm4b:s5+s4], $0x6000, $0x38;
	[tilespmem:$0x7080] =	vst v63  }
0xc: {  	_ = 	snop  }
0xd: {  	[tilespmem:s8], [sflag:$0x2] =	stream.linear.gather [hbm4b:s2+s4], $0x1000, $0x38;
	[tilespmem:$0x7080] =	vst v63  }
0xe: {  	_ = 	snop  }
0xf: {  	[tilespmem:s9], [sflag:$0x3] =	stream.linear.gather [hbm4b:s3+s4], $0x80, $0x38;
	[tilespmem:$0x7080] =	vst v63  }
0x10: {  	_ =	swait.ge [sflag:s10], $0x1000  }
0x11: {  	[sflag:s10] =	ssyncset.done $0x0  }
0x12: {  	[sflag:s10] =	ssyncadd.s32 $0xFFFFF000  }
0x13: {  	_ =	swait.ge [sflag:s11], $0x80  }
0x14: {  	[sflag:s11] =	ssyncset.done $0x0  }
0x15: {  	[sflag:s11] =	ssyncadd.s32 $0xFFFFFF80  }
0x16: {  	v17 =	vld [tilespmem:$0x7000]  }
0x17: {  	v16 =	vld [tilespmem:$0x7010]  }
0x18: {  	v18 =	vld [tilespmem:$0x6000]  }
0x19: {  	v19 =	vld [tilespmem:$0x6010]  }
0x1a: {  	v20 =	vld [tilespmem:$0x6080]  }
0x1b: {  	v22 =	vld [tilespmem:$0x6090]  }
0x1c: {  	v23 =	vld [tilespmem:$0x6100];
	v21 =	vperm.xlane v17, v0  }
0x1d: {  	v25 =	vld [tilespmem:$0x6110];
	v24 =	vperm.xlane v17, v1  }
0x1e: {  	v39 =	vld [tilespmem:$0x6180];
	v18 =	vmul.f32 v18, v21;
	v19 =	vmul.f32 v19, v21  }
0x1f: {  	v27 =	vld [tilespmem:$0x6190];
	v26 =	vperm.xlane v17, v2;
	v20 =	vmul.f32 v20, v24  }
0x20: {  	v40 =	vld [tilespmem:$0x6200];
	v22 =	vmul.f32 v22, v24;
	v18 =	vadd.f32 $0.0e+00, v18;
	v19 =	vadd.f32 $0.0e+00, v19  }
0x21: {  	v28 =	vld [tilespmem:$0x6210];
	v42 =	vperm.xlane v17, v3;
	v41 =	vmul.f32 v23, v26  }
0x22: {  	v44 =	vld [tilespmem:$0x6280];
	v43 =	vmul.f32 v25, v26;
	v18 =	vadd.f32 v20, v18;
	v19 =	vadd.f32 v22, v19  }
0x23: {  	v47 =	vld [tilespmem:$0x6290];
	v46 =	vperm.xlane v17, v4;
	v45 =	vmul.f32 v39, v42  }
0x24: {  	v49 =	vld [tilespmem:$0x6300];
	v48 =	vmul.f32 v27, v42;
	v18 =	vadd.f32 v41, v18;
	v19 =	vadd.f32 v43, v19  }
0x25: {  	v52 =	vld [tilespmem:$0x6310];
	v51 =	vperm.xlane v17, v5;
	v50 =	vmul.f32 v40, v46  }
0x26: {  	v53 =	vld [tilespmem:$0x6380];
	v21 =	vmul.f32 v28, v46;
	v18 =	vadd.f32 v45, v18;
	v19 =	vadd.f32 v48, v19  }
0x27: {  	v56 =	vld [tilespmem:$0x6390];
	v55 =	vperm.xlane v17, v6;
	v54 =	vmul.f32 v44, v51  }
0x28: {  	v58 =	vld [tilespmem:$0x6400];
	v57 =	vmul.f32 v47, v51;
	v18 =	vadd.f32 v50, v18;
	v19 =	vadd.f32 v21, v19  }
0x29: {  	v61 =	vld [tilespmem:$0x6410];
	v60 =	vperm.xlane v17, v7;
	v59 =	vmul.f32 v49, v55  }
0x2a: {  	v63 =	vld [tilespmem:$0x6480];
	v62 =	vmul.f32 v52, v55;
	v18 =	vadd.f32 v54, v18;
	v19 =	vadd.f32 v57, v19  }
0x2b: {  	v34 =	vld [tilespmem:$0x6490];
	v33 =	vperm.xlane v17, v8;
	v32 =	vmul.f32 v53, v60  }
0x2c: {  	v36 =	vld [tilespmem:$0x6500];
	v35 =	vmul.f32 v56, v60;
	v18 =	vadd.f32 v59, v18;
	v19 =	vadd.f32 v62, v19  }
0x2d: {  	v38 =	vperm.xlane v17, v9;
	v37 =	vmul.f32 v58, v33;
	v39 =	vld [tilespmem:$0x6510]  }
0x2e: {  	v40 =	vmul.f32 v61, v33;
	v44 =	vld [tilespmem:$0x6590];
	v18 =	vadd.f32 v32, v18;
	v19 =	vadd.f32 v35, v19  }
0x2f: {  	v42 =	vmul.f32 v63, v38;
	v41 =	vld [tilespmem:$0x6580];
	v43 =	vperm.xlane v17, v10  }
0x30: {  	v49 =	vld [tilespmem:$0x6610];
	v45 =	vmul.f32 v34, v38;
	v18 =	vadd.f32 v37, v18;
	v19 =	vadd.f32 v40, v19  }
0x31: {  	v46 =	vld [tilespmem:$0x6600];
	v47 =	vmul.f32 v36, v43;
	v48 =	vperm.xlane v17, v11  }
0x32: {  	v51 =	vld [tilespmem:$0x6680];
	v50 =	vmul.f32 v39, v43;
	v18 =	vadd.f32 v42, v18;
	v19 =	vadd.f32 v45, v19  }
0x33: {  	v53 =	vperm.xlane v17, v12;
	v55 =	vmul.f32 v44, v48;
	v54 =	vld [tilespmem:$0x6690]  }
0x34: {  	v56 =	vld [tilespmem:$0x6700];
	v52 =	vmul.f32 v41, v48;
	v18 =	vadd.f32 v47, v18;
	v19 =	vadd.f32 v50, v19  }
0x35: {  	v58 =	vperm.xlane v17, v13;
	v60 =	vmul.f32 v49, v53;
	v59 =	vld [tilespmem:$0x6710]  }
0x36: {  	v61 =	vld [tilespmem:$0x6780];
	v57 =	vmul.f32 v46, v53;
	v18 =	vadd.f32 v52, v18;
	v19 =	vadd.f32 v55, v19  }
0x37: {  	v30 =	vld [tilespmem:$0x6790];
	v63 =	vperm.xlane v17, v14;
	v62 =	vmul.f32 v51, v58  }
0x38: {  	v32 =	vld [tilespmem:$0x6800];
	v31 =	vmul.f32 v54, v58;
	v18 =	vadd.f32 v57, v18;
	v19 =	vadd.f32 v60, v19  }
0x39: {  	v33 =	vmul.f32 v56, v63;
	v17 =	vperm.xlane v17, v15;
	v34 =	vld [tilespmem:$0x6810]  }
0x3a: {  	v36 =	vld [tilespmem:$0x6880];
	v35 =	vmul.f32 v59, v63;
	v18 =	vadd.f32 v62, v18;
	v19 =	vadd.f32 v31, v19  }
0x3b: {  	v38 =	vperm.xlane v16, v0;
	v39 =	vld [tilespmem:$0x6890];
	v37 =	vmul.f32 v61, v17  }
0x3c: {  	v17 =	vmul.f32 v30, v17;
	v40 =	vld [tilespmem:$0x6900];
	v18 =	vadd.f32 v33, v18;
	v19 =	vadd.f32 v35, v19  }
0x3d: {  	v43 =	vld [tilespmem:$0x6910];
	v42 =	vperm.xlane v16, v1;
	v41 =	vmul.f32 v32, v38  }
0x3e: {  	v44 =	vld [tilespmem:$0x6980];
	v18 =	vadd.f32 v37, v18;
	v17 =	vadd.f32 v17, v19;
	v19 =	vmul.f32 v34, v38  }
0x3f: {  	v46 =	vperm.xlane v16, v2;
	v45 =	vmul.f32 v36, v42;
	v47 =	vld [tilespmem:$0x6990]  }
0x40: {  	v48 =	vld [tilespmem:$0x6A00];
	v18 =	vadd.f32 v41, v18;
	v17 =	vadd.f32 v19, v17;
	v19 =	vmul.f32 v39, v42  }
0x41: {  	v51 =	vld [tilespmem:$0x6A10];
	v50 =	vperm.xlane v16, v3;
	v49 =	vmul.f32 v40, v46  }
0x42: {  	v52 =	vld [tilespmem:$0x6A80];
	v18 =	vadd.f32 v45, v18;
	v17 =	vadd.f32 v19, v17;
	v19 =	vmul.f32 v43, v46  }
0x43: {  	v54 =	vperm.xlane v16, v4;
	v53 =	vmul.f32 v44, v50;
	v55 =	vld [tilespmem:$0x6A90]  }
0x44: {  	v56 =	vld [tilespmem:$0x6B00];
	v18 =	vadd.f32 v49, v18;
	v17 =	vadd.f32 v19, v17;
	v19 =	vmul.f32 v47, v50  }
0x45: {  	v58 =	vperm.xlane v16, v5;
	v59 =	vld [tilespmem:$0x6B10];
	v57 =	vmul.f32 v48, v54  }
0x46: {  	v60 =	vld [tilespmem:$0x6B80];
	v18 =	vadd.f32 v53, v18;
	v17 =	vadd.f32 v19, v17;
	v19 =	vmul.f32 v51, v54  }
0x47: {  	v63 =	vld [tilespmem:$0x6B90];
	v62 =	vperm.xlane v16, v6;
	v61 =	vmul.f32 v52, v58  }
0x48: {  	v30 =	vld [tilespmem:$0x6C00];
	v18 =	vadd.f32 v57, v18;
	v17 =	vadd.f32 v19, v17;
	v19 =	vmul.f32 v55, v58  }
0x49: {  	v32 =	vperm.xlane v16, v7;
	v31 =	vmul.f32 v56, v62;
	v33 =	vld [tilespmem:$0x6C10]  }
0x4a: {  	v34 =	vld [tilespmem:$0x6C80];
	v18 =	vadd.f32 v61, v18;
	v17 =	vadd.f32 v19, v17;
	v19 =	vmul.f32 v59, v62  }
0x4b: {  	v36 =	vperm.xlane v16, v8;
	v35 =	vmul.f32 v60, v32;
	v37 =	vld [tilespmem:$0x6C90]  }
0x4c: {  	v38 =	vld [tilespmem:$0x6D00];
	v18 =	vadd.f32 v31, v18;
	v17 =	vadd.f32 v19, v17;
	v19 =	vmul.f32 v63, v32  }
0x4d: {  	v40 =	vperm.xlane v16, v9;
	v39 =	vmul.f32 v30, v36;
	v41 =	vld [tilespmem:$0x6D10]  }
0x4e: {  	v42 =	vld [tilespmem:$0x6D80];
	v18 =	vadd.f32 v35, v18;
	v17 =	vadd.f32 v19, v17;
	v19 =	vmul.f32 v33, v36  }
0x4f: {  	v44 =	vperm.xlane v16, v10;
	v45 =	vld [tilespmem:$0x6D90];
	v43 =	vmul.f32 v34, v40  }
0x50: {  	v46 =	vld [tilespmem:$0x6E00];
	v18 =	vadd.f32 v39, v18;
	v17 =	vadd.f32 v19, v17;
	v19 =	vmul.f32 v37, v40  }
0x51: {  	v48 =	vperm.xlane v16, v11;
	v47 =	vmul.f32 v38, v44;
	v49 =	vld [tilespmem:$0x6E10]  }
0x52: {  	v50 =	vld [tilespmem:$0x6E80];
	v18 =	vadd.f32 v43, v18;
	v17 =	vadd.f32 v19, v17;
	v19 =	vmul.f32 v41, v44  }
0x53: {  	v52 =	vperm.xlane v16, v12;
	v51 =	vmul.f32 v42, v48;
	v53 =	vld [tilespmem:$0x6E90]  }
0x54: {  	v54 =	vld [tilespmem:$0x6F00];
	v18 =	vadd.f32 v47, v18;
	v17 =	vadd.f32 v19, v17;
	v19 =	vmul.f32 v45, v48  }
0x55: {  	v56 =	vperm.xlane v16, v13;
	v55 =	vmul.f32 v46, v52;
	v57 =	vld [tilespmem:$0x6F10]  }
0x56: {  	v61 =	vld [tilespmem:$0x6F90];
	v18 =	vadd.f32 v51, v18;
	v17 =	vadd.f32 v19, v17;
	v19 =	vmul.f32 v49, v52  }
0x57: {  	v60 =	vperm.xlane v16, v14;
	v58 =	vld [tilespmem:$0x6F80];
	v59 =	vmul.f32 v50, v56  }
0x58: {  	v18 =	vadd.f32 v55, v18;
	v17 =	vadd.f32 v19, v17;
	v19 =	vmul.f32 v53, v56  }
0x59: {  	v16 =	vperm.xlane v16, v15;
	v62 =	vmul.f32 v54, v60  }
0x5a: {  	v18 =	vadd.f32 v59, v18;
	v17 =	vadd.f32 v19, v17;
	v19 =	vmul.f32 v57, v60  }
0x5b: {  	v63 =	vmul.f32 v61, v16  }
0x5c: {  	_ =	swait.ge [sflag:s12], $0x6000;
	v18 =	vadd.f32 v62, v18;
	v17 =	vadd.f32 v19, v17;
	v19 =	vmul.f32 v58, v16  }
0x5d: {  	[sflag:s12] =	ssyncset.done $0x0  }
0x5e: {  	s15 =	simm.s32 $0x0;
	[sflag:s12] =	ssyncadd.s32 $0xFFFFA000;
	v16 =	vadd.f32 v19, v18;
	v17 =	vadd.f32 v63, v17  }
.LBB2_2:
0x5f: {  	s16 =	sshra.s32 s15, $0x2  }
0x60: {  	v25 =	vld [tilespmem:s16+$0x0]  }
0x61: {  	v24 =	vld [tilespmem:s16+$0x80]  }
0x62: {  	v23 =	vld [tilespmem:s16+$0x100]  }
0x63: {  	v22 =	vld [tilespmem:s16+$0x180]  }
0x64: {  	v19 =	vld [tilespmem:s16+$0x200]  }
0x65: {  	v21 =	vld [tilespmem:s16+$0x280];
	_ =	sdelay $0x2  }
0x66: {  	v26 =	vld [tilespmem:$0x6000];
	v18 =	vperm.xlane v25, v0;
	v20 =	vperm.xlane v24, v0  }
0x67: {  	v27 =	vld [tilespmem:$0x6010];
	v30 =	vperm.xlane v23, v0;
	v34 =	vperm.xlane v22, v0  }
0x68: {  	v35 =	vperm.xlane v19, v0;
	v38 =	vperm.xlane v21, v0  }
0x69: {  	v45 =	vperm.xlane v25, v1;
	v46 =	vperm.xlane v24, v1  }
0x6a: {  	v47 =	vperm.xlane v23, v1;
	v48 =	vperm.xlane v22, v1  }
0x6b: {  	v51 =	vperm.xlane v19, v1;
	v53 =	vperm.xlane v21, v1  }
0x6c: {  	v41 =	vld [tilespmem:$0x6080];
	v28 =	vmul.f32 v18, v26;
	v18 =	vmul.f32 v18, v27  }
0x6d: {  	v43 =	vld [tilespmem:$0x6090];
	v29 =	vmul.f32 v20, v26;
	v32 =	vmul.f32 v20, v27  }
0x6e: {  	v33 =	vmul.f32 v30, v26;
	v30 =	vmul.f32 v30, v27  }
0x6f: {  	v36 =	vmul.f32 v34, v26;
	v34 =	vmul.f32 v34, v27  }
0x70: {  	v37 =	vmul.f32 v35, v26;
	v35 =	vmul.f32 v35, v27  }
0x71: {  	v39 =	vmul.f32 v38, v26;
	v38 =	vmul.f32 v38, v27  }
0x72: {  	v61 =	vmul.f32 v45, v41;
	v45 =	vmul.f32 v45, v43  }
0x73: {  	v62 =	vmul.f32 v46, v41;
	v46 =	vmul.f32 v46, v43  }
0x74: {  	v63 =	vmul.f32 v47, v41;
	v28 =	vadd.f32 v28, v16;
	v31 =	vadd.f32 v18, v17  }
0x75: {  	v49 =	vmul.f32 v47, v43;
	v29 =	vadd.f32 v29, v16;
	v32 =	vadd.f32 v32, v17  }
0x76: {  	v50 =	vmul.f32 v48, v41;
	v33 =	vadd.f32 v33, v16;
	v30 =	vadd.f32 v30, v17  }
0x77: {  	v52 =	vmul.f32 v48, v43;
	v36 =	vadd.f32 v36, v16;
	v34 =	vadd.f32 v34, v17  }
0x78: {  	v20 =	vld [tilespmem:s16+$0x380];
	v54 =	vmul.f32 v51, v41;
	v37 =	vadd.f32 v37, v16;
	v35 =	vadd.f32 v35, v17  }
0x79: {  	v55 =	vmul.f32 v53, v41;
	v18 =	vld [tilespmem:s16+$0x300];
	v38 =	vadd.f32 v38, v17;
	v28 =	vadd.f32 v61, v28  }
0x7a: {  	v57 =	vmul.f32 v53, v43;
	v32 =	vadd.f32 v46, v32;
	v33 =	vadd.f32 v63, v33  }
0x7b: {  	v46 =	vmul.f32 v51, v43;
	v34 =	vadd.f32 v52, v34;
	v61 =	vperm.xlane v25, v2  }
0x7c: {  	v37 =	vadd.f32 v54, v37;
	v63 =	vperm.xlane v24, v2;
	v52 =	vperm.xlane v23, v2  }
0x7d: {  	v38 =	vadd.f32 v57, v38;
	v54 =	vperm.xlane v22, v2;
	v57 =	vperm.xlane v19, v2  }
0x7e: {  	v39 =	vadd.f32 v39, v16;
	v42 =	vperm.xlane v20, v0;
	v40 =	vperm.xlane v18, v0  }
0x7f: {  	v30 =	vadd.f32 v49, v30;
	v49 =	vld [tilespmem:$0x6100];
	v59 =	vperm.xlane v20, v1;
	v56 =	vperm.xlane v18, v1  }
0x80: {  	v31 =	vadd.f32 v45, v31;
	v44 =	vmul.f32 v40, v26;
	v40 =	vmul.f32 v40, v27  }
0x81: {  	v29 =	vadd.f32 v62, v29;
	v26 =	vmul.f32 v42, v26;
	v27 =	vmul.f32 v42, v27  }
0x82: {  	v35 =	vadd.f32 v46, v35;
	v46 =	vld [tilespmem:$0x6110];
	v58 =	vmul.f32 v56, v41;
	v60 =	vmul.f32 v56, v43  }
0x83: {  	v36 =	vadd.f32 v50, v36;
	v41 =	vmul.f32 v59, v41;
	v43 =	vmul.f32 v59, v43  }
0x84: {  	v39 =	vadd.f32 v55, v39;
	v62 =	vmul.f32 v61, v49;
	v51 =	vmul.f32 v63, v49  }
0x85: {  	v55 =	vmul.f32 v52, v49;
	v56 =	vmul.f32 v54, v49;
	v44 =	vadd.f32 v44, v16  }
0x86: {  	v59 =	vmul.f32 v57, v49;
	v40 =	vadd.f32 v40, v17;
	v26 =	vadd.f32 v26, v16  }
0x87: {  	v27 =	vadd.f32 v27, v17;
	v50 =	vmul.f32 v61, v46;
	v28 =	vadd.f32 v62, v28  }
0x88: {  	v53 =	vmul.f32 v63, v46;
	v29 =	vadd.f32 v51, v29;
	v33 =	vadd.f32 v55, v33  }
0x89: {  	v47 =	vld [tilespmem:$0x6180];
	v36 =	vadd.f32 v56, v36;
	v61 =	vmul.f32 v57, v46;
	v62 =	vperm.xlane v18, v2  }
0x8a: {  	v48 =	vld [tilespmem:$0x6190];
	v37 =	vadd.f32 v59, v37;
	v55 =	vperm.xlane v25, v3;
	v42 =	vadd.f32 v58, v44  }
0x8b: {  	v57 =	vperm.xlane v24, v3;
	v40 =	vadd.f32 v60, v40;
	v26 =	vadd.f32 v41, v26  }
0x8c: {  	v27 =	vadd.f32 v43, v27;
	v44 =	vmul.f32 v52, v46;
	v58 =	vmul.f32 v54, v46  }
0x8d: {  	v31 =	vadd.f32 v50, v31;
	v60 =	vperm.xlane v21, v2;
	v52 =	vmul.f32 v62, v49  }
0x8e: {  	v32 =	vadd.f32 v53, v32;
	v50 =	vperm.xlane v20, v2;
	v53 =	vmul.f32 v62, v46  }
0x8f: {  	v35 =	vadd.f32 v61, v35;
	v59 =	vmul.f32 v57, v47;
	v61 =	vmul.f32 v57, v48  }
0x90: {  	v30 =	vadd.f32 v44, v30;
	v34 =	vadd.f32 v58, v34;
	v63 =	vmul.f32 v60, v49  }
0x91: {  	v44 =	vmul.f32 v60, v46;
	v42 =	vadd.f32 v52, v42;
	v54 =	vmul.f32 v50, v49  }
0x92: {  	v40 =	vadd.f32 v53, v40;
	v56 =	vmul.f32 v50, v46;
	v58 =	vmul.f32 v55, v47  }
0x93: {  	v60 =	vperm.xlane v23, v3;
	v29 =	vadd.f32 v59, v29;
	v50 =	vperm.xlane v19, v3  }
0x94: {  	v32 =	vadd.f32 v61, v32;
	v53 =	vperm.xlane v21, v3;
	v61 =	vperm.xlane v25, v4  }
0x95: {  	v46 =	vperm.xlane v19, v15;
	v38 =	vadd.f32 v44, v38;
	v44 =	vmul.f32 v55, v48  }
0x96: {  	v39 =	vadd.f32 v63, v39;
	v62 =	vmul.f32 v60, v47;
	v63 =	vperm.xlane v22, v3  }
0x97: {  	v26 =	vadd.f32 v54, v26;
	v49 =	vmul.f32 v60, v48;
	v52 =	vmul.f32 v50, v47  }
0x98: {  	v45 =	vld [tilespmem:$0x6200];
	v27 =	vadd.f32 v56, v27;
	v54 =	vmul.f32 v50, v48;
	v55 =	vmul.f32 v53, v47  }
0x99: {  	v28 =	vadd.f32 v58, v28;
	v56 =	vperm.xlane v18, v3;
	v57 =	vmul.f32 v53, v48  }
0x9a: {  	v58 =	vperm.xlane v20, v3;
	v31 =	vadd.f32 v44, v31;
	v33 =	vadd.f32 v62, v33  }
0x9b: {  	v51 =	vmul.f32 v63, v47;
	v44 =	vmul.f32 v63, v48;
	v30 =	vadd.f32 v49, v30  }
0x9c: {  	v37 =	vadd.f32 v52, v37;
	v59 =	vmul.f32 v56, v47;
	v60 =	vmul.f32 v58, v47  }
0x9d: {  	v35 =	vadd.f32 v54, v35;
	v62 =	vmul.f32 v58, v48;
	v63 =	vmul.f32 v61, v45  }
0x9e: {  	v38 =	vadd.f32 v57, v38;
	v54 =	vperm.xlane v22, v4;
	v57 =	vperm.xlane v19, v4  }
0x9f: {  	v49 =	vld [tilespmem:$0x6210];
	v36 =	vadd.f32 v51, v36;
	v34 =	vadd.f32 v44, v34;
	v44 =	vmul.f32 v56, v48  }
0xa0: {  	v42 =	vadd.f32 v59, v42;
	v48 =	vperm.xlane v24, v4;
	v51 =	vperm.xlane v23, v4  }
0xa1: {  	v26 =	vadd.f32 v60, v26;
	v56 =	vmul.f32 v54, v45;
	v59 =	vperm.xlane v21, v4  }
0xa2: {  	v27 =	vadd.f32 v62, v27;
	v60 =	vmul.f32 v57, v45;
	v62 =	vperm.xlane v18, v4  }
0xa3: {  	v39 =	vadd.f32 v55, v39;
	v52 =	vmul.f32 v48, v45;
	v53 =	vmul.f32 v51, v45  }
0xa4: {  	v37 =	vadd.f32 v60, v37;
	v60 =	vperm.xlane v23, v5;
	v50 =	vmul.f32 v61, v49  }
0xa5: {  	v40 =	vadd.f32 v44, v40;
	v44 =	vmul.f32 v48, v49;
	v55 =	vmul.f32 v51, v49  }
0xa6: {  	v28 =	vadd.f32 v63, v28;
	v58 =	vmul.f32 v54, v49;
	v61 =	vmul.f32 v59, v45  }
0xa7: {  	v36 =	vadd.f32 v56, v36;
	v63 =	vmul.f32 v59, v49;
	v51 =	vperm.xlane v20, v4  }
0xa8: {  	v29 =	vadd.f32 v52, v29;
	v33 =	vadd.f32 v53, v33;
	v52 =	vmul.f32 v62, v49  }
0xa9: {  	v53 =	vperm.xlane v25, v5;
	v31 =	vadd.f32 v50, v31;
	v32 =	vadd.f32 v44, v32  }
0xaa: {  	v48 =	vld [tilespmem:$0x6280];
	v30 =	vadd.f32 v55, v30;
	v44 =	vmul.f32 v57, v49;
	v34 =	vadd.f32 v58, v34  }
0xab: {  	v39 =	vadd.f32 v61, v39;
	v50 =	vmul.f32 v62, v45;
	v54 =	vmul.f32 v51, v45  }
0xac: {  	v38 =	vadd.f32 v63, v38;
	v55 =	vmul.f32 v51, v49;
	v57 =	vperm.xlane v24, v5  }
0xad: {  	v62 =	vperm.xlane v22, v5;
	v35 =	vadd.f32 v44, v35;
	v44 =	vld [tilespmem:$0x6290];
	v41 =	vadd.f32 v50, v42  }
0xae: {  	v27 =	vadd.f32 v55, v27;
	v50 =	vperm.xlane v19, v5;
	v55 =	vperm.xlane v18, v5  }
0xaf: {  	v40 =	vadd.f32 v52, v40;
	v56 =	vmul.f32 v53, v48;
	v63 =	vmul.f32 v60, v48  }
0xb0: {  	v26 =	vadd.f32 v54, v26;
	v59 =	vmul.f32 v57, v48;
	v49 =	vmul.f32 v62, v48  }
0xb1: {  	v47 =	vld [tilespmem:$0x6300];
	v52 =	vmul.f32 v50, v48;
	v33 =	vadd.f32 v63, v33;
	v63 =	vperm.xlane v24, v6  }
0xb2: {  	v28 =	vadd.f32 v56, v28;
	v58 =	vmul.f32 v53, v44;
	v61 =	vmul.f32 v57, v44  }
0xb3: {  	v29 =	vadd.f32 v59, v29;
	v45 =	vmul.f32 v60, v44;
	v51 =	vmul.f32 v62, v44  }
0xb4: {  	v36 =	vadd.f32 v49, v36;
	v53 =	vperm.xlane v21, v5;
	v54 =	vmul.f32 v50, v44  }
0xb5: {  	v49 =	vld [tilespmem:$0x6310];
	v37 =	vadd.f32 v52, v37;
	v57 =	vmul.f32 v55, v48;
	v59 =	vmul.f32 v55, v44  }
0xb6: {  	v50 =	vmul.f32 v63, v47;
	v31 =	vadd.f32 v58, v31;
	v32 =	vadd.f32 v61, v32  }
0xb7: {  	v30 =	vadd.f32 v45, v30;
	v56 =	vmul.f32 v53, v48;
	v45 =	vmul.f32 v53, v44  }
0xb8: {  	v34 =	vadd.f32 v51, v34;
	v58 =	vperm.xlane v20, v5;
	v61 =	vperm.xlane v25, v6  }
0xb9: {  	v35 =	vadd.f32 v54, v35;
	v51 =	vperm.xlane v23, v6;
	v54 =	vperm.xlane v22, v6  }
0xba: {  	v40 =	vadd.f32 v59, v40;
	v59 =	vperm.xlane v21, v6;
	v52 =	vmul.f32 v63, v49  }
0xbb: {  	v60 =	vmul.f32 v58, v48;
	v62 =	vmul.f32 v58, v44  }
0xbc: {  	v38 =	vadd.f32 v45, v38;
	v48 =	vmul.f32 v61, v47;
	v45 =	vmul.f32 v61, v49  }
0xbd: {  	v41 =	vadd.f32 v57, v41;
	v53 =	vmul.f32 v51, v47;
	v55 =	vmul.f32 v51, v49  }
0xbe: {  	v39 =	vadd.f32 v56, v39;
	v56 =	vperm.xlane v19, v6;
	v57 =	vmul.f32 v54, v47  }
0xbf: {  	v44 =	vmul.f32 v54, v49;
	v61 =	vmul.f32 v59, v47;
	v32 =	vadd.f32 v52, v32  }
0xc0: {  	v63 =	vmul.f32 v59, v49;
	v26 =	vadd.f32 v60, v26;
	v27 =	vadd.f32 v62, v27  }
0xc1: {  	v51 =	vperm.xlane v19, v7;
	v28 =	vadd.f32 v48, v28;
	v31 =	vadd.f32 v45, v31  }
0xc2: {  	v52 =	vperm.xlane v20, v6;
	v33 =	vadd.f32 v53, v33;
	v30 =	vadd.f32 v55, v30  }
0xc3: {  	v58 =	vmul.f32 v56, v47;
	v36 =	vadd.f32 v57, v36;
	v60 =	vmul.f32 v56, v49  }
0xc4: {  	v34 =	vadd.f32 v44, v34;
	v62 =	vperm.xlane v18, v6;
	v45 =	vld [tilespmem:$0x6380];
	v55 =	vperm.xlane v25, v7  }
0xc5: {  	v48 =	vld [tilespmem:$0x6390];
	v38 =	vadd.f32 v63, v38;
	v63 =	vperm.xlane v22, v7;
	v54 =	vmul.f32 v52, v47  }
0xc6: {  	v56 =	vmul.f32 v52, v49;
	v37 =	vadd.f32 v58, v37;
	v53 =	vmul.f32 v62, v47  }
0xc7: {  	v35 =	vadd.f32 v60, v35;
	v44 =	vmul.f32 v62, v49;
	v58 =	vperm.xlane v24, v7  }
0xc8: {  	v60 =	vperm.xlane v23, v7;
	v27 =	vadd.f32 v56, v27;
	v56 =	vperm.xlane v18, v7  }
0xc9: {  	v41 =	vadd.f32 v53, v41;
	v53 =	vperm.xlane v21, v7;
	v57 =	vmul.f32 v55, v45  }
0xca: {  	v39 =	vadd.f32 v61, v39;
	v59 =	vmul.f32 v55, v48;
	v61 =	vmul.f32 v58, v45  }
0xcb: {  	v40 =	vadd.f32 v44, v40;
	v44 =	vmul.f32 v58, v48;
	v62 =	vmul.f32 v60, v45  }
0xcc: {  	v29 =	vadd.f32 v50, v29;
	v49 =	vmul.f32 v60, v48;
	v50 =	vmul.f32 v63, v45  }
0xcd: {  	v26 =	vadd.f32 v54, v26;
	v52 =	vmul.f32 v63, v48;
	v54 =	vmul.f32 v51, v45  }
0xce: {  	v58 =	vmul.f32 v56, v45;
	v28 =	vadd.f32 v57, v28;
	v31 =	vadd.f32 v59, v31  }
0xcf: {  	v60 =	vmul.f32 v56, v48;
	v29 =	vadd.f32 v61, v29;
	v32 =	vadd.f32 v44, v32  }
0xd0: {  	v55 =	vmul.f32 v53, v45;
	v33 =	vadd.f32 v62, v33;
	v30 =	vadd.f32 v49, v30  }
0xd1: {  	v36 =	vadd.f32 v50, v36;
	v44 =	vmul.f32 v51, v48;
	v34 =	vadd.f32 v52, v34  }
0xd2: {  	v49 =	vld [tilespmem:$0x6400];
	v37 =	vadd.f32 v54, v37;
	v57 =	vmul.f32 v53, v48;
	v59 =	vperm.xlane v20, v7  }
0xd3: {  	v61 =	vperm.xlane v25, v8;
	v41 =	vadd.f32 v58, v41;
	v50 =	vperm.xlane v24, v8  }
0xd4: {  	v53 =	vperm.xlane v23, v8;
	v35 =	vadd.f32 v44, v35;
	v44 =	vld [tilespmem:$0x6410];
	v63 =	vmul.f32 v59, v48  }
0xd5: {  	v58 =	vperm.xlane v19, v8;
	v39 =	vadd.f32 v55, v39;
	v55 =	vperm.xlane v22, v8  }
0xd6: {  	v62 =	vmul.f32 v59, v45;
	v27 =	vadd.f32 v63, v27;
	v63 =	vperm.xlane v18, v8  }
0xd7: {  	v40 =	vadd.f32 v60, v40;
	v48 =	vmul.f32 v61, v49;
	v52 =	vmul.f32 v50, v49  }
0xd8: {  	v38 =	vadd.f32 v57, v38;
	v56 =	vmul.f32 v53, v49;
	v57 =	vmul.f32 v55, v49  }
0xd9: {  	v26 =	vadd.f32 v62, v26;
	v60 =	vmul.f32 v58, v49;
	v51 =	vmul.f32 v61, v44  }
0xda: {  	v28 =	vadd.f32 v48, v28;
	v54 =	vmul.f32 v50, v44;
	v45 =	vmul.f32 v53, v44  }
0xdb: {  	v29 =	vadd.f32 v52, v29;
	v59 =	vmul.f32 v55, v44;
	v61 =	vperm.xlane v21, v8  }
0xdc: {  	v47 =	vld [tilespmem:$0x6480];
	v36 =	vadd.f32 v57, v36;
	v62 =	vmul.f32 v58, v44;
	v53 =	vmul.f32 v63, v49  }
0xdd: {  	v37 =	vadd.f32 v60, v37;
	v55 =	vmul.f32 v63, v44;
	v57 =	vperm.xlane v25, v9  }
0xde: {  	v50 =	vperm.xlane v22, v9;
	v32 =	vadd.f32 v54, v32;
	v30 =	vadd.f32 v45, v30  }
0xdf: {  	v34 =	vadd.f32 v59, v34;
	v52 =	vmul.f32 v61, v49;
	v45 =	vmul.f32 v61, v44  }
0xe0: {  	v35 =	vadd.f32 v62, v35;
	v54 =	vperm.xlane v20, v8;
	v59 =	vperm.xlane v24, v9  }
0xe1: {  	v48 =	vld [tilespmem:$0x6490];
	v41 =	vadd.f32 v53, v41;
	v60 =	vmul.f32 v57, v47;
	v62 =	vperm.xlane v23, v9  }
0xe2: {  	v40 =	vadd.f32 v55, v40;
	v53 =	vmul.f32 v50, v47;
	v55 =	vperm.xlane v21, v9  }
0xe3: {  	v33 =	vadd.f32 v56, v33;
	v56 =	vmul.f32 v54, v49;
	v58 =	vmul.f32 v54, v44  }
0xe4: {  	v39 =	vadd.f32 v52, v39;
	v61 =	vmul.f32 v59, v47;
	v49 =	vmul.f32 v62, v47  }
0xe5: {  	v28 =	vadd.f32 v60, v28;
	v52 =	vperm.xlane v19, v9;
	v60 =	vperm.xlane v20, v9  }
0xe6: {  	v38 =	vadd.f32 v45, v38;
	v45 =	vmul.f32 v57, v48;
	v63 =	vmul.f32 v59, v48  }
0xe7: {  	v31 =	vadd.f32 v51, v31;
	v51 =	vmul.f32 v62, v48;
	v44 =	vmul.f32 v50, v48  }
0xe8: {  	v36 =	vadd.f32 v53, v36;
	v57 =	vmul.f32 v55, v47;
	v59 =	vmul.f32 v55, v48  }
0xe9: {  	v26 =	vadd.f32 v56, v26;
	v27 =	vadd.f32 v58, v27;
	v54 =	vmul.f32 v52, v47  }
0xea: {  	v29 =	vadd.f32 v61, v29;
	v56 =	vmul.f32 v52, v48;
	v58 =	vperm.xlane v18, v9  }
0xeb: {  	v33 =	vadd.f32 v49, v33;
	v62 =	vmul.f32 v60, v47;
	v50 =	vmul.f32 v60, v48  }
0xec: {  	v49 =	vld [tilespmem:$0x6510];
	v52 =	vperm.xlane v24, v10;
	v31 =	vadd.f32 v45, v31;
	v32 =	vadd.f32 v63, v32  }
0xed: {  	v60 =	vperm.xlane v19, v10;
	v30 =	vadd.f32 v51, v30;
	v34 =	vadd.f32 v44, v34  }
0xee: {  	v45 =	vld [tilespmem:$0x6500];
	v39 =	vadd.f32 v57, v39;
	v63 =	vperm.xlane v25, v10;
	v57 =	vperm.xlane v22, v10  }
0xef: {  	v37 =	vadd.f32 v54, v37;
	v61 =	vmul.f32 v58, v47;
	v44 =	vmul.f32 v58, v48  }
0xf0: {  	v26 =	vadd.f32 v62, v26;
	v54 =	vperm.xlane v23, v10;
	v62 =	vperm.xlane v21, v10  }
0xf1: {  	v27 =	vadd.f32 v50, v27;
	v50 =	vperm.xlane v23, v11;
	v53 =	vmul.f32 v63, v49  }
0xf2: {  	v40 =	vadd.f32 v44, v40;
	v44 =	vmul.f32 v52, v49;
	v58 =	vmul.f32 v54, v49  }
0xf3: {  	v41 =	vadd.f32 v61, v41;
	v61 =	vmul.f32 v57, v49;
	v51 =	vmul.f32 v63, v45  }
0xf4: {  	v35 =	vadd.f32 v56, v35;
	v55 =	vmul.f32 v52, v45;
	v56 =	vmul.f32 v54, v45  }
0xf5: {  	v38 =	vadd.f32 v59, v38;
	v59 =	vmul.f32 v57, v45;
	v63 =	vmul.f32 v60, v45  }
0xf6: {  	v52 =	vmul.f32 v62, v45;
	v54 =	vmul.f32 v62, v49;
	v31 =	vadd.f32 v53, v31  }
0xf7: {  	v48 =	vld [tilespmem:$0x6580];
	v62 =	vperm.xlane v24, v11;
	v32 =	vadd.f32 v44, v32;
	v30 =	vadd.f32 v58, v30  }
0xf8: {  	v44 =	vmul.f32 v60, v49;
	v34 =	vadd.f32 v61, v34;
	v53 =	vperm.xlane v18, v10  }
0xf9: {  	v58 =	vperm.xlane v25, v11;
	v28 =	vadd.f32 v51, v28;
	v29 =	vadd.f32 v55, v29  }
0xfa: {  	v33 =	vadd.f32 v56, v33;
	v36 =	vadd.f32 v59, v36;
	v56 =	vperm.xlane v20, v10  }
0xfb: {  	v39 =	vadd.f32 v52, v39;
	v52 =	vperm.xlane v22, v11;
	v55 =	vmul.f32 v53, v45  }
0xfc: {  	v37 =	vadd.f32 v63, v37;
	v57 =	vmul.f32 v53, v49;
	v61 =	vmul.f32 v58, v48  }
0xfd: {  	v35 =	vadd.f32 v44, v35;
	v44 =	vld [tilespmem:$0x6590];
	v53 =	vmul.f32 v50, v48;
	v59 =	vmul.f32 v56, v45  }
0xfe: {  	v38 =	vadd.f32 v54, v38;
	v60 =	vmul.f32 v56, v49;
	v49 =	vmul.f32 v62, v48  }
0xff: {  	v54 =	vmul.f32 v52, v48;
	v41 =	vadd.f32 v55, v41;
	v55 =	vperm.xlane v19, v11  }
0x100: {  	v40 =	vadd.f32 v57, v40;
	v27 =	vadd.f32 v60, v27;
	v60 =	vperm.xlane v18, v11  }
0x101: {  	v47 =	vld [tilespmem:$0x6600];
	v36 =	vadd.f32 v54, v36;
	v54 =	vperm.xlane v25, v12;
	v57 =	vmul.f32 v55, v48  }
0x102: {  	v28 =	vadd.f32 v61, v28;
	v63 =	vmul.f32 v58, v44;
	v51 =	vmul.f32 v62, v44  }
0x103: {  	v33 =	vadd.f32 v53, v33;
	v45 =	vmul.f32 v50, v44;
	v56 =	vmul.f32 v52, v44  }
0x104: {  	v26 =	vadd.f32 v59, v26;
	v58 =	vperm.xlane v21, v11;
	v59 =	vmul.f32 v55, v44  }
0x105: {  	v29 =	vadd.f32 v49, v29;
	v62 =	vmul.f32 v60, v48;
	v52 =	vmul.f32 v60, v44  }
0x106: {  	v37 =	vadd.f32 v57, v37;
	v57 =	vmul.f32 v54, v47;
	v31 =	vadd.f32 v63, v31  }
0x107: {  	v49 =	vld [tilespmem:$0x6610];
	v30 =	vadd.f32 v45, v30;
	v34 =	vadd.f32 v56, v34;
	v61 =	vmul.f32 v58, v48  }
0x108: {  	v45 =	vmul.f32 v58, v44;
	v35 =	vadd.f32 v59, v35;
	v63 =	vperm.xlane v20, v11  }
0x109: {  	v41 =	vadd.f32 v62, v41;
	v56 =	vperm.xlane v24, v12;
	v59 =	vperm.xlane v23, v12  }
0x10a: {  	v40 =	vadd.f32 v52, v40;
	v62 =	vperm.xlane v22, v12;
	v52 =	vperm.xlane v21, v12  }
0x10b: {  	v28 =	vadd.f32 v57, v28;
	v57 =	vperm.xlane v20, v12;
	v53 =	vmul.f32 v63, v48  }
0x10c: {  	v38 =	vadd.f32 v45, v38;
	v55 =	vmul.f32 v63, v44;
	v45 =	vmul.f32 v54, v49  }
0x10d: {  	v58 =	vmul.f32 v56, v47;
	v60 =	vmul.f32 v56, v49  }
0x10e: {  	v39 =	vadd.f32 v61, v39;
	v61 =	vmul.f32 v59, v47;
	v63 =	vmul.f32 v59, v49  }
0x10f: {  	v32 =	vadd.f32 v51, v32;
	v48 =	vperm.xlane v19, v12;
	v50 =	vmul.f32 v62, v47  }
0x110: {  	v44 =	vmul.f32 v62, v49;
	v54 =	vmul.f32 v52, v47;
	v26 =	vadd.f32 v53, v26  }
0x111: {  	v56 =	vmul.f32 v52, v49;
	v27 =	vadd.f32 v55, v27;
	v31 =	vadd.f32 v45, v31  }
0x112: {  	v59 =	vmul.f32 v57, v47;
	v29 =	vadd.f32 v58, v29;
	v32 =	vadd.f32 v60, v32  }
0x113: {  	v33 =	vadd.f32 v61, v33;
	v30 =	vadd.f32 v63, v30;
	v51 =	vmul.f32 v48, v47  }
0x114: {  	v36 =	vadd.f32 v50, v36;
	v53 =	vmul.f32 v48, v49;
	v55 =	vperm.xlane v18, v12;
	v45 =	vld [tilespmem:$0x6680]  }
0x115: {  	v34 =	vadd.f32 v44, v34;
	v48 =	vld [tilespmem:$0x6690];
	v60 =	vperm.xlane v25, v13;
	v61 =	vmul.f32 v57, v49  }
0x116: {  	v38 =	vadd.f32 v56, v38;
	v63 =	vperm.xlane v24, v13;
	v50 =	vperm.xlane v23, v13  }
0x117: {  	v56 =	vperm.xlane v19, v13;
	v35 =	vadd.f32 v53, v35;
	v58 =	vmul.f32 v55, v47  }
0x118: {  	v44 =	vmul.f32 v55, v49;
	v27 =	vadd.f32 v61, v27;
	v53 =	vperm.xlane v22, v13  }
0x119: {  	v61 =	vperm.xlane v18, v13;
	v41 =	vadd.f32 v58, v41;
	v58 =	vperm.xlane v21, v13  }
0x11a: {  	v37 =	vadd.f32 v51, v37;
	v62 =	vmul.f32 v60, v45;
	v49 =	vmul.f32 v60, v48  }
0x11b: {  	v40 =	vadd.f32 v44, v40;
	v51 =	vmul.f32 v63, v45;
	v44 =	vmul.f32 v63, v48  }
0x11c: {  	v39 =	vadd.f32 v54, v39;
	v52 =	vmul.f32 v50, v45;
	v54 =	vmul.f32 v50, v48  }
0x11d: {  	v26 =	vadd.f32 v59, v26;
	v55 =	vmul.f32 v53, v45;
	v57 =	vmul.f32 v53, v48  }
0x11e: {  	v59 =	vmul.f32 v56, v45;
	v63 =	vmul.f32 v61, v45;
	v28 =	vadd.f32 v62, v28  }
0x11f: {  	v50 =	vperm.xlane v20, v13;
	v31 =	vadd.f32 v49, v31;
	v29 =	vadd.f32 v51, v29  }
0x120: {  	v60 =	vmul.f32 v58, v45;
	v32 =	vadd.f32 v44, v32;
	v33 =	vadd.f32 v52, v33  }
0x121: {  	v30 =	vadd.f32 v54, v30;
	v44 =	vmul.f32 v56, v48;
	v62 =	vmul.f32 v58, v48  }
0x122: {  	v36 =	vadd.f32 v55, v36;
	v51 =	vmul.f32 v61, v48;
	v52 =	vperm.xlane v25, v14  }
0x123: {  	v34 =	vadd.f32 v57, v34;
	v49 =	vld [tilespmem:$0x6700];
	v53 =	vmul.f32 v50, v45;
	v54 =	vmul.f32 v50, v48  }
0x124: {  	v37 =	vadd.f32 v59, v37;
	v56 =	vperm.xlane v24, v14;
	v59 =	vperm.xlane v23, v14  }
0x125: {  	v41 =	vadd.f32 v63, v41;
	v61 =	vperm.xlane v22, v14;
	v48 =	vperm.xlane v19, v14  }
0x126: {  	v25 =	vperm.xlane v25, v15;
	v24 =	vperm.xlane v24, v15;
	v35 =	vadd.f32 v44, v35;
	v44 =	vld [tilespmem:$0x6710]  }
0x127: {  	v23 =	vperm.xlane v23, v15;
	v27 =	vadd.f32 v54, v27;
	v54 =	vperm.xlane v18, v14  }
0x128: {  	v39 =	vadd.f32 v60, v39;
	v18 =	vperm.xlane v18, v15;
	v55 =	vmul.f32 v52, v49  }
0x129: {  	v38 =	vadd.f32 v62, v38;
	v58 =	vmul.f32 v56, v49;
	v62 =	vmul.f32 v59, v49  }
0x12a: {  	v47 =	vld [tilespmem:$0x6780];
	v40 =	vadd.f32 v51, v40;
	v63 =	vmul.f32 v61, v49;
	v51 =	vmul.f32 v48, v49  }
0x12b: {  	v26 =	vadd.f32 v53, v26;
	v57 =	vmul.f32 v52, v44;
	v60 =	vmul.f32 v56, v44  }
0x12c: {  	v28 =	vadd.f32 v55, v28;
	v45 =	vmul.f32 v59, v44;
	v50 =	vmul.f32 v61, v44  }
0x12d: {  	v29 =	vadd.f32 v58, v29;
	v52 =	vperm.xlane v21, v14;
	v53 =	vmul.f32 v48, v44  }
0x12e: {  	v33 =	vadd.f32 v62, v33;
	v56 =	vmul.f32 v54, v49;
	v58 =	vmul.f32 v54, v44  }
0x12f: {  	v36 =	vadd.f32 v63, v36;
	v61 =	vmul.f32 v25, v47;
	v62 =	vmul.f32 v24, v47  }
0x130: {  	v37 =	vadd.f32 v51, v37;
	v63 =	vmul.f32 v23, v47;
	v51 =	vperm.xlane v21, v15  }
0x131: {  	v19 =	vld [tilespmem:s16+$0x90];
	v54 =	vmul.f32 v18, v47;
	v31 =	vadd.f32 v57, v31;
	v32 =	vadd.f32 v60, v32  }
0x132: {  	v30 =	vadd.f32 v45, v30;
	v34 =	vadd.f32 v50, v34;
	v55 =	vmul.f32 v52, v49  }
0x133: {  	v43 =	vld [tilespmem:$0x6810];
	v45 =	vmul.f32 v52, v44;
	v35 =	vadd.f32 v53, v35;
	v41 =	vadd.f32 v56, v41  }
0x134: {  	v48 =	vld [tilespmem:$0x6790];
	v57 =	vperm.xlane v20, v14;
	v40 =	vadd.f32 v58, v40;
	v28 =	vadd.f32 v61, v28  }
0x135: {  	v29 =	vadd.f32 v62, v29;
	v50 =	vmul.f32 v46, v47;
	v52 =	vmul.f32 v51, v47  }
0x136: {  	v33 =	vadd.f32 v63, v33;
	v20 =	vperm.xlane v20, v15;
	v58 =	vperm.xlane v19, v0  }
0x137: {  	v39 =	vadd.f32 v55, v39;
	v59 =	vmul.f32 v57, v49;
	v60 =	vmul.f32 v57, v44  }
0x138: {  	v21 =	vld [tilespmem:s16+$0x110];
	v38 =	vadd.f32 v45, v38;
	v45 =	vperm.xlane v22, v15;
	v55 =	vmul.f32 v20, v47  }
0x139: {  	v37 =	vadd.f32 v50, v37;
	v44 =	vmul.f32 v58, v43;
	v25 =	vmul.f32 v25, v48  }
0x13a: {  	v22 =	vld [tilespmem:s16+$0x10];
	v41 =	vadd.f32 v54, v41;
	v24 =	vmul.f32 v24, v48;
	v23 =	vmul.f32 v23, v48  }
0x13b: {  	v53 =	vmul.f32 v51, v48;
	v18 =	vmul.f32 v18, v48;
	v31 =	vadd.f32 v25, v31;
	v25 =	vld [tilespmem:s16+$0x190]  }
0x13c: {  	v26 =	vadd.f32 v59, v26;
	v42 =	vmul.f32 v45, v48;
	v30 =	vadd.f32 v23, v30;
	v23 =	vld [tilespmem:s16+$0x290]  }
0x13d: {  	v59 =	vperm.xlane v21, v0;
	v40 =	vadd.f32 v18, v40;
	v18 =	vmul.f32 v20, v48;
	v20 =	vld [tilespmem:s16+$0x310]  }
0x13e: {  	v32 =	vadd.f32 v24, v32;
	v24 =	vmul.f32 v46, v48;
	v34 =	vadd.f32 v42, v34;
	v42 =	vld [tilespmem:$0x6800]  }
0x13f: {  	v27 =	vadd.f32 v60, v27;
	v49 =	vmul.f32 v45, v47;
	v56 =	vperm.xlane v22, v0  }
0x140: {  	v39 =	vadd.f32 v52, v39;
	v63 =	vmul.f32 v59, v43;
	v35 =	vadd.f32 v24, v35;
	v24 =	vld [tilespmem:s16+$0x210]  }
0x141: {  	v27 =	vadd.f32 v18, v27;
	v18 =	vmul.f32 v56, v43;
	v62 =	vperm.xlane v25, v0  }
0x142: {  	v26 =	vadd.f32 v55, v26;
	v52 =	vperm.xlane v23, v0;
	v55 =	vperm.xlane v20, v0  }
0x143: {  	v38 =	vadd.f32 v53, v38;
	v57 =	vmul.f32 v56, v42;
	v60 =	vmul.f32 v58, v42  }
0x144: {  	v36 =	vadd.f32 v49, v36;
	v61 =	vmul.f32 v59, v42;
	v49 =	vmul.f32 v62, v42  }
0x145: {  	v32 =	vadd.f32 v44, v32;
	v50 =	vperm.xlane v24, v0;
	v51 =	vmul.f32 v62, v43  }
0x146: {  	v31 =	vadd.f32 v18, v31;
	v18 =	vld [tilespmem:s16+$0x390];
	v54 =	vmul.f32 v52, v42;
	v56 =	vmul.f32 v52, v43  }
0x147: {  	v30 =	vadd.f32 v63, v30;
	v59 =	vmul.f32 v55, v43;
	v62 =	vperm.xlane v19, v1  }
0x148: {  	v52 =	vperm.xlane v25, v1;
	v28 =	vadd.f32 v57, v28;
	v29 =	vadd.f32 v60, v29  }
0x149: {  	v57 =	vmul.f32 v55, v42;
	v60 =	vperm.xlane v22, v1;
	v36 =	vadd.f32 v49, v36;
	v49 =	vld [tilespmem:$0x6880]  }
0x14a: {  	v33 =	vadd.f32 v61, v33;
	v55 =	vperm.xlane v24, v1;
	v46 =	vmul.f32 v50, v43  }
0x14b: {  	v53 =	vmul.f32 v50, v42;
	v34 =	vadd.f32 v51, v34;
	v58 =	vperm.xlane v18, v0  }
0x14c: {  	v39 =	vadd.f32 v54, v39;
	v50 =	vperm.xlane v21, v1;
	v35 =	vadd.f32 v46, v35;
	v46 =	vld [tilespmem:$0x6890]  }
0x14d: {  	v38 =	vadd.f32 v56, v38;
	v42 =	vmul.f32 v58, v42;
	v43 =	vmul.f32 v58, v43  }
0x14e: {  	v40 =	vadd.f32 v59, v40;
	v58 =	vperm.xlane v23, v1;
	v61 =	vmul.f32 v60, v49  }
0x14f: {  	v37 =	vadd.f32 v53, v37;
	v48 =	vmul.f32 v62, v49;
	v53 =	vmul.f32 v50, v49  }
0x150: {  	v41 =	vadd.f32 v57, v41;
	v54 =	vmul.f32 v52, v49;
	v57 =	vmul.f32 v55, v49  }
0x151: {  	v26 =	vadd.f32 v42, v26;
	v27 =	vadd.f32 v43, v27;
	v63 =	vmul.f32 v60, v46  }
0x152: {  	v28 =	vadd.f32 v61, v28;
	v51 =	vmul.f32 v62, v46;
	v29 =	vadd.f32 v48, v29  }
0x153: {  	v44 =	vmul.f32 v50, v46;
	v33 =	vadd.f32 v53, v33;
	v56 =	vmul.f32 v52, v46  }
0x154: {  	v47 =	vld [tilespmem:$0x6900];
	v36 =	vadd.f32 v54, v36;
	v59 =	vmul.f32 v55, v46;
	v60 =	vperm.xlane v20, v1  }
0x155: {  	v37 =	vadd.f32 v57, v37;
	v61 =	vmul.f32 v58, v49;
	v54 =	vperm.xlane v22, v2  }
0x156: {  	v31 =	vadd.f32 v63, v31;
	v30 =	vadd.f32 v44, v30;
	v44 =	vmul.f32 v58, v46  }
0x157: {  	v32 =	vadd.f32 v51, v32;
	v62 =	vmul.f32 v60, v49;
	v63 =	vperm.xlane v18, v1  }
0x158: {  	v34 =	vadd.f32 v56, v34;
	v52 =	vmul.f32 v60, v46;
	v56 =	vperm.xlane v19, v2  }
0x159: {  	v48 =	vld [tilespmem:$0x6910];
	v35 =	vadd.f32 v59, v35;
	v57 =	vmul.f32 v54, v47;
	v59 =	vperm.xlane v21, v2  }
0x15a: {  	v39 =	vadd.f32 v61, v39;
	v53 =	vmul.f32 v63, v49;
	v55 =	vmul.f32 v63, v46  }
0x15b: {  	v41 =	vadd.f32 v62, v41;
	v58 =	vmul.f32 v56, v47;
	v61 =	vmul.f32 v59, v47  }
0x15c: {  	v40 =	vadd.f32 v52, v40;
	v62 =	vperm.xlane v25, v2;
	v49 =	vperm.xlane v24, v2  }
0x15d: {  	v28 =	vadd.f32 v57, v28;
	v52 =	vperm.xlane v23, v2;
	v57 =	vperm.xlane v18, v2  }
0x15e: {  	v38 =	vadd.f32 v44, v38;
	v44 =	vmul.f32 v54, v48;
	v60 =	vmul.f32 v56, v48  }
0x15f: {  	v63 =	vmul.f32 v59, v48;
	v26 =	vadd.f32 v53, v26;
	v50 =	vmul.f32 v62, v47  }
0x160: {  	v27 =	vadd.f32 v55, v27;
	v51 =	vmul.f32 v49, v47;
	v53 =	vmul.f32 v49, v48  }
0x161: {  	v29 =	vadd.f32 v58, v29;
	v54 =	vmul.f32 v52, v47;
	v55 =	vperm.xlane v20, v2  }
0x162: {  	v33 =	vadd.f32 v61, v33;
	v56 =	vmul.f32 v52, v48;
	v59 =	vmul.f32 v57, v47  }
0x163: {  	v61 =	vmul.f32 v57, v48;
	v31 =	vadd.f32 v44, v31;
	v32 =	vadd.f32 v60, v32  }
0x164: {  	v45 =	vld [tilespmem:$0x6980];
	v44 =	vmul.f32 v62, v48;
	v30 =	vadd.f32 v63, v30;
	v60 =	vperm.xlane v22, v3  }
0x165: {  	v63 =	vperm.xlane v19, v3;
	v36 =	vadd.f32 v50, v36;
	v35 =	vadd.f32 v53, v35  }
0x166: {  	v58 =	vmul.f32 v55, v47;
	v38 =	vadd.f32 v56, v38;
	v50 =	vperm.xlane v21, v3  }
0x167: {  	v49 =	vld [tilespmem:$0x6990];
	v27 =	vadd.f32 v61, v27;
	v53 =	vperm.xlane v25, v3;
	v56 =	vperm.xlane v24, v3  }
0x168: {  	v61 =	vperm.xlane v20, v3;
	v34 =	vadd.f32 v44, v34;
	v44 =	vmul.f32 v55, v48  }
0x169: {  	v37 =	vadd.f32 v51, v37;
	v62 =	vmul.f32 v60, v45;
	v51 =	vmul.f32 v63, v45  }
0x16a: {  	v26 =	vadd.f32 v59, v26;
	v52 =	vmul.f32 v50, v45;
	v55 =	vmul.f32 v53, v45  }
0x16b: {  	v41 =	vadd.f32 v58, v41;
	v58 =	vperm.xlane v23, v3;
	v59 =	vmul.f32 v56, v45  }
0x16c: {  	v40 =	vadd.f32 v44, v40;
	v48 =	vmul.f32 v60, v49;
	v44 =	vmul.f32 v63, v49  }
0x16d: {  	v39 =	vadd.f32 v54, v39;
	v54 =	vmul.f32 v50, v49;
	v57 =	vmul.f32 v53, v49  }
0x16e: {  	v28 =	vadd.f32 v62, v28;
	v63 =	vmul.f32 v61, v45;
	v50 =	vperm.xlane v18, v3  }
0x16f: {  	v29 =	vadd.f32 v51, v29;
	v51 =	vmul.f32 v61, v49;
	v61 =	vperm.xlane v25, v4  }
0x170: {  	v33 =	vadd.f32 v52, v33;
	v36 =	vadd.f32 v55, v36;
	v60 =	vmul.f32 v58, v45  }
0x171: {  	v37 =	vadd.f32 v59, v37;
	v62 =	vmul.f32 v58, v49;
	v52 =	vperm.xlane v22, v4  }
0x172: {  	v31 =	vadd.f32 v48, v31;
	v32 =	vadd.f32 v44, v32;
	v44 =	vmul.f32 v56, v49;
	v48 =	vld [tilespmem:$0x6A00]  }
0x173: {  	v59 =	vperm.xlane v21, v4;
	v30 =	vadd.f32 v54, v30;
	v34 =	vadd.f32 v57, v34  }
0x174: {  	v41 =	vadd.f32 v63, v41;
	v54 =	vmul.f32 v50, v49;
	v35 =	vadd.f32 v44, v35;
	v44 =	vld [tilespmem:$0x6A10]  }
0x175: {  	v53 =	vmul.f32 v50, v45;
	v40 =	vadd.f32 v51, v40;
	v56 =	vperm.xlane v19, v4  }
0x176: {  	v49 =	vperm.xlane v24, v4;
	v27 =	vadd.f32 v54, v27;
	v54 =	vperm.xlane v20, v4  }
0x177: {  	v39 =	vadd.f32 v60, v39;
	v55 =	vmul.f32 v52, v48;
	v58 =	vmul.f32 v56, v48  }
0x178: {  	v38 =	vadd.f32 v62, v38;
	v62 =	vmul.f32 v59, v48;
	v63 =	vmul.f32 v61, v48  }
0x179: {  	v26 =	vadd.f32 v53, v26;
	v51 =	vmul.f32 v49, v48;
	v57 =	vmul.f32 v52, v44  }
0x17a: {  	v28 =	vadd.f32 v55, v28;
	v60 =	vmul.f32 v56, v44;
	v45 =	vmul.f32 v59, v44  }
0x17b: {  	v29 =	vadd.f32 v58, v29;
	v50 =	vmul.f32 v61, v44;
	v52 =	vperm.xlane v23, v4  }
0x17c: {  	v33 =	vadd.f32 v62, v33;
	v53 =	vmul.f32 v49, v44;
	v56 =	vmul.f32 v54, v48  }
0x17d: {  	v58 =	vmul.f32 v54, v44;
	v62 =	vperm.xlane v19, v5;
	v31 =	vadd.f32 v57, v31  }
0x17e: {  	v47 =	vld [tilespmem:$0x6A80];
	v32 =	vadd.f32 v60, v32;
	v30 =	vadd.f32 v45, v30;
	v55 =	vmul.f32 v52, v48  }
0x17f: {  	v34 =	vadd.f32 v50, v34;
	v45 =	vmul.f32 v52, v44;
	v57 =	vperm.xlane v18, v4  }
0x180: {  	v49 =	vld [tilespmem:$0x6A90];
	v35 =	vadd.f32 v53, v35;
	v60 =	vperm.xlane v22, v5;
	v50 =	vperm.xlane v21, v5  }
0x181: {  	v40 =	vadd.f32 v58, v40;
	v53 =	vperm.xlane v25, v5;
	v58 =	vperm.xlane v23, v5  }
0x182: {  	v36 =	vadd.f32 v63, v36;
	v59 =	vmul.f32 v57, v48;
	v61 =	vmul.f32 v57, v44  }
0x183: {  	v41 =	vadd.f32 v56, v41;
	v63 =	vmul.f32 v60, v47;
	v48 =	vmul.f32 v62, v47  }
0x184: {  	v39 =	vadd.f32 v55, v39;
	v52 =	vmul.f32 v50, v47;
	v55 =	vperm.xlane v24, v5  }
0x185: {  	v38 =	vadd.f32 v45, v38;
	v56 =	vmul.f32 v53, v47;
	v45 =	vmul.f32 v60, v49  }
0x186: {  	v37 =	vadd.f32 v51, v37;
	v51 =	vmul.f32 v62, v49;
	v54 =	vmul.f32 v50, v49  }
0x187: {  	v44 =	vmul.f32 v53, v49;
	v60 =	vmul.f32 v58, v47  }
0x188: {  	v62 =	vmul.f32 v58, v49;
	v26 =	vadd.f32 v59, v26;
	v27 =	vadd.f32 v61, v27  }
0x189: {  	v50 =	vperm.xlane v24, v6;
	v28 =	vadd.f32 v63, v28;
	v29 =	vadd.f32 v48, v29  }
0x18a: {  	v33 =	vadd.f32 v52, v33;
	v57 =	vmul.f32 v55, v47;
	v36 =	vadd.f32 v56, v36  }
0x18b: {  	v59 =	vmul.f32 v55, v49;
	v61 =	vperm.xlane v20, v5;
	v31 =	vadd.f32 v45, v31  }
0x18c: {  	v63 =	vperm.xlane v18, v5;
	v30 =	vadd.f32 v54, v30;
	v34 =	vadd.f32 v44, v34  }
0x18d: {  	v48 =	vld [tilespmem:$0x6B10];
	v38 =	vadd.f32 v62, v38;
	v54 =	vperm.xlane v22, v6;
	v62 =	vperm.xlane v25, v6  }
0x18e: {  	v37 =	vadd.f32 v57, v37;
	v52 =	vmul.f32 v61, v47;
	v44 =	vmul.f32 v61, v49  }
0x18f: {  	v45 =	vld [tilespmem:$0x6B00];
	v35 =	vadd.f32 v59, v35;
	v53 =	vmul.f32 v63, v47;
	v55 =	vmul.f32 v63, v49  }
0x190: {  	v57 =	vperm.xlane v19, v6;
	v59 =	vperm.xlane v21, v6;
	v41 =	vadd.f32 v52, v41  }
0x191: {  	v27 =	vadd.f32 v55, v27;
	v52 =	vperm.xlane v23, v6;
	v55 =	vperm.xlane v20, v6  }
0x192: {  	v40 =	vadd.f32 v44, v40;
	v58 =	vmul.f32 v54, v48;
	v44 =	vmul.f32 v57, v48  }
0x193: {  	v32 =	vadd.f32 v51, v32;
	v63 =	vmul.f32 v59, v48;
	v51 =	vmul.f32 v62, v48  }
0x194: {  	v39 =	vadd.f32 v60, v39;
	v56 =	vmul.f32 v54, v45;
	v60 =	vmul.f32 v57, v45  }
0x195: {  	v61 =	vmul.f32 v59, v45;
	v49 =	vmul.f32 v62, v45  }
0x196: {  	v26 =	vadd.f32 v53, v26;
	v53 =	vmul.f32 v50, v45;
	v54 =	vmul.f32 v52, v45  }
0x197: {  	v57 =	vmul.f32 v55, v45;
	v59 =	vmul.f32 v55, v48;
	v31 =	vadd.f32 v58, v31  }
0x198: {  	v32 =	vadd.f32 v44, v32;
	v30 =	vadd.f32 v63, v30;
	v44 =	vmul.f32 v50, v48  }
0x199: {  	v58 =	vperm.xlane v18, v6;
	v28 =	vadd.f32 v56, v28;
	v29 =	vadd.f32 v60, v29  }
0x19a: {  	v33 =	vadd.f32 v61, v33;
	v36 =	vadd.f32 v49, v36;
	v49 =	vld [tilespmem:$0x6B80];
	v56 =	vmul.f32 v52, v48  }
0x19b: {  	v39 =	vadd.f32 v54, v39;
	v60 =	vperm.xlane v22, v7;
	v52 =	vperm.xlane v21, v7  }
0x19c: {  	v54 =	vperm.xlane v25, v7;
	v35 =	vadd.f32 v44, v35;
	v44 =	vld [tilespmem:$0x6B90];
	v62 =	vmul.f32 v58, v48  }
0x19d: {  	v41 =	vadd.f32 v57, v41;
	v57 =	vperm.xlane v24, v7;
	v48 =	vperm.xlane v19, v7  }
0x19e: {  	v61 =	vmul.f32 v58, v45;
	v27 =	vadd.f32 v62, v27;
	v62 =	vperm.xlane v20, v7  }
0x19f: {  	v34 =	vadd.f32 v51, v34;
	v63 =	vmul.f32 v60, v49;
	v51 =	vmul.f32 v48, v49  }
0x1a0: {  	v38 =	vadd.f32 v56, v38;
	v55 =	vmul.f32 v52, v49;
	v56 =	vmul.f32 v54, v49  }
0x1a1: {  	v40 =	vadd.f32 v59, v40;
	v59 =	vmul.f32 v57, v49;
	v50 =	vmul.f32 v60, v44  }
0x1a2: {  	v37 =	vadd.f32 v53, v37;
	v53 =	vmul.f32 v48, v44;
	v45 =	vmul.f32 v52, v44  }
0x1a3: {  	v26 =	vadd.f32 v61, v26;
	v58 =	vmul.f32 v54, v44;
	v60 =	vperm.xlane v23, v7  }
0x1a4: {  	v61 =	vmul.f32 v57, v44;
	v52 =	vmul.f32 v62, v49;
	v28 =	vadd.f32 v63, v28  }
0x1a5: {  	v54 =	vmul.f32 v62, v44;
	v29 =	vadd.f32 v51, v29;
	v33 =	vadd.f32 v55, v33  }
0x1a6: {  	v47 =	vld [tilespmem:$0x6C00];
	v36 =	vadd.f32 v56, v36;
	v37 =	vadd.f32 v59, v37;
	v56 =	vperm.xlane v22, v8  }
0x1a7: {  	v51 =	vperm.xlane v24, v8;
	v32 =	vadd.f32 v53, v32;
	v30 =	vadd.f32 v45, v30  }
0x1a8: {  	v34 =	vadd.f32 v58, v34;
	v63 =	vmul.f32 v60, v49;
	v45 =	vmul.f32 v60, v44  }
0x1a9: {  	v48 =	vld [tilespmem:$0x6C10];
	v35 =	vadd.f32 v61, v35;
	v53 =	vperm.xlane v18, v7;
	v58 =	vperm.xlane v19, v8  }
0x1aa: {  	v40 =	vadd.f32 v54, v40;
	v61 =	vperm.xlane v21, v8;
	v54 =	vperm.xlane v23, v8  }
0x1ab: {  	v31 =	vadd.f32 v50, v31;
	v59 =	vmul.f32 v56, v47;
	v55 =	vmul.f32 v53, v49  }
0x1ac: {  	v41 =	vadd.f32 v52, v41;
	v57 =	vmul.f32 v53, v44;
	v60 =	vmul.f32 v58, v47  }
0x1ad: {  	v39 =	vadd.f32 v63, v39;
	v63 =	vmul.f32 v61, v47;
	v49 =	vperm.xlane v25, v8  }
0x1ae: {  	v38 =	vadd.f32 v45, v38;
	v53 =	vmul.f32 v51, v47;
	v45 =	vmul.f32 v56, v48  }
0x1af: {  	v28 =	vadd.f32 v59, v28;
	v62 =	vmul.f32 v58, v48;
	v50 =	vmul.f32 v61, v48  }
0x1b0: {  	v56 =	vmul.f32 v54, v47;
	v58 =	vmul.f32 v54, v48;
	v26 =	vadd.f32 v55, v26  }
0x1b1: {  	v59 =	vperm.xlane v18, v8;
	v27 =	vadd.f32 v57, v27;
	v29 =	vadd.f32 v60, v29  }
0x1b2: {  	v33 =	vadd.f32 v63, v33;
	v52 =	vmul.f32 v49, v47;
	v44 =	vmul.f32 v49, v48  }
0x1b3: {  	v55 =	vmul.f32 v51, v48;
	v57 =	vperm.xlane v20, v8;
	v31 =	vadd.f32 v45, v31  }
0x1b4: {  	v32 =	vadd.f32 v62, v32;
	v30 =	vadd.f32 v50, v30;
	v61 =	vmul.f32 v59, v47  }
0x1b5: {  	v49 =	vld [tilespmem:$0x6C90];
	v39 =	vadd.f32 v56, v39;
	v62 =	vperm.xlane v22, v9;
	v63 =	vmul.f32 v59, v48  }
0x1b6: {  	v38 =	vadd.f32 v58, v38;
	v50 =	vperm.xlane v19, v9;
	v58 =	vperm.xlane v24, v9  }
0x1b7: {  	v45 =	vld [tilespmem:$0x6C80];
	v36 =	vadd.f32 v52, v36;
	v34 =	vadd.f32 v44, v34;
	v60 =	vmul.f32 v57, v47  }
0x1b8: {  	v35 =	vadd.f32 v55, v35;
	v44 =	vmul.f32 v57, v48;
	v52 =	vperm.xlane v21, v9  }
0x1b9: {  	v55 =	vperm.xlane v25, v9;
	v27 =	vadd.f32 v63, v27;
	v63 =	vperm.xlane v20, v9  }
0x1ba: {  	v41 =	vadd.f32 v60, v41;
	v60 =	vperm.xlane v23, v9;
	v51 =	vmul.f32 v62, v49  }
0x1bb: {  	v40 =	vadd.f32 v44, v40;
	v44 =	vmul.f32 v50, v49;
	v56 =	vmul.f32 v52, v49  }
0x1bc: {  	v59 =	vmul.f32 v55, v49;
	v48 =	vmul.f32 v62, v45  }
0x1bd: {  	v37 =	vadd.f32 v53, v37;
	v53 =	vmul.f32 v50, v45;
	v54 =	vmul.f32 v52, v45  }
0x1be: {  	v26 =	vadd.f32 v61, v26;
	v57 =	vmul.f32 v55, v45;
	v61 =	vmul.f32 v58, v45  }
0x1bf: {  	v62 =	vmul.f32 v60, v45;
	v50 =	vmul.f32 v60, v49;
	v31 =	vadd.f32 v51, v31  }
0x1c0: {  	v52 =	vperm.xlane v18, v9;
	v32 =	vadd.f32 v44, v32;
	v30 =	vadd.f32 v56, v30  }
0x1c1: {  	v44 =	vmul.f32 v58, v49;
	v34 =	vadd.f32 v59, v34;
	v51 =	vmul.f32 v63, v45  }
0x1c2: {  	v58 =	vperm.xlane v19, v10;
	v28 =	vadd.f32 v48, v28;
	v29 =	vadd.f32 v53, v29;
	v48 =	vld [tilespmem:$0x6D00]  }
0x1c3: {  	v33 =	vadd.f32 v54, v33;
	v36 =	vadd.f32 v57, v36;
	v53 =	vmul.f32 v63, v49  }
0x1c4: {  	v37 =	vadd.f32 v61, v37;
	v54 =	vperm.xlane v22, v10;
	v55 =	vmul.f32 v52, v45  }
0x1c5: {  	v56 =	vmul.f32 v52, v49;
	v61 =	vperm.xlane v21, v10;
	v35 =	vadd.f32 v44, v35;
	v44 =	vld [tilespmem:$0x6D10]  }
0x1c6: {  	v63 =	vperm.xlane v25, v10;
	v41 =	vadd.f32 v51, v41;
	v51 =	vperm.xlane v24, v10  }
0x1c7: {  	v27 =	vadd.f32 v56, v27;
	v56 =	vperm.xlane v20, v10;
	v57 =	vmul.f32 v54, v48  }
0x1c8: {  	v38 =	vadd.f32 v50, v38;
	v60 =	vmul.f32 v58, v48;
	v49 =	vmul.f32 v61, v48  }
0x1c9: {  	v40 =	vadd.f32 v53, v40;
	v50 =	vmul.f32 v63, v48;
	v53 =	vmul.f32 v51, v48  }
0x1ca: {  	v39 =	vadd.f32 v62, v39;
	v59 =	vmul.f32 v54, v44;
	v62 =	vmul.f32 v58, v44  }
0x1cb: {  	v26 =	vadd.f32 v55, v26;
	v45 =	vmul.f32 v61, v44;
	v52 =	vmul.f32 v63, v44  }
0x1cc: {  	v54 =	vperm.xlane v23, v10;
	v28 =	vadd.f32 v57, v28;
	v29 =	vadd.f32 v60, v29  }
0x1cd: {  	v55 =	vmul.f32 v51, v44;
	v33 =	vadd.f32 v49, v33;
	v36 =	vadd.f32 v50, v36  }
0x1ce: {  	v58 =	vmul.f32 v56, v48;
	v37 =	vadd.f32 v53, v37;
	v31 =	vadd.f32 v59, v31  }
0x1cf: {  	v60 =	vmul.f32 v56, v44;
	v32 =	vadd.f32 v62, v32;
	v30 =	vadd.f32 v45, v30  }
0x1d0: {  	v47 =	vld [tilespmem:$0x6D80];
	v34 =	vadd.f32 v52, v34;
	v57 =	vmul.f32 v54, v48;
	v45 =	vmul.f32 v54, v44  }
0x1d1: {  	v35 =	vadd.f32 v55, v35;
	v59 =	vperm.xlane v18, v10;
	v62 =	vperm.xlane v22, v11  }
0x1d2: {  	v49 =	vld [tilespmem:$0x6D90];
	v41 =	vadd.f32 v58, v41;
	v52 =	vperm.xlane v21, v11;
	v55 =	vperm.xlane v25, v11  }
0x1d3: {  	v40 =	vadd.f32 v60, v40;
	v60 =	vperm.xlane v23, v11;
	v61 =	vmul.f32 v59, v48  }
0x1d4: {  	v39 =	vadd.f32 v57, v39;
	v63 =	vmul.f32 v59, v44;
	v48 =	vperm.xlane v19, v11  }
0x1d5: {  	v38 =	vadd.f32 v45, v38;
	v50 =	vmul.f32 v62, v47;
	v54 =	vmul.f32 v52, v47  }
0x1d6: {  	v57 =	vperm.xlane v24, v11;
	v58 =	vmul.f32 v55, v47;
	v26 =	vadd.f32 v61, v26  }
0x1d7: {  	v45 =	vmul.f32 v62, v49;
	v27 =	vadd.f32 v63, v27;
	v51 =	vmul.f32 v48, v47  }
0x1d8: {  	v28 =	vadd.f32 v50, v28;
	v53 =	vmul.f32 v48, v49;
	v56 =	vmul.f32 v52, v49  }
0x1d9: {  	v33 =	vadd.f32 v54, v33;
	v44 =	vmul.f32 v55, v49;
	v59 =	vmul.f32 v57, v47  }
0x1da: {  	v36 =	vadd.f32 v58, v36;
	v61 =	vmul.f32 v57, v49;
	v62 =	vmul.f32 v60, v47  }
0x1db: {  	v63 =	vperm.xlane v20, v11;
	v31 =	vadd.f32 v45, v31;
	v29 =	vadd.f32 v51, v29  }
0x1dc: {  	v52 =	vmul.f32 v60, v49;
	v32 =	vadd.f32 v53, v32;
	v30 =	vadd.f32 v56, v30  }
0x1dd: {  	v48 =	vld [tilespmem:$0x6E10];
	v34 =	vadd.f32 v44, v34;
	v53 =	vperm.xlane v18, v11;
	v54 =	vmul.f32 v63, v47  }
0x1de: {  	v37 =	vadd.f32 v59, v37;
	v44 =	vmul.f32 v63, v49;
	v56 =	vperm.xlane v22, v12  }
0x1df: {  	v35 =	vadd.f32 v61, v35;
	v59 =	vperm.xlane v19, v12;
	v61 =	vperm.xlane v21, v12  }
0x1e0: {  	v45 =	vld [tilespmem:$0x6E00];
	v38 =	vadd.f32 v52, v38;
	v52 =	vperm.xlane v24, v12;
	v55 =	vmul.f32 v53, v47  }
0x1e1: {  	v39 =	vadd.f32 v62, v39;
	v57 =	vmul.f32 v53, v49;
	v49 =	vperm.xlane v25, v12  }
0x1e2: {  	v41 =	vadd.f32 v54, v41;
	v54 =	vperm.xlane v23, v12;
	v60 =	vmul.f32 v56, v48  }
0x1e3: {  	v40 =	vadd.f32 v44, v40;
	v44 =	vmul.f32 v59, v48;
	v50 =	vmul.f32 v61, v48  }
0x1e4: {  	v27 =	vadd.f32 v57, v27;
	v53 =	vmul.f32 v49, v48;
	v57 =	vperm.xlane v20, v12  }
0x1e5: {  	v26 =	vadd.f32 v55, v26;
	v58 =	vmul.f32 v56, v45;
	v62 =	vmul.f32 v59, v45  }
0x1e6: {  	v31 =	vadd.f32 v60, v31;
	v63 =	vmul.f32 v61, v45;
	v51 =	vmul.f32 v49, v45  }
0x1e7: {  	v32 =	vadd.f32 v44, v32;
	v55 =	vmul.f32 v52, v45;
	v44 =	vmul.f32 v52, v48  }
0x1e8: {  	v30 =	vadd.f32 v50, v30;
	v56 =	vmul.f32 v54, v45;
	v60 =	vperm.xlane v18, v12  }
0x1e9: {  	v34 =	vadd.f32 v53, v34;
	v59 =	vmul.f32 v57, v45;
	v28 =	vadd.f32 v58, v28  }
0x1ea: {  	v49 =	vld [tilespmem:$0x6E80];
	v61 =	vmul.f32 v57, v48;
	v29 =	vadd.f32 v62, v29;
	v33 =	vadd.f32 v63, v33  }
0x1eb: {  	v36 =	vadd.f32 v51, v36;
	v37 =	vadd.f32 v55, v37;
	v58 =	vmul.f32 v54, v48  }
0x1ec: {  	v35 =	vadd.f32 v44, v35;
	v62 =	vperm.xlane v22, v13;
	v63 =	vmul.f32 v60, v45  }
0x1ed: {  	v44 =	vld [tilespmem:$0x6E90];
	v39 =	vadd.f32 v56, v39;
	v48 =	vmul.f32 v60, v48;
	v51 =	vperm.xlane v19, v13  }
0x1ee: {  	v54 =	vperm.xlane v21, v13;
	v56 =	vperm.xlane v25, v13;
	v41 =	vadd.f32 v59, v41  }
0x1ef: {  	v40 =	vadd.f32 v61, v40;
	v59 =	vperm.xlane v24, v13;
	v50 =	vmul.f32 v62, v49  }
0x1f0: {  	v38 =	vadd.f32 v58, v38;
	v53 =	vmul.f32 v51, v49;
	v57 =	vmul.f32 v54, v49  }
0x1f1: {  	v26 =	vadd.f32 v63, v26;
	v58 =	vmul.f32 v56, v49;
	v61 =	vmul.f32 v59, v49  }
0x1f2: {  	v27 =	vadd.f32 v48, v27;
	v52 =	vmul.f32 v62, v44;
	v55 =	vmul.f32 v51, v44  }
0x1f3: {  	v29 =	vadd.f32 v53, v29;
	v45 =	vmul.f32 v54, v44;
	v60 =	vmul.f32 v56, v44  }
0x1f4: {  	v47 =	vld [tilespmem:$0x6F00];
	v36 =	vadd.f32 v58, v36;
	v62 =	vperm.xlane v23, v13;
	v63 =	vmul.f32 v59, v44  }
0x1f5: {  	v37 =	vadd.f32 v61, v37;
	v58 =	vperm.xlane v22, v14;
	v51 =	vperm.xlane v25, v14  }
0x1f6: {  	v22 =	vperm.xlane v22, v15;
	v25 =	vperm.xlane v25, v15;
	v31 =	vadd.f32 v52, v31  }
0x1f7: {  	v32 =	vadd.f32 v55, v32;
	v52 =	vperm.xlane v20, v13;
	v53 =	vmul.f32 v62, v49  }
0x1f8: {  	v48 =	vld [tilespmem:$0x6F10];
	v30 =	vadd.f32 v45, v30;
	v45 =	vmul.f32 v62, v44;
	v55 =	vperm.xlane v18, v13  }
0x1f9: {  	v34 =	vadd.f32 v60, v34;
	v60 =	vperm.xlane v19, v14;
	v61 =	vmul.f32 v58, v47  }
0x1fa: {  	v35 =	vadd.f32 v63, v35;
	v63 =	vperm.xlane v21, v14;
	v19 =	vperm.xlane v19, v15  }
0x1fb: {  	v21 =	vperm.xlane v21, v15;
	v54 =	vmul.f32 v52, v49  }
0x1fc: {  	v33 =	vadd.f32 v57, v33;
	v56 =	vmul.f32 v52, v44;
	v57 =	vmul.f32 v55, v49  }
0x1fd: {  	v38 =	vadd.f32 v45, v38;
	v59 =	vmul.f32 v55, v44;
	v45 =	vmul.f32 v58, v48  }
0x1fe: {  	v28 =	vadd.f32 v50, v28;
	v62 =	vmul.f32 v60, v47;
	v49 =	vmul.f32 v60, v48  }
0x1ff: {  	v39 =	vadd.f32 v53, v39;
	v50 =	vmul.f32 v63, v47;
	v52 =	vmul.f32 v63, v48  }
0x200: {  	v28 =	vadd.f32 v61, v28;
	v53 =	vperm.xlane v24, v14;
	v44 =	vmul.f32 v51, v48  }
0x201: {  	v61 =	vperm.xlane v18, v14;
	v41 =	vadd.f32 v54, v41;
	v40 =	vadd.f32 v56, v40  }
0x202: {  	v24 =	vperm.xlane v24, v15;
	v26 =	vadd.f32 v57, v26;
	v27 =	vadd.f32 v59, v27  }
0x203: {  	v18 =	vperm.xlane v18, v15;
	v31 =	vadd.f32 v45, v31;
	v29 =	vadd.f32 v62, v29  }
0x204: {  	v32 =	vadd.f32 v49, v32;
	v54 =	vmul.f32 v51, v47;
	v55 =	vmul.f32 v53, v47  }
0x205: {  	v33 =	vadd.f32 v50, v33;
	v56 =	vperm.xlane v23, v14;
	v57 =	vmul.f32 v53, v48  }
0x206: {  	v30 =	vadd.f32 v52, v30;
	v59 =	vperm.xlane v20, v14;
	v45 =	vld [tilespmem:$0x6F80];
	v63 =	vmul.f32 v61, v47  }
0x207: {  	v34 =	vadd.f32 v44, v34;
	v49 =	vld [tilespmem:$0x6F90];
	v23 =	vperm.xlane v23, v15;
	v20 =	vperm.xlane v20, v15  }
0x208: {  	v36 =	vadd.f32 v54, v36;
	v37 =	vadd.f32 v55, v37;
	v58 =	vmul.f32 v56, v47  }
0x209: {  	v35 =	vadd.f32 v57, v35;
	v60 =	vmul.f32 v56, v48;
	v62 =	vmul.f32 v59, v47  }
0x20a: {  	v44 =	vmul.f32 v59, v48;
	v47 =	vmul.f32 v61, v48;
	v26 =	vadd.f32 v63, v26  }
0x20b: {  	v39 =	vadd.f32 v58, v39;
	v38 =	vadd.f32 v60, v38;
	v48 =	vmul.f32 v22, v45  }
0x20c: {  	v41 =	vadd.f32 v62, v41;
	v40 =	vadd.f32 v44, v40;
	v22 =	vmul.f32 v22, v49  }
0x20d: {  	v27 =	vadd.f32 v47, v27;
	v50 =	vmul.f32 v19, v45;
	v28 =	vadd.f32 v48, v28  }
0x20e: {  	v19 =	vmul.f32 v19, v49;
	v63 =	vmul.f32 v18, v45;
	v22 =	vadd.f32 v22, v31  }
0x20f: {  	v18 =	vmul.f32 v18, v49;
	v29 =	vadd.f32 v50, v29;
	v28 =	vmax.f32 v28, $0.0e+00  }
0x210: {  	v51 =	vmul.f32 v21, v45;
	v19 =	vadd.f32 v19, v32;
	v22 =	vmax.f32 v22, $0.0e+00;
	[tilespmem:s16+$0x0] =	vst v28  }
0x211: {  	v21 =	vmul.f32 v21, v49;
	v18 =	vadd.f32 v18, v27;
	v54 =	vmax.f32 v29, $0.0e+00;
	[tilespmem:s16+$0x10] =	vst v22  }
0x212: {  	v52 =	vmul.f32 v25, v45;
	v31 =	vadd.f32 v51, v33;
	v19 =	vmax.f32 v19, $0.0e+00;
	[tilespmem:s16+$0x80] =	vst v54  }
0x213: {  	v25 =	vmul.f32 v25, v49;
	v21 =	vadd.f32 v21, v30;
	v18 =	vmax.f32 v18, $0.0e+00;
	[tilespmem:s16+$0x90] =	vst v19  }
0x214: {  	v55 =	vmul.f32 v24, v45;
	v53 =	vadd.f32 v52, v36;
	v19 =	vmax.f32 v31, $0.0e+00;
	[tilespmem:s16+$0x390] =	vst v18  }
0x215: {  	v24 =	vmul.f32 v24, v49;
	v56 =	vadd.f32 v25, v34;
	[tilespmem:s16+$0x100] =	vst v19;
	v19 =	vmax.f32 v21, $0.0e+00  }
0x216: {  	v58 =	vmul.f32 v23, v45;
	v57 =	vadd.f32 v55, v37;
	[tilespmem:s16+$0x110] =	vst v19;
	v19 =	vmax.f32 v53, $0.0e+00  }
0x217: {  	v23 =	vmul.f32 v23, v49;
	v59 =	vadd.f32 v24, v35;
	[tilespmem:s16+$0x180] =	vst v19;
	v19 =	vmax.f32 v56, $0.0e+00  }
0x218: {  	v61 =	vmul.f32 v20, v45;
	v60 =	vadd.f32 v58, v39;
	[tilespmem:s16+$0x190] =	vst v19;
	v19 =	vmax.f32 v57, $0.0e+00  }
0x219: {  	v20 =	vmul.f32 v20, v49;
	v23 =	vadd.f32 v23, v38;
	[tilespmem:s16+$0x200] =	vst v19;
	v19 =	vmax.f32 v59, $0.0e+00  }
0x21a: {  	p0 =	sne.s32 s15, $0x17000;
	v62 =	vadd.f32 v61, v41;
	[tilespmem:s16+$0x210] =	vst v19;
	v19 =	vmax.f32 v60, $0.0e+00  }
.Ltmp0:
0x21b: {  	v20 =	vadd.f32 v20, v40;
	[tilespmem:s16+$0x280] =	vst v19;
	v19 =	vmax.f32 v23, $0.0e+00;
	(pc) =	sbr.rel @p0 .LBB2_2-.Ltmp0, $4  }
0x21c: {  	v22 =	vadd.f32 v63, v26;
	[tilespmem:s16+$0x290] =	vst v19;
	v19 =	vmax.f32 v62, $0.0e+00  }
0x21d: {  	[tilespmem:s16+$0x300] =	vst v19;
	v19 =	vmax.f32 v20, $0.0e+00  }
0x21e: {  	[tilespmem:s16+$0x310] =	vst v19;
	v19 =	vmax.f32 v22, $0.0e+00  }
0x21f: {  	s15 =	sadd.s32 $0x1000, s15;
	[tilespmem:s16+$0x380] =	vst v19  }
0x220: {  	s14 =	sadd.s32 $0x1, s14  }
0x221: {  	p0 =	sne.s32 s14, s7  }
.Ltmp1:
0x222: {  	_ = 	snop;
	(pc) =	sbr.rel @p0 .LBB2_1-.Ltmp1, $4  }
0x223: {  	[hbm4b:s6+s4] =	stream.linear.scatter [tilespmem:s4], [sflag:$0x4], $0x6000, $0x38;
	[tilespmem:$0x7080] =	vst v63  }
0x224: {  	_ =	swait.ge [sflag:s13], $0x6000  }
0x225: {  	[sflag:s13] =	ssyncset.done $0x0  }
0x226: {  	[sflag:s13] =	ssyncadd.s32 $0xFFFFA000  }
0x227: {  	_ =	sfence.sel $0x180000  }
0x228: {  	[bflag:$0x0] =	sbarrier.arrive $0xFFFF  }
0x229: {  	p0 =	sne.s32 s0, $0x0;
	_ =	strace $0x90000047  }
0x22a: {  	s0 =	sadd.s32 @!p0 $0x100000, s1;
	[bflag:$0x2] =	sbarrier.arrive $0xFFFF  }
0x22b: {  	[sflag:s0] =	ssyncadd.tile.s32 @!p0 $0x1;
	_ =	shalt  }
.Lfunc_end2:
_tile_overlayer_lowered:
.L_overlay_start_2:
0x22c: {  	(tag) =	ssettag $0x2  }
0x22d: {  	s0 =	rddreg [dreg:$0x0];
	s2 =	stileid.u32  }
0x22e: {  	s1 =	rddreg [dreg:$0x1];
	p0 =	sne.s32 s2, $0x0  }
0x22f: {  	s3 =	rddreg [dreg:$0x2];
	[bflag:$0x3] =	sbarrier.arrive $0xFFFF;
	s2 =	simm.s32 @!p0 $0x1C04  }
0x230: {  	[timem:s3], [sflag:s2] =	dma.local @!p0 [hbm:s0], s1  }
0x231: {  	s0 =	simm.s32 @!p0 $0x4  }
0x232: {  	_ =	swait.ge @!p0 [sflag:s0], s1  }
0x233: {  	s1 =	ssub.s32 @!p0 $0x0, s1;
	[sflag:s0] =	ssyncset.done @!p0 $0x0  }
0x234: {  	[sflag:s0] =	ssyncadd.s32 @!p0 s1  }
0x235: {  	[bflag:$0x3] =	sbarrier.arrive $0xFFFF  }
0x236: {  	_ =	shalt  }

</sc_bundles>
